<compile_context>
chip_gen: v7x
topology: tpu7x:2x2x1
jax: 0.10.2.dev20260603
libtpu: 0.0.44.dev20260713+nightly
codegen_flags: <defaults>
</compile_context>

<pallas_src>
import math

import jax
import jax.numpy as jnp
from jax import lax
from jax.experimental import pallas as pl
from jax.experimental.pallas import tpu as pltpu
from jax.experimental.pallas import tpu_sc as plsc

_MU = 50.0
_LN1PMU = math.log(1.0 + _MU)

_ROWS = 8192
_COLS = 2048
_NCORES = 2
_NSUB = 16
_NW = _NCORES * _NSUB
_RPW = _ROWS // _NW
_CHUNK = 8
_NCHUNKS = _RPW // _CHUNK
_NBUF = 4
_VECS_PER_ROW = _COLS // 16

_SCALE = 63.0 / math.log2(1.0 + _MU)
_Q0 = (-1.64898868487522 - 127.0) * _SCALE
_Q1 = 1.9948994860518237 * _SCALE
_Q2 = -0.33688098137040724 * _SCALE
_MAGIC = float(2 ** 23)


def _sc_body(x_hbm, levels_hbm, y_hbm, px_hbm, pr_hbm,
             lvbuf, dtab, bufs, pxacc, pracc, sems_in, sems_out):
    cid = lax.axis_index("c")
    sid = lax.axis_index("s")
    wid = sid * _NCORES + cid

    pltpu.sync_copy(levels_hbm, lvbuf)
    for i in range(4):
        lv = lvbuf[pl.ds(i * 16, 16)]
        dtab[pl.ds(i * 16, 16)] = (jnp.exp(lv * _LN1PMU) - 1.0) * (0.5 / _MU)

    z = jnp.zeros((16,), jnp.float32)

    def zero_body(j, carry):
        pxacc[pl.ds(j, 16)] = z
        pracc[pl.ds(j, 16)] = z
        return carry

    plsc.parallel_loop(0, _RPW * 16, step=16, unroll=4,
                       carry=jnp.int32(0))(zero_body)

    base_row = wid * _RPW

    def start_in(g, b):
        pltpu.async_copy(x_hbm.at[pl.ds(base_row + g * _CHUNK, _CHUNK)],
                         bufs[b], sems_in[b])

    def wait_in(g, b):
        pltpu.make_async_copy(x_hbm.at[pl.ds(base_row + g * _CHUNK, _CHUNK)],
                              bufs[b], sems_in[b]).wait()

    def start_out(g, b):
        pltpu.async_copy(bufs[b],
                         y_hbm.at[pl.ds(base_row + g * _CHUNK, _CHUNK)],
                         sems_out[b])

    def wait_out(g, b):
        pltpu.make_async_copy(bufs[b],
                              y_hbm.at[pl.ds(base_row + g * _CHUNK, _CHUNK)],
                              sems_out[b]).wait()

    def compute(g, b):
        buf = bufs[b]
        acc0 = g * (_CHUNK * 16)

        def vec_body(j, carry):
            rr = j >> 7
            oacc = acc0 + (rr << 4)
            for uu in range(4):
                o = (j + uu) * 16 - (rr << 11)
                vx = buf[rr, pl.ds(o, 16)]
                v = vx * (2.0 * _MU) - _MU
                a = jnp.abs(v) + 1.0
                ai = lax.bitcast_convert_type(a, jnp.int32)
                ef = (ai >> 23).astype(jnp.float32)
                mi = (ai & 0x7FFFFF) | 0x3F800000
                m = lax.bitcast_convert_type(mi, jnp.float32)
                p = m * _Q2 + _Q1
                p = p * m + _Q0
                q = (ef * _SCALE + p) + _MAGIC
                k = lax.bitcast_convert_type(q, jnp.int32) & 0x3F
                dh = plsc.load_gather(dtab, [k])
                sb = (lax.bitcast_convert_type(v, jnp.int32)
                      & jnp.int32(-2147483648))
                vy = lax.bitcast_convert_type(
                    sb | lax.bitcast_convert_type(dh, jnp.int32),
                    jnp.float32) + 0.5
                buf[rr, pl.ds(o, 16)] = vy
                dd = vx - vy
                plsc.addupdate(pxacc.at[pl.ds(oacc, 16)], vx * vx)
                plsc.addupdate(pracc.at[pl.ds(oacc, 16)], dd * dd)
            return carry

        plsc.parallel_loop(0, _CHUNK * _VECS_PER_ROW, step=4, unroll=2,
                           carry=jnp.int32(0))(vec_body)

    start_in(0, 0)

    def ring_body(g4, carry):
        for b in range(_NBUF):
            g = g4 * _NBUF + b
            nb = (b + 1) % _NBUF
            if b == _NBUF - 1:
                wait_out(g - 3, nb)

                @pl.when(g4 + 1 < _NCHUNKS // _NBUF)
                def _():
                    start_in(g + 1, nb)
            else:
                @pl.when(g4 > 0)
                def _():
                    wait_out(g - 3, nb)
                start_in(g + 1, nb)
            wait_in(g, b)
            compute(g, b)
            start_out(g, b)
        return carry

    lax.fori_loop(0, _NCHUNKS // _NBUF, ring_body, jnp.int32(0))

    for b in range(1, _NBUF):
        wait_out(_NCHUNKS - _NBUF + b, b)
    pltpu.sync_copy(pxacc, px_hbm.at[pl.ds(base_row * 16, _RPW * 16)])
    pltpu.sync_copy(pracc, pr_hbm.at[pl.ds(base_row * 16, _RPW * 16)])


_sc_quant = pl.kernel(
    _sc_body,
    out_type=[
        jax.ShapeDtypeStruct((_ROWS, _COLS), jnp.float32),
        jax.ShapeDtypeStruct((_ROWS * 16,), jnp.float32),
        jax.ShapeDtypeStruct((_ROWS * 16,), jnp.float32),
    ],
    mesh=plsc.VectorSubcoreMesh(core_axis_name="c", subcore_axis_name="s"),
    compiler_params=pltpu.CompilerParams(needs_layout_passes=False),
    scratch_types=[
        pltpu.VMEM((64,), jnp.float32),
        pltpu.VMEM((64,), jnp.float32),
        [pltpu.VMEM((_CHUNK, _COLS), jnp.float32)] * _NBUF,
        pltpu.VMEM((_RPW * 16,), jnp.float32),
        pltpu.VMEM((_RPW * 16,), jnp.float32),
        [pltpu.SemaphoreType.DMA] * _NBUF,
        [pltpu.SemaphoreType.DMA] * _NBUF,
    ],
)


def _snr_body(px_ref, pr_ref, o_ref):
    lane = lax.broadcasted_iota(jnp.int32, (128, 8), 0)
    seg = lax.broadcasted_iota(jnp.int32, (128, 8), 1)
    mm = ((lane >> 4) == seg).astype(jnp.float32)
    sx = jnp.dot(px_ref[...], mm, preferred_element_type=jnp.float32)
    sr = jnp.dot(pr_ref[...], mm, preferred_element_type=jnp.float32)
    r = jnp.sqrt(sx / sr)
    o_ref[0, 0] = jnp.sum(r) * (1.0 / _ROWS)


_snr_reduce = pl.pallas_call(
    _snr_body,
    out_shape=jax.ShapeDtypeStruct((1, 1), jnp.float32),
    out_specs=pl.BlockSpec(memory_space=pltpu.SMEM),
)


def kernel(x, thrs, levels):
    del thrs
    y, pxf, prf = _sc_quant(x, levels)
    snr = _snr_reduce(pxf.reshape(_ROWS // 8, 128), prf.reshape(_ROWS // 8, 128))
    return (y, snr.reshape(()))

# --- scband reference (transcript-rebuilt; emitter-appended) ---
"""Pipeline reference for scband-quantization-45947560132909 (READ-ONLY COPY).

The authoritative reference and input builder live on the scoring server;
editing this copy changes nothing except your own understanding.
"""

import jax, jax.numpy as jnp
import numpy as np
import math

NBIT = 6
MU = 50.0
NORM = 1.0


def _make_levels_thrs():
    num_levels = 2 ** NBIT
    basis = np.array([NORM / (2 ** NBIT - 1) * 2.0 ** i for i in range(NBIT)], dtype=np.float32)
    level_code = np.zeros((num_levels, NBIT), dtype=np.float32)
    for i in range(num_levels):
        n = i
        for j in range(NBIT):
            level_code[i, j] = float(n % 2)
            n = n // 2
    levels = level_code @ basis
    thrs_mul = np.zeros((num_levels - 1, num_levels), dtype=np.float32)
    for i in range(1, num_levels):
        thrs_mul[i - 1, i - 1] = 0.5
        thrs_mul[i - 1, i] = 0.5
    thrs = thrs_mul @ levels
    levels_sorted = np.sort(levels)
    return jnp.asarray(thrs), jnp.asarray(levels_sorted)


def setup_inputs(seed: int = 0) -> dict:
    key = jax.random.key(seed)
    x = jax.random.uniform(key, (8192, 2048), dtype=jnp.float32)
    thrs, levels = _make_levels_thrs()
    return {"x": x, "thrs": thrs, "levels": levels}


def _compress(x, mu=MU):
    x = 2.0 * x - 1.0
    x_sign = jnp.where(x > 0, 1.0, -1.0)
    x_c = jnp.abs(x)
    x_c = jnp.log(1.0 + mu * x_c) / math.log(1.0 + mu)
    return x_c, x_sign


def _decompress(y, x_sign, mu=MU):
    y_d = (jnp.exp(y * math.log(1.0 + mu)) - 1.0) / mu
    y_d = y_d * x_sign
    y_d = (y_d + 1.0) / 2.0
    return y_d


def _quant(x, thrs, levels):
    num_levels = levels.shape[0]
    y = jnp.zeros_like(x)
    for i in range(num_levels - 1):
        y = jnp.where(x > thrs[i], levels[i + 1], y)
    return y


def reference(x, thrs, levels):
    xr = x
    x_c, x_sign = _compress(x)
    y = _quant(x_c, thrs, levels)
    y = _decompress(y, x_sign)
    snr = jnp.mean(jnp.linalg.norm(xr, ord=2, axis=1) / jnp.linalg.norm(xr - y, ord=2, axis=1))
    return (y, snr)

if __name__ == "__main__":
    import jax
    _d = setup_inputs()
    print(jax.jit(kernel)(*tuple(_d.values())))

</pallas_src>

<mosaic_0001>
#map = affine_map<(d0, d1) -> (0, 0)>
#map1 = affine_map<(d0, d1) -> (0)>
module attributes {stable_mosaic.version = 14 : i64} {
  func.func @_sc_body(%arg0: i32, %arg1: i32, %arg2: memref<8192x2048xf32, #tpu.memory_space<hbm>>, %arg3: memref<64xf32, #tpu.memory_space<hbm>>, %arg4: memref<8192x2048xf32, #tpu.memory_space<hbm>>, %arg5: memref<131072xf32, #tpu.memory_space<hbm>>, %arg6: memref<131072xf32, #tpu.memory_space<hbm>>, %arg7: memref<64xf32, #tpu.memory_space<vmem>>, %arg8: memref<64xf32, #tpu.memory_space<vmem>>, %arg9: memref<8x2048xf32, #tpu.memory_space<vmem>>, %arg10: memref<8x2048xf32, #tpu.memory_space<vmem>>, %arg11: memref<8x2048xf32, #tpu.memory_space<vmem>>, %arg12: memref<8x2048xf32, #tpu.memory_space<vmem>>, %arg13: memref<4096xf32, #tpu.memory_space<vmem>>, %arg14: memref<4096xf32, #tpu.memory_space<vmem>>, %arg15: memref<!tpu.dma_semaphore, #tpu.memory_space<semaphore_mem>>, %arg16: memref<!tpu.dma_semaphore, #tpu.memory_space<semaphore_mem>>, %arg17: memref<!tpu.dma_semaphore, #tpu.memory_space<semaphore_mem>>, %arg18: memref<!tpu.dma_semaphore, #tpu.memory_space<semaphore_mem>>, %arg19: memref<!tpu.dma_semaphore, #tpu.memory_space<semaphore_mem>>, %arg20: memref<!tpu.dma_semaphore, #tpu.memory_space<semaphore_mem>>, %arg21: memref<!tpu.dma_semaphore, #tpu.memory_space<semaphore_mem>>, %arg22: memref<!tpu.dma_semaphore, #tpu.memory_space<semaphore_mem>>) attributes {dimension_semantics = [#tpu.dimension_semantics<core_parallel>, #tpu.dimension_semantics<subcore_parallel>], iteration_bounds = array<i64: 2, 16>, scalar_prefetch = 0 : i64, scratch_operands = 16 : i64, tpu.core_type = #tpu.core_type<sc_vector_subcore>, window_params = [{transform_indices = #map}, {transform_indices = #map1}, {transform_indices = #map}, {transform_indices = #map1}, {transform_indices = #map1}]} {
    %mul3A = arith.constant 2 : i32
    %mul3A_0 = arith.muli %arg1, %mul3A : i32
    %add3A = arith.addi %mul3A_0, %arg0 : i32
    "tpu.region"() ({
      %run_scoped3A = tpu.sem_alloc : memref<!tpu.dma_semaphore, #tpu.memory_space<semaphore_mem>>
      tpu.enqueue_dma source(%arg3 : memref<64xf32, #tpu.memory_space<hbm>>) target(%arg7 : memref<64xf32, #tpu.memory_space<vmem>>) target_semaphore(%run_scoped3A : memref<!tpu.dma_semaphore, #tpu.memory_space<semaphore_mem>>)
      tpu.wait_dma2 semaphore(%run_scoped3A : memref<!tpu.dma_semaphore, #tpu.memory_space<semaphore_mem>>) src(%arg3 : memref<64xf32, #tpu.memory_space<hbm>>) dst(%arg7 : memref<64xf32, #tpu.memory_space<vmem>>)
      tpu.yield
    }) : () -> ()
    %get3A = arith.constant 0 : index
    %get3A_1 = tpu.vector_load %arg7[%get3A] {strides = array<i32>} : memref<64xf32, #tpu.memory_space<vmem>>, vector<16xf32>,
    %mul3A_2 = arith.constant 3.93182564 : f32
    %mul3A_3 = vector.broadcast %mul3A_2 : f32 to vector<16xf32>
    %mul3A_4 = arith.mulf %get3A_1, %mul3A_3 : vector<16xf32>
    %exp3A = math.exp %mul3A_4 : vector<16xf32>
    %sub3A = arith.constant 1.000000e+00 : f32
    %sub3A_5 = vector.broadcast %sub3A : f32 to vector<16xf32>
    %sub3A_6 = arith.subf %exp3A, %sub3A_5 : vector<16xf32>
    %mul3A_7 = arith.constant 0.00999999977 : f32
    %mul3A_8 = vector.broadcast %mul3A_7 : f32 to vector<16xf32>
    %mul3A_9 = arith.mulf %sub3A_6, %mul3A_8 : vector<16xf32>
    %swap3A = arith.constant 0 : index
    %swap3A_10 = tpu.vector_load %arg8[%swap3A] {strides = array<i32>} : memref<64xf32, #tpu.memory_space<vmem>>, vector<16xf32>,
    tpu.vector_store %arg8[%swap3A], %mul3A_9 {strides = array<i32>} : memref<64xf32, #tpu.memory_space<vmem>>, vector<16xf32>,
    %get3A_11 = arith.constant 16 : index
    %get3A_12 = tpu.vector_load %arg7[%get3A_11] {strides = array<i32>} : memref<64xf32, #tpu.memory_space<vmem>>, vector<16xf32>,
    %mul3A_13 = arith.constant 3.93182564 : f32
    %mul3A_14 = vector.broadcast %mul3A_13 : f32 to vector<16xf32>
    %mul3A_15 = arith.mulf %get3A_12, %mul3A_14 : vector<16xf32>
    %exp3A_16 = math.exp %mul3A_15 : vector<16xf32>
    %sub3A_17 = arith.constant 1.000000e+00 : f32
    %sub3A_18 = vector.broadcast %sub3A_17 : f32 to vector<16xf32>
    %sub3A_19 = arith.subf %exp3A_16, %sub3A_18 : vector<16xf32>
    %mul3A_20 = arith.constant 0.00999999977 : f32
    %mul3A_21 = vector.broadcast %mul3A_20 : f32 to vector<16xf32>
    %mul3A_22 = arith.mulf %sub3A_19, %mul3A_21 : vector<16xf32>
    %swap3A_23 = arith.constant 16 : index
    %swap3A_24 = tpu.vector_load %arg8[%swap3A_23] {strides = array<i32>} : memref<64xf32, #tpu.memory_space<vmem>>, vector<16xf32>,
    tpu.vector_store %arg8[%swap3A_23], %mul3A_22 {strides = array<i32>} : memref<64xf32, #tpu.memory_space<vmem>>, vector<16xf32>,
    %get3A_25 = arith.constant 32 : index
    %get3A_26 = tpu.vector_load %arg7[%get3A_25] {strides = array<i32>} : memref<64xf32, #tpu.memory_space<vmem>>, vector<16xf32>,
    %mul3A_27 = arith.constant 3.93182564 : f32
    %mul3A_28 = vector.broadcast %mul3A_27 : f32 to vector<16xf32>
    %mul3A_29 = arith.mulf %get3A_26, %mul3A_28 : vector<16xf32>
    %exp3A_30 = math.exp %mul3A_29 : vector<16xf32>
    %sub3A_31 = arith.constant 1.000000e+00 : f32
    %sub3A_32 = vector.broadcast %sub3A_31 : f32 to vector<16xf32>
    %sub3A_33 = arith.subf %exp3A_30, %sub3A_32 : vector<16xf32>
    %mul3A_34 = arith.constant 0.00999999977 : f32
    %mul3A_35 = vector.broadcast %mul3A_34 : f32 to vector<16xf32>
    %mul3A_36 = arith.mulf %sub3A_33, %mul3A_35 : vector<16xf32>
    %swap3A_37 = arith.constant 32 : index
    %swap3A_38 = tpu.vector_load %arg8[%swap3A_37] {strides = array<i32>} : memref<64xf32, #tpu.memory_space<vmem>>, vector<16xf32>,
    tpu.vector_store %arg8[%swap3A_37], %mul3A_36 {strides = array<i32>} : memref<64xf32, #tpu.memory_space<vmem>>, vector<16xf32>,
    %get3A_39 = arith.constant 48 : index
    %get3A_40 = tpu.vector_load %arg7[%get3A_39] {strides = array<i32>} : memref<64xf32, #tpu.memory_space<vmem>>, vector<16xf32>,
    %mul3A_41 = arith.constant 3.93182564 : f32
    %mul3A_42 = vector.broadcast %mul3A_41 : f32 to vector<16xf32>
    %mul3A_43 = arith.mulf %get3A_40, %mul3A_42 : vector<16xf32>
    %exp3A_44 = math.exp %mul3A_43 : vector<16xf32>
    %sub3A_45 = arith.constant 1.000000e+00 : f32
    %sub3A_46 = vector.broadcast %sub3A_45 : f32 to vector<16xf32>
    %sub3A_47 = arith.subf %exp3A_44, %sub3A_46 : vector<16xf32>
    %mul3A_48 = arith.constant 0.00999999977 : f32
    %mul3A_49 = vector.broadcast %mul3A_48 : f32 to vector<16xf32>
    %mul3A_50 = arith.mulf %sub3A_47, %mul3A_49 : vector<16xf32>
    %swap3A_51 = arith.constant 48 : index
    %swap3A_52 = tpu.vector_load %arg8[%swap3A_51] {strides = array<i32>} : memref<64xf32, #tpu.memory_space<vmem>>, vector<16xf32>,
    tpu.vector_store %arg8[%swap3A_51], %mul3A_50 {strides = array<i32>} : memref<64xf32, #tpu.memory_space<vmem>>, vector<16xf32>,
    %broadcast_in_dim3A = arith.constant 0.000000e+00 : f32
    %broadcast_in_dim3A_53 = vector.broadcast %broadcast_in_dim3A : f32 to vector<16xf32>
    %parallel_loop3A = arith.constant 0 : i32
    %parallel_loop3A_54 = arith.constant 4096 : i32
    %parallel_loop3A_55 = arith.constant 16 : i32
    %parallel_loop3A_56 = arith.constant 0 : i32
    %parallel_loop3A_57 = scf.for %parallel_loop3A_91 = %parallel_loop3A to %parallel_loop3A_54 step %parallel_loop3A_55 iter_args(%parallel_loop3A_92 = %parallel_loop3A_56) -> (i32)  : i32 {
      %parallel_loop3A_93 = arith.index_cast %parallel_loop3A_91 : i32 to index
      %parallel_loop3A_94 = tpu.vector_load %arg13[%parallel_loop3A_93] {strides = array<i32>} : memref<4096xf32, #tpu.memory_space<vmem>>, vector<16xf32>,
      tpu.vector_store %arg13[%parallel_loop3A_93], %broadcast_in_dim3A_53 {strides = array<i32>} : memref<4096xf32, #tpu.memory_space<vmem>>, vector<16xf32>,
      %parallel_loop3A_95 = arith.index_cast %parallel_loop3A_91 : i32 to index
      %parallel_loop3A_96 = tpu.vector_load %arg14[%parallel_loop3A_95] {strides = array<i32>} : memref<4096xf32, #tpu.memory_space<vmem>>, vector<16xf32>,
      tpu.vector_store %arg14[%parallel_loop3A_95], %broadcast_in_dim3A_53 {strides = array<i32>} : memref<4096xf32, #tpu.memory_space<vmem>>, vector<16xf32>,
      scf.yield %parallel_loop3A_92 : i32
    } {sc.loop_unroll_factor = 4 : i64, sc.parallel_access}
    %mul3A_58 = arith.constant 256 : i32
    %mul3A_59 = arith.muli %add3A, %mul3A_58 : i32
    %add3A_60 = arith.constant 0 : i32
    %add3A_61 = arith.addi %mul3A_59, %add3A_60 : i32
    %dma_start3A = arith.constant 0 : i32
    %dma_start3A_62 = tpu.memref_slice %arg2[%add3A_61, %dma_start3A] : memref<8192x2048xf32, #tpu.memory_space<hbm>> -> memref<8x2048xf32, #tpu.memory_space<hbm>>
    %dma_start3A_63 = arith.constant 0 : i32
    %dma_start3A_64 = tpu.memref_slice %arg2[%add3A_61, %dma_start3A_63] : memref<8192x2048xf32, #tpu.memory_space<hbm>> -> memref<8x2048xf32, #tpu.memory_space<hbm>>
    tpu.enqueue_dma source(%dma_start3A_64 : memref<8x2048xf32, #tpu.memory_space<hbm>>) target(%arg9 : memref<8x2048xf32, #tpu.memory_space<vmem>>) target_semaphore(%arg15 : memref<!tpu.dma_semaphore, #tpu.memory_space<semaphore_mem>>)
    %scan3A = arith.constant 0 : i32
    %scan3A_65 = arith.constant 0 : i32
    %scan3A_66 = arith.constant 8 : i32
    %scan3A_67 = arith.addi %scan3A_65, %scan3A_66 : i32
    %scan3A_68 = arith.constant 1 : i32
    scf.for %scan3A_91 = %scan3A_65 to %scan3A_67 step %scan3A_68  : i32 {
      %mul3A_92 = arith.constant 4 : i32
      %mul3A_93 = arith.muli %scan3A_91, %mul3A_92 : i32
      %add3A_94 = arith.constant 0 : i32
      %add3A_95 = arith.addi %mul3A_93, %add3A_94 : i32
      %gt3A = arith.constant 0 : i32
      %gt3A_96 = arith.cmpi sgt, %scan3A_91, %gt3A : i32
      %convert_element_type3A = arith.extui %gt3A_96 : i1 to i32
      %cond3A = arith.constant 0 : i32
      %cond3A_97 = arith.cmpi ne, %convert_element_type3A, %cond3A : i32
      scf.if %cond3A_97 {
        %sub3A_246 = arith.constant 3 : i32
        %sub3A_247 = arith.subi %add3A_95, %sub3A_246 : i32
        %mul3A_248 = arith.constant 8 : i32
        %mul3A_249 = arith.muli %sub3A_247, %mul3A_248 : i32
        %add3A_250 = arith.addi %mul3A_59, %mul3A_249 : i32
        %dma_wait3A_251 = arith.constant 0 : i32
        %dma_wait3A_252 = tpu.memref_slice %arg4[%add3A_250, %dma_wait3A_251] : memref<8192x2048xf32, #tpu.memory_space<hbm>> -> memref<8x2048xf32, #tpu.memory_space<hbm>>
        %dma_wait3A_253 = arith.constant 0 : i32
        %dma_wait3A_254 = tpu.memref_slice %arg4[%add3A_250, %dma_wait3A_253] : memref<8192x2048xf32, #tpu.memory_space<hbm>> -> memref<8x2048xf32, #tpu.memory_space<hbm>>
        tpu.wait_dma2 semaphore(%arg20 : memref<!tpu.dma_semaphore, #tpu.memory_space<semaphore_mem>>) src(%arg10 : memref<8x2048xf32, #tpu.memory_space<vmem>>) dst(%dma_wait3A_254 : memref<8x2048xf32, #tpu.memory_space<hbm>>)
      } else {
      }
      %add3A_98 = arith.constant 1 : i32
      %add3A_99 = arith.addi %add3A_95, %add3A_98 : i32
      %mul3A_100 = arith.constant 8 : i32
      %mul3A_101 = arith.muli %add3A_99, %mul3A_100 : i32
      %add3A_102 = arith.addi %mul3A_59, %mul3A_101 : i32
      %dma_start3A_103 = arith.constant 0 : i32
      %dma_start3A_104 = tpu.memref_slice %arg2[%add3A_102, %dma_start3A_103] : memref<8192x2048xf32, #tpu.memory_space<hbm>> -> memref<8x2048xf32, #tpu.memory_space<hbm>>
      %dma_start3A_105 = arith.constant 0 : i32
      %dma_start3A_106 = tpu.memref_slice %arg2[%add3A_102, %dma_start3A_105] : memref<8192x2048xf32, #tpu.memory_space<hbm>> -> memref<8x2048xf32, #tpu.memory_space<hbm>>
      tpu.enqueue_dma source(%dma_start3A_106 : memref<8x2048xf32, #tpu.memory_space<hbm>>) target(%arg10 : memref<8x2048xf32, #tpu.memory_space<vmem>>) target_semaphore(%arg16 : memref<!tpu.dma_semaphore, #tpu.memory_space<semaphore_mem>>)
      %mul3A_107 = arith.constant 8 : i32
      %mul3A_108 = arith.muli %add3A_95, %mul3A_107 : i32
      %add3A_109 = arith.addi %mul3A_59, %mul3A_108 : i32
      %dma_wait3A_110 = arith.constant 0 : i32
      %dma_wait3A_111 = tpu.memref_slice %arg2[%add3A_109, %dma_wait3A_110] : memref<8192x2048xf32, #tpu.memory_space<hbm>> -> memref<8x2048xf32, #tpu.memory_space<hbm>>
      %dma_wait3A_112 = arith.constant 0 : i32
      %dma_wait3A_113 = tpu.memref_slice %arg2[%add3A_109, %dma_wait3A_112] : memref<8192x2048xf32, #tpu.memory_space<hbm>> -> memref<8x2048xf32, #tpu.memory_space<hbm>>
      tpu.wait_dma2 semaphore(%arg15 : memref<!tpu.dma_semaphore, #tpu.memory_space<semaphore_mem>>) src(%dma_wait3A_113 : memref<8x2048xf32, #tpu.memory_space<hbm>>) dst(%arg9 : memref<8x2048xf32, #tpu.memory_space<vmem>>)
      %mul3A_114 = arith.constant 128 : i32
      %mul3A_115 = arith.muli %add3A_95, %mul3A_114 : i32
      %parallel_loop3A_116 = arith.constant 0 : i32
      %parallel_loop3A_117 = arith.constant 1024 : i32
      %parallel_loop3A_118 = arith.constant 4 : i32
      %parallel_loop3A_119 = arith.constant 0 : i32
      %parallel_loop3A_120 = scf.for %parallel_loop3A_246 = %parallel_loop3A_116 to %parallel_loop3A_117 step %parallel_loop3A_118 iter_args(%parallel_loop3A_247 = %parallel_loop3A_119) -> (i32)  : i32 {
        %parallel_loop3A_248 = arith.constant 7 : i32
        %parallel_loop3A_249 = arith.shrsi %parallel_loop3A_246, %parallel_loop3A_248 : i32
        %parallel_loop3A_250 = arith.constant 4 : i32
        %parallel_loop3A_251 = arith.shli %parallel_loop3A_249, %parallel_loop3A_250 : i32
        %parallel_loop3A_252 = arith.addi %mul3A_115, %parallel_loop3A_251 : i32
        %parallel_loop3A_253 = arith.constant 0 : i32
        %parallel_loop3A_254 = arith.addi %parallel_loop3A_246, %parallel_loop3A_253 : i32
        %parallel_loop3A_255 = arith.constant 16 : i32
        %parallel_loop3A_256 = arith.muli %parallel_loop3A_254, %parallel_loop3A_255 : i32
        %parallel_loop3A_257 = arith.constant 11 : i32
        %parallel_loop3A_258 = arith.shli %parallel_loop3A_249, %parallel_loop3A_257 : i32
        %parallel_loop3A_259 = arith.subi %parallel_loop3A_256, %parallel_loop3A_258 : i32
        %parallel_loop3A_260 = arith.index_cast %parallel_loop3A_249 : i32 to index
        %parallel_loop3A_261 = arith.index_cast %parallel_loop3A_259 : i32 to index
        %parallel_loop3A_262 = tpu.vector_load %arg9[%parallel_loop3A_260, %parallel_loop3A_261] {strides = array<i32>} : memref<8x2048xf32, #tpu.memory_space<vmem>>, vector<16xf32>,
        %parallel_loop3A_263 = arith.constant 1.000000e+02 : f32
        %parallel_loop3A_264 = vector.broadcast %parallel_loop3A_263 : f32 to vector<16xf32>
        %parallel_loop3A_265 = arith.mulf %parallel_loop3A_262, %parallel_loop3A_264 : vector<16xf32>
        %parallel_loop3A_266 = arith.constant 5.000000e+01 : f32
        %parallel_loop3A_267 = vector.broadcast %parallel_loop3A_266 : f32 to vector<16xf32>
        %parallel_loop3A_268 = arith.subf %parallel_loop3A_265, %parallel_loop3A_267 : vector<16xf32>
        %parallel_loop3A_269 = math.absf %parallel_loop3A_268 : vector<16xf32>
        %parallel_loop3A_270 = arith.constant 1.000000e+00 : f32
        %parallel_loop3A_271 = vector.broadcast %parallel_loop3A_270 : f32 to vector<16xf32>
        %parallel_loop3A_272 = arith.addf %parallel_loop3A_269, %parallel_loop3A_271 : vector<16xf32>
        %parallel_loop3A_273 = tpu.bitcast %parallel_loop3A_272 : vector<16xf32> -> vector<16xi32>
        %parallel_loop3A_274 = arith.constant 23 : i32
        %parallel_loop3A_275 = vector.broadcast %parallel_loop3A_274 : i32 to vector<16xi32>
        %parallel_loop3A_276 = arith.shrsi %parallel_loop3A_273, %parallel_loop3A_275 : vector<16xi32>
        %parallel_loop3A_277 = arith.sitofp %parallel_loop3A_276 : vector<16xi32> to vector<16xf32>
        %parallel_loop3A_278 = arith.constant 8388607 : i32
        %parallel_loop3A_279 = vector.broadcast %parallel_loop3A_278 : i32 to vector<16xi32>
        %parallel_loop3A_280 = arith.andi %parallel_loop3A_273, %parallel_loop3A_279 : vector<16xi32>
        %parallel_loop3A_281 = arith.constant 1065353216 : i32
        %parallel_loop3A_282 = vector.broadcast %parallel_loop3A_281 : i32 to vector<16xi32>
        %parallel_loop3A_283 = arith.ori %parallel_loop3A_280, %parallel_loop3A_282 : vector<16xi32>
        %parallel_loop3A_284 = tpu.bitcast %parallel_loop3A_283 : vector<16xi32> -> vector<16xf32>
        %parallel_loop3A_285 = arith.constant -3.7415216 : f32
        %parallel_loop3A_286 = vector.broadcast %parallel_loop3A_285 : f32 to vector<16xf32>
        %parallel_loop3A_287 = arith.mulf %parallel_loop3A_284, %parallel_loop3A_286 : vector<16xf32>
        %parallel_loop3A_288 = arith.constant 22.1560726 : f32
        %parallel_loop3A_289 = vector.broadcast %parallel_loop3A_288 : f32 to vector<16xf32>
        %parallel_loop3A_290 = arith.addf %parallel_loop3A_287, %parallel_loop3A_289 : vector<16xf32>
        %parallel_loop3A_291 = arith.mulf %parallel_loop3A_290, %parallel_loop3A_284 : vector<16xf32>
        %parallel_loop3A_292 = arith.constant -1428.82202 : f32
        %parallel_loop3A_293 = vector.broadcast %parallel_loop3A_292 : f32 to vector<16xf32>
        %parallel_loop3A_294 = arith.addf %parallel_loop3A_291, %parallel_loop3A_293 : vector<16xf32>
        %parallel_loop3A_295 = arith.constant 11.1063604 : f32
        %parallel_loop3A_296 = vector.broadcast %parallel_loop3A_295 : f32 to vector<16xf32>
        %parallel_loop3A_297 = arith.mulf %parallel_loop3A_277, %parallel_loop3A_296 : vector<16xf32>
        %parallel_loop3A_298 = arith.addf %parallel_loop3A_297, %parallel_loop3A_294 : vector<16xf32>
        %parallel_loop3A_299 = arith.constant 0x4B000000 : f32
        %parallel_loop3A_300 = vector.broadcast %parallel_loop3A_299 : f32 to vector<16xf32>
        %parallel_loop3A_301 = arith.addf %parallel_loop3A_298, %parallel_loop3A_300 : vector<16xf32>
        %parallel_loop3A_302 = tpu.bitcast %parallel_loop3A_301 : vector<16xf32> -> vector<16xi32>
        %parallel_loop3A_303 = arith.constant 63 : i32
        %parallel_loop3A_304 = vector.broadcast %parallel_loop3A_303 : i32 to vector<16xi32>
        %parallel_loop3A_305 = arith.andi %parallel_loop3A_302, %parallel_loop3A_304 : vector<16xi32>
        %parallel_loop3A_306 = tpu.vector_load_idx %arg8[%parallel_loop3A_305] : memref<64xf32, #tpu.memory_space<vmem>>[vector<16xi32>], vector<16xf32>,
        %parallel_loop3A_307 = tpu.bitcast %parallel_loop3A_268 : vector<16xf32> -> vector<16xi32>
        %parallel_loop3A_308 = arith.constant -2147483648 : i32
        %parallel_loop3A_309 = vector.broadcast %parallel_loop3A_308 : i32 to vector<16xi32>
        %parallel_loop3A_310 = arith.andi %parallel_loop3A_307, %parallel_loop3A_309 : vector<16xi32>
        %parallel_loop3A_311 = tpu.bitcast %parallel_loop3A_306 : vector<16xf32> -> vector<16xi32>
        %parallel_loop3A_312 = arith.ori %parallel_loop3A_310, %parallel_loop3A_311 : vector<16xi32>
        %parallel_loop3A_313 = tpu.bitcast %parallel_loop3A_312 : vector<16xi32> -> vector<16xf32>
        %parallel_loop3A_314 = arith.constant 5.000000e-01 : f32
        %parallel_loop3A_315 = vector.broadcast %parallel_loop3A_314 : f32 to vector<16xf32>
        %parallel_loop3A_316 = arith.addf %parallel_loop3A_313, %parallel_loop3A_315 : vector<16xf32>
        %parallel_loop3A_317 = arith.index_cast %parallel_loop3A_249 : i32 to index
        %parallel_loop3A_318 = arith.index_cast %parallel_loop3A_259 : i32 to index
        %parallel_loop3A_319 = tpu.vector_load %arg9[%parallel_loop3A_317, %parallel_loop3A_318] {strides = array<i32>} : memref<8x2048xf32, #tpu.memory_space<vmem>>, vector<16xf32>,
        tpu.vector_store %arg9[%parallel_loop3A_317, %parallel_loop3A_318], %parallel_loop3A_316 {strides = array<i32>} : memref<8x2048xf32, #tpu.memory_space<vmem>>, vector<16xf32>,
        %parallel_loop3A_320 = arith.subf %parallel_loop3A_262, %parallel_loop3A_316 : vector<16xf32>
        %parallel_loop3A_321 = arith.mulf %parallel_loop3A_262, %parallel_loop3A_262 : vector<16xf32>
        %parallel_loop3A_322 = arith.index_cast %parallel_loop3A_252 : i32 to index
        %parallel_loop3A_323 = tpu.vector_load %arg13[%parallel_loop3A_322] {strides = array<i32>} : memref<4096xf32, #tpu.memory_space<vmem>>, vector<16xf32>,
        tpu.vector_store %arg13[%parallel_loop3A_322], %parallel_loop3A_321 {add = true, strides = array<i32>} : memref<4096xf32, #tpu.memory_space<vmem>>, vector<16xf32>,
        %parallel_loop3A_324 = arith.mulf %parallel_loop3A_320, %parallel_loop3A_320 : vector<16xf32>
        %parallel_loop3A_325 = arith.index_cast %parallel_loop3A_252 : i32 to index
        %parallel_loop3A_326 = tpu.vector_load %arg14[%parallel_loop3A_325] {strides = array<i32>} : memref<4096xf32, #tpu.memory_space<vmem>>, vector<16xf32>,
        tpu.vector_store %arg14[%parallel_loop3A_325], %parallel_loop3A_324 {add = true, strides = array<i32>} : memref<4096xf32, #tpu.memory_space<vmem>>, vector<16xf32>,
        %parallel_loop3A_327 = arith.constant 1 : i32
        %parallel_loop3A_328 = arith.addi %parallel_loop3A_246, %parallel_loop3A_327 : i32
        %parallel_loop3A_329 = arith.constant 16 : i32
        %parallel_loop3A_330 = arith.muli %parallel_loop3A_328, %parallel_loop3A_329 : i32
        %parallel_loop3A_331 = arith.constant 11 : i32
        %parallel_loop3A_332 = arith.shli %parallel_loop3A_249, %parallel_loop3A_331 : i32
        %parallel_loop3A_333 = arith.subi %parallel_loop3A_330, %parallel_loop3A_332 : i32
        %parallel_loop3A_334 = arith.index_cast %parallel_loop3A_249 : i32 to index
        %parallel_loop3A_335 = arith.index_cast %parallel_loop3A_333 : i32 to index
        %parallel_loop3A_336 = tpu.vector_load %arg9[%parallel_loop3A_334, %parallel_loop3A_335] {strides = array<i32>} : memref<8x2048xf32, #tpu.memory_space<vmem>>, vector<16xf32>,
        %parallel_loop3A_337 = arith.constant 1.000000e+02 : f32
        %parallel_loop3A_338 = vector.broadcast %parallel_loop3A_337 : f32 to vector<16xf32>
        %parallel_loop3A_339 = arith.mulf %parallel_loop3A_336, %parallel_loop3A_338 : vector<16xf32>
        %parallel_loop3A_340 = arith.constant 5.000000e+01 : f32
        %parallel_loop3A_341 = vector.broadcast %parallel_loop3A_340 : f32 to vector<16xf32>
        %parallel_loop3A_342 = arith.subf %parallel_loop3A_339, %parallel_loop3A_341 : vector<16xf32>
        %parallel_loop3A_343 = math.absf %parallel_loop3A_342 : vector<16xf32>
        %parallel_loop3A_344 = arith.constant 1.000000e+00 : f32
        %parallel_loop3A_345 = vector.broadcast %parallel_loop3A_344 : f32 to vector<16xf32>
        %parallel_loop3A_346 = arith.addf %parallel_loop3A_343, %parallel_loop3A_345 : vector<16xf32>
        %parallel_loop3A_347 = tpu.bitcast %parallel_loop3A_346 : vector<16xf32> -> vector<16xi32>
        %parallel_loop3A_348 = arith.constant 23 : i32
        %parallel_loop3A_349 = vector.broadcast %parallel_loop3A_348 : i32 to vector<16xi32>
        %parallel_loop3A_350 = arith.shrsi %parallel_loop3A_347, %parallel_loop3A_349 : vector<16xi32>
        %parallel_loop3A_351 = arith.sitofp %parallel_loop3A_350 : vector<16xi32> to vector<16xf32>
        %parallel_loop3A_352 = arith.constant 8388607 : i32
        %parallel_loop3A_353 = vector.broadcast %parallel_loop3A_352 : i32 to vector<16xi32>
        %parallel_loop3A_354 = arith.andi %parallel_loop3A_347, %parallel_loop3A_353 : vector<16xi32>
        %parallel_loop3A_355 = arith.constant 1065353216 : i32
        %parallel_loop3A_356 = vector.broadcast %parallel_loop3A_355 : i32 to vector<16xi32>
        %parallel_loop3A_357 = arith.ori %parallel_loop3A_354, %parallel_loop3A_356 : vector<16xi32>
        %parallel_loop3A_358 = tpu.bitcast %parallel_loop3A_357 : vector<16xi32> -> vector<16xf32>
        %parallel_loop3A_359 = arith.constant -3.7415216 : f32
        %parallel_loop3A_360 = vector.broadcast %parallel_loop3A_359 : f32 to vector<16xf32>
        %parallel_loop3A_361 = arith.mulf %parallel_loop3A_358, %parallel_loop3A_360 : vector<16xf32>
        %parallel_loop3A_362 = arith.constant 22.1560726 : f32
        %parallel_loop3A_363 = vector.broadcast %parallel_loop3A_362 : f32 to vector<16xf32>
        %parallel_loop3A_364 = arith.addf %parallel_loop3A_361, %parallel_loop3A_363 : vector<16xf32>
        %parallel_loop3A_365 = arith.mulf %parallel_loop3A_364, %parallel_loop3A_358 : vector<16xf32>
        %parallel_loop3A_366 = arith.constant -1428.82202 : f32
        %parallel_loop3A_367 = vector.broadcast %parallel_loop3A_366 : f32 to vector<16xf32>
        %parallel_loop3A_368 = arith.addf %parallel_loop3A_365, %parallel_loop3A_367 : vector<16xf32>
        %parallel_loop3A_369 = arith.constant 11.1063604 : f32
        %parallel_loop3A_370 = vector.broadcast %parallel_loop3A_369 : f32 to vector<16xf32>
        %parallel_loop3A_371 = arith.mulf %parallel_loop3A_351, %parallel_loop3A_370 : vector<16xf32>
        %parallel_loop3A_372 = arith.addf %parallel_loop3A_371, %parallel_loop3A_368 : vector<16xf32>
        %parallel_loop3A_373 = arith.constant 0x4B000000 : f32
        %parallel_loop3A_374 = vector.broadcast %parallel_loop3A_373 : f32 to vector<16xf32>
        %parallel_loop3A_375 = arith.addf %parallel_loop3A_372, %parallel_loop3A_374 : vector<16xf32>
        %parallel_loop3A_376 = tpu.bitcast %parallel_loop3A_375 : vector<16xf32> -> vector<16xi32>
        %parallel_loop3A_377 = arith.constant 63 : i32
        %parallel_loop3A_378 = vector.broadcast %parallel_loop3A_377 : i32 to vector<16xi32>
        %parallel_loop3A_379 = arith.andi %parallel_loop3A_376, %parallel_loop3A_378 : vector<16xi32>
        %parallel_loop3A_380 = tpu.vector_load_idx %arg8[%parallel_loop3A_379] : memref<64xf32, #tpu.memory_space<vmem>>[vector<16xi32>], vector<16xf32>,
        %parallel_loop3A_381 = tpu.bitcast %parallel_loop3A_342 : vector<16xf32> -> vector<16xi32>
        %parallel_loop3A_382 = arith.constant -2147483648 : i32
        %parallel_loop3A_383 = vector.broadcast %parallel_loop3A_382 : i32 to vector<16xi32>
        %parallel_loop3A_384 = arith.andi %parallel_loop3A_381, %parallel_loop3A_383 : vector<16xi32>
        %parallel_loop3A_385 = tpu.bitcast %parallel_loop3A_380 : vector<16xf32> -> vector<16xi32>
        %parallel_loop3A_386 = arith.ori %parallel_loop3A_384, %parallel_loop3A_385 : vector<16xi32>
        %parallel_loop3A_387 = tpu.bitcast %parallel_loop3A_386 : vector<16xi32> -> vector<16xf32>
        %parallel_loop3A_388 = arith.constant 5.000000e-01 : f32
        %parallel_loop3A_389 = vector.broadcast %parallel_loop3A_388 : f32 to vector<16xf32>
        %parallel_loop3A_390 = arith.addf %parallel_loop3A_387, %parallel_loop3A_389 : vector<16xf32>
        %parallel_loop3A_391 = arith.index_cast %parallel_loop3A_249 : i32 to index
        %parallel_loop3A_392 = arith.index_cast %parallel_loop3A_333 : i32 to index
        %parallel_loop3A_393 = tpu.vector_load %arg9[%parallel_loop3A_391, %parallel_loop3A_392] {strides = array<i32>} : memref<8x2048xf32, #tpu.memory_space<vmem>>, vector<16xf32>,
        tpu.vector_store %arg9[%parallel_loop3A_391, %parallel_loop3A_392], %parallel_loop3A_390 {strides = array<i32>} : memref<8x2048xf32, #tpu.memory_space<vmem>>, vector<16xf32>,
        %parallel_loop3A_394 = arith.subf %parallel_loop3A_336, %parallel_loop3A_390 : vector<16xf32>
        %parallel_loop3A_395 = arith.mulf %parallel_loop3A_336, %parallel_loop3A_336 : vector<16xf32>
        %parallel_loop3A_396 = arith.index_cast %parallel_loop3A_252 : i32 to index
        %parallel_loop3A_397 = tpu.vector_load %arg13[%parallel_loop3A_396] {strides = array<i32>} : memref<4096xf32, #tpu.memory_space<vmem>>, vector<16xf32>,
        tpu.vector_store %arg13[%parallel_loop3A_396], %parallel_loop3A_395 {add = true, strides = array<i32>} : memref<4096xf32, #tpu.memory_space<vmem>>, vector<16xf32>,
        %parallel_loop3A_398 = arith.mulf %parallel_loop3A_394, %parallel_loop3A_394 : vector<16xf32>
        %parallel_loop3A_399 = arith.index_cast %parallel_loop3A_252 : i32 to index
        %parallel_loop3A_400 = tpu.vector_load %arg14[%parallel_loop3A_399] {strides = array<i32>} : memref<4096xf32, #tpu.memory_space<vmem>>, vector<16xf32>,
        tpu.vector_store %arg14[%parallel_loop3A_399], %parallel_loop3A_398 {add = true, strides = array<i32>} : memref<4096xf32, #tpu.memory_space<vmem>>, vector<16xf32>,
        %parallel_loop3A_401 = arith.constant 2 : i32
        %parallel_loop3A_402 = arith.addi %parallel_loop3A_246, %parallel_loop3A_401 : i32
        %parallel_loop3A_403 = arith.constant 16 : i32
        %parallel_loop3A_404 = arith.muli %parallel_loop3A_402, %parallel_loop3A_403 : i32
        %parallel_loop3A_405 = arith.constant 11 : i32
        %parallel_loop3A_406 = arith.shli %parallel_loop3A_249, %parallel_loop3A_405 : i32
        %parallel_loop3A_407 = arith.subi %parallel_loop3A_404, %parallel_loop3A_406 : i32
        %parallel_loop3A_408 = arith.index_cast %parallel_loop3A_249 : i32 to index
        %parallel_loop3A_409 = arith.index_cast %parallel_loop3A_407 : i32 to index
        %parallel_loop3A_410 = tpu.vector_load %arg9[%parallel_loop3A_408, %parallel_loop3A_409] {strides = array<i32>} : memref<8x2048xf32, #tpu.memory_space<vmem>>, vector<16xf32>,
        %parallel_loop3A_411 = arith.constant 1.000000e+02 : f32
        %parallel_loop3A_412 = vector.broadcast %parallel_loop3A_411 : f32 to vector<16xf32>
        %parallel_loop3A_413 = arith.mulf %parallel_loop3A_410, %parallel_loop3A_412 : vector<16xf32>
        %parallel_loop3A_414 = arith.constant 5.000000e+01 : f32
        %parallel_loop3A_415 = vector.broadcast %parallel_loop3A_414 : f32 to vector<16xf32>
        %parallel_loop3A_416 = arith.subf %parallel_loop3A_413, %parallel_loop3A_415 : vector<16xf32>
        %parallel_loop3A_417 = math.absf %parallel_loop3A_416 : vector<16xf32>
        %parallel_loop3A_418 = arith.constant 1.000000e+00 : f32
        %parallel_loop3A_419 = vector.broadcast %parallel_loop3A_418 : f32 to vector<16xf32>
        %parallel_loop3A_420 = arith.addf %parallel_loop3A_417, %parallel_loop3A_419 : vector<16xf32>
        %parallel_loop3A_421 = tpu.bitcast %parallel_loop3A_420 : vector<16xf32> -> vector<16xi32>
        %parallel_loop3A_422 = arith.constant 23 : i32
        %parallel_loop3A_423 = vector.broadcast %parallel_loop3A_422 : i32 to vector<16xi32>
        %parallel_loop3A_424 = arith.shrsi %parallel_loop3A_421, %parallel_loop3A_423 : vector<16xi32>
        %parallel_loop3A_425 = arith.sitofp %parallel_loop3A_424 : vector<16xi32> to vector<16xf32>
        %parallel_loop3A_426 = arith.constant 8388607 : i32
        %parallel_loop3A_427 = vector.broadcast %parallel_loop3A_426 : i32 to vector<16xi32>
        %parallel_loop3A_428 = arith.andi %parallel_loop3A_421, %parallel_loop3A_427 : vector<16xi32>
        %parallel_loop3A_429 = arith.constant 1065353216 : i32
        %parallel_loop3A_430 = vector.broadcast %parallel_loop3A_429 : i32 to vector<16xi32>
        %parallel_loop3A_431 = arith.ori %parallel_loop3A_428, %parallel_loop3A_430 : vector<16xi32>
        %parallel_loop3A_432 = tpu.bitcast %parallel_loop3A_431 : vector<16xi32> -> vector<16xf32>
        %parallel_loop3A_433 = arith.constant -3.7415216 : f32
        %parallel_loop3A_434 = vector.broadcast %parallel_loop3A_433 : f32 to vector<16xf32>
        %parallel_loop3A_435 = arith.mulf %parallel_loop3A_432, %parallel_loop3A_434 : vector<16xf32>
        %parallel_loop3A_436 = arith.constant 22.1560726 : f32
        %parallel_loop3A_437 = vector.broadcast %parallel_loop3A_436 : f32 to vector<16xf32>
        %parallel_loop3A_438 = arith.addf %parallel_loop3A_435, %parallel_loop3A_437 : vector<16xf32>
        %parallel_loop3A_439 = arith.mulf %parallel_loop3A_438, %parallel_loop3A_432 : vector<16xf32>
        %parallel_loop3A_440 = arith.constant -1428.82202 : f32
        %parallel_loop3A_441 = vector.broadcast %parallel_loop3A_440 : f32 to vector<16xf32>
        %parallel_loop3A_442 = arith.addf %parallel_loop3A_439, %parallel_loop3A_441 : vector<16xf32>
        %parallel_loop3A_443 = arith.constant 11.1063604 : f32
        %parallel_loop3A_444 = vector.broadcast %parallel_loop3A_443 : f32 to vector<16xf32>
        %parallel_loop3A_445 = arith.mulf %parallel_loop3A_425, %parallel_loop3A_444 : vector<16xf32>
        %parallel_loop3A_446 = arith.addf %parallel_loop3A_445, %parallel_loop3A_442 : vector<16xf32>
        %parallel_loop3A_447 = arith.constant 0x4B000000 : f32
        %parallel_loop3A_448 = vector.broadcast %parallel_loop3A_447 : f32 to vector<16xf32>
        %parallel_loop3A_449 = arith.addf %parallel_loop3A_446, %parallel_loop3A_448 : vector<16xf32>
        %parallel_loop3A_450 = tpu.bitcast %parallel_loop3A_449 : vector<16xf32> -> vector<16xi32>
        %parallel_loop3A_451 = arith.constant 63 : i32
        %parallel_loop3A_452 = vector.broadcast %parallel_loop3A_451 : i32 to vector<16xi32>
        %parallel_loop3A_453 = arith.andi %parallel_loop3A_450, %parallel_loop3A_452 : vector<16xi32>
        %parallel_loop3A_454 = tpu.vector_load_idx %arg8[%parallel_loop3A_453] : memref<64xf32, #tpu.memory_space<vmem>>[vector<16xi32>], vector<16xf32>,
        %parallel_loop3A_455 = tpu.bitcast %parallel_loop3A_416 : vector<16xf32> -> vector<16xi32>
        %parallel_loop3A_456 = arith.constant -2147483648 : i32
        %parallel_loop3A_457 = vector.broadcast %parallel_loop3A_456 : i32 to vector<16xi32>
        %parallel_loop3A_458 = arith.andi %parallel_loop3A_455, %parallel_loop3A_457 : vector<16xi32>
        %parallel_loop3A_459 = tpu.bitcast %parallel_loop3A_454 : vector<16xf32> -> vector<16xi32>
        %parallel_loop3A_460 = arith.ori %parallel_loop3A_458, %parallel_loop3A_459 : vector<16xi32>
        %parallel_loop3A_461 = tpu.bitcast %parallel_loop3A_460 : vector<16xi32> -> vector<16xf32>
        %parallel_loop3A_462 = arith.constant 5.000000e-01 : f32
        %parallel_loop3A_463 = vector.broadcast %parallel_loop3A_462 : f32 to vector<16xf32>
        %parallel_loop3A_464 = arith.addf %parallel_loop3A_461, %parallel_loop3A_463 : vector<16xf32>
        %parallel_loop3A_465 = arith.index_cast %parallel_loop3A_249 : i32 to index
        %parallel_loop3A_466 = arith.index_cast %parallel_loop3A_407 : i32 to index
        %parallel_loop3A_467 = tpu.vector_load %arg9[%parallel_loop3A_465, %parallel_loop3A_466] {strides = array<i32>} : memref<8x2048xf32, #tpu.memory_space<vmem>>, vector<16xf32>,
        tpu.vector_store %arg9[%parallel_loop3A_465, %parallel_loop3A_466], %parallel_loop3A_464 {strides = array<i32>} : memref<8x2048xf32, #tpu.memory_space<vmem>>, vector<16xf32>,
        %parallel_loop3A_468 = arith.subf %parallel_loop3A_410, %parallel_loop3A_464 : vector<16xf32>
        %parallel_loop3A_469 = arith.mulf %parallel_loop3A_410, %parallel_loop3A_410 : vector<16xf32>
        %parallel_loop3A_470 = arith.index_cast %parallel_loop3A_252 : i32 to index
        %parallel_loop3A_471 = tpu.vector_load %arg13[%parallel_loop3A_470] {strides = array<i32>} : memref<4096xf32, #tpu.memory_space<vmem>>, vector<16xf32>,
        tpu.vector_store %arg13[%parallel_loop3A_470], %parallel_loop3A_469 {add = true, strides = array<i32>} : memref<4096xf32, #tpu.memory_space<vmem>>, vector<16xf32>,
        %parallel_loop3A_472 = arith.mulf %parallel_loop3A_468, %parallel_loop3A_468 : vector<16xf32>
        %parallel_loop3A_473 = arith.index_cast %parallel_loop3A_252 : i32 to index
        %parallel_loop3A_474 = tpu.vector_load %arg14[%parallel_loop3A_473] {strides = array<i32>} : memref<4096xf32, #tpu.memory_space<vmem>>, vector<16xf32>,
        tpu.vector_store %arg14[%parallel_loop3A_473], %parallel_loop3A_472 {add = true, strides = array<i32>} : memref<4096xf32, #tpu.memory_space<vmem>>, vector<16xf32>,
        %parallel_loop3A_475 = arith.constant 3 : i32
        %parallel_loop3A_476 = arith.addi %parallel_loop3A_246, %parallel_loop3A_475 : i32
        %parallel_loop3A_477 = arith.constant 16 : i32
        %parallel_loop3A_478 = arith.muli %parallel_loop3A_476, %parallel_loop3A_477 : i32
        %parallel_loop3A_479 = arith.constant 11 : i32
        %parallel_loop3A_480 = arith.shli %parallel_loop3A_249, %parallel_loop3A_479 : i32
        %parallel_loop3A_481 = arith.subi %parallel_loop3A_478, %parallel_loop3A_480 : i32
        %parallel_loop3A_482 = arith.index_cast %parallel_loop3A_249 : i32 to index
        %parallel_loop3A_483 = arith.index_cast %parallel_loop3A_481 : i32 to index
        %parallel_loop3A_484 = tpu.vector_load %arg9[%parallel_loop3A_482, %parallel_loop3A_483] {strides = array<i32>} : memref<8x2048xf32, #tpu.memory_space<vmem>>, vector<16xf32>,
        %parallel_loop3A_485 = arith.constant 1.000000e+02 : f32
        %parallel_loop3A_486 = vector.broadcast %parallel_loop3A_485 : f32 to vector<16xf32>
        %parallel_loop3A_487 = arith.mulf %parallel_loop3A_484, %parallel_loop3A_486 : vector<16xf32>
        %parallel_loop3A_488 = arith.constant 5.000000e+01 : f32
        %parallel_loop3A_489 = vector.broadcast %parallel_loop3A_488 : f32 to vector<16xf32>
        %parallel_loop3A_490 = arith.subf %parallel_loop3A_487, %parallel_loop3A_489 : vector<16xf32>
        %parallel_loop3A_491 = math.absf %parallel_loop3A_490 : vector<16xf32>
        %parallel_loop3A_492 = arith.constant 1.000000e+00 : f32
        %parallel_loop3A_493 = vector.broadcast %parallel_loop3A_492 : f32 to vector<16xf32>
        %parallel_loop3A_494 = arith.addf %parallel_loop3A_491, %parallel_loop3A_493 : vector<16xf32>
        %parallel_loop3A_495 = tpu.bitcast %parallel_loop3A_494 : vector<16xf32> -> vector<16xi32>
        %parallel_loop3A_496 = arith.constant 23 : i32
        %parallel_loop3A_497 = vector.broadcast %parallel_loop3A_496 : i32 to vector<16xi32>
        %parallel_loop3A_498 = arith.shrsi %parallel_loop3A_495, %parallel_loop3A_497 : vector<16xi32>
        %parallel_loop3A_499 = arith.sitofp %parallel_loop3A_498 : vector<16xi32> to vector<16xf32>
        %parallel_loop3A_500 = arith.constant 8388607 : i32
        %parallel_loop3A_501 = vector.broadcast %parallel_loop3A_500 : i32 to vector<16xi32>
        %parallel_loop3A_502 = arith.andi %parallel_loop3A_495, %parallel_loop3A_501 : vector<16xi32>
        %parallel_loop3A_503 = arith.constant 1065353216 : i32
        %parallel_loop3A_504 = vector.broadcast %parallel_loop3A_503 : i32 to vector<16xi32>
        %parallel_loop3A_505 = arith.ori %parallel_loop3A_502, %parallel_loop3A_504 : vector<16xi32>
        %parallel_loop3A_506 = tpu.bitcast %parallel_loop3A_505 : vector<16xi32> -> vector<16xf32>
        %parallel_loop3A_507 = arith.constant -3.7415216 : f32
        %parallel_loop3A_508 = vector.broadcast %parallel_loop3A_507 : f32 to vector<16xf32>
        %parallel_loop3A_509 = arith.mulf %parallel_loop3A_506, %parallel_loop3A_508 : vector<16xf32>
        %parallel_loop3A_510 = arith.constant 22.1560726 : f32
        %parallel_loop3A_511 = vector.broadcast %parallel_loop3A_510 : f32 to vector<16xf32>
        %parallel_loop3A_512 = arith.addf %parallel_loop3A_509, %parallel_loop3A_511 : vector<16xf32>
        %parallel_loop3A_513 = arith.mulf %parallel_loop3A_512, %parallel_loop3A_506 : vector<16xf32>
        %parallel_loop3A_514 = arith.constant -1428.82202 : f32
        %parallel_loop3A_515 = vector.broadcast %parallel_loop3A_514 : f32 to vector<16xf32>
        %parallel_loop3A_516 = arith.addf %parallel_loop3A_513, %parallel_loop3A_515 : vector<16xf32>
        %parallel_loop3A_517 = arith.constant 11.1063604 : f32
        %parallel_loop3A_518 = vector.broadcast %parallel_loop3A_517 : f32 to vector<16xf32>
        %parallel_loop3A_519 = arith.mulf %parallel_loop3A_499, %parallel_loop3A_518 : vector<16xf32>
        %parallel_loop3A_520 = arith.addf %parallel_loop3A_519, %parallel_loop3A_516 : vector<16xf32>
        %parallel_loop3A_521 = arith.constant 0x4B000000 : f32
        %parallel_loop3A_522 = vector.broadcast %parallel_loop3A_521 : f32 to vector<16xf32>
        %parallel_loop3A_523 = arith.addf %parallel_loop3A_520, %parallel_loop3A_522 : vector<16xf32>
        %parallel_loop3A_524 = tpu.bitcast %parallel_loop3A_523 : vector<16xf32> -> vector<16xi32>
        %parallel_loop3A_525 = arith.constant 63 : i32
        %parallel_loop3A_526 = vector.broadcast %parallel_loop3A_525 : i32 to vector<16xi32>
        %parallel_loop3A_527 = arith.andi %parallel_loop3A_524, %parallel_loop3A_526 : vector<16xi32>
        %parallel_loop3A_528 = tpu.vector_load_idx %arg8[%parallel_loop3A_527] : memref<64xf32, #tpu.memory_space<vmem>>[vector<16xi32>], vector<16xf32>,
        %parallel_loop3A_529 = tpu.bitcast %parallel_loop3A_490 : vector<16xf32> -> vector<16xi32>
        %parallel_loop3A_530 = arith.constant -2147483648 : i32
        %parallel_loop3A_531 = vector.broadcast %parallel_loop3A_530 : i32 to vector<16xi32>
        %parallel_loop3A_532 = arith.andi %parallel_loop3A_529, %parallel_loop3A_531 : vector<16xi32>
        %parallel_loop3A_533 = tpu.bitcast %parallel_loop3A_528 : vector<16xf32> -> vector<16xi32>
        %parallel_loop3A_534 = arith.ori %parallel_loop3A_532, %parallel_loop3A_533 : vector<16xi32>
        %parallel_loop3A_535 = tpu.bitcast %parallel_loop3A_534 : vector<16xi32> -> vector<16xf32>
        %parallel_loop3A_536 = arith.constant 5.000000e-01 : f32
        %parallel_loop3A_537 = vector.broadcast %parallel_loop3A_536 : f32 to vector<16xf32>
        %parallel_loop3A_538 = arith.addf %parallel_loop3A_535, %parallel_loop3A_537 : vector<16xf32>
        %parallel_loop3A_539 = arith.index_cast %parallel_loop3A_249 : i32 to index
        %parallel_loop3A_540 = arith.index_cast %parallel_loop3A_481 : i32 to index
        %parallel_loop3A_541 = tpu.vector_load %arg9[%parallel_loop3A_539, %parallel_loop3A_540] {strides = array<i32>} : memref<8x2048xf32, #tpu.memory_space<vmem>>, vector<16xf32>,
        tpu.vector_store %arg9[%parallel_loop3A_539, %parallel_loop3A_540], %parallel_loop3A_538 {strides = array<i32>} : memref<8x2048xf32, #tpu.memory_space<vmem>>, vector<16xf32>,
        %parallel_loop3A_542 = arith.subf %parallel_loop3A_484, %parallel_loop3A_538 : vector<16xf32>
        %parallel_loop3A_543 = arith.mulf %parallel_loop3A_484, %parallel_loop3A_484 : vector<16xf32>
        %parallel_loop3A_544 = arith.index_cast %parallel_loop3A_252 : i32 to index
        %parallel_loop3A_545 = tpu.vector_load %arg13[%parallel_loop3A_544] {strides = array<i32>} : memref<4096xf32, #tpu.memory_space<vmem>>, vector<16xf32>,
        tpu.vector_store %arg13[%parallel_loop3A_544], %parallel_loop3A_543 {add = true, strides = array<i32>} : memref<4096xf32, #tpu.memory_space<vmem>>, vector<16xf32>,
        %parallel_loop3A_546 = arith.mulf %parallel_loop3A_542, %parallel_loop3A_542 : vector<16xf32>
        %parallel_loop3A_547 = arith.index_cast %parallel_loop3A_252 : i32 to index
        %parallel_loop3A_548 = tpu.vector_load %arg14[%parallel_loop3A_547] {strides = array<i32>} : memref<4096xf32, #tpu.memory_space<vmem>>, vector<16xf32>,
        tpu.vector_store %arg14[%parallel_loop3A_547], %parallel_loop3A_546 {add = true, strides = array<i32>} : memref<4096xf32, #tpu.memory_space<vmem>>, vector<16xf32>,
        scf.yield %parallel_loop3A_247 : i32
      } {sc.loop_unroll_factor = 2 : i64, sc.parallel_access}
      %mul3A_121 = arith.constant 8 : i32
      %mul3A_122 = arith.muli %add3A_95, %mul3A_121 : i32
      %add3A_123 = arith.addi %mul3A_59, %mul3A_122 : i32
      %dma_start3A_124 = arith.constant 0 : i32
      %dma_start3A_125 = tpu.memref_slice %arg4[%add3A_123, %dma_start3A_124] : memref<8192x2048xf32, #tpu.memory_space<hbm>> -> memref<8x2048xf32, #tpu.memory_space<hbm>>
      %dma_start3A_126 = arith.constant 0 : i32
      %dma_start3A_127 = tpu.memref_slice %arg4[%add3A_123, %dma_start3A_126] : memref<8192x2048xf32, #tpu.memory_space<hbm>> -> memref<8x2048xf32, #tpu.memory_space<hbm>>
      tpu.enqueue_dma source(%arg9 : memref<8x2048xf32, #tpu.memory_space<vmem>>) target(%dma_start3A_127 : memref<8x2048xf32, #tpu.memory_space<hbm>>) target_semaphore(%arg19 : memref<!tpu.dma_semaphore, #tpu.memory_space<semaphore_mem>>)
      %mul3A_128 = arith.constant 4 : i32
      %mul3A_129 = arith.muli %scan3A_91, %mul3A_128 : i32
      %add3A_130 = arith.constant 1 : i32
      %add3A_131 = arith.addi %mul3A_129, %add3A_130 : i32
      %gt3A_132 = arith.constant 0 : i32
      %gt3A_133 = arith.cmpi sgt, %scan3A_91, %gt3A_132 : i32
      %convert_element_type3A_134 = arith.extui %gt3A_133 : i1 to i32
      %cond3A_135 = arith.constant 0 : i32
      %cond3A_136 = arith.cmpi ne, %convert_element_type3A_134, %cond3A_135 : i32
      scf.if %cond3A_136 {
        %sub3A_246 = arith.constant 3 : i32
        %sub3A_247 = arith.subi %add3A_131, %sub3A_246 : i32
        %mul3A_248 = arith.constant 8 : i32
        %mul3A_249 = arith.muli %sub3A_247, %mul3A_248 : i32
        %add3A_250 = arith.addi %mul3A_59, %mul3A_249 : i32
        %dma_wait3A_251 = arith.constant 0 : i32
        %dma_wait3A_252 = tpu.memref_slice %arg4[%add3A_250, %dma_wait3A_251] : memref<8192x2048xf32, #tpu.memory_space<hbm>> -> memref<8x2048xf32, #tpu.memory_space<hbm>>
        %dma_wait3A_253 = arith.constant 0 : i32
        %dma_wait3A_254 = tpu.memref_slice %arg4[%add3A_250, %dma_wait3A_253] : memref<8192x2048xf32, #tpu.memory_space<hbm>> -> memref<8x2048xf32, #tpu.memory_space<hbm>>
        tpu.wait_dma2 semaphore(%arg21 : memref<!tpu.dma_semaphore, #tpu.memory_space<semaphore_mem>>) src(%arg11 : memref<8x2048xf32, #tpu.memory_space<vmem>>) dst(%dma_wait3A_254 : memref<8x2048xf32, #tpu.memory_space<hbm>>)
      } else {
      }
      %add3A_137 = arith.constant 1 : i32
      %add3A_138 = arith.addi %add3A_131, %add3A_137 : i32
      %mul3A_139 = arith.constant 8 : i32
      %mul3A_140 = arith.muli %add3A_138, %mul3A_139 : i32
      %add3A_141 = arith.addi %mul3A_59, %mul3A_140 : i32
      %dma_start3A_142 = arith.constant 0 : i32
      %dma_start3A_143 = tpu.memref_slice %arg2[%add3A_141, %dma_start3A_142] : memref<8192x2048xf32, #tpu.memory_space<hbm>> -> memref<8x2048xf32, #tpu.memory_space<hbm>>
      %dma_start3A_144 = arith.constant 0 : i32
      %dma_start3A_145 = tpu.memref_slice %arg2[%add3A_141, %dma_start3A_144] : memref<8192x2048xf32, #tpu.memory_space<hbm>> -> memref<8x2048xf32, #tpu.memory_space<hbm>>
      tpu.enqueue_dma source(%dma_start3A_145 : memref<8x2048xf32, #tpu.memory_space<hbm>>) target(%arg11 : memref<8x2048xf32, #tpu.memory_space<vmem>>) target_semaphore(%arg17 : memref<!tpu.dma_semaphore, #tpu.memory_space<semaphore_mem>>)
      %mul3A_146 = arith.constant 8 : i32
      %mul3A_147 = arith.muli %add3A_131, %mul3A_146 : i32
      %add3A_148 = arith.addi %mul3A_59, %mul3A_147 : i32
      %dma_wait3A_149 = arith.constant 0 : i32
      %dma_wait3A_150 = tpu.memref_slice %arg2[%add3A_148, %dma_wait3A_149] : memref<8192x2048xf32, #tpu.memory_space<hbm>> -> memref<8x2048xf32, #tpu.memory_space<hbm>>
      %dma_wait3A_151 = arith.constant 0 : i32
      %dma_wait3A_152 = tpu.memref_slice %arg2[%add3A_148, %dma_wait3A_151] : memref<8192x2048xf32, #tpu.memory_space<hbm>> -> memref<8x2048xf32, #tpu.memory_space<hbm>>
      tpu.wait_dma2 semaphore(%arg16 : memref<!tpu.dma_semaphore, #tpu.memory_space<semaphore_mem>>) src(%dma_wait3A_152 : memref<8x2048xf32, #tpu.memory_space<hbm>>) dst(%arg10 : memref<8x2048xf32, #tpu.memory_space<vmem>>)
      %mul3A_153 = arith.constant 128 : i32
      %mul3A_154 = arith.muli %add3A_131, %mul3A_153 : i32
      %parallel_loop3A_155 = arith.constant 0 : i32
      %parallel_loop3A_156 = arith.constant 1024 : i32
      %parallel_loop3A_157 = arith.constant 4 : i32
      %parallel_loop3A_158 = arith.constant 0 : i32
      %parallel_loop3A_159 = scf.for %parallel_loop3A_246 = %parallel_loop3A_155 to %parallel_loop3A_156 step %parallel_loop3A_157 iter_args(%parallel_loop3A_247 = %parallel_loop3A_158) -> (i32)  : i32 {
        %parallel_loop3A_248 = arith.constant 7 : i32
        %parallel_loop3A_249 = arith.shrsi %parallel_loop3A_246, %parallel_loop3A_248 : i32
        %parallel_loop3A_250 = arith.constant 4 : i32
        %parallel_loop3A_251 = arith.shli %parallel_loop3A_249, %parallel_loop3A_250 : i32
        %parallel_loop3A_252 = arith.addi %mul3A_154, %parallel_loop3A_251 : i32
        %parallel_loop3A_253 = arith.constant 0 : i32
        %parallel_loop3A_254 = arith.addi %parallel_loop3A_246, %parallel_loop3A_253 : i32
        %parallel_loop3A_255 = arith.constant 16 : i32
        %parallel_loop3A_256 = arith.muli %parallel_loop3A_254, %parallel_loop3A_255 : i32
        %parallel_loop3A_257 = arith.constant 11 : i32
        %parallel_loop3A_258 = arith.shli %parallel_loop3A_249, %parallel_loop3A_257 : i32
        %parallel_loop3A_259 = arith.subi %parallel_loop3A_256, %parallel_loop3A_258 : i32
        %parallel_loop3A_260 = arith.index_cast %parallel_loop3A_249 : i32 to index
        %parallel_loop3A_261 = arith.index_cast %parallel_loop3A_259 : i32 to index
        %parallel_loop3A_262 = tpu.vector_load %arg10[%parallel_loop3A_260, %parallel_loop3A_261] {strides = array<i32>} : memref<8x2048xf32, #tpu.memory_space<vmem>>, vector<16xf32>,
        %parallel_loop3A_263 = arith.constant 1.000000e+02 : f32
        %parallel_loop3A_264 = vector.broadcast %parallel_loop3A_263 : f32 to vector<16xf32>
        %parallel_loop3A_265 = arith.mulf %parallel_loop3A_262, %parallel_loop3A_264 : vector<16xf32>
        %parallel_loop3A_266 = arith.constant 5.000000e+01 : f32
        %parallel_loop3A_267 = vector.broadcast %parallel_loop3A_266 : f32 to vector<16xf32>
        %parallel_loop3A_268 = arith.subf %parallel_loop3A_265, %parallel_loop3A_267 : vector<16xf32>
        %parallel_loop3A_269 = math.absf %parallel_loop3A_268 : vector<16xf32>
        %parallel_loop3A_270 = arith.constant 1.000000e+00 : f32
        %parallel_loop3A_271 = vector.broadcast %parallel_loop3A_270 : f32 to vector<16xf32>
        %parallel_loop3A_272 = arith.addf %parallel_loop3A_269, %parallel_loop3A_271 : vector<16xf32>
        %parallel_loop3A_273 = tpu.bitcast %parallel_loop3A_272 : vector<16xf32> -> vector<16xi32>
        %parallel_loop3A_274 = arith.constant 23 : i32
        %parallel_loop3A_275 = vector.broadcast %parallel_loop3A_274 : i32 to vector<16xi32>
        %parallel_loop3A_276 = arith.shrsi %parallel_loop3A_273, %parallel_loop3A_275 : vector<16xi32>
        %parallel_loop3A_277 = arith.sitofp %parallel_loop3A_276 : vector<16xi32> to vector<16xf32>
        %parallel_loop3A_278 = arith.constant 8388607 : i32
        %parallel_loop3A_279 = vector.broadcast %parallel_loop3A_278 : i32 to vector<16xi32>
        %parallel_loop3A_280 = arith.andi %parallel_loop3A_273, %parallel_loop3A_279 : vector<16xi32>
        %parallel_loop3A_281 = arith.constant 1065353216 : i32
        %parallel_loop3A_282 = vector.broadcast %parallel_loop3A_281 : i32 to vector<16xi32>
        %parallel_loop3A_283 = arith.ori %parallel_loop3A_280, %parallel_loop3A_282 : vector<16xi32>
        %parallel_loop3A_284 = tpu.bitcast %parallel_loop3A_283 : vector<16xi32> -> vector<16xf32>
        %parallel_loop3A_285 = arith.constant -3.7415216 : f32
        %parallel_loop3A_286 = vector.broadcast %parallel_loop3A_285 : f32 to vector<16xf32>
        %parallel_loop3A_287 = arith.mulf %parallel_loop3A_284, %parallel_loop3A_286 : vector<16xf32>
        %parallel_loop3A_288 = arith.constant 22.1560726 : f32
        %parallel_loop3A_289 = vector.broadcast %parallel_loop3A_288 : f32 to vector<16xf32>
        %parallel_loop3A_290 = arith.addf %parallel_loop3A_287, %parallel_loop3A_289 : vector<16xf32>
        %parallel_loop3A_291 = arith.mulf %parallel_loop3A_290, %parallel_loop3A_284 : vector<16xf32>
        %parallel_loop3A_292 = arith.constant -1428.82202 : f32
        %parallel_loop3A_293 = vector.broadcast %parallel_loop3A_292 : f32 to vector<16xf32>
        %parallel_loop3A_294 = arith.addf %parallel_loop3A_291, %parallel_loop3A_293 : vector<16xf32>
        %parallel_loop3A_295 = arith.constant 11.1063604 : f32
        %parallel_loop3A_296 = vector.broadcast %parallel_loop3A_295 : f32 to vector<16xf32>
        %parallel_loop3A_297 = arith.mulf %parallel_loop3A_277, %parallel_loop3A_296 : vector<16xf32>
        %parallel_loop3A_298 = arith.addf %parallel_loop3A_297, %parallel_loop3A_294 : vector<16xf32>
        %parallel_loop3A_299 = arith.constant 0x4B000000 : f32
        %parallel_loop3A_300 = vector.broadcast %parallel_loop3A_299 : f32 to vector<16xf32>
        %parallel_loop3A_301 = arith.addf %parallel_loop3A_298, %parallel_loop3A_300 : vector<16xf32>
        %parallel_loop3A_302 = tpu.bitcast %parallel_loop3A_301 : vector<16xf32> -> vector<16xi32>
        %parallel_loop3A_303 = arith.constant 63 : i32
        %parallel_loop3A_304 = vector.broadcast %parallel_loop3A_303 : i32 to vector<16xi32>
        %parallel_loop3A_305 = arith.andi %parallel_loop3A_302, %parallel_loop3A_304 : vector<16xi32>
        %parallel_loop3A_306 = tpu.vector_load_idx %arg8[%parallel_loop3A_305] : memref<64xf32, #tpu.memory_space<vmem>>[vector<16xi32>], vector<16xf32>,
        %parallel_loop3A_307 = tpu.bitcast %parallel_loop3A_268 : vector<16xf32> -> vector<16xi32>
        %parallel_loop3A_308 = arith.constant -2147483648 : i32
        %parallel_loop3A_309 = vector.broadcast %parallel_loop3A_308 : i32 to vector<16xi32>
        %parallel_loop3A_310 = arith.andi %parallel_loop3A_307, %parallel_loop3A_309 : vector<16xi32>
        %parallel_loop3A_311 = tpu.bitcast %parallel_loop3A_306 : vector<16xf32> -> vector<16xi32>
        %parallel_loop3A_312 = arith.ori %parallel_loop3A_310, %parallel_loop3A_311 : vector<16xi32>
        %parallel_loop3A_313 = tpu.bitcast %parallel_loop3A_312 : vector<16xi32> -> vector<16xf32>
        %parallel_loop3A_314 = arith.constant 5.000000e-01 : f32
        %parallel_loop3A_315 = vector.broadcast %parallel_loop3A_314 : f32 to vector<16xf32>
        %parallel_loop3A_316 = arith.addf %parallel_loop3A_313, %parallel_loop3A_315 : vector<16xf32>
        %parallel_loop3A_317 = arith.index_cast %parallel_loop3A_249 : i32 to index
        %parallel_loop3A_318 = arith.index_cast %parallel_loop3A_259 : i32 to index
        %parallel_loop3A_319 = tpu.vector_load %arg10[%parallel_loop3A_317, %parallel_loop3A_318] {strides = array<i32>} : memref<8x2048xf32, #tpu.memory_space<vmem>>, vector<16xf32>,
        tpu.vector_store %arg10[%parallel_loop3A_317, %parallel_loop3A_318], %parallel_loop3A_316 {strides = array<i32>} : memref<8x2048xf32, #tpu.memory_space<vmem>>, vector<16xf32>,
        %parallel_loop3A_320 = arith.subf %parallel_loop3A_262, %parallel_loop3A_316 : vector<16xf32>
        %parallel_loop3A_321 = arith.mulf %parallel_loop3A_262, %parallel_loop3A_262 : vector<16xf32>
        %parallel_loop3A_322 = arith.index_cast %parallel_loop3A_252 : i32 to index
        %parallel_loop3A_323 = tpu.vector_load %arg13[%parallel_loop3A_322] {strides = array<i32>} : memref<4096xf32, #tpu.memory_space<vmem>>, vector<16xf32>,
        tpu.vector_store %arg13[%parallel_loop3A_322], %parallel_loop3A_321 {add = true, strides = array<i32>} : memref<4096xf32, #tpu.memory_space<vmem>>, vector<16xf32>,
        %parallel_loop3A_324 = arith.mulf %parallel_loop3A_320, %parallel_loop3A_320 : vector<16xf32>
        %parallel_loop3A_325 = arith.index_cast %parallel_loop3A_252 : i32 to index
        %parallel_loop3A_326 = tpu.vector_load %arg14[%parallel_loop3A_325] {strides = array<i32>} : memref<4096xf32, #tpu.memory_space<vmem>>, vector<16xf32>,
        tpu.vector_store %arg14[%parallel_loop3A_325], %parallel_loop3A_324 {add = true, strides = array<i32>} : memref<4096xf32, #tpu.memory_space<vmem>>, vector<16xf32>,
        %parallel_loop3A_327 = arith.constant 1 : i32
        %parallel_loop3A_328 = arith.addi %parallel_loop3A_246, %parallel_loop3A_327 : i32
        %parallel_loop3A_329 = arith.constant 16 : i32
        %parallel_loop3A_330 = arith.muli %parallel_loop3A_328, %parallel_loop3A_329 : i32
        %parallel_loop3A_331 = arith.constant 11 : i32
        %parallel_loop3A_332 = arith.shli %parallel_loop3A_249, %parallel_loop3A_331 : i32
        %parallel_loop3A_333 = arith.subi %parallel_loop3A_330, %parallel_loop3A_332 : i32
        %parallel_loop3A_334 = arith.index_cast %parallel_loop3A_249 : i32 to index
        %parallel_loop3A_335 = arith.index_cast %parallel_loop3A_333 : i32 to index
        %parallel_loop3A_336 = tpu.vector_load %arg10[%parallel_loop3A_334, %parallel_loop3A_335] {strides = array<i32>} : memref<8x2048xf32, #tpu.memory_space<vmem>>, vector<16xf32>,
        %parallel_loop3A_337 = arith.constant 1.000000e+02 : f32
        %parallel_loop3A_338 = vector.broadcast %parallel_loop3A_337 : f32 to vector<16xf32>
        %parallel_loop3A_339 = arith.mulf %parallel_loop3A_336, %parallel_loop3A_338 : vector<16xf32>
        %parallel_loop3A_340 = arith.constant 5.000000e+01 : f32
        %parallel_loop3A_341 = vector.broadcast %parallel_loop3A_340 : f32 to vector<16xf32>
        %parallel_loop3A_342 = arith.subf %parallel_loop3A_339, %parallel_loop3A_341 : vector<16xf32>
        %parallel_loop3A_343 = math.absf %parallel_loop3A_342 : vector<16xf32>
        %parallel_loop3A_344 = arith.constant 1.000000e+00 : f32
        %parallel_loop3A_345 = vector.broadcast %parallel_loop3A_344 : f32 to vector<16xf32>
        %parallel_loop3A_346 = arith.addf %parallel_loop3A_343, %parallel_loop3A_345 : vector<16xf32>
        %parallel_loop3A_347 = tpu.bitcast %parallel_loop3A_346 : vector<16xf32> -> vector<16xi32>
        %parallel_loop3A_348 = arith.constant 23 : i32
        %parallel_loop3A_349 = vector.broadcast %parallel_loop3A_348 : i32 to vector<16xi32>
        %parallel_loop3A_350 = arith.shrsi %parallel_loop3A_347, %parallel_loop3A_349 : vector<16xi32>
        %parallel_loop3A_351 = arith.sitofp %parallel_loop3A_350 : vector<16xi32> to vector<16xf32>
        %parallel_loop3A_352 = arith.constant 8388607 : i32
        %parallel_loop3A_353 = vector.broadcast %parallel_loop3A_352 : i32 to vector<16xi32>
        %parallel_loop3A_354 = arith.andi %parallel_loop3A_347, %parallel_loop3A_353 : vector<16xi32>
        %parallel_loop3A_355 = arith.constant 1065353216 : i32
        %parallel_loop3A_356 = vector.broadcast %parallel_loop3A_355 : i32 to vector<16xi32>
        %parallel_loop3A_357 = arith.ori %parallel_loop3A_354, %parallel_loop3A_356 : vector<16xi32>
        %parallel_loop3A_358 = tpu.bitcast %parallel_loop3A_357 : vector<16xi32> -> vector<16xf32>
        %parallel_loop3A_359 = arith.constant -3.7415216 : f32
        %parallel_loop3A_360 = vector.broadcast %parallel_loop3A_359 : f32 to vector<16xf32>
        %parallel_loop3A_361 = arith.mulf %parallel_loop3A_358, %parallel_loop3A_360 : vector<16xf32>
        %parallel_loop3A_362 = arith.constant 22.1560726 : f32
        %parallel_loop3A_363 = vector.broadcast %parallel_loop3A_362 : f32 to vector<16xf32>
        %parallel_loop3A_364 = arith.addf %parallel_loop3A_361, %parallel_loop3A_363 : vector<16xf32>
        %parallel_loop3A_365 = arith.mulf %parallel_loop3A_364, %parallel_loop3A_358 : vector<16xf32>
        %parallel_loop3A_366 = arith.constant -1428.82202 : f32
        %parallel_loop3A_367 = vector.broadcast %parallel_loop3A_366 : f32 to vector<16xf32>
        %parallel_loop3A_368 = arith.addf %parallel_loop3A_365, %parallel_loop3A_367 : vector<16xf32>
        %parallel_loop3A_369 = arith.constant 11.1063604 : f32
        %parallel_loop3A_370 = vector.broadcast %parallel_loop3A_369 : f32 to vector<16xf32>
        %parallel_loop3A_371 = arith.mulf %parallel_loop3A_351, %parallel_loop3A_370 : vector<16xf32>
        %parallel_loop3A_372 = arith.addf %parallel_loop3A_371, %parallel_loop3A_368 : vector<16xf32>
        %parallel_loop3A_373 = arith.constant 0x4B000000 : f32
        %parallel_loop3A_374 = vector.broadcast %parallel_loop3A_373 : f32 to vector<16xf32>
        %parallel_loop3A_375 = arith.addf %parallel_loop3A_372, %parallel_loop3A_374 : vector<16xf32>
        %parallel_loop3A_376 = tpu.bitcast %parallel_loop3A_375 : vector<16xf32> -> vector<16xi32>
        %parallel_loop3A_377 = arith.constant 63 : i32
        %parallel_loop3A_378 = vector.broadcast %parallel_loop3A_377 : i32 to vector<16xi32>
        %parallel_loop3A_379 = arith.andi %parallel_loop3A_376, %parallel_loop3A_378 : vector<16xi32>
        %parallel_loop3A_380 = tpu.vector_load_idx %arg8[%parallel_loop3A_379] : memref<64xf32, #tpu.memory_space<vmem>>[vector<16xi32>], vector<16xf32>,
        %parallel_loop3A_381 = tpu.bitcast %parallel_loop3A_342 : vector<16xf32> -> vector<16xi32>
        %parallel_loop3A_382 = arith.constant -2147483648 : i32
        %parallel_loop3A_383 = vector.broadcast %parallel_loop3A_382 : i32 to vector<16xi32>
        %parallel_loop3A_384 = arith.andi %parallel_loop3A_381, %parallel_loop3A_383 : vector<16xi32>
        %parallel_loop3A_385 = tpu.bitcast %parallel_loop3A_380 : vector<16xf32> -> vector<16xi32>
        %parallel_loop3A_386 = arith.ori %parallel_loop3A_384, %parallel_loop3A_385 : vector<16xi32>
        %parallel_loop3A_387 = tpu.bitcast %parallel_loop3A_386 : vector<16xi32> -> vector<16xf32>
        %parallel_loop3A_388 = arith.constant 5.000000e-01 : f32
        %parallel_loop3A_389 = vector.broadcast %parallel_loop3A_388 : f32 to vector<16xf32>
        %parallel_loop3A_390 = arith.addf %parallel_loop3A_387, %parallel_loop3A_389 : vector<16xf32>
        %parallel_loop3A_391 = arith.index_cast %parallel_loop3A_249 : i32 to index
        %parallel_loop3A_392 = arith.index_cast %parallel_loop3A_333 : i32 to index
        %parallel_loop3A_393 = tpu.vector_load %arg10[%parallel_loop3A_391, %parallel_loop3A_392] {strides = array<i32>} : memref<8x2048xf32, #tpu.memory_space<vmem>>, vector<16xf32>,
        tpu.vector_store %arg10[%parallel_loop3A_391, %parallel_loop3A_392], %parallel_loop3A_390 {strides = array<i32>} : memref<8x2048xf32, #tpu.memory_space<vmem>>, vector<16xf32>,
        %parallel_loop3A_394 = arith.subf %parallel_loop3A_336, %parallel_loop3A_390 : vector<16xf32>
        %parallel_loop3A_395 = arith.mulf %parallel_loop3A_336, %parallel_loop3A_336 : vector<16xf32>
        %parallel_loop3A_396 = arith.index_cast %parallel_loop3A_252 : i32 to index
        %parallel_loop3A_397 = tpu.vector_load %arg13[%parallel_loop3A_396] {strides = array<i32>} : memref<4096xf32, #tpu.memory_space<vmem>>, vector<16xf32>,
        tpu.vector_store %arg13[%parallel_loop3A_396], %parallel_loop3A_395 {add = true, strides = array<i32>} : memref<4096xf32, #tpu.memory_space<vmem>>, vector<16xf32>,
        %parallel_loop3A_398 = arith.mulf %parallel_loop3A_394, %parallel_loop3A_394 : vector<16xf32>
        %parallel_loop3A_399 = arith.index_cast %parallel_loop3A_252 : i32 to index
        %parallel_loop3A_400 = tpu.vector_load %arg14[%parallel_loop3A_399] {strides = array<i32>} : memref<4096xf32, #tpu.memory_space<vmem>>, vector<16xf32>,
        tpu.vector_store %arg14[%parallel_loop3A_399], %parallel_loop3A_398 {add = true, strides = array<i32>} : memref<4096xf32, #tpu.memory_space<vmem>>, vector<16xf32>,
        %parallel_loop3A_401 = arith.constant 2 : i32
        %parallel_loop3A_402 = arith.addi %parallel_loop3A_246, %parallel_loop3A_401 : i32
        %parallel_loop3A_403 = arith.constant 16 : i32
        %parallel_loop3A_404 = arith.muli %parallel_loop3A_402, %parallel_loop3A_403 : i32
        %parallel_loop3A_405 = arith.constant 11 : i32
        %parallel_loop3A_406 = arith.shli %parallel_loop3A_249, %parallel_loop3A_405 : i32
        %parallel_loop3A_407 = arith.subi %parallel_loop3A_404, %parallel_loop3A_406 : i32
        %parallel_loop3A_408 = arith.index_cast %parallel_loop3A_249 : i32 to index
        %parallel_loop3A_409 = arith.index_cast %parallel_loop3A_407 : i32 to index
        %parallel_loop3A_410 = tpu.vector_load %arg10[%parallel_loop3A_408, %parallel_loop3A_409] {strides = array<i32>} : memref<8x2048xf32, #tpu.memory_space<vmem>>, vector<16xf32>,
        %parallel_loop3A_411 = arith.constant 1.000000e+02 : f32
        %parallel_loop3A_412 = vector.broadcast %parallel_loop3A_411 : f32 to vector<16xf32>
        %parallel_loop3A_413 = arith.mulf %parallel_loop3A_410, %parallel_loop3A_412 : vector<16xf32>
        %parallel_loop3A_414 = arith.constant 5.000000e+01 : f32
        %parallel_loop3A_415 = vector.broadcast %parallel_loop3A_414 : f32 to vector<16xf32>
        %parallel_loop3A_416 = arith.subf %parallel_loop3A_413, %parallel_loop3A_415 : vector<16xf32>
        %parallel_loop3A_417 = math.absf %parallel_loop3A_416 : vector<16xf32>
        %parallel_loop3A_418 = arith.constant 1.000000e+00 : f32
        %parallel_loop3A_419 = vector.broadcast %parallel_loop3A_418 : f32 to vector<16xf32>
        %parallel_loop3A_420 = arith.addf %parallel_loop3A_417, %parallel_loop3A_419 : vector<16xf32>
        %parallel_loop3A_421 = tpu.bitcast %parallel_loop3A_420 : vector<16xf32> -> vector<16xi32>
        %parallel_loop3A_422 = arith.constant 23 : i32
        %parallel_loop3A_423 = vector.broadcast %parallel_loop3A_422 : i32 to vector<16xi32>
        %parallel_loop3A_424 = arith.shrsi %parallel_loop3A_421, %parallel_loop3A_423 : vector<16xi32>
        %parallel_loop3A_425 = arith.sitofp %parallel_loop3A_424 : vector<16xi32> to vector<16xf32>
        %parallel_loop3A_426 = arith.constant 8388607 : i32
        %parallel_loop3A_427 = vector.broadcast %parallel_loop3A_426 : i32 to vector<16xi32>
        %parallel_loop3A_428 = arith.andi %parallel_loop3A_421, %parallel_loop3A_427 : vector<16xi32>
        %parallel_loop3A_429 = arith.constant 1065353216 : i32
        %parallel_loop3A_430 = vector.broadcast %parallel_loop3A_429 : i32 to vector<16xi32>
        %parallel_loop3A_431 = arith.ori %parallel_loop3A_428, %parallel_loop3A_430 : vector<16xi32>
        %parallel_loop3A_432 = tpu.bitcast %parallel_loop3A_431 : vector<16xi32> -> vector<16xf32>
        %parallel_loop3A_433 = arith.constant -3.7415216 : f32
        %parallel_loop3A_434 = vector.broadcast %parallel_loop3A_433 : f32 to vector<16xf32>
        %parallel_loop3A_435 = arith.mulf %parallel_loop3A_432, %parallel_loop3A_434 : vector<16xf32>
        %parallel_loop3A_436 = arith.constant 22.1560726 : f32
        %parallel_loop3A_437 = vector.broadcast %parallel_loop3A_436 : f32 to vector<16xf32>
        %parallel_loop3A_438 = arith.addf %parallel_loop3A_435, %parallel_loop3A_437 : vector<16xf32>
        %parallel_loop3A_439 = arith.mulf %parallel_loop3A_438, %parallel_loop3A_432 : vector<16xf32>
        %parallel_loop3A_440 = arith.constant -1428.82202 : f32
        %parallel_loop3A_441 = vector.broadcast %parallel_loop3A_440 : f32 to vector<16xf32>
        %parallel_loop3A_442 = arith.addf %parallel_loop3A_439, %parallel_loop3A_441 : vector<16xf32>
        %parallel_loop3A_443 = arith.constant 11.1063604 : f32
        %parallel_loop3A_444 = vector.broadcast %parallel_loop3A_443 : f32 to vector<16xf32>
        %parallel_loop3A_445 = arith.mulf %parallel_loop3A_425, %parallel_loop3A_444 : vector<16xf32>
        %parallel_loop3A_446 = arith.addf %parallel_loop3A_445, %parallel_loop3A_442 : vector<16xf32>
        %parallel_loop3A_447 = arith.constant 0x4B000000 : f32
        %parallel_loop3A_448 = vector.broadcast %parallel_loop3A_447 : f32 to vector<16xf32>
        %parallel_loop3A_449 = arith.addf %parallel_loop3A_446, %parallel_loop3A_448 : vector<16xf32>
        %parallel_loop3A_450 = tpu.bitcast %parallel_loop3A_449 : vector<16xf32> -> vector<16xi32>
        %parallel_loop3A_451 = arith.constant 63 : i32
        %parallel_loop3A_452 = vector.broadcast %parallel_loop3A_451 : i32 to vector<16xi32>
        %parallel_loop3A_453 = arith.andi %parallel_loop3A_450, %parallel_loop3A_452 : vector<16xi32>
        %parallel_loop3A_454 = tpu.vector_load_idx %arg8[%parallel_loop3A_453] : memref<64xf32, #tpu.memory_space<vmem>>[vector<16xi32>], vector<16xf32>,
        %parallel_loop3A_455 = tpu.bitcast %parallel_loop3A_416 : vector<16xf32> -> vector<16xi32>
        %parallel_loop3A_456 = arith.constant -2147483648 : i32
        %parallel_loop3A_457 = vector.broadcast %parallel_loop3A_456 : i32 to vector<16xi32>
        %parallel_loop3A_458 = arith.andi %parallel_loop3A_455, %parallel_loop3A_457 : vector<16xi32>
        %parallel_loop3A_459 = tpu.bitcast %parallel_loop3A_454 : vector<16xf32> -> vector<16xi32>
        %parallel_loop3A_460 = arith.ori %parallel_loop3A_458, %parallel_loop3A_459 : vector<16xi32>
        %parallel_loop3A_461 = tpu.bitcast %parallel_loop3A_460 : vector<16xi32> -> vector<16xf32>
        %parallel_loop3A_462 = arith.constant 5.000000e-01 : f32
        %parallel_loop3A_463 = vector.broadcast %parallel_loop3A_462 : f32 to vector<16xf32>
        %parallel_loop3A_464 = arith.addf %parallel_loop3A_461, %parallel_loop3A_463 : vector<16xf32>
        %parallel_loop3A_465 = arith.index_cast %parallel_loop3A_249 : i32 to index
        %parallel_loop3A_466 = arith.index_cast %parallel_loop3A_407 : i32 to index
        %parallel_loop3A_467 = tpu.vector_load %arg10[%parallel_loop3A_465, %parallel_loop3A_466] {strides = array<i32>} : memref<8x2048xf32, #tpu.memory_space<vmem>>, vector<16xf32>,
        tpu.vector_store %arg10[%parallel_loop3A_465, %parallel_loop3A_466], %parallel_loop3A_464 {strides = array<i32>} : memref<8x2048xf32, #tpu.memory_space<vmem>>, vector<16xf32>,
        %parallel_loop3A_468 = arith.subf %parallel_loop3A_410, %parallel_loop3A_464 : vector<16xf32>
        %parallel_loop3A_469 = arith.mulf %parallel_loop3A_410, %parallel_loop3A_410 : vector<16xf32>
        %parallel_loop3A_470 = arith.index_cast %parallel_loop3A_252 : i32 to index
        %parallel_loop3A_471 = tpu.vector_load %arg13[%parallel_loop3A_470] {strides = array<i32>} : memref<4096xf32, #tpu.memory_space<vmem>>, vector<16xf32>,
        tpu.vector_store %arg13[%parallel_loop3A_470], %parallel_loop3A_469 {add = true, strides = array<i32>} : memref<4096xf32, #tpu.memory_space<vmem>>, vector<16xf32>,
        %parallel_loop3A_472 = arith.mulf %parallel_loop3A_468, %parallel_loop3A_468 : vector<16xf32>
        %parallel_loop3A_473 = arith.index_cast %parallel_loop3A_252 : i32 to index
        %parallel_loop3A_474 = tpu.vector_load %arg14[%parallel_loop3A_473] {strides = array<i32>} : memref<4096xf32, #tpu.memory_space<vmem>>, vector<16xf32>,
        tpu.vector_store %arg14[%parallel_loop3A_473], %parallel_loop3A_472 {add = true, strides = array<i32>} : memref<4096xf32, #tpu.memory_space<vmem>>, vector<16xf32>,
        %parallel_loop3A_475 = arith.constant 3 : i32
        %parallel_loop3A_476 = arith.addi %parallel_loop3A_246, %parallel_loop3A_475 : i32
        %parallel_loop3A_477 = arith.constant 16 : i32
        %parallel_loop3A_478 = arith.muli %parallel_loop3A_476, %parallel_loop3A_477 : i32
        %parallel_loop3A_479 = arith.constant 11 : i32
        %parallel_loop3A_480 = arith.shli %parallel_loop3A_249, %parallel_loop3A_479 : i32
        %parallel_loop3A_481 = arith.subi %parallel_loop3A_478, %parallel_loop3A_480 : i32
        %parallel_loop3A_482 = arith.index_cast %parallel_loop3A_249 : i32 to index
        %parallel_loop3A_483 = arith.index_cast %parallel_loop3A_481 : i32 to index
        %parallel_loop3A_484 = tpu.vector_load %arg10[%parallel_loop3A_482, %parallel_loop3A_483] {strides = array<i32>} : memref<8x2048xf32, #tpu.memory_space<vmem>>, vector<16xf32>,
        %parallel_loop3A_485 = arith.constant 1.000000e+02 : f32
        %parallel_loop3A_486 = vector.broadcast %parallel_loop3A_485 : f32 to vector<16xf32>
        %parallel_loop3A_487 = arith.mulf %parallel_loop3A_484, %parallel_loop3A_486 : vector<16xf32>
        %parallel_loop3A_488 = arith.constant 5.000000e+01 : f32
        %parallel_loop3A_489 = vector.broadcast %parallel_loop3A_488 : f32 to vector<16xf32>
        %parallel_loop3A_490 = arith.subf %parallel_loop3A_487, %parallel_loop3A_489 : vector<16xf32>
        %parallel_loop3A_491 = math.absf %parallel_loop3A_490 : vector<16xf32>
        %parallel_loop3A_492 = arith.constant 1.000000e+00 : f32
        %parallel_loop3A_493 = vector.broadcast %parallel_loop3A_492 : f32 to vector<16xf32>
        %parallel_loop3A_494 = arith.addf %parallel_loop3A_491, %parallel_loop3A_493 : vector<16xf32>
        %parallel_loop3A_495 = tpu.bitcast %parallel_loop3A_494 : vector<16xf32> -> vector<16xi32>
        %parallel_loop3A_496 = arith.constant 23 : i32
        %parallel_loop3A_497 = vector.broadcast %parallel_loop3A_496 : i32 to vector<16xi32>
        %parallel_loop3A_498 = arith.shrsi %parallel_loop3A_495, %parallel_loop3A_497 : vector<16xi32>
        %parallel_loop3A_499 = arith.sitofp %parallel_loop3A_498 : vector<16xi32> to vector<16xf32>
        %parallel_loop3A_500 = arith.constant 8388607 : i32
        %parallel_loop3A_501 = vector.broadcast %parallel_loop3A_500 : i32 to vector<16xi32>
        %parallel_loop3A_502 = arith.andi %parallel_loop3A_495, %parallel_loop3A_501 : vector<16xi32>
        %parallel_loop3A_503 = arith.constant 1065353216 : i32
        %parallel_loop3A_504 = vector.broadcast %parallel_loop3A_503 : i32 to vector<16xi32>
        %parallel_loop3A_505 = arith.ori %parallel_loop3A_502, %parallel_loop3A_504 : vector<16xi32>
        %parallel_loop3A_506 = tpu.bitcast %parallel_loop3A_505 : vector<16xi32> -> vector<16xf32>
        %parallel_loop3A_507 = arith.constant -3.7415216 : f32
        %parallel_loop3A_508 = vector.broadcast %parallel_loop3A_507 : f32 to vector<16xf32>
        %parallel_loop3A_509 = arith.mulf %parallel_loop3A_506, %parallel_loop3A_508 : vector<16xf32>
        %parallel_loop3A_510 = arith.constant 22.1560726 : f32
        %parallel_loop3A_511 = vector.broadcast %parallel_loop3A_510 : f32 to vector<16xf32>
        %parallel_loop3A_512 = arith.addf %parallel_loop3A_509, %parallel_loop3A_511 : vector<16xf32>
        %parallel_loop3A_513 = arith.mulf %parallel_loop3A_512, %parallel_loop3A_506 : vector<16xf32>
        %parallel_loop3A_514 = arith.constant -1428.82202 : f32
        %parallel_loop3A_515 = vector.broadcast %parallel_loop3A_514 : f32 to vector<16xf32>
        %parallel_loop3A_516 = arith.addf %parallel_loop3A_513, %parallel_loop3A_515 : vector<16xf32>
        %parallel_loop3A_517 = arith.constant 11.1063604 : f32
        %parallel_loop3A_518 = vector.broadcast %parallel_loop3A_517 : f32 to vector<16xf32>
        %parallel_loop3A_519 = arith.mulf %parallel_loop3A_499, %parallel_loop3A_518 : vector<16xf32>
        %parallel_loop3A_520 = arith.addf %parallel_loop3A_519, %parallel_loop3A_516 : vector<16xf32>
        %parallel_loop3A_521 = arith.constant 0x4B000000 : f32
        %parallel_loop3A_522 = vector.broadcast %parallel_loop3A_521 : f32 to vector<16xf32>
        %parallel_loop3A_523 = arith.addf %parallel_loop3A_520, %parallel_loop3A_522 : vector<16xf32>
        %parallel_loop3A_524 = tpu.bitcast %parallel_loop3A_523 : vector<16xf32> -> vector<16xi32>
        %parallel_loop3A_525 = arith.constant 63 : i32
        %parallel_loop3A_526 = vector.broadcast %parallel_loop3A_525 : i32 to vector<16xi32>
        %parallel_loop3A_527 = arith.andi %parallel_loop3A_524, %parallel_loop3A_526 : vector<16xi32>
        %parallel_loop3A_528 = tpu.vector_load_idx %arg8[%parallel_loop3A_527] : memref<64xf32, #tpu.memory_space<vmem>>[vector<16xi32>], vector<16xf32>,
        %parallel_loop3A_529 = tpu.bitcast %parallel_loop3A_490 : vector<16xf32> -> vector<16xi32>
        %parallel_loop3A_530 = arith.constant -2147483648 : i32
        %parallel_loop3A_531 = vector.broadcast %parallel_loop3A_530 : i32 to vector<16xi32>
        %parallel_loop3A_532 = arith.andi %parallel_loop3A_529, %parallel_loop3A_531 : vector<16xi32>
        %parallel_loop3A_533 = tpu.bitcast %parallel_loop3A_528 : vector<16xf32> -> vector<16xi32>
        %parallel_loop3A_534 = arith.ori %parallel_loop3A_532, %parallel_loop3A_533 : vector<16xi32>
        %parallel_loop3A_535 = tpu.bitcast %parallel_loop3A_534 : vector<16xi32> -> vector<16xf32>
        %parallel_loop3A_536 = arith.constant 5.000000e-01 : f32
        %parallel_loop3A_537 = vector.broadcast %parallel_loop3A_536 : f32 to vector<16xf32>
        %parallel_loop3A_538 = arith.addf %parallel_loop3A_535, %parallel_loop3A_537 : vector<16xf32>
        %parallel_loop3A_539 = arith.index_cast %parallel_loop3A_249 : i32 to index
        %parallel_loop3A_540 = arith.index_cast %parallel_loop3A_481 : i32 to index
        %parallel_loop3A_541 = tpu.vector_load %arg10[%parallel_loop3A_539, %parallel_loop3A_540] {strides = array<i32>} : memref<8x2048xf32, #tpu.memory_space<vmem>>, vector<16xf32>,
        tpu.vector_store %arg10[%parallel_loop3A_539, %parallel_loop3A_540], %parallel_loop3A_538 {strides = array<i32>} : memref<8x2048xf32, #tpu.memory_space<vmem>>, vector<16xf32>,
        %parallel_loop3A_542 = arith.subf %parallel_loop3A_484, %parallel_loop3A_538 : vector<16xf32>
        %parallel_loop3A_543 = arith.mulf %parallel_loop3A_484, %parallel_loop3A_484 : vector<16xf32>
        %parallel_loop3A_544 = arith.index_cast %parallel_loop3A_252 : i32 to index
        %parallel_loop3A_545 = tpu.vector_load %arg13[%parallel_loop3A_544] {strides = array<i32>} : memref<4096xf32, #tpu.memory_space<vmem>>, vector<16xf32>,
        tpu.vector_store %arg13[%parallel_loop3A_544], %parallel_loop3A_543 {add = true, strides = array<i32>} : memref<4096xf32, #tpu.memory_space<vmem>>, vector<16xf32>,
        %parallel_loop3A_546 = arith.mulf %parallel_loop3A_542, %parallel_loop3A_542 : vector<16xf32>
        %parallel_loop3A_547 = arith.index_cast %parallel_loop3A_252 : i32 to index
        %parallel_loop3A_548 = tpu.vector_load %arg14[%parallel_loop3A_547] {strides = array<i32>} : memref<4096xf32, #tpu.memory_space<vmem>>, vector<16xf32>,
        tpu.vector_store %arg14[%parallel_loop3A_547], %parallel_loop3A_546 {add = true, strides = array<i32>} : memref<4096xf32, #tpu.memory_space<vmem>>, vector<16xf32>,
        scf.yield %parallel_loop3A_247 : i32
      } {sc.loop_unroll_factor = 2 : i64, sc.parallel_access}
      %mul3A_160 = arith.constant 8 : i32
      %mul3A_161 = arith.muli %add3A_131, %mul3A_160 : i32
      %add3A_162 = arith.addi %mul3A_59, %mul3A_161 : i32
      %dma_start3A_163 = arith.constant 0 : i32
      %dma_start3A_164 = tpu.memref_slice %arg4[%add3A_162, %dma_start3A_163] : memref<8192x2048xf32, #tpu.memory_space<hbm>> -> memref<8x2048xf32, #tpu.memory_space<hbm>>
      %dma_start3A_165 = arith.constant 0 : i32
      %dma_start3A_166 = tpu.memref_slice %arg4[%add3A_162, %dma_start3A_165] : memref<8192x2048xf32, #tpu.memory_space<hbm>> -> memref<8x2048xf32, #tpu.memory_space<hbm>>
      tpu.enqueue_dma source(%arg10 : memref<8x2048xf32, #tpu.memory_space<vmem>>) target(%dma_start3A_166 : memref<8x2048xf32, #tpu.memory_space<hbm>>) target_semaphore(%arg20 : memref<!tpu.dma_semaphore, #tpu.memory_space<semaphore_mem>>)
      %mul3A_167 = arith.constant 4 : i32
      %mul3A_168 = arith.muli %scan3A_91, %mul3A_167 : i32
      %add3A_169 = arith.constant 2 : i32
      %add3A_170 = arith.addi %mul3A_168, %add3A_169 : i32
      %gt3A_171 = arith.constant 0 : i32
      %gt3A_172 = arith.cmpi sgt, %scan3A_91, %gt3A_171 : i32
      %convert_element_type3A_173 = arith.extui %gt3A_172 : i1 to i32
      %cond3A_174 = arith.constant 0 : i32
      %cond3A_175 = arith.cmpi ne, %convert_element_type3A_173, %cond3A_174 : i32
      scf.if %cond3A_175 {
        %sub3A_246 = arith.constant 3 : i32
        %sub3A_247 = arith.subi %add3A_170, %sub3A_246 : i32
        %mul3A_248 = arith.constant 8 : i32
        %mul3A_249 = arith.muli %sub3A_247, %mul3A_248 : i32
        %add3A_250 = arith.addi %mul3A_59, %mul3A_249 : i32
        %dma_wait3A_251 = arith.constant 0 : i32
        %dma_wait3A_252 = tpu.memref_slice %arg4[%add3A_250, %dma_wait3A_251] : memref<8192x2048xf32, #tpu.memory_space<hbm>> -> memref<8x2048xf32, #tpu.memory_space<hbm>>
        %dma_wait3A_253 = arith.constant 0 : i32
        %dma_wait3A_254 = tpu.memref_slice %arg4[%add3A_250, %dma_wait3A_253] : memref<8192x2048xf32, #tpu.memory_space<hbm>> -> memref<8x2048xf32, #tpu.memory_space<hbm>>
        tpu.wait_dma2 semaphore(%arg22 : memref<!tpu.dma_semaphore, #tpu.memory_space<semaphore_mem>>) src(%arg12 : memref<8x2048xf32, #tpu.memory_space<vmem>>) dst(%dma_wait3A_254 : memref<8x2048xf32, #tpu.memory_space<hbm>>)
      } else {
      }
      %add3A_176 = arith.constant 1 : i32
      %add3A_177 = arith.addi %add3A_170, %add3A_176 : i32
      %mul3A_178 = arith.constant 8 : i32
      %mul3A_179 = arith.muli %add3A_177, %mul3A_178 : i32
      %add3A_180 = arith.addi %mul3A_59, %mul3A_179 : i32
      %dma_start3A_181 = arith.constant 0 : i32
      %dma_start3A_182 = tpu.memref_slice %arg2[%add3A_180, %dma_start3A_181] : memref<8192x2048xf32, #tpu.memory_space<hbm>> -> memref<8x2048xf32, #tpu.memory_space<hbm>>
      %dma_start3A_183 = arith.constant 0 : i32
      %dma_start3A_184 = tpu.memref_slice %arg2[%add3A_180, %dma_start3A_183] : memref<8192x2048xf32, #tpu.memory_space<hbm>> -> memref<8x2048xf32, #tpu.memory_space<hbm>>
      tpu.enqueue_dma source(%dma_start3A_184 : memref<8x2048xf32, #tpu.memory_space<hbm>>) target(%arg12 : memref<8x2048xf32, #tpu.memory_space<vmem>>) target_semaphore(%arg18 : memref<!tpu.dma_semaphore, #tpu.memory_space<semaphore_mem>>)
      %mul3A_185 = arith.constant 8 : i32
      %mul3A_186 = arith.muli %add3A_170, %mul3A_185 : i32
      %add3A_187 = arith.addi %mul3A_59, %mul3A_186 : i32
      %dma_wait3A_188 = arith.constant 0 : i32
      %dma_wait3A_189 = tpu.memref_slice %arg2[%add3A_187, %dma_wait3A_188] : memref<8192x2048xf32, #tpu.memory_space<hbm>> -> memref<8x2048xf32, #tpu.memory_space<hbm>>
      %dma_wait3A_190 = arith.constant 0 : i32
      %dma_wait3A_191 = tpu.memref_slice %arg2[%add3A_187, %dma_wait3A_190] : memref<8192x2048xf32, #tpu.memory_space<hbm>> -> memref<8x2048xf32, #tpu.memory_space<hbm>>
      tpu.wait_dma2 semaphore(%arg17 : memref<!tpu.dma_semaphore, #tpu.memory_space<semaphore_mem>>) src(%dma_wait3A_191 : memref<8x2048xf32, #tpu.memory_space<hbm>>) dst(%arg11 : memref<8x2048xf32, #tpu.memory_space<vmem>>)
      %mul3A_192 = arith.constant 128 : i32
      %mul3A_193 = arith.muli %add3A_170, %mul3A_192 : i32
      %parallel_loop3A_194 = arith.constant 0 : i32
      %parallel_loop3A_195 = arith.constant 1024 : i32
      %parallel_loop3A_196 = arith.constant 4 : i32
      %parallel_loop3A_197 = arith.constant 0 : i32
      %parallel_loop3A_198 = scf.for %parallel_loop3A_246 = %parallel_loop3A_194 to %parallel_loop3A_195 step %parallel_loop3A_196 iter_args(%parallel_loop3A_247 = %parallel_loop3A_197) -> (i32)  : i32 {
        %parallel_loop3A_248 = arith.constant 7 : i32
        %parallel_loop3A_249 = arith.shrsi %parallel_loop3A_246, %parallel_loop3A_248 : i32
        %parallel_loop3A_250 = arith.constant 4 : i32
        %parallel_loop3A_251 = arith.shli %parallel_loop3A_249, %parallel_loop3A_250 : i32
        %parallel_loop3A_252 = arith.addi %mul3A_193, %parallel_loop3A_251 : i32
        %parallel_loop3A_253 = arith.constant 0 : i32
        %parallel_loop3A_254 = arith.addi %parallel_loop3A_246, %parallel_loop3A_253 : i32
        %parallel_loop3A_255 = arith.constant 16 : i32
        %parallel_loop3A_256 = arith.muli %parallel_loop3A_254, %parallel_loop3A_255 : i32
        %parallel_loop3A_257 = arith.constant 11 : i32
        %parallel_loop3A_258 = arith.shli %parallel_loop3A_249, %parallel_loop3A_257 : i32
        %parallel_loop3A_259 = arith.subi %parallel_loop3A_256, %parallel_loop3A_258 : i32
        %parallel_loop3A_260 = arith.index_cast %parallel_loop3A_249 : i32 to index
        %parallel_loop3A_261 = arith.index_cast %parallel_loop3A_259 : i32 to index
        %parallel_loop3A_262 = tpu.vector_load %arg11[%parallel_loop3A_260, %parallel_loop3A_261] {strides = array<i32>} : memref<8x2048xf32, #tpu.memory_space<vmem>>, vector<16xf32>,
        %parallel_loop3A_263 = arith.constant 1.000000e+02 : f32
        %parallel_loop3A_264 = vector.broadcast %parallel_loop3A_263 : f32 to vector<16xf32>
        %parallel_loop3A_265 = arith.mulf %parallel_loop3A_262, %parallel_loop3A_264 : vector<16xf32>
        %parallel_loop3A_266 = arith.constant 5.000000e+01 : f32
        %parallel_loop3A_267 = vector.broadcast %parallel_loop3A_266 : f32 to vector<16xf32>
        %parallel_loop3A_268 = arith.subf %parallel_loop3A_265, %parallel_loop3A_267 : vector<16xf32>
        %parallel_loop3A_269 = math.absf %parallel_loop3A_268 : vector<16xf32>
        %parallel_loop3A_270 = arith.constant 1.000000e+00 : f32
        %parallel_loop3A_271 = vector.broadcast %parallel_loop3A_270 : f32 to vector<16xf32>
        %parallel_loop3A_272 = arith.addf %parallel_loop3A_269, %parallel_loop3A_271 : vector<16xf32>
        %parallel_loop3A_273 = tpu.bitcast %parallel_loop3A_272 : vector<16xf32> -> vector<16xi32>
        %parallel_loop3A_274 = arith.constant 23 : i32
        %parallel_loop3A_275 = vector.broadcast %parallel_loop3A_274 : i32 to vector<16xi32>
        %parallel_loop3A_276 = arith.shrsi %parallel_loop3A_273, %parallel_loop3A_275 : vector<16xi32>
        %parallel_loop3A_277 = arith.sitofp %parallel_loop3A_276 : vector<16xi32> to vector<16xf32>
        %parallel_loop3A_278 = arith.constant 8388607 : i32
        %parallel_loop3A_279 = vector.broadcast %parallel_loop3A_278 : i32 to vector<16xi32>
        %parallel_loop3A_280 = arith.andi %parallel_loop3A_273, %parallel_loop3A_279 : vector<16xi32>
        %parallel_loop3A_281 = arith.constant 1065353216 : i32
        %parallel_loop3A_282 = vector.broadcast %parallel_loop3A_281 : i32 to vector<16xi32>
        %parallel_loop3A_283 = arith.ori %parallel_loop3A_280, %parallel_loop3A_282 : vector<16xi32>
        %parallel_loop3A_284 = tpu.bitcast %parallel_loop3A_283 : vector<16xi32> -> vector<16xf32>
        %parallel_loop3A_285 = arith.constant -3.7415216 : f32
        %parallel_loop3A_286 = vector.broadcast %parallel_loop3A_285 : f32 to vector<16xf32>
        %parallel_loop3A_287 = arith.mulf %parallel_loop3A_284, %parallel_loop3A_286 : vector<16xf32>
        %parallel_loop3A_288 = arith.constant 22.1560726 : f32
        %parallel_loop3A_289 = vector.broadcast %parallel_loop3A_288 : f32 to vector<16xf32>
        %parallel_loop3A_290 = arith.addf %parallel_loop3A_287, %parallel_loop3A_289 : vector<16xf32>
        %parallel_loop3A_291 = arith.mulf %parallel_loop3A_290, %parallel_loop3A_284 : vector<16xf32>
        %parallel_loop3A_292 = arith.constant -1428.82202 : f32
        %parallel_loop3A_293 = vector.broadcast %parallel_loop3A_292 : f32 to vector<16xf32>
        %parallel_loop3A_294 = arith.addf %parallel_loop3A_291, %parallel_loop3A_293 : vector<16xf32>
        %parallel_loop3A_295 = arith.constant 11.1063604 : f32
        %parallel_loop3A_296 = vector.broadcast %parallel_loop3A_295 : f32 to vector<16xf32>
        %parallel_loop3A_297 = arith.mulf %parallel_loop3A_277, %parallel_loop3A_296 : vector<16xf32>
        %parallel_loop3A_298 = arith.addf %parallel_loop3A_297, %parallel_loop3A_294 : vector<16xf32>
        %parallel_loop3A_299 = arith.constant 0x4B000000 : f32
        %parallel_loop3A_300 = vector.broadcast %parallel_loop3A_299 : f32 to vector<16xf32>
        %parallel_loop3A_301 = arith.addf %parallel_loop3A_298, %parallel_loop3A_300 : vector<16xf32>
        %parallel_loop3A_302 = tpu.bitcast %parallel_loop3A_301 : vector<16xf32> -> vector<16xi32>
        %parallel_loop3A_303 = arith.constant 63 : i32
        %parallel_loop3A_304 = vector.broadcast %parallel_loop3A_303 : i32 to vector<16xi32>
        %parallel_loop3A_305 = arith.andi %parallel_loop3A_302, %parallel_loop3A_304 : vector<16xi32>
        %parallel_loop3A_306 = tpu.vector_load_idx %arg8[%parallel_loop3A_305] : memref<64xf32, #tpu.memory_space<vmem>>[vector<16xi32>], vector<16xf32>,
        %parallel_loop3A_307 = tpu.bitcast %parallel_loop3A_268 : vector<16xf32> -> vector<16xi32>
        %parallel_loop3A_308 = arith.constant -2147483648 : i32
        %parallel_loop3A_309 = vector.broadcast %parallel_loop3A_308 : i32 to vector<16xi32>
        %parallel_loop3A_310 = arith.andi %parallel_loop3A_307, %parallel_loop3A_309 : vector<16xi32>
        %parallel_loop3A_311 = tpu.bitcast %parallel_loop3A_306 : vector<16xf32> -> vector<16xi32>
        %parallel_loop3A_312 = arith.ori %parallel_loop3A_310, %parallel_loop3A_311 : vector<16xi32>
        %parallel_loop3A_313 = tpu.bitcast %parallel_loop3A_312 : vector<16xi32> -> vector<16xf32>
        %parallel_loop3A_314 = arith.constant 5.000000e-01 : f32
        %parallel_loop3A_315 = vector.broadcast %parallel_loop3A_314 : f32 to vector<16xf32>
        %parallel_loop3A_316 = arith.addf %parallel_loop3A_313, %parallel_loop3A_315 : vector<16xf32>
        %parallel_loop3A_317 = arith.index_cast %parallel_loop3A_249 : i32 to index
        %parallel_loop3A_318 = arith.index_cast %parallel_loop3A_259 : i32 to index
        %parallel_loop3A_319 = tpu.vector_load %arg11[%parallel_loop3A_317, %parallel_loop3A_318] {strides = array<i32>} : memref<8x2048xf32, #tpu.memory_space<vmem>>, vector<16xf32>,
        tpu.vector_store %arg11[%parallel_loop3A_317, %parallel_loop3A_318], %parallel_loop3A_316 {strides = array<i32>} : memref<8x2048xf32, #tpu.memory_space<vmem>>, vector<16xf32>,
        %parallel_loop3A_320 = arith.subf %parallel_loop3A_262, %parallel_loop3A_316 : vector<16xf32>
        %parallel_loop3A_321 = arith.mulf %parallel_loop3A_262, %parallel_loop3A_262 : vector<16xf32>
        %parallel_loop3A_322 = arith.index_cast %parallel_loop3A_252 : i32 to index
        %parallel_loop3A_323 = tpu.vector_load %arg13[%parallel_loop3A_322] {strides = array<i32>} : memref<4096xf32, #tpu.memory_space<vmem>>, vector<16xf32>,
        tpu.vector_store %arg13[%parallel_loop3A_322], %parallel_loop3A_321 {add = true, strides = array<i32>} : memref<4096xf32, #tpu.memory_space<vmem>>, vector<16xf32>,
        %parallel_loop3A_324 = arith.mulf %parallel_loop3A_320, %parallel_loop3A_320 : vector<16xf32>
        %parallel_loop3A_325 = arith.index_cast %parallel_loop3A_252 : i32 to index
        %parallel_loop3A_326 = tpu.vector_load %arg14[%parallel_loop3A_325] {strides = array<i32>} : memref<4096xf32, #tpu.memory_space<vmem>>, vector<16xf32>,
        tpu.vector_store %arg14[%parallel_loop3A_325], %parallel_loop3A_324 {add = true, strides = array<i32>} : memref<4096xf32, #tpu.memory_space<vmem>>, vector<16xf32>,
        %parallel_loop3A_327 = arith.constant 1 : i32
        %parallel_loop3A_328 = arith.addi %parallel_loop3A_246, %parallel_loop3A_327 : i32
        %parallel_loop3A_329 = arith.constant 16 : i32
        %parallel_loop3A_330 = arith.muli %parallel_loop3A_328, %parallel_loop3A_329 : i32
        %parallel_loop3A_331 = arith.constant 11 : i32
        %parallel_loop3A_332 = arith.shli %parallel_loop3A_249, %parallel_loop3A_331 : i32
        %parallel_loop3A_333 = arith.subi %parallel_loop3A_330, %parallel_loop3A_332 : i32
        %parallel_loop3A_334 = arith.index_cast %parallel_loop3A_249 : i32 to index
        %parallel_loop3A_335 = arith.index_cast %parallel_loop3A_333 : i32 to index
        %parallel_loop3A_336 = tpu.vector_load %arg11[%parallel_loop3A_334, %parallel_loop3A_335] {strides = array<i32>} : memref<8x2048xf32, #tpu.memory_space<vmem>>, vector<16xf32>,
        %parallel_loop3A_337 = arith.constant 1.000000e+02 : f32
        %parallel_loop3A_338 = vector.broadcast %parallel_loop3A_337 : f32 to vector<16xf32>
        %parallel_loop3A_339 = arith.mulf %parallel_loop3A_336, %parallel_loop3A_338 : vector<16xf32>
        %parallel_loop3A_340 = arith.constant 5.000000e+01 : f32
        %parallel_loop3A_341 = vector.broadcast %parallel_loop3A_340 : f32 to vector<16xf32>
        %parallel_loop3A_342 = arith.subf %parallel_loop3A_339, %parallel_loop3A_341 : vector<16xf32>
        %parallel_loop3A_343 = math.absf %parallel_loop3A_342 : vector<16xf32>
        %parallel_loop3A_344 = arith.constant 1.000000e+00 : f32
        %parallel_loop3A_345 = vector.broadcast %parallel_loop3A_344 : f32 to vector<16xf32>
        %parallel_loop3A_346 = arith.addf %parallel_loop3A_343, %parallel_loop3A_345 : vector<16xf32>
        %parallel_loop3A_347 = tpu.bitcast %parallel_loop3A_346 : vector<16xf32> -> vector<16xi32>
        %parallel_loop3A_348 = arith.constant 23 : i32
        %parallel_loop3A_349 = vector.broadcast %parallel_loop3A_348 : i32 to vector<16xi32>
        %parallel_loop3A_350 = arith.shrsi %parallel_loop3A_347, %parallel_loop3A_349 : vector<16xi32>
        %parallel_loop3A_351 = arith.sitofp %parallel_loop3A_350 : vector<16xi32> to vector<16xf32>
        %parallel_loop3A_352 = arith.constant 8388607 : i32
        %parallel_loop3A_353 = vector.broadcast %parallel_loop3A_352 : i32 to vector<16xi32>
        %parallel_loop3A_354 = arith.andi %parallel_loop3A_347, %parallel_loop3A_353 : vector<16xi32>
        %parallel_loop3A_355 = arith.constant 1065353216 : i32
        %parallel_loop3A_356 = vector.broadcast %parallel_loop3A_355 : i32 to vector<16xi32>
        %parallel_loop3A_357 = arith.ori %parallel_loop3A_354, %parallel_loop3A_356 : vector<16xi32>
        %parallel_loop3A_358 = tpu.bitcast %parallel_loop3A_357 : vector<16xi32> -> vector<16xf32>
        %parallel_loop3A_359 = arith.constant -3.7415216 : f32
        %parallel_loop3A_360 = vector.broadcast %parallel_loop3A_359 : f32 to vector<16xf32>
        %parallel_loop3A_361 = arith.mulf %parallel_loop3A_358, %parallel_loop3A_360 : vector<16xf32>
        %parallel_loop3A_362 = arith.constant 22.1560726 : f32
        %parallel_loop3A_363 = vector.broadcast %parallel_loop3A_362 : f32 to vector<16xf32>
        %parallel_loop3A_364 = arith.addf %parallel_loop3A_361, %parallel_loop3A_363 : vector<16xf32>
        %parallel_loop3A_365 = arith.mulf %parallel_loop3A_364, %parallel_loop3A_358 : vector<16xf32>
        %parallel_loop3A_366 = arith.constant -1428.82202 : f32
        %parallel_loop3A_367 = vector.broadcast %parallel_loop3A_366 : f32 to vector<16xf32>
        %parallel_loop3A_368 = arith.addf %parallel_loop3A_365, %parallel_loop3A_367 : vector<16xf32>
        %parallel_loop3A_369 = arith.constant 11.1063604 : f32
        %parallel_loop3A_370 = vector.broadcast %parallel_loop3A_369 : f32 to vector<16xf32>
        %parallel_loop3A_371 = arith.mulf %parallel_loop3A_351, %parallel_loop3A_370 : vector<16xf32>
        %parallel_loop3A_372 = arith.addf %parallel_loop3A_371, %parallel_loop3A_368 : vector<16xf32>
        %parallel_loop3A_373 = arith.constant 0x4B000000 : f32
        %parallel_loop3A_374 = vector.broadcast %parallel_loop3A_373 : f32 to vector<16xf32>
        %parallel_loop3A_375 = arith.addf %parallel_loop3A_372, %parallel_loop3A_374 : vector<16xf32>
        %parallel_loop3A_376 = tpu.bitcast %parallel_loop3A_375 : vector<16xf32> -> vector<16xi32>
        %parallel_loop3A_377 = arith.constant 63 : i32
        %parallel_loop3A_378 = vector.broadcast %parallel_loop3A_377 : i32 to vector<16xi32>
        %parallel_loop3A_379 = arith.andi %parallel_loop3A_376, %parallel_loop3A_378 : vector<16xi32>
        %parallel_loop3A_380 = tpu.vector_load_idx %arg8[%parallel_loop3A_379] : memref<64xf32, #tpu.memory_space<vmem>>[vector<16xi32>], vector<16xf32>,
        %parallel_loop3A_381 = tpu.bitcast %parallel_loop3A_342 : vector<16xf32> -> vector<16xi32>
        %parallel_loop3A_382 = arith.constant -2147483648 : i32
        %parallel_loop3A_383 = vector.broadcast %parallel_loop3A_382 : i32 to vector<16xi32>
        %parallel_loop3A_384 = arith.andi %parallel_loop3A_381, %parallel_loop3A_383 : vector<16xi32>
        %parallel_loop3A_385 = tpu.bitcast %parallel_loop3A_380 : vector<16xf32> -> vector<16xi32>
        %parallel_loop3A_386 = arith.ori %parallel_loop3A_384, %parallel_loop3A_385 : vector<16xi32>
        %parallel_loop3A_387 = tpu.bitcast %parallel_loop3A_386 : vector<16xi32> -> vector<16xf32>
        %parallel_loop3A_388 = arith.constant 5.000000e-01 : f32
        %parallel_loop3A_389 = vector.broadcast %parallel_loop3A_388 : f32 to vector<16xf32>
        %parallel_loop3A_390 = arith.addf %parallel_loop3A_387, %parallel_loop3A_389 : vector<16xf32>
        %parallel_loop3A_391 = arith.index_cast %parallel_loop3A_249 : i32 to index
        %parallel_loop3A_392 = arith.index_cast %parallel_loop3A_333 : i32 to index
        %parallel_loop3A_393 = tpu.vector_load %arg11[%parallel_loop3A_391, %parallel_loop3A_392] {strides = array<i32>} : memref<8x2048xf32, #tpu.memory_space<vmem>>, vector<16xf32>,
        tpu.vector_store %arg11[%parallel_loop3A_391, %parallel_loop3A_392], %parallel_loop3A_390 {strides = array<i32>} : memref<8x2048xf32, #tpu.memory_space<vmem>>, vector<16xf32>,
        %parallel_loop3A_394 = arith.subf %parallel_loop3A_336, %parallel_loop3A_390 : vector<16xf32>
        %parallel_loop3A_395 = arith.mulf %parallel_loop3A_336, %parallel_loop3A_336 : vector<16xf32>
        %parallel_loop3A_396 = arith.index_cast %parallel_loop3A_252 : i32 to index
        %parallel_loop3A_397 = tpu.vector_load %arg13[%parallel_loop3A_396] {strides = array<i32>} : memref<4096xf32, #tpu.memory_space<vmem>>, vector<16xf32>,
        tpu.vector_store %arg13[%parallel_loop3A_396], %parallel_loop3A_395 {add = true, strides = array<i32>} : memref<4096xf32, #tpu.memory_space<vmem>>, vector<16xf32>,
        %parallel_loop3A_398 = arith.mulf %parallel_loop3A_394, %parallel_loop3A_394 : vector<16xf32>
        %parallel_loop3A_399 = arith.index_cast %parallel_loop3A_252 : i32 to index
        %parallel_loop3A_400 = tpu.vector_load %arg14[%parallel_loop3A_399] {strides = array<i32>} : memref<4096xf32, #tpu.memory_space<vmem>>, vector<16xf32>,
        tpu.vector_store %arg14[%parallel_loop3A_399], %parallel_loop3A_398 {add = true, strides = array<i32>} : memref<4096xf32, #tpu.memory_space<vmem>>, vector<16xf32>,
        %parallel_loop3A_401 = arith.constant 2 : i32
        %parallel_loop3A_402 = arith.addi %parallel_loop3A_246, %parallel_loop3A_401 : i32
        %parallel_loop3A_403 = arith.constant 16 : i32
        %parallel_loop3A_404 = arith.muli %parallel_loop3A_402, %parallel_loop3A_403 : i32
        %parallel_loop3A_405 = arith.constant 11 : i32
        %parallel_loop3A_406 = arith.shli %parallel_loop3A_249, %parallel_loop3A_405 : i32
        %parallel_loop3A_407 = arith.subi %parallel_loop3A_404, %parallel_loop3A_406 : i32
        %parallel_loop3A_408 = arith.index_cast %parallel_loop3A_249 : i32 to index
        %parallel_loop3A_409 = arith.index_cast %parallel_loop3A_407 : i32 to index
        %parallel_loop3A_410 = tpu.vector_load %arg11[%parallel_loop3A_408, %parallel_loop3A_409] {strides = array<i32>} : memref<8x2048xf32, #tpu.memory_space<vmem>>, vector<16xf32>,
        %parallel_loop3A_411 = arith.constant 1.000000e+02 : f32
        %parallel_loop3A_412 = vector.broadcast %parallel_loop3A_411 : f32 to vector<16xf32>
        %parallel_loop3A_413 = arith.mulf %parallel_loop3A_410, %parallel_loop3A_412 : vector<16xf32>
        %parallel_loop3A_414 = arith.constant 5.000000e+01 : f32
        %parallel_loop3A_415 = vector.broadcast %parallel_loop3A_414 : f32 to vector<16xf32>
        %parallel_loop3A_416 = arith.subf %parallel_loop3A_413, %parallel_loop3A_415 : vector<16xf32>
        %parallel_loop3A_417 = math.absf %parallel_loop3A_416 : vector<16xf32>
        %parallel_loop3A_418 = arith.constant 1.000000e+00 : f32
        %parallel_loop3A_419 = vector.broadcast %parallel_loop3A_418 : f32 to vector<16xf32>
        %parallel_loop3A_420 = arith.addf %parallel_loop3A_417, %parallel_loop3A_419 : vector<16xf32>
        %parallel_loop3A_421 = tpu.bitcast %parallel_loop3A_420 : vector<16xf32> -> vector<16xi32>
        %parallel_loop3A_422 = arith.constant 23 : i32
        %parallel_loop3A_423 = vector.broadcast %parallel_loop3A_422 : i32 to vector<16xi32>
        %parallel_loop3A_424 = arith.shrsi %parallel_loop3A_421, %parallel_loop3A_423 : vector<16xi32>
        %parallel_loop3A_425 = arith.sitofp %parallel_loop3A_424 : vector<16xi32> to vector<16xf32>
        %parallel_loop3A_426 = arith.constant 8388607 : i32
        %parallel_loop3A_427 = vector.broadcast %parallel_loop3A_426 : i32 to vector<16xi32>
        %parallel_loop3A_428 = arith.andi %parallel_loop3A_421, %parallel_loop3A_427 : vector<16xi32>
        %parallel_loop3A_429 = arith.constant 1065353216 : i32
        %parallel_loop3A_430 = vector.broadcast %parallel_loop3A_429 : i32 to vector<16xi32>
        %parallel_loop3A_431 = arith.ori %parallel_loop3A_428, %parallel_loop3A_430 : vector<16xi32>
        %parallel_loop3A_432 = tpu.bitcast %parallel_loop3A_431 : vector<16xi32> -> vector<16xf32>
        %parallel_loop3A_433 = arith.constant -3.7415216 : f32
        %parallel_loop3A_434 = vector.broadcast %parallel_loop3A_433 : f32 to vector<16xf32>
        %parallel_loop3A_435 = arith.mulf %parallel_loop3A_432, %parallel_loop3A_434 : vector<16xf32>
        %parallel_loop3A_436 = arith.constant 22.1560726 : f32
        %parallel_loop3A_437 = vector.broadcast %parallel_loop3A_436 : f32 to vector<16xf32>
        %parallel_loop3A_438 = arith.addf %parallel_loop3A_435, %parallel_loop3A_437 : vector<16xf32>
        %parallel_loop3A_439 = arith.mulf %parallel_loop3A_438, %parallel_loop3A_432 : vector<16xf32>
        %parallel_loop3A_440 = arith.constant -1428.82202 : f32
        %parallel_loop3A_441 = vector.broadcast %parallel_loop3A_440 : f32 to vector<16xf32>
        %parallel_loop3A_442 = arith.addf %parallel_loop3A_439, %parallel_loop3A_441 : vector<16xf32>
        %parallel_loop3A_443 = arith.constant 11.1063604 : f32
        %parallel_loop3A_444 = vector.broadcast %parallel_loop3A_443 : f32 to vector<16xf32>
        %parallel_loop3A_445 = arith.mulf %parallel_loop3A_425, %parallel_loop3A_444 : vector<16xf32>
        %parallel_loop3A_446 = arith.addf %parallel_loop3A_445, %parallel_loop3A_442 : vector<16xf32>
        %parallel_loop3A_447 = arith.constant 0x4B000000 : f32
        %parallel_loop3A_448 = vector.broadcast %parallel_loop3A_447 : f32 to vector<16xf32>
        %parallel_loop3A_449 = arith.addf %parallel_loop3A_446, %parallel_loop3A_448 : vector<16xf32>
        %parallel_loop3A_450 = tpu.bitcast %parallel_loop3A_449 : vector<16xf32> -> vector<16xi32>
        %parallel_loop3A_451 = arith.constant 63 : i32
        %parallel_loop3A_452 = vector.broadcast %parallel_loop3A_451 : i32 to vector<16xi32>
        %parallel_loop3A_453 = arith.andi %parallel_loop3A_450, %parallel_loop3A_452 : vector<16xi32>
        %parallel_loop3A_454 = tpu.vector_load_idx %arg8[%parallel_loop3A_453] : memref<64xf32, #tpu.memory_space<vmem>>[vector<16xi32>], vector<16xf32>,
        %parallel_loop3A_455 = tpu.bitcast %parallel_loop3A_416 : vector<16xf32> -> vector<16xi32>
        %parallel_loop3A_456 = arith.constant -2147483648 : i32
        %parallel_loop3A_457 = vector.broadcast %parallel_loop3A_456 : i32 to vector<16xi32>
        %parallel_loop3A_458 = arith.andi %parallel_loop3A_455, %parallel_loop3A_457 : vector<16xi32>
        %parallel_loop3A_459 = tpu.bitcast %parallel_loop3A_454 : vector<16xf32> -> vector<16xi32>
        %parallel_loop3A_460 = arith.ori %parallel_loop3A_458, %parallel_loop3A_459 : vector<16xi32>
        %parallel_loop3A_461 = tpu.bitcast %parallel_loop3A_460 : vector<16xi32> -> vector<16xf32>
        %parallel_loop3A_462 = arith.constant 5.000000e-01 : f32
        %parallel_loop3A_463 = vector.broadcast %parallel_loop3A_462 : f32 to vector<16xf32>
        %parallel_loop3A_464 = arith.addf %parallel_loop3A_461, %parallel_loop3A_463 : vector<16xf32>
        %parallel_loop3A_465 = arith.index_cast %parallel_loop3A_249 : i32 to index
        %parallel_loop3A_466 = arith.index_cast %parallel_loop3A_407 : i32 to index
        %parallel_loop3A_467 = tpu.vector_load %arg11[%parallel_loop3A_465, %parallel_loop3A_466] {strides = array<i32>} : memref<8x2048xf32, #tpu.memory_space<vmem>>, vector<16xf32>,
        tpu.vector_store %arg11[%parallel_loop3A_465, %parallel_loop3A_466], %parallel_loop3A_464 {strides = array<i32>} : memref<8x2048xf32, #tpu.memory_space<vmem>>, vector<16xf32>,
        %parallel_loop3A_468 = arith.subf %parallel_loop3A_410, %parallel_loop3A_464 : vector<16xf32>
        %parallel_loop3A_469 = arith.mulf %parallel_loop3A_410, %parallel_loop3A_410 : vector<16xf32>
        %parallel_loop3A_470 = arith.index_cast %parallel_loop3A_252 : i32 to index
        %parallel_loop3A_471 = tpu.vector_load %arg13[%parallel_loop3A_470] {strides = array<i32>} : memref<4096xf32, #tpu.memory_space<vmem>>, vector<16xf32>,
        tpu.vector_store %arg13[%parallel_loop3A_470], %parallel_loop3A_469 {add = true, strides = array<i32>} : memref<4096xf32, #tpu.memory_space<vmem>>, vector<16xf32>,
        %parallel_loop3A_472 = arith.mulf %parallel_loop3A_468, %parallel_loop3A_468 : vector<16xf32>
        %parallel_loop3A_473 = arith.index_cast %parallel_loop3A_252 : i32 to index
        %parallel_loop3A_474 = tpu.vector_load %arg14[%parallel_loop3A_473] {strides = array<i32>} : memref<4096xf32, #tpu.memory_space<vmem>>, vector<16xf32>,
        tpu.vector_store %arg14[%parallel_loop3A_473], %parallel_loop3A_472 {add = true, strides = array<i32>} : memref<4096xf32, #tpu.memory_space<vmem>>, vector<16xf32>,
        %parallel_loop3A_475 = arith.constant 3 : i32
        %parallel_loop3A_476 = arith.addi %parallel_loop3A_246, %parallel_loop3A_475 : i32
        %parallel_loop3A_477 = arith.constant 16 : i32
        %parallel_loop3A_478 = arith.muli %parallel_loop3A_476, %parallel_loop3A_477 : i32
        %parallel_loop3A_479 = arith.constant 11 : i32
        %parallel_loop3A_480 = arith.shli %parallel_loop3A_249, %parallel_loop3A_479 : i32
        %parallel_loop3A_481 = arith.subi %parallel_loop3A_478, %parallel_loop3A_480 : i32
        %parallel_loop3A_482 = arith.index_cast %parallel_loop3A_249 : i32 to index
        %parallel_loop3A_483 = arith.index_cast %parallel_loop3A_481 : i32 to index
        %parallel_loop3A_484 = tpu.vector_load %arg11[%parallel_loop3A_482, %parallel_loop3A_483] {strides = array<i32>} : memref<8x2048xf32, #tpu.memory_space<vmem>>, vector<16xf32>,
        %parallel_loop3A_485 = arith.constant 1.000000e+02 : f32
        %parallel_loop3A_486 = vector.broadcast %parallel_loop3A_485 : f32 to vector<16xf32>
        %parallel_loop3A_487 = arith.mulf %parallel_loop3A_484, %parallel_loop3A_486 : vector<16xf32>
        %parallel_loop3A_488 = arith.constant 5.000000e+01 : f32
        %parallel_loop3A_489 = vector.broadcast %parallel_loop3A_488 : f32 to vector<16xf32>
        %parallel_loop3A_490 = arith.subf %parallel_loop3A_487, %parallel_loop3A_489 : vector<16xf32>
        %parallel_loop3A_491 = math.absf %parallel_loop3A_490 : vector<16xf32>
        %parallel_loop3A_492 = arith.constant 1.000000e+00 : f32
        %parallel_loop3A_493 = vector.broadcast %parallel_loop3A_492 : f32 to vector<16xf32>
        %parallel_loop3A_494 = arith.addf %parallel_loop3A_491, %parallel_loop3A_493 : vector<16xf32>
        %parallel_loop3A_495 = tpu.bitcast %parallel_loop3A_494 : vector<16xf32> -> vector<16xi32>
        %parallel_loop3A_496 = arith.constant 23 : i32
        %parallel_loop3A_497 = vector.broadcast %parallel_loop3A_496 : i32 to vector<16xi32>
        %parallel_loop3A_498 = arith.shrsi %parallel_loop3A_495, %parallel_loop3A_497 : vector<16xi32>
        %parallel_loop3A_499 = arith.sitofp %parallel_loop3A_498 : vector<16xi32> to vector<16xf32>
        %parallel_loop3A_500 = arith.constant 8388607 : i32
        %parallel_loop3A_501 = vector.broadcast %parallel_loop3A_500 : i32 to vector<16xi32>
        %parallel_loop3A_502 = arith.andi %parallel_loop3A_495, %parallel_loop3A_501 : vector<16xi32>
        %parallel_loop3A_503 = arith.constant 1065353216 : i32
        %parallel_loop3A_504 = vector.broadcast %parallel_loop3A_503 : i32 to vector<16xi32>
        %parallel_loop3A_505 = arith.ori %parallel_loop3A_502, %parallel_loop3A_504 : vector<16xi32>
        %parallel_loop3A_506 = tpu.bitcast %parallel_loop3A_505 : vector<16xi32> -> vector<16xf32>
        %parallel_loop3A_507 = arith.constant -3.7415216 : f32
        %parallel_loop3A_508 = vector.broadcast %parallel_loop3A_507 : f32 to vector<16xf32>
        %parallel_loop3A_509 = arith.mulf %parallel_loop3A_506, %parallel_loop3A_508 : vector<16xf32>
        %parallel_loop3A_510 = arith.constant 22.1560726 : f32
        %parallel_loop3A_511 = vector.broadcast %parallel_loop3A_510 : f32 to vector<16xf32>
        %parallel_loop3A_512 = arith.addf %parallel_loop3A_509, %parallel_loop3A_511 : vector<16xf32>
        %parallel_loop3A_513 = arith.mulf %parallel_loop3A_512, %parallel_loop3A_506 : vector<16xf32>
        %parallel_loop3A_514 = arith.constant -1428.82202 : f32
        %parallel_loop3A_515 = vector.broadcast %parallel_loop3A_514 : f32 to vector<16xf32>
        %parallel_loop3A_516 = arith.addf %parallel_loop3A_513, %parallel_loop3A_515 : vector<16xf32>
        %parallel_loop3A_517 = arith.constant 11.1063604 : f32
        %parallel_loop3A_518 = vector.broadcast %parallel_loop3A_517 : f32 to vector<16xf32>
        %parallel_loop3A_519 = arith.mulf %parallel_loop3A_499, %parallel_loop3A_518 : vector<16xf32>
        %parallel_loop3A_520 = arith.addf %parallel_loop3A_519, %parallel_loop3A_516 : vector<16xf32>
        %parallel_loop3A_521 = arith.constant 0x4B000000 : f32
        %parallel_loop3A_522 = vector.broadcast %parallel_loop3A_521 : f32 to vector<16xf32>
        %parallel_loop3A_523 = arith.addf %parallel_loop3A_520, %parallel_loop3A_522 : vector<16xf32>
        %parallel_loop3A_524 = tpu.bitcast %parallel_loop3A_523 : vector<16xf32> -> vector<16xi32>
        %parallel_loop3A_525 = arith.constant 63 : i32
        %parallel_loop3A_526 = vector.broadcast %parallel_loop3A_525 : i32 to vector<16xi32>
        %parallel_loop3A_527 = arith.andi %parallel_loop3A_524, %parallel_loop3A_526 : vector<16xi32>
        %parallel_loop3A_528 = tpu.vector_load_idx %arg8[%parallel_loop3A_527] : memref<64xf32, #tpu.memory_space<vmem>>[vector<16xi32>], vector<16xf32>,
        %parallel_loop3A_529 = tpu.bitcast %parallel_loop3A_490 : vector<16xf32> -> vector<16xi32>
        %parallel_loop3A_530 = arith.constant -2147483648 : i32
        %parallel_loop3A_531 = vector.broadcast %parallel_loop3A_530 : i32 to vector<16xi32>
        %parallel_loop3A_532 = arith.andi %parallel_loop3A_529, %parallel_loop3A_531 : vector<16xi32>
        %parallel_loop3A_533 = tpu.bitcast %parallel_loop3A_528 : vector<16xf32> -> vector<16xi32>
        %parallel_loop3A_534 = arith.ori %parallel_loop3A_532, %parallel_loop3A_533 : vector<16xi32>
        %parallel_loop3A_535 = tpu.bitcast %parallel_loop3A_534 : vector<16xi32> -> vector<16xf32>
        %parallel_loop3A_536 = arith.constant 5.000000e-01 : f32
        %parallel_loop3A_537 = vector.broadcast %parallel_loop3A_536 : f32 to vector<16xf32>
        %parallel_loop3A_538 = arith.addf %parallel_loop3A_535, %parallel_loop3A_537 : vector<16xf32>
        %parallel_loop3A_539 = arith.index_cast %parallel_loop3A_249 : i32 to index
        %parallel_loop3A_540 = arith.index_cast %parallel_loop3A_481 : i32 to index
        %parallel_loop3A_541 = tpu.vector_load %arg11[%parallel_loop3A_539, %parallel_loop3A_540] {strides = array<i32>} : memref<8x2048xf32, #tpu.memory_space<vmem>>, vector<16xf32>,
        tpu.vector_store %arg11[%parallel_loop3A_539, %parallel_loop3A_540], %parallel_loop3A_538 {strides = array<i32>} : memref<8x2048xf32, #tpu.memory_space<vmem>>, vector<16xf32>,
        %parallel_loop3A_542 = arith.subf %parallel_loop3A_484, %parallel_loop3A_538 : vector<16xf32>
        %parallel_loop3A_543 = arith.mulf %parallel_loop3A_484, %parallel_loop3A_484 : vector<16xf32>
        %parallel_loop3A_544 = arith.index_cast %parallel_loop3A_252 : i32 to index
        %parallel_loop3A_545 = tpu.vector_load %arg13[%parallel_loop3A_544] {strides = array<i32>} : memref<4096xf32, #tpu.memory_space<vmem>>, vector<16xf32>,
        tpu.vector_store %arg13[%parallel_loop3A_544], %parallel_loop3A_543 {add = true, strides = array<i32>} : memref<4096xf32, #tpu.memory_space<vmem>>, vector<16xf32>,
        %parallel_loop3A_546 = arith.mulf %parallel_loop3A_542, %parallel_loop3A_542 : vector<16xf32>
        %parallel_loop3A_547 = arith.index_cast %parallel_loop3A_252 : i32 to index
        %parallel_loop3A_548 = tpu.vector_load %arg14[%parallel_loop3A_547] {strides = array<i32>} : memref<4096xf32, #tpu.memory_space<vmem>>, vector<16xf32>,
        tpu.vector_store %arg14[%parallel_loop3A_547], %parallel_loop3A_546 {add = true, strides = array<i32>} : memref<4096xf32, #tpu.memory_space<vmem>>, vector<16xf32>,
        scf.yield %parallel_loop3A_247 : i32
      } {sc.loop_unroll_factor = 2 : i64, sc.parallel_access}
      %mul3A_199 = arith.constant 8 : i32
      %mul3A_200 = arith.muli %add3A_170, %mul3A_199 : i32
      %add3A_201 = arith.addi %mul3A_59, %mul3A_200 : i32
      %dma_start3A_202 = arith.constant 0 : i32
      %dma_start3A_203 = tpu.memref_slice %arg4[%add3A_201, %dma_start3A_202] : memref<8192x2048xf32, #tpu.memory_space<hbm>> -> memref<8x2048xf32, #tpu.memory_space<hbm>>
      %dma_start3A_204 = arith.constant 0 : i32
      %dma_start3A_205 = tpu.memref_slice %arg4[%add3A_201, %dma_start3A_204] : memref<8192x2048xf32, #tpu.memory_space<hbm>> -> memref<8x2048xf32, #tpu.memory_space<hbm>>
      tpu.enqueue_dma source(%arg11 : memref<8x2048xf32, #tpu.memory_space<vmem>>) target(%dma_start3A_205 : memref<8x2048xf32, #tpu.memory_space<hbm>>) target_semaphore(%arg21 : memref<!tpu.dma_semaphore, #tpu.memory_space<semaphore_mem>>)
      %mul3A_206 = arith.constant 4 : i32
      %mul3A_207 = arith.muli %scan3A_91, %mul3A_206 : i32
      %add3A_208 = arith.constant 3 : i32
      %add3A_209 = arith.addi %mul3A_207, %add3A_208 : i32
      %sub3A_210 = arith.constant 3 : i32
      %sub3A_211 = arith.subi %add3A_209, %sub3A_210 : i32
      %mul3A_212 = arith.constant 8 : i32
      %mul3A_213 = arith.muli %sub3A_211, %mul3A_212 : i32
      %add3A_214 = arith.addi %mul3A_59, %mul3A_213 : i32
      %dma_wait3A_215 = arith.constant 0 : i32
      %dma_wait3A_216 = tpu.memref_slice %arg4[%add3A_214, %dma_wait3A_215] : memref<8192x2048xf32, #tpu.memory_space<hbm>> -> memref<8x2048xf32, #tpu.memory_space<hbm>>
      %dma_wait3A_217 = arith.constant 0 : i32
      %dma_wait3A_218 = tpu.memref_slice %arg4[%add3A_214, %dma_wait3A_217] : memref<8192x2048xf32, #tpu.memory_space<hbm>> -> memref<8x2048xf32, #tpu.memory_space<hbm>>
      tpu.wait_dma2 semaphore(%arg19 : memref<!tpu.dma_semaphore, #tpu.memory_space<semaphore_mem>>) src(%arg9 : memref<8x2048xf32, #tpu.memory_space<vmem>>) dst(%dma_wait3A_218 : memref<8x2048xf32, #tpu.memory_space<hbm>>)
      %add3A_219 = arith.constant 1 : i32
      %add3A_220 = arith.addi %scan3A_91, %add3A_219 : i32
      %lt3A = arith.constant 8 : i32
      %lt3A_221 = arith.cmpi slt, %add3A_220, %lt3A : i32
      %convert_element_type3A_222 = arith.extui %lt3A_221 : i1 to i32
      %cond3A_223 = arith.constant 0 : i32
      %cond3A_224 = arith.cmpi ne, %convert_element_type3A_222, %cond3A_223 : i32
      scf.if %cond3A_224 {
        %add3A_246 = arith.constant 1 : i32
        %add3A_247 = arith.addi %add3A_209, %add3A_246 : i32
        %mul3A_248 = arith.constant 8 : i32
        %mul3A_249 = arith.muli %add3A_247, %mul3A_248 : i32
        %add3A_250 = arith.addi %mul3A_59, %mul3A_249 : i32
        %dma_start3A_251 = arith.constant 0 : i32
        %dma_start3A_252 = tpu.memref_slice %arg2[%add3A_250, %dma_start3A_251] : memref<8192x2048xf32, #tpu.memory_space<hbm>> -> memref<8x2048xf32, #tpu.memory_space<hbm>>
        %dma_start3A_253 = arith.constant 0 : i32
        %dma_start3A_254 = tpu.memref_slice %arg2[%add3A_250, %dma_start3A_253] : memref<8192x2048xf32, #tpu.memory_space<hbm>> -> memref<8x2048xf32, #tpu.memory_space<hbm>>
        tpu.enqueue_dma source(%dma_start3A_254 : memref<8x2048xf32, #tpu.memory_space<hbm>>) target(%arg9 : memref<8x2048xf32, #tpu.memory_space<vmem>>) target_semaphore(%arg15 : memref<!tpu.dma_semaphore, #tpu.memory_space<semaphore_mem>>)
      } else {
      }
      %mul3A_225 = arith.constant 8 : i32
      %mul3A_226 = arith.muli %add3A_209, %mul3A_225 : i32
      %add3A_227 = arith.addi %mul3A_59, %mul3A_226 : i32
      %dma_wait3A_228 = arith.constant 0 : i32
      %dma_wait3A_229 = tpu.memref_slice %arg2[%add3A_227, %dma_wait3A_228] : memref<8192x2048xf32, #tpu.memory_space<hbm>> -> memref<8x2048xf32, #tpu.memory_space<hbm>>
      %dma_wait3A_230 = arith.constant 0 : i32
      %dma_wait3A_231 = tpu.memref_slice %arg2[%add3A_227, %dma_wait3A_230] : memref<8192x2048xf32, #tpu.memory_space<hbm>> -> memref<8x2048xf32, #tpu.memory_space<hbm>>
      tpu.wait_dma2 semaphore(%arg18 : memref<!tpu.dma_semaphore, #tpu.memory_space<semaphore_mem>>) src(%dma_wait3A_231 : memref<8x2048xf32, #tpu.memory_space<hbm>>) dst(%arg12 : memref<8x2048xf32, #tpu.memory_space<vmem>>)
      %mul3A_232 = arith.constant 128 : i32
      %mul3A_233 = arith.muli %add3A_209, %mul3A_232 : i32
      %parallel_loop3A_234 = arith.constant 0 : i32
      %parallel_loop3A_235 = arith.constant 1024 : i32
      %parallel_loop3A_236 = arith.constant 4 : i32
      %parallel_loop3A_237 = arith.constant 0 : i32
      %parallel_loop3A_238 = scf.for %parallel_loop3A_246 = %parallel_loop3A_234 to %parallel_loop3A_235 step %parallel_loop3A_236 iter_args(%parallel_loop3A_247 = %parallel_loop3A_237) -> (i32)  : i32 {
        %parallel_loop3A_248 = arith.constant 7 : i32
        %parallel_loop3A_249 = arith.shrsi %parallel_loop3A_246, %parallel_loop3A_248 : i32
        %parallel_loop3A_250 = arith.constant 4 : i32
        %parallel_loop3A_251 = arith.shli %parallel_loop3A_249, %parallel_loop3A_250 : i32
        %parallel_loop3A_252 = arith.addi %mul3A_233, %parallel_loop3A_251 : i32
        %parallel_loop3A_253 = arith.constant 0 : i32
        %parallel_loop3A_254 = arith.addi %parallel_loop3A_246, %parallel_loop3A_253 : i32
        %parallel_loop3A_255 = arith.constant 16 : i32
        %parallel_loop3A_256 = arith.muli %parallel_loop3A_254, %parallel_loop3A_255 : i32
        %parallel_loop3A_257 = arith.constant 11 : i32
        %parallel_loop3A_258 = arith.shli %parallel_loop3A_249, %parallel_loop3A_257 : i32
        %parallel_loop3A_259 = arith.subi %parallel_loop3A_256, %parallel_loop3A_258 : i32
        %parallel_loop3A_260 = arith.index_cast %parallel_loop3A_249 : i32 to index
        %parallel_loop3A_261 = arith.index_cast %parallel_loop3A_259 : i32 to index
        %parallel_loop3A_262 = tpu.vector_load %arg12[%parallel_loop3A_260, %parallel_loop3A_261] {strides = array<i32>} : memref<8x2048xf32, #tpu.memory_space<vmem>>, vector<16xf32>,
        %parallel_loop3A_263 = arith.constant 1.000000e+02 : f32
        %parallel_loop3A_264 = vector.broadcast %parallel_loop3A_263 : f32 to vector<16xf32>
        %parallel_loop3A_265 = arith.mulf %parallel_loop3A_262, %parallel_loop3A_264 : vector<16xf32>
        %parallel_loop3A_266 = arith.constant 5.000000e+01 : f32
        %parallel_loop3A_267 = vector.broadcast %parallel_loop3A_266 : f32 to vector<16xf32>
        %parallel_loop3A_268 = arith.subf %parallel_loop3A_265, %parallel_loop3A_267 : vector<16xf32>
        %parallel_loop3A_269 = math.absf %parallel_loop3A_268 : vector<16xf32>
        %parallel_loop3A_270 = arith.constant 1.000000e+00 : f32
        %parallel_loop3A_271 = vector.broadcast %parallel_loop3A_270 : f32 to vector<16xf32>
        %parallel_loop3A_272 = arith.addf %parallel_loop3A_269, %parallel_loop3A_271 : vector<16xf32>
        %parallel_loop3A_273 = tpu.bitcast %parallel_loop3A_272 : vector<16xf32> -> vector<16xi32>
        %parallel_loop3A_274 = arith.constant 23 : i32
        %parallel_loop3A_275 = vector.broadcast %parallel_loop3A_274 : i32 to vector<16xi32>
        %parallel_loop3A_276 = arith.shrsi %parallel_loop3A_273, %parallel_loop3A_275 : vector<16xi32>
        %parallel_loop3A_277 = arith.sitofp %parallel_loop3A_276 : vector<16xi32> to vector<16xf32>
        %parallel_loop3A_278 = arith.constant 8388607 : i32
        %parallel_loop3A_279 = vector.broadcast %parallel_loop3A_278 : i32 to vector<16xi32>
        %parallel_loop3A_280 = arith.andi %parallel_loop3A_273, %parallel_loop3A_279 : vector<16xi32>
        %parallel_loop3A_281 = arith.constant 1065353216 : i32
        %parallel_loop3A_282 = vector.broadcast %parallel_loop3A_281 : i32 to vector<16xi32>
        %parallel_loop3A_283 = arith.ori %parallel_loop3A_280, %parallel_loop3A_282 : vector<16xi32>
        %parallel_loop3A_284 = tpu.bitcast %parallel_loop3A_283 : vector<16xi32> -> vector<16xf32>
        %parallel_loop3A_285 = arith.constant -3.7415216 : f32
        %parallel_loop3A_286 = vector.broadcast %parallel_loop3A_285 : f32 to vector<16xf32>
        %parallel_loop3A_287 = arith.mulf %parallel_loop3A_284, %parallel_loop3A_286 : vector<16xf32>
        %parallel_loop3A_288 = arith.constant 22.1560726 : f32
        %parallel_loop3A_289 = vector.broadcast %parallel_loop3A_288 : f32 to vector<16xf32>
        %parallel_loop3A_290 = arith.addf %parallel_loop3A_287, %parallel_loop3A_289 : vector<16xf32>
        %parallel_loop3A_291 = arith.mulf %parallel_loop3A_290, %parallel_loop3A_284 : vector<16xf32>
        %parallel_loop3A_292 = arith.constant -1428.82202 : f32
        %parallel_loop3A_293 = vector.broadcast %parallel_loop3A_292 : f32 to vector<16xf32>
        %parallel_loop3A_294 = arith.addf %parallel_loop3A_291, %parallel_loop3A_293 : vector<16xf32>
        %parallel_loop3A_295 = arith.constant 11.1063604 : f32
        %parallel_loop3A_296 = vector.broadcast %parallel_loop3A_295 : f32 to vector<16xf32>
        %parallel_loop3A_297 = arith.mulf %parallel_loop3A_277, %parallel_loop3A_296 : vector<16xf32>
        %parallel_loop3A_298 = arith.addf %parallel_loop3A_297, %parallel_loop3A_294 : vector<16xf32>
        %parallel_loop3A_299 = arith.constant 0x4B000000 : f32
        %parallel_loop3A_300 = vector.broadcast %parallel_loop3A_299 : f32 to vector<16xf32>
        %parallel_loop3A_301 = arith.addf %parallel_loop3A_298, %parallel_loop3A_300 : vector<16xf32>
        %parallel_loop3A_302 = tpu.bitcast %parallel_loop3A_301 : vector<16xf32> -> vector<16xi32>
        %parallel_loop3A_303 = arith.constant 63 : i32
        %parallel_loop3A_304 = vector.broadcast %parallel_loop3A_303 : i32 to vector<16xi32>
        %parallel_loop3A_305 = arith.andi %parallel_loop3A_302, %parallel_loop3A_304 : vector<16xi32>
        %parallel_loop3A_306 = tpu.vector_load_idx %arg8[%parallel_loop3A_305] : memref<64xf32, #tpu.memory_space<vmem>>[vector<16xi32>], vector<16xf32>,
        %parallel_loop3A_307 = tpu.bitcast %parallel_loop3A_268 : vector<16xf32> -> vector<16xi32>
        %parallel_loop3A_308 = arith.constant -2147483648 : i32
        %parallel_loop3A_309 = vector.broadcast %parallel_loop3A_308 : i32 to vector<16xi32>
        %parallel_loop3A_310 = arith.andi %parallel_loop3A_307, %parallel_loop3A_309 : vector<16xi32>
        %parallel_loop3A_311 = tpu.bitcast %parallel_loop3A_306 : vector<16xf32> -> vector<16xi32>
        %parallel_loop3A_312 = arith.ori %parallel_loop3A_310, %parallel_loop3A_311 : vector<16xi32>
        %parallel_loop3A_313 = tpu.bitcast %parallel_loop3A_312 : vector<16xi32> -> vector<16xf32>
        %parallel_loop3A_314 = arith.constant 5.000000e-01 : f32
        %parallel_loop3A_315 = vector.broadcast %parallel_loop3A_314 : f32 to vector<16xf32>
        %parallel_loop3A_316 = arith.addf %parallel_loop3A_313, %parallel_loop3A_315 : vector<16xf32>
        %parallel_loop3A_317 = arith.index_cast %parallel_loop3A_249 : i32 to index
        %parallel_loop3A_318 = arith.index_cast %parallel_loop3A_259 : i32 to index
        %parallel_loop3A_319 = tpu.vector_load %arg12[%parallel_loop3A_317, %parallel_loop3A_318] {strides = array<i32>} : memref<8x2048xf32, #tpu.memory_space<vmem>>, vector<16xf32>,
        tpu.vector_store %arg12[%parallel_loop3A_317, %parallel_loop3A_318], %parallel_loop3A_316 {strides = array<i32>} : memref<8x2048xf32, #tpu.memory_space<vmem>>, vector<16xf32>,
        %parallel_loop3A_320 = arith.subf %parallel_loop3A_262, %parallel_loop3A_316 : vector<16xf32>
        %parallel_loop3A_321 = arith.mulf %parallel_loop3A_262, %parallel_loop3A_262 : vector<16xf32>
        %parallel_loop3A_322 = arith.index_cast %parallel_loop3A_252 : i32 to index
        %parallel_loop3A_323 = tpu.vector_load %arg13[%parallel_loop3A_322] {strides = array<i32>} : memref<4096xf32, #tpu.memory_space<vmem>>, vector<16xf32>,
        tpu.vector_store %arg13[%parallel_loop3A_322], %parallel_loop3A_321 {add = true, strides = array<i32>} : memref<4096xf32, #tpu.memory_space<vmem>>, vector<16xf32>,
        %parallel_loop3A_324 = arith.mulf %parallel_loop3A_320, %parallel_loop3A_320 : vector<16xf32>
        %parallel_loop3A_325 = arith.index_cast %parallel_loop3A_252 : i32 to index
        %parallel_loop3A_326 = tpu.vector_load %arg14[%parallel_loop3A_325] {strides = array<i32>} : memref<4096xf32, #tpu.memory_space<vmem>>, vector<16xf32>,
        tpu.vector_store %arg14[%parallel_loop3A_325], %parallel_loop3A_324 {add = true, strides = array<i32>} : memref<4096xf32, #tpu.memory_space<vmem>>, vector<16xf32>,
        %parallel_loop3A_327 = arith.constant 1 : i32
        %parallel_loop3A_328 = arith.addi %parallel_loop3A_246, %parallel_loop3A_327 : i32
        %parallel_loop3A_329 = arith.constant 16 : i32
        %parallel_loop3A_330 = arith.muli %parallel_loop3A_328, %parallel_loop3A_329 : i32
        %parallel_loop3A_331 = arith.constant 11 : i32
        %parallel_loop3A_332 = arith.shli %parallel_loop3A_249, %parallel_loop3A_331 : i32
        %parallel_loop3A_333 = arith.subi %parallel_loop3A_330, %parallel_loop3A_332 : i32
        %parallel_loop3A_334 = arith.index_cast %parallel_loop3A_249 : i32 to index
        %parallel_loop3A_335 = arith.index_cast %parallel_loop3A_333 : i32 to index
        %parallel_loop3A_336 = tpu.vector_load %arg12[%parallel_loop3A_334, %parallel_loop3A_335] {strides = array<i32>} : memref<8x2048xf32, #tpu.memory_space<vmem>>, vector<16xf32>,
        %parallel_loop3A_337 = arith.constant 1.000000e+02 : f32
        %parallel_loop3A_338 = vector.broadcast %parallel_loop3A_337 : f32 to vector<16xf32>
        %parallel_loop3A_339 = arith.mulf %parallel_loop3A_336, %parallel_loop3A_338 : vector<16xf32>
        %parallel_loop3A_340 = arith.constant 5.000000e+01 : f32
        %parallel_loop3A_341 = vector.broadcast %parallel_loop3A_340 : f32 to vector<16xf32>
        %parallel_loop3A_342 = arith.subf %parallel_loop3A_339, %parallel_loop3A_341 : vector<16xf32>
        %parallel_loop3A_343 = math.absf %parallel_loop3A_342 : vector<16xf32>
        %parallel_loop3A_344 = arith.constant 1.000000e+00 : f32
        %parallel_loop3A_345 = vector.broadcast %parallel_loop3A_344 : f32 to vector<16xf32>
        %parallel_loop3A_346 = arith.addf %parallel_loop3A_343, %parallel_loop3A_345 : vector<16xf32>
        %parallel_loop3A_347 = tpu.bitcast %parallel_loop3A_346 : vector<16xf32> -> vector<16xi32>
        %parallel_loop3A_348 = arith.constant 23 : i32
        %parallel_loop3A_349 = vector.broadcast %parallel_loop3A_348 : i32 to vector<16xi32>
        %parallel_loop3A_350 = arith.shrsi %parallel_loop3A_347, %parallel_loop3A_349 : vector<16xi32>
        %parallel_loop3A_351 = arith.sitofp %parallel_loop3A_350 : vector<16xi32> to vector<16xf32>
        %parallel_loop3A_352 = arith.constant 8388607 : i32
        %parallel_loop3A_353 = vector.broadcast %parallel_loop3A_352 : i32 to vector<16xi32>
        %parallel_loop3A_354 = arith.andi %parallel_loop3A_347, %parallel_loop3A_353 : vector<16xi32>
        %parallel_loop3A_355 = arith.constant 1065353216 : i32
        %parallel_loop3A_356 = vector.broadcast %parallel_loop3A_355 : i32 to vector<16xi32>
        %parallel_loop3A_357 = arith.ori %parallel_loop3A_354, %parallel_loop3A_356 : vector<16xi32>
        %parallel_loop3A_358 = tpu.bitcast %parallel_loop3A_357 : vector<16xi32> -> vector<16xf32>
        %parallel_loop3A_359 = arith.constant -3.7415216 : f32
        %parallel_loop3A_360 = vector.broadcast %parallel_loop3A_359 : f32 to vector<16xf32>
        %parallel_loop3A_361 = arith.mulf %parallel_loop3A_358, %parallel_loop3A_360 : vector<16xf32>
        %parallel_loop3A_362 = arith.constant 22.1560726 : f32
        %parallel_loop3A_363 = vector.broadcast %parallel_loop3A_362 : f32 to vector<16xf32>
        %parallel_loop3A_364 = arith.addf %parallel_loop3A_361, %parallel_loop3A_363 : vector<16xf32>
        %parallel_loop3A_365 = arith.mulf %parallel_loop3A_364, %parallel_loop3A_358 : vector<16xf32>
        %parallel_loop3A_366 = arith.constant -1428.82202 : f32
        %parallel_loop3A_367 = vector.broadcast %parallel_loop3A_366 : f32 to vector<16xf32>
        %parallel_loop3A_368 = arith.addf %parallel_loop3A_365, %parallel_loop3A_367 : vector<16xf32>
        %parallel_loop3A_369 = arith.constant 11.1063604 : f32
        %parallel_loop3A_370 = vector.broadcast %parallel_loop3A_369 : f32 to vector<16xf32>
        %parallel_loop3A_371 = arith.mulf %parallel_loop3A_351, %parallel_loop3A_370 : vector<16xf32>
        %parallel_loop3A_372 = arith.addf %parallel_loop3A_371, %parallel_loop3A_368 : vector<16xf32>
        %parallel_loop3A_373 = arith.constant 0x4B000000 : f32
        %parallel_loop3A_374 = vector.broadcast %parallel_loop3A_373 : f32 to vector<16xf32>
        %parallel_loop3A_375 = arith.addf %parallel_loop3A_372, %parallel_loop3A_374 : vector<16xf32>
        %parallel_loop3A_376 = tpu.bitcast %parallel_loop3A_375 : vector<16xf32> -> vector<16xi32>
        %parallel_loop3A_377 = arith.constant 63 : i32
        %parallel_loop3A_378 = vector.broadcast %parallel_loop3A_377 : i32 to vector<16xi32>
        %parallel_loop3A_379 = arith.andi %parallel_loop3A_376, %parallel_loop3A_378 : vector<16xi32>
        %parallel_loop3A_380 = tpu.vector_load_idx %arg8[%parallel_loop3A_379] : memref<64xf32, #tpu.memory_space<vmem>>[vector<16xi32>], vector<16xf32>,
        %parallel_loop3A_381 = tpu.bitcast %parallel_loop3A_342 : vector<16xf32> -> vector<16xi32>
        %parallel_loop3A_382 = arith.constant -2147483648 : i32
        %parallel_loop3A_383 = vector.broadcast %parallel_loop3A_382 : i32 to vector<16xi32>
        %parallel_loop3A_384 = arith.andi %parallel_loop3A_381, %parallel_loop3A_383 : vector<16xi32>
        %parallel_loop3A_385 = tpu.bitcast %parallel_loop3A_380 : vector<16xf32> -> vector<16xi32>
        %parallel_loop3A_386 = arith.ori %parallel_loop3A_384, %parallel_loop3A_385 : vector<16xi32>
        %parallel_loop3A_387 = tpu.bitcast %parallel_loop3A_386 : vector<16xi32> -> vector<16xf32>
        %parallel_loop3A_388 = arith.constant 5.000000e-01 : f32
        %parallel_loop3A_389 = vector.broadcast %parallel_loop3A_388 : f32 to vector<16xf32>
        %parallel_loop3A_390 = arith.addf %parallel_loop3A_387, %parallel_loop3A_389 : vector<16xf32>
        %parallel_loop3A_391 = arith.index_cast %parallel_loop3A_249 : i32 to index
        %parallel_loop3A_392 = arith.index_cast %parallel_loop3A_333 : i32 to index
        %parallel_loop3A_393 = tpu.vector_load %arg12[%parallel_loop3A_391, %parallel_loop3A_392] {strides = array<i32>} : memref<8x2048xf32, #tpu.memory_space<vmem>>, vector<16xf32>,
        tpu.vector_store %arg12[%parallel_loop3A_391, %parallel_loop3A_392], %parallel_loop3A_390 {strides = array<i32>} : memref<8x2048xf32, #tpu.memory_space<vmem>>, vector<16xf32>,
        %parallel_loop3A_394 = arith.subf %parallel_loop3A_336, %parallel_loop3A_390 : vector<16xf32>
        %parallel_loop3A_395 = arith.mulf %parallel_loop3A_336, %parallel_loop3A_336 : vector<16xf32>
        %parallel_loop3A_396 = arith.index_cast %parallel_loop3A_252 : i32 to index
        %parallel_loop3A_397 = tpu.vector_load %arg13[%parallel_loop3A_396] {strides = array<i32>} : memref<4096xf32, #tpu.memory_space<vmem>>, vector<16xf32>,
        tpu.vector_store %arg13[%parallel_loop3A_396], %parallel_loop3A_395 {add = true, strides = array<i32>} : memref<4096xf32, #tpu.memory_space<vmem>>, vector<16xf32>,
        %parallel_loop3A_398 = arith.mulf %parallel_loop3A_394, %parallel_loop3A_394 : vector<16xf32>
        %parallel_loop3A_399 = arith.index_cast %parallel_loop3A_252 : i32 to index
        %parallel_loop3A_400 = tpu.vector_load %arg14[%parallel_loop3A_399] {strides = array<i32>} : memref<4096xf32, #tpu.memory_space<vmem>>, vector<16xf32>,
        tpu.vector_store %arg14[%parallel_loop3A_399], %parallel_loop3A_398 {add = true, strides = array<i32>} : memref<4096xf32, #tpu.memory_space<vmem>>, vector<16xf32>,
        %parallel_loop3A_401 = arith.constant 2 : i32
        %parallel_loop3A_402 = arith.addi %parallel_loop3A_246, %parallel_loop3A_401 : i32
        %parallel_loop3A_403 = arith.constant 16 : i32
        %parallel_loop3A_404 = arith.muli %parallel_loop3A_402, %parallel_loop3A_403 : i32
        %parallel_loop3A_405 = arith.constant 11 : i32
        %parallel_loop3A_406 = arith.shli %parallel_loop3A_249, %parallel_loop3A_405 : i32
        %parallel_loop3A_407 = arith.subi %parallel_loop3A_404, %parallel_loop3A_406 : i32
        %parallel_loop3A_408 = arith.index_cast %parallel_loop3A_249 : i32 to index
        %parallel_loop3A_409 = arith.index_cast %parallel_loop3A_407 : i32 to index
        %parallel_loop3A_410 = tpu.vector_load %arg12[%parallel_loop3A_408, %parallel_loop3A_409] {strides = array<i32>} : memref<8x2048xf32, #tpu.memory_space<vmem>>, vector<16xf32>,
        %parallel_loop3A_411 = arith.constant 1.000000e+02 : f32
        %parallel_loop3A_412 = vector.broadcast %parallel_loop3A_411 : f32 to vector<16xf32>
        %parallel_loop3A_413 = arith.mulf %parallel_loop3A_410, %parallel_loop3A_412 : vector<16xf32>
        %parallel_loop3A_414 = arith.constant 5.000000e+01 : f32
        %parallel_loop3A_415 = vector.broadcast %parallel_loop3A_414 : f32 to vector<16xf32>
        %parallel_loop3A_416 = arith.subf %parallel_loop3A_413, %parallel_loop3A_415 : vector<16xf32>
        %parallel_loop3A_417 = math.absf %parallel_loop3A_416 : vector<16xf32>
        %parallel_loop3A_418 = arith.constant 1.000000e+00 : f32
        %parallel_loop3A_419 = vector.broadcast %parallel_loop3A_418 : f32 to vector<16xf32>
        %parallel_loop3A_420 = arith.addf %parallel_loop3A_417, %parallel_loop3A_419 : vector<16xf32>
        %parallel_loop3A_421 = tpu.bitcast %parallel_loop3A_420 : vector<16xf32> -> vector<16xi32>
        %parallel_loop3A_422 = arith.constant 23 : i32
        %parallel_loop3A_423 = vector.broadcast %parallel_loop3A_422 : i32 to vector<16xi32>
        %parallel_loop3A_424 = arith.shrsi %parallel_loop3A_421, %parallel_loop3A_423 : vector<16xi32>
        %parallel_loop3A_425 = arith.sitofp %parallel_loop3A_424 : vector<16xi32> to vector<16xf32>
        %parallel_loop3A_426 = arith.constant 8388607 : i32
        %parallel_loop3A_427 = vector.broadcast %parallel_loop3A_426 : i32 to vector<16xi32>
        %parallel_loop3A_428 = arith.andi %parallel_loop3A_421, %parallel_loop3A_427 : vector<16xi32>
        %parallel_loop3A_429 = arith.constant 1065353216 : i32
        %parallel_loop3A_430 = vector.broadcast %parallel_loop3A_429 : i32 to vector<16xi32>
        %parallel_loop3A_431 = arith.ori %parallel_loop3A_428, %parallel_loop3A_430 : vector<16xi32>
        %parallel_loop3A_432 = tpu.bitcast %parallel_loop3A_431 : vector<16xi32> -> vector<16xf32>
        %parallel_loop3A_433 = arith.constant -3.7415216 : f32
        %parallel_loop3A_434 = vector.broadcast %parallel_loop3A_433 : f32 to vector<16xf32>
        %parallel_loop3A_435 = arith.mulf %parallel_loop3A_432, %parallel_loop3A_434 : vector<16xf32>
        %parallel_loop3A_436 = arith.constant 22.1560726 : f32
        %parallel_loop3A_437 = vector.broadcast %parallel_loop3A_436 : f32 to vector<16xf32>
        %parallel_loop3A_438 = arith.addf %parallel_loop3A_435, %parallel_loop3A_437 : vector<16xf32>
        %parallel_loop3A_439 = arith.mulf %parallel_loop3A_438, %parallel_loop3A_432 : vector<16xf32>
        %parallel_loop3A_440 = arith.constant -1428.82202 : f32
        %parallel_loop3A_441 = vector.broadcast %parallel_loop3A_440 : f32 to vector<16xf32>
        %parallel_loop3A_442 = arith.addf %parallel_loop3A_439, %parallel_loop3A_441 : vector<16xf32>
        %parallel_loop3A_443 = arith.constant 11.1063604 : f32
        %parallel_loop3A_444 = vector.broadcast %parallel_loop3A_443 : f32 to vector<16xf32>
        %parallel_loop3A_445 = arith.mulf %parallel_loop3A_425, %parallel_loop3A_444 : vector<16xf32>
        %parallel_loop3A_446 = arith.addf %parallel_loop3A_445, %parallel_loop3A_442 : vector<16xf32>
        %parallel_loop3A_447 = arith.constant 0x4B000000 : f32
        %parallel_loop3A_448 = vector.broadcast %parallel_loop3A_447 : f32 to vector<16xf32>
        %parallel_loop3A_449 = arith.addf %parallel_loop3A_446, %parallel_loop3A_448 : vector<16xf32>
        %parallel_loop3A_450 = tpu.bitcast %parallel_loop3A_449 : vector<16xf32> -> vector<16xi32>
        %parallel_loop3A_451 = arith.constant 63 : i32
        %parallel_loop3A_452 = vector.broadcast %parallel_loop3A_451 : i32 to vector<16xi32>
        %parallel_loop3A_453 = arith.andi %parallel_loop3A_450, %parallel_loop3A_452 : vector<16xi32>
        %parallel_loop3A_454 = tpu.vector_load_idx %arg8[%parallel_loop3A_453] : memref<64xf32, #tpu.memory_space<vmem>>[vector<16xi32>], vector<16xf32>,
        %parallel_loop3A_455 = tpu.bitcast %parallel_loop3A_416 : vector<16xf32> -> vector<16xi32>
        %parallel_loop3A_456 = arith.constant -2147483648 : i32
        %parallel_loop3A_457 = vector.broadcast %parallel_loop3A_456 : i32 to vector<16xi32>
        %parallel_loop3A_458 = arith.andi %parallel_loop3A_455, %parallel_loop3A_457 : vector<16xi32>
        %parallel_loop3A_459 = tpu.bitcast %parallel_loop3A_454 : vector<16xf32> -> vector<16xi32>
        %parallel_loop3A_460 = arith.ori %parallel_loop3A_458, %parallel_loop3A_459 : vector<16xi32>
        %parallel_loop3A_461 = tpu.bitcast %parallel_loop3A_460 : vector<16xi32> -> vector<16xf32>
        %parallel_loop3A_462 = arith.constant 5.000000e-01 : f32
        %parallel_loop3A_463 = vector.broadcast %parallel_loop3A_462 : f32 to vector<16xf32>
        %parallel_loop3A_464 = arith.addf %parallel_loop3A_461, %parallel_loop3A_463 : vector<16xf32>
        %parallel_loop3A_465 = arith.index_cast %parallel_loop3A_249 : i32 to index
        %parallel_loop3A_466 = arith.index_cast %parallel_loop3A_407 : i32 to index
        %parallel_loop3A_467 = tpu.vector_load %arg12[%parallel_loop3A_465, %parallel_loop3A_466] {strides = array<i32>} : memref<8x2048xf32, #tpu.memory_space<vmem>>, vector<16xf32>,
        tpu.vector_store %arg12[%parallel_loop3A_465, %parallel_loop3A_466], %parallel_loop3A_464 {strides = array<i32>} : memref<8x2048xf32, #tpu.memory_space<vmem>>, vector<16xf32>,
        %parallel_loop3A_468 = arith.subf %parallel_loop3A_410, %parallel_loop3A_464 : vector<16xf32>
        %parallel_loop3A_469 = arith.mulf %parallel_loop3A_410, %parallel_loop3A_410 : vector<16xf32>
        %parallel_loop3A_470 = arith.index_cast %parallel_loop3A_252 : i32 to index
        %parallel_loop3A_471 = tpu.vector_load %arg13[%parallel_loop3A_470] {strides = array<i32>} : memref<4096xf32, #tpu.memory_space<vmem>>, vector<16xf32>,
        tpu.vector_store %arg13[%parallel_loop3A_470], %parallel_loop3A_469 {add = true, strides = array<i32>} : memref<4096xf32, #tpu.memory_space<vmem>>, vector<16xf32>,
        %parallel_loop3A_472 = arith.mulf %parallel_loop3A_468, %parallel_loop3A_468 : vector<16xf32>
        %parallel_loop3A_473 = arith.index_cast %parallel_loop3A_252 : i32 to index
        %parallel_loop3A_474 = tpu.vector_load %arg14[%parallel_loop3A_473] {strides = array<i32>} : memref<4096xf32, #tpu.memory_space<vmem>>, vector<16xf32>,
        tpu.vector_store %arg14[%parallel_loop3A_473], %parallel_loop3A_472 {add = true, strides = array<i32>} : memref<4096xf32, #tpu.memory_space<vmem>>, vector<16xf32>,
        %parallel_loop3A_475 = arith.constant 3 : i32
        %parallel_loop3A_476 = arith.addi %parallel_loop3A_246, %parallel_loop3A_475 : i32
        %parallel_loop3A_477 = arith.constant 16 : i32
        %parallel_loop3A_478 = arith.muli %parallel_loop3A_476, %parallel_loop3A_477 : i32
        %parallel_loop3A_479 = arith.constant 11 : i32
        %parallel_loop3A_480 = arith.shli %parallel_loop3A_249, %parallel_loop3A_479 : i32
        %parallel_loop3A_481 = arith.subi %parallel_loop3A_478, %parallel_loop3A_480 : i32
        %parallel_loop3A_482 = arith.index_cast %parallel_loop3A_249 : i32 to index
        %parallel_loop3A_483 = arith.index_cast %parallel_loop3A_481 : i32 to index
        %parallel_loop3A_484 = tpu.vector_load %arg12[%parallel_loop3A_482, %parallel_loop3A_483] {strides = array<i32>} : memref<8x2048xf32, #tpu.memory_space<vmem>>, vector<16xf32>,
        %parallel_loop3A_485 = arith.constant 1.000000e+02 : f32
        %parallel_loop3A_486 = vector.broadcast %parallel_loop3A_485 : f32 to vector<16xf32>
        %parallel_loop3A_487 = arith.mulf %parallel_loop3A_484, %parallel_loop3A_486 : vector<16xf32>
        %parallel_loop3A_488 = arith.constant 5.000000e+01 : f32
        %parallel_loop3A_489 = vector.broadcast %parallel_loop3A_488 : f32 to vector<16xf32>
        %parallel_loop3A_490 = arith.subf %parallel_loop3A_487, %parallel_loop3A_489 : vector<16xf32>
        %parallel_loop3A_491 = math.absf %parallel_loop3A_490 : vector<16xf32>
        %parallel_loop3A_492 = arith.constant 1.000000e+00 : f32
        %parallel_loop3A_493 = vector.broadcast %parallel_loop3A_492 : f32 to vector<16xf32>
        %parallel_loop3A_494 = arith.addf %parallel_loop3A_491, %parallel_loop3A_493 : vector<16xf32>
        %parallel_loop3A_495 = tpu.bitcast %parallel_loop3A_494 : vector<16xf32> -> vector<16xi32>
        %parallel_loop3A_496 = arith.constant 23 : i32
        %parallel_loop3A_497 = vector.broadcast %parallel_loop3A_496 : i32 to vector<16xi32>
        %parallel_loop3A_498 = arith.shrsi %parallel_loop3A_495, %parallel_loop3A_497 : vector<16xi32>
        %parallel_loop3A_499 = arith.sitofp %parallel_loop3A_498 : vector<16xi32> to vector<16xf32>
        %parallel_loop3A_500 = arith.constant 8388607 : i32
        %parallel_loop3A_501 = vector.broadcast %parallel_loop3A_500 : i32 to vector<16xi32>
        %parallel_loop3A_502 = arith.andi %parallel_loop3A_495, %parallel_loop3A_501 : vector<16xi32>
        %parallel_loop3A_503 = arith.constant 1065353216 : i32
        %parallel_loop3A_504 = vector.broadcast %parallel_loop3A_503 : i32 to vector<16xi32>
        %parallel_loop3A_505 = arith.ori %parallel_loop3A_502, %parallel_loop3A_504 : vector<16xi32>
        %parallel_loop3A_506 = tpu.bitcast %parallel_loop3A_505 : vector<16xi32> -> vector<16xf32>
        %parallel_loop3A_507 = arith.constant -3.7415216 : f32
        %parallel_loop3A_508 = vector.broadcast %parallel_loop3A_507 : f32 to vector<16xf32>
        %parallel_loop3A_509 = arith.mulf %parallel_loop3A_506, %parallel_loop3A_508 : vector<16xf32>
        %parallel_loop3A_510 = arith.constant 22.1560726 : f32
        %parallel_loop3A_511 = vector.broadcast %parallel_loop3A_510 : f32 to vector<16xf32>
        %parallel_loop3A_512 = arith.addf %parallel_loop3A_509, %parallel_loop3A_511 : vector<16xf32>
        %parallel_loop3A_513 = arith.mulf %parallel_loop3A_512, %parallel_loop3A_506 : vector<16xf32>
        %parallel_loop3A_514 = arith.constant -1428.82202 : f32
        %parallel_loop3A_515 = vector.broadcast %parallel_loop3A_514 : f32 to vector<16xf32>
        %parallel_loop3A_516 = arith.addf %parallel_loop3A_513, %parallel_loop3A_515 : vector<16xf32>
        %parallel_loop3A_517 = arith.constant 11.1063604 : f32
        %parallel_loop3A_518 = vector.broadcast %parallel_loop3A_517 : f32 to vector<16xf32>
        %parallel_loop3A_519 = arith.mulf %parallel_loop3A_499, %parallel_loop3A_518 : vector<16xf32>
        %parallel_loop3A_520 = arith.addf %parallel_loop3A_519, %parallel_loop3A_516 : vector<16xf32>
        %parallel_loop3A_521 = arith.constant 0x4B000000 : f32
        %parallel_loop3A_522 = vector.broadcast %parallel_loop3A_521 : f32 to vector<16xf32>
        %parallel_loop3A_523 = arith.addf %parallel_loop3A_520, %parallel_loop3A_522 : vector<16xf32>
        %parallel_loop3A_524 = tpu.bitcast %parallel_loop3A_523 : vector<16xf32> -> vector<16xi32>
        %parallel_loop3A_525 = arith.constant 63 : i32
        %parallel_loop3A_526 = vector.broadcast %parallel_loop3A_525 : i32 to vector<16xi32>
        %parallel_loop3A_527 = arith.andi %parallel_loop3A_524, %parallel_loop3A_526 : vector<16xi32>
        %parallel_loop3A_528 = tpu.vector_load_idx %arg8[%parallel_loop3A_527] : memref<64xf32, #tpu.memory_space<vmem>>[vector<16xi32>], vector<16xf32>,
        %parallel_loop3A_529 = tpu.bitcast %parallel_loop3A_490 : vector<16xf32> -> vector<16xi32>
        %parallel_loop3A_530 = arith.constant -2147483648 : i32
        %parallel_loop3A_531 = vector.broadcast %parallel_loop3A_530 : i32 to vector<16xi32>
        %parallel_loop3A_532 = arith.andi %parallel_loop3A_529, %parallel_loop3A_531 : vector<16xi32>
        %parallel_loop3A_533 = tpu.bitcast %parallel_loop3A_528 : vector<16xf32> -> vector<16xi32>
        %parallel_loop3A_534 = arith.ori %parallel_loop3A_532, %parallel_loop3A_533 : vector<16xi32>
        %parallel_loop3A_535 = tpu.bitcast %parallel_loop3A_534 : vector<16xi32> -> vector<16xf32>
        %parallel_loop3A_536 = arith.constant 5.000000e-01 : f32
        %parallel_loop3A_537 = vector.broadcast %parallel_loop3A_536 : f32 to vector<16xf32>
        %parallel_loop3A_538 = arith.addf %parallel_loop3A_535, %parallel_loop3A_537 : vector<16xf32>
        %parallel_loop3A_539 = arith.index_cast %parallel_loop3A_249 : i32 to index
        %parallel_loop3A_540 = arith.index_cast %parallel_loop3A_481 : i32 to index
        %parallel_loop3A_541 = tpu.vector_load %arg12[%parallel_loop3A_539, %parallel_loop3A_540] {strides = array<i32>} : memref<8x2048xf32, #tpu.memory_space<vmem>>, vector<16xf32>,
        tpu.vector_store %arg12[%parallel_loop3A_539, %parallel_loop3A_540], %parallel_loop3A_538 {strides = array<i32>} : memref<8x2048xf32, #tpu.memory_space<vmem>>, vector<16xf32>,
        %parallel_loop3A_542 = arith.subf %parallel_loop3A_484, %parallel_loop3A_538 : vector<16xf32>
        %parallel_loop3A_543 = arith.mulf %parallel_loop3A_484, %parallel_loop3A_484 : vector<16xf32>
        %parallel_loop3A_544 = arith.index_cast %parallel_loop3A_252 : i32 to index
        %parallel_loop3A_545 = tpu.vector_load %arg13[%parallel_loop3A_544] {strides = array<i32>} : memref<4096xf32, #tpu.memory_space<vmem>>, vector<16xf32>,
        tpu.vector_store %arg13[%parallel_loop3A_544], %parallel_loop3A_543 {add = true, strides = array<i32>} : memref<4096xf32, #tpu.memory_space<vmem>>, vector<16xf32>,
        %parallel_loop3A_546 = arith.mulf %parallel_loop3A_542, %parallel_loop3A_542 : vector<16xf32>
        %parallel_loop3A_547 = arith.index_cast %parallel_loop3A_252 : i32 to index
        %parallel_loop3A_548 = tpu.vector_load %arg14[%parallel_loop3A_547] {strides = array<i32>} : memref<4096xf32, #tpu.memory_space<vmem>>, vector<16xf32>,
        tpu.vector_store %arg14[%parallel_loop3A_547], %parallel_loop3A_546 {add = true, strides = array<i32>} : memref<4096xf32, #tpu.memory_space<vmem>>, vector<16xf32>,
        scf.yield %parallel_loop3A_247 : i32
      } {sc.loop_unroll_factor = 2 : i64, sc.parallel_access}
      %mul3A_239 = arith.constant 8 : i32
      %mul3A_240 = arith.muli %add3A_209, %mul3A_239 : i32
      %add3A_241 = arith.addi %mul3A_59, %mul3A_240 : i32
      %dma_start3A_242 = arith.constant 0 : i32
      %dma_start3A_243 = tpu.memref_slice %arg4[%add3A_241, %dma_start3A_242] : memref<8192x2048xf32, #tpu.memory_space<hbm>> -> memref<8x2048xf32, #tpu.memory_space<hbm>>
      %dma_start3A_244 = arith.constant 0 : i32
      %dma_start3A_245 = tpu.memref_slice %arg4[%add3A_241, %dma_start3A_244] : memref<8192x2048xf32, #tpu.memory_space<hbm>> -> memref<8x2048xf32, #tpu.memory_space<hbm>>
      tpu.enqueue_dma source(%arg12 : memref<8x2048xf32, #tpu.memory_space<vmem>>) target(%dma_start3A_245 : memref<8x2048xf32, #tpu.memory_space<hbm>>) target_semaphore(%arg22 : memref<!tpu.dma_semaphore, #tpu.memory_space<semaphore_mem>>)
    }
    %scan3A_69 = arith.constant 8 : i32
    %add3A_70 = arith.constant 232 : i32
    %add3A_71 = arith.addi %mul3A_59, %add3A_70 : i32
    %dma_wait3A = arith.constant 0 : i32
    %dma_wait3A_72 = tpu.memref_slice %arg4[%add3A_71, %dma_wait3A] : memref<8192x2048xf32, #tpu.memory_space<hbm>> -> memref<8x2048xf32, #tpu.memory_space<hbm>>
    %dma_wait3A_73 = arith.constant 0 : i32
    %dma_wait3A_74 = tpu.memref_slice %arg4[%add3A_71, %dma_wait3A_73] : memref<8192x2048xf32, #tpu.memory_space<hbm>> -> memref<8x2048xf32, #tpu.memory_space<hbm>>
    tpu.wait_dma2 semaphore(%arg20 : memref<!tpu.dma_semaphore, #tpu.memory_space<semaphore_mem>>) src(%arg10 : memref<8x2048xf32, #tpu.memory_space<vmem>>) dst(%dma_wait3A_74 : memref<8x2048xf32, #tpu.memory_space<hbm>>)
    %add3A_75 = arith.constant 240 : i32
    %add3A_76 = arith.addi %mul3A_59, %add3A_75 : i32
    %dma_wait3A_77 = arith.constant 0 : i32
    %dma_wait3A_78 = tpu.memref_slice %arg4[%add3A_76, %dma_wait3A_77] : memref<8192x2048xf32, #tpu.memory_space<hbm>> -> memref<8x2048xf32, #tpu.memory_space<hbm>>
    %dma_wait3A_79 = arith.constant 0 : i32
    %dma_wait3A_80 = tpu.memref_slice %arg4[%add3A_76, %dma_wait3A_79] : memref<8192x2048xf32, #tpu.memory_space<hbm>> -> memref<8x2048xf32, #tpu.memory_space<hbm>>
    tpu.wait_dma2 semaphore(%arg21 : memref<!tpu.dma_semaphore, #tpu.memory_space<semaphore_mem>>) src(%arg11 : memref<8x2048xf32, #tpu.memory_space<vmem>>) dst(%dma_wait3A_80 : memref<8x2048xf32, #tpu.memory_space<hbm>>)
    %add3A_81 = arith.constant 248 : i32
    %add3A_82 = arith.addi %mul3A_59, %add3A_81 : i32
    %dma_wait3A_83 = arith.constant 0 : i32
    %dma_wait3A_84 = tpu.memref_slice %arg4[%add3A_82, %dma_wait3A_83] : memref<8192x2048xf32, #tpu.memory_space<hbm>> -> memref<8x2048xf32, #tpu.memory_space<hbm>>
    %dma_wait3A_85 = arith.constant 0 : i32
    %dma_wait3A_86 = tpu.memref_slice %arg4[%add3A_82, %dma_wait3A_85] : memref<8192x2048xf32, #tpu.memory_space<hbm>> -> memref<8x2048xf32, #tpu.memory_space<hbm>>
    tpu.wait_dma2 semaphore(%arg22 : memref<!tpu.dma_semaphore, #tpu.memory_space<semaphore_mem>>) src(%arg12 : memref<8x2048xf32, #tpu.memory_space<vmem>>) dst(%dma_wait3A_86 : memref<8x2048xf32, #tpu.memory_space<hbm>>)
    %mul3A_87 = arith.constant 16 : i32
    %mul3A_88 = arith.muli %mul3A_59, %mul3A_87 : i32
    "tpu.region"() ({
      %run_scoped3A = tpu.sem_alloc : memref<!tpu.dma_semaphore, #tpu.memory_space<semaphore_mem>>
      %dma_start3A_91 = tpu.memref_slice %arg5[%mul3A_88] : memref<131072xf32, #tpu.memory_space<hbm>> -> memref<4096xf32, #tpu.memory_space<hbm>>
      %dma_start3A_92 = tpu.memref_slice %arg5[%mul3A_88] : memref<131072xf32, #tpu.memory_space<hbm>> -> memref<4096xf32, #tpu.memory_space<hbm>>
      tpu.enqueue_dma source(%arg13 : memref<4096xf32, #tpu.memory_space<vmem>>) target(%dma_start3A_92 : memref<4096xf32, #tpu.memory_space<hbm>>) target_semaphore(%run_scoped3A : memref<!tpu.dma_semaphore, #tpu.memory_space<semaphore_mem>>)
      %dma_wait3A_93 = tpu.memref_slice %arg5[%mul3A_88] : memref<131072xf32, #tpu.memory_space<hbm>> -> memref<4096xf32, #tpu.memory_space<hbm>>
      %dma_wait3A_94 = tpu.memref_slice %arg5[%mul3A_88] : memref<131072xf32, #tpu.memory_space<hbm>> -> memref<4096xf32, #tpu.memory_space<hbm>>
      tpu.wait_dma2 semaphore(%run_scoped3A : memref<!tpu.dma_semaphore, #tpu.memory_space<semaphore_mem>>) src(%arg13 : memref<4096xf32, #tpu.memory_space<vmem>>) dst(%dma_wait3A_94 : memref<4096xf32, #tpu.memory_space<hbm>>)
      tpu.yield
    }) : () -> ()
    %mul3A_89 = arith.constant 16 : i32
    %mul3A_90 = arith.muli %mul3A_59, %mul3A_89 : i32
    "tpu.region"() ({
      %run_scoped3A = tpu.sem_alloc : memref<!tpu.dma_semaphore, #tpu.memory_space<semaphore_mem>>
      %dma_start3A_91 = tpu.memref_slice %arg6[%mul3A_90] : memref<131072xf32, #tpu.memory_space<hbm>> -> memref<4096xf32, #tpu.memory_space<hbm>>
      %dma_start3A_92 = tpu.memref_slice %arg6[%mul3A_90] : memref<131072xf32, #tpu.memory_space<hbm>> -> memref<4096xf32, #tpu.memory_space<hbm>>
      tpu.enqueue_dma source(%arg14 : memref<4096xf32, #tpu.memory_space<vmem>>) target(%dma_start3A_92 : memref<4096xf32, #tpu.memory_space<hbm>>) target_semaphore(%run_scoped3A : memref<!tpu.dma_semaphore, #tpu.memory_space<semaphore_mem>>)
      %dma_wait3A_93 = tpu.memref_slice %arg6[%mul3A_90] : memref<131072xf32, #tpu.memory_space<hbm>> -> memref<4096xf32, #tpu.memory_space<hbm>>
      %dma_wait3A_94 = tpu.memref_slice %arg6[%mul3A_90] : memref<131072xf32, #tpu.memory_space<hbm>> -> memref<4096xf32, #tpu.memory_space<hbm>>
      tpu.wait_dma2 semaphore(%run_scoped3A : memref<!tpu.dma_semaphore, #tpu.memory_space<semaphore_mem>>) src(%arg14 : memref<4096xf32, #tpu.memory_space<vmem>>) dst(%dma_wait3A_94 : memref<4096xf32, #tpu.memory_space<hbm>>)
      tpu.yield
    }) : () -> ()
    return
  }
}

module attributes {stable_mosaic.version = 14 : i64} {
  func.func @_snr_body(%arg0: memref<1024x128xf32, #tpu.memory_space<vmem>>, %arg1: memref<1024x128xf32, #tpu.memory_space<vmem>>, %arg2: memref<1x1xf32, #tpu.memory_space<smem>>) attributes {dimension_semantics = [], scalar_prefetch = 0 : i64, scratch_operands = 0 : i64, tpu.core_type = #tpu.core_type<tc>} {
    %iota3A = tpu.iota {dimensions = array<i32: 0>} : vector<128x8xi32>
    %iota3A_0 = tpu.iota {dimensions = array<i32: 1>} : vector<128x8xi32>
    %shift_right_arithmetic3A = arith.constant 4 : i32
    %shift_right_arithmetic3A_1 = vector.broadcast %shift_right_arithmetic3A : i32 to vector<128x8xi32>
    %shift_right_arithmetic3A_2 = arith.shrsi %iota3A, %shift_right_arithmetic3A_1 : vector<128x8xi32>
    %eq3A = arith.cmpi eq, %shift_right_arithmetic3A_2, %iota3A_0 : vector<128x8xi32>
    %convert_element_type3A = arith.extui %eq3A : vector<128x8xi1> to vector<128x8xi32>
    %convert_element_type3A_3 = arith.sitofp %convert_element_type3A : vector<128x8xi32> to vector<128x8xf32>
    %get3A = arith.constant 0 : index
    %get3A_4 = arith.constant 0 : index
    %get3A_5 = vector.load %arg0[%get3A, %get3A_4] : memref<1024x128xf32, #tpu.memory_space<vmem>>, vector<1024x128xf32>
    %dot_general3A = arith.constant dense<0.000000e+00> : vector<1024x8xf32>
    %dot_general3A_6 = tpu.matmul %get3A_5, %convert_element_type3A_3, %dot_general3A {dimension_numbers = #tpu.dot_dimension_numbers<[1], [0], [0], [1], [0, 0, 1, 1], [], []>, transpose_lhs_hint = false} : vector<1024x128xf32>, vector<128x8xf32>, vector<1024x8xf32> -> vector<1024x8xf32>
    %get3A_7 = arith.constant 0 : index
    %get3A_8 = arith.constant 0 : index
    %get3A_9 = vector.load %arg1[%get3A_7, %get3A_8] : memref<1024x128xf32, #tpu.memory_space<vmem>>, vector<1024x128xf32>
    %dot_general3A_10 = arith.constant dense<0.000000e+00> : vector<1024x8xf32>
    %dot_general3A_11 = tpu.matmul %get3A_9, %convert_element_type3A_3, %dot_general3A_10 {dimension_numbers = #tpu.dot_dimension_numbers<[1], [0], [0], [1], [0, 0, 1, 1], [], []>, transpose_lhs_hint = false} : vector<1024x128xf32>, vector<128x8xf32>, vector<1024x8xf32> -> vector<1024x8xf32>
    %div3A = arith.divf %dot_general3A_6, %dot_general3A_11 : vector<1024x8xf32>
    %sqrt3A = math.sqrt %div3A : vector<1024x8xf32>
    %reduce_sum3A = vector.shape_cast %sqrt3A : vector<1024x8xf32> to vector<1x1024x8xf32>
    %reduce_sum3A_12 = arith.constant dense<0.000000e+00> : vector<1xf32>
    %reduce_sum3A_13 = vector.multi_reduction <add>, %reduce_sum3A, %reduce_sum3A_12 [1, 2] : vector<1x1024x8xf32> to vector<1xf32>
    %reduce_sum3A_14 = vector.shape_cast %reduce_sum3A_13 : vector<1xf32> to vector<1x1x1xf32>
    %reduce_sum3A_15 = vector.extract %reduce_sum3A_14[0, 0, 0] : f32 from vector<1x1x1xf32>
    %mul3A = arith.constant 1.22070313E-4 : f32
    %mul3A_16 = arith.mulf %reduce_sum3A_15, %mul3A : f32
    %swap3A = arith.constant 0 : index
    %swap3A_17 = arith.constant 0 : index
    %swap3A_18 = memref.load %arg2[%swap3A, %swap3A_17] : memref<1x1xf32, #tpu.memory_space<smem>>
    memref.store %mul3A_16, %arg2[%swap3A, %swap3A_17] : memref<1x1xf32, #tpu.memory_space<smem>>
    return
  }
}

</mosaic_0001>

<sc_bundles>
// kernel: kernel.4.cloned.1.call-start
scs
__scs_entry_jumppad:
0x0: {  	(pc) =	sbr.rel $0x88, $3  }
0x1: {  	(tag) =	ssettag $0x0;
	lr =	simm.s32 $0x1  }
0x2: {  	[smem:$0x3F9F] =	sst lr;
	_ =	strace $0xD0000000  }
0x3: {  	_ = 	snop  }
0x4: {  	_ = 	snop  }
0x5: {  	_ = 	snop  }
0x6: {  	_ = 	snop  }
0x7: {  	_ = 	snop  }
__scs_overlays_trampoline_lowered:
0x8: {  	[smem:$0x3FAE] =	sst s0  }
0x9: {  	[smem:$0x3FAF] =	sst s1  }
0xa: {  	[smem:$0x3FB0] =	sst s2  }
0xb: {  	[smem:$0x3FB1] =	sst s3  }
0xc: {  	[smem:$0x3FB2] =	sst s4  }
0xd: {  	[smem:$0x3FB3] =	sst s5  }
0xe: {  	[smem:$0x3FB4] =	sst s6  }
0xf: {  	[smem:$0x3FB5] =	sst s7  }
0x10: {  	[smem:$0x3FB6] =	sst s8  }
0x11: {  	[smem:$0x3FB7] =	sst s9;
	s0 =	simm.s32 @!p0 $0x0  }
0x12: {  	s1 =	sld [smem:$0x3F9D];
	s0 =	simm.s32 @p0 $0x1  }
0x13: {  	[smem:$0x3FB8] =	sst s0;
	s0 =	simm.s32 @!p1 $0x0  }
0x14: {  	s2 =	sld [smem:$0x3F9C];
	s0 =	simm.s32 @p1 $0x1  }
0x15: {  	[smem:$0x3FB9] =	sst s0;
	s0 =	simm.s32 @!p2 $0x0  }
0x16: {  	s3 =	sld [smem:$0x3FDB];
	s0 =	simm.s32 @p2 $0x1  }
0x17: {  	s4 =	simm.s32 $0x1BF5;
	[smem:$0x3FBB] =	sst s0  }
0x18: {  	s0 =	sld [smem:$0x3F9E];
	_ =	swait.ge [sflag:s4], $0x0  }
0x19: {  	s7 =	sld [smem:$0x3F9F]  }
0x1a: {  	s8 =	sadd.s32 $0xFFFFE003, lr  }
0x1b: {  	s9 =	sadd.s32 $0xFFFFFEF7, lr;
	s5 =	simm.s32 $0xFFFFFFFF;
	p2 =	slt.u32 s8, $0xFFFFF086  }
0x1c: {  	p1 =	slt.u32 s9, $0xF7A;
	s5 =	simm.s32 @!p2 $0x0  }
0x1d: {  	s5 =	simm.s32 @p1 $0x1;
	p0 =	seq.s32 s7, s2  }
0x1e: {  	s7 =	smul.u32 @!p0 $0xF7A, s2;
	p2 =	seq.s32 @!p0 s5, $0x0  }
0x1f: {  	s9 =	smul.u32 $0xF7A, s1;
	s8 =	simm.s32 @!p0 $0x1BF5;
	p2 =	por !p2, p0  }
0x20: {  	[sflag:s8] =	ssyncset.s32 @!p0 $0xFFFFF086;
	s6 =	sadd.s32 @!p0 s3, s7;
	s7 =	simm.s32 @!p0 $0x108  }
0x21: {  	s3 =	sadd.s32 s3, s9;
	s6 =	sadd.s32 @!p0 $0x88, s6;
	s7 =	simm.s32 @p2 $0x1082  }
0x22: {  	[simem:s7], [sflag:s8] =	dma.local @!p0 [hbm:s6], $0xF7A  }
0x23: {  	s9 =	sor.u32 $0xD0000000, s2;
	s6 =	simm.s32 $0x108;
	_ =	swait.ge @!p0 [sflag:s8], $0x0  }
0x24: {  	s3 =	sadd.s32 $0x88, s3;
	s6 =	simm.s32 @!p1 $0x1082;
	[sflag:s4] =	ssyncset.s32 $0xFFFFF086  }
0x25: {  	[simem:s6], [sflag:s4] =	dma.local [hbm:s3], $0xF7A  }
0x26: {  	[smem:$0x3F9F] =	sst s1;
	(tag) =	ssettag s2;
	_ =	strace s9  }
0x27: {  	s1 =	sld [smem:$0x3FAF]  }
0x28: {  	s2 =	sld [smem:$0x3FB0]  }
0x29: {  	s4 =	sld [smem:$0x3FB2]  }
0x2a: {  	p0 =	seq.s32 s5, $0x0;
	s5 =	sld [smem:$0x3FB3]  }
0x2b: {  	s6 =	sld [smem:$0x3FB4]  }
0x2c: {  	s7 =	sld [smem:$0x3FB5]  }
0x2d: {  	s3 =	simm.s32 $0x108;
	s8 =	sld [smem:$0x3FB6]  }
0x2e: {  	s3 =	simm.s32 @!p0 $0x1082;
	s9 =	sld [smem:$0x3FB7]  }
0x2f: {  	lr =	sadd.s32 s0, s3;
	s0 =	sld [smem:$0x3FAE]  }
0x30: {  	s3 =	sld [smem:$0x3FB1]  }
0x31: {  	[smem:$0x3FBA] =	sst s10  }
0x32: {  	s10 =	sld [smem:$0x3FB8];
	_ =	sdelay $0x3  }
0x33: {  	p0 =	seq.s32 s10, $0x1;
	s10 =	sld [smem:$0x3FBA];
	_ =	sdelay $0x3  }
0x34: {  	[smem:$0x3FBA] =	sst s10  }
0x35: {  	s10 =	sld [smem:$0x3FB9];
	_ =	sdelay $0x3  }
0x36: {  	p1 =	seq.s32 s10, $0x1;
	s10 =	sld [smem:$0x3FBA];
	_ =	sdelay $0x3  }
0x37: {  	[smem:$0x3FBA] =	sst s10  }
0x38: {  	s10 =	sld [smem:$0x3FBB]  }
0x39: {  	_ = 	snop;
	(pc) =	sbr.ind lr, $3  }
0x3a: {  	_ = 	snop  }
0x3b: {  	_ = 	snop  }
0x3c: {  	p2 =	seq.s32 s10, $0x1;
	s10 =	sld [smem:$0x3FBA]  }
0x3d: {  	_ =	shalt  }
0x3e: {  	_ =	shalt  }
0x3f: {  	_ =	shalt  }
0x40: {  	_ =	shalt  }
0x41: {  	_ =	shalt  }
0x42: {  	_ =	shalt  }
0x43: {  	_ =	shalt  }
0x44: {  	_ =	shalt  }
0x45: {  	_ =	shalt  }
0x46: {  	_ =	shalt  }
0x47: {  	_ =	shalt  }
0x48: {  	_ =	shalt  }
0x49: {  	_ =	shalt  }
0x4a: {  	_ =	shalt  }
0x4b: {  	_ =	shalt  }
0x4c: {  	_ =	shalt  }
0x4d: {  	_ =	shalt  }
0x4e: {  	_ =	shalt  }
0x4f: {  	_ =	shalt  }
0x50: {  	_ =	shalt  }
0x51: {  	_ =	shalt  }
0x52: {  	_ =	shalt  }
0x53: {  	_ =	shalt  }
0x54: {  	_ =	shalt  }
0x55: {  	_ =	shalt  }
0x56: {  	_ =	shalt  }
0x57: {  	_ =	shalt  }
0x58: {  	_ =	shalt  }
0x59: {  	_ =	shalt  }
0x5a: {  	_ =	shalt  }
0x5b: {  	_ =	shalt  }
0x5c: {  	_ =	shalt  }
0x5d: {  	_ =	shalt  }
0x5e: {  	_ =	shalt  }
0x5f: {  	_ =	shalt  }
0x60: {  	_ =	shalt  }
0x61: {  	_ =	shalt  }
0x62: {  	_ =	shalt  }
0x63: {  	_ =	shalt  }
0x64: {  	_ =	shalt  }
0x65: {  	_ =	shalt  }
0x66: {  	_ =	shalt  }
0x67: {  	_ =	shalt  }
0x68: {  	_ =	shalt  }
0x69: {  	_ =	shalt  }
0x6a: {  	_ =	shalt  }
0x6b: {  	_ =	shalt  }
0x6c: {  	_ =	shalt  }
0x6d: {  	_ =	shalt  }
0x6e: {  	_ =	shalt  }
0x6f: {  	_ =	shalt  }
0x70: {  	_ =	shalt  }
0x71: {  	_ =	shalt  }
0x72: {  	_ =	shalt  }
0x73: {  	_ =	shalt  }
0x74: {  	_ =	shalt  }
0x75: {  	_ =	shalt  }
0x76: {  	_ =	shalt  }
0x77: {  	_ =	shalt  }
0x78: {  	_ =	shalt  }
0x79: {  	_ =	shalt  }
0x7a: {  	_ =	shalt  }
0x7b: {  	_ =	shalt  }
0x7c: {  	_ =	shalt  }
0x7d: {  	_ =	shalt  }
0x7e: {  	_ =	shalt  }
0x7f: {  	_ =	shalt  }
0x80: {  	_ =	shalt  }
0x81: {  	_ =	shalt  }
0x82: {  	_ =	shalt  }
0x83: {  	_ =	shalt  }
0x84: {  	_ =	shalt  }
0x85: {  	_ =	shalt  }
0x86: {  	_ =	shalt  }
0x87: {  	_ =	shalt  }
.Lfunc_end0:
.L_simem_size_0:
called_computation_lowered:
.L_overlay_start_0:
0x88: {  	s2 =	sld [smem:$0x3FD9]  }
0x89: {  	s3 =	sld [smem:$0x3FFE];
	_ =	sdelay $0x1  }
0x8a: {  	s1 =	srdreg.scid  }
0x8b: {  	s0 =	sand.u32 $0x1, s1  }
0x8c: {  	s14 =	sshll.u32 s0, $0xA;
	s2 =	sadd.s32 s3, s2  }
0x8d: {  	s2 =	sadd.s32 s2, s14  }
0x8e: {  	[smem:$0x3FC6] =	sst s2  }
0x8f: {  	_ = 	snop  }
0x90: {  	s2 =	sld [smem:$0x3FD0];
	_ =	sdelay $0x1  }
0x91: {  	s15 =	sld [smem:$0x3FC9]  }
0x92: {  	s5 =	simm.s32 $0xA;
	s6 =	simm.s32 $0x10;
	s4 =	sld [smem:$0x3FC8]  }
0x93: {  	[smem:s6], [sflag:s5] =	dma.local [hbm:s2], $0x1  }
0x94: {  	_ =	swait.eq [sflag:s5], $0x1  }
0x95: {  	[sflag:s5] =	ssyncset.done $0x0  }
0x96: {  	[sflag:s5] =	ssyncadd.s32 $0xFFFFFFFF  }
0x97: {  	s16 =	sld [smem:$0x10];
	(tm) =	ssettm $0x1  }
0x98: {  	s17 =	sld [smem:$0x3FFB];
	_ =	sdelay $0x3  }
0x99: {  	_ =	strace s17  }
0x9a: {  	s5 =	sld [smem:$0x3FFC];
	_ =	sdelay $0x3  }
0x9b: {  	_ =	strace s5  }
0x9c: {  	s5 =	sld [smem:$0x3FFD];
	_ =	sdelay $0x3  }
0x9d: {  	_ =	strace s5  }
0x9e: {  	_ =	strace $0x8FFFFFFF  }
0x9f: {  	s18 =	sld [smem:$0x3FDB];
	_ =	sdelay $0x1  }
0xa0: {  	s19 =	simm.s32 $_scs_section_size  }
0xa1: {  	s7 =	simm.s32 $_size__tile_overlayer_lowered;
	s8 =	simm.s32 $_tile_overlayer_lowered  }
0xa2: {  	s22 =	simm.s32 $0x1BFF;
	s21 =	sshll.u32 s8, $0x1;
	s5 =	sadd.s32 s19, s18  }
0xa3: {  	s9 =	simm.s32 $0x0;
	s20 =	sshll.u32 s7, $0x1;
	s7 =	sadd.s32 s21, s5  }
0xa4: {  	[timem:s9], [sflag:s22] =	dma.local [hbm:s7], s20  }
0xa5: {  	_ =	swait.ge [sflag:s22], s20  }
0xa6: {  	s6 =	ssub.s32 $0x0, s20;
	[sflag:s22] =	ssyncset.done $0x0  }
0xa7: {  	[sflag:s22] =	ssyncadd.s32 s6;
	_ =	sdelay $0x1  }
0xa8: {  	s23 =	simm.s32 $0x1B8B  }
0xa9: {  	_ =	swait.ge [sflag:s23], $0x1  }
0xaa: {  	[sflag:s23] =	ssyncset.done $0x0  }
0xab: {  	s25 =	simm.s32 $0x1B8E;
	s24 =	sld [smem:$0x3FFE];
	[sflag:s23] =	ssyncadd.s32 $0xFFFFFFFF  }
0xac: {  	s26 =	simm.s32 $execute0_lowered;
	[smem:$0x3FD2] =	sst s25  }
0xad: {  	s7 =	sshll.u32 s26, $0x1;
	_ =	strace $0x80000046;
	[dreg:$0x1] =	wrdreg $0xFFFFFFFF  }
0xae: {  	s28 =	simm.s32 $_size_execute0_lowered;
	s5 =	sadd.s32 s5, s7;
	[dreg:$0x0] =	wrdreg $0x0  }
0xaf: {  	s7 =	sshll.u32 s28, $0x1;
	[dreg:$0x2] =	wrdreg s5  }
0xb0: {  	[dreg:$0x3] =	wrdreg s7  }
0xb1: {  	[dreg:$0x4] =	wrdreg $0xC0  }
0xb2: {  	_ =	task [dreg:s9], $0x5FFFF  }
0xb3: {  	[dreg:$0x1] =	wrdreg $0xFFFFFFFF  }
0xb4: {  	[dreg:$0x0] =	wrdreg $0x60  }
0xb5: {  	[dreg:$0x2] =	wrdreg s15  }
0xb6: {  	[dreg:$0x3] =	wrdreg s4  }
0xb7: {  	[dreg:$0x4] =	wrdreg s16  }
0xb8: {  	[dreg:$0x5] =	wrdreg s24  }
0xb9: {  	[dreg:$0x6] =	wrdreg $0x9  }
0xba: {  	_ =	task.clear_ibuf [dreg:s9], $0x7FFFF;
	_ =	strace $0x90000046  }
0xbb: {  	s29 =	simm.s32 $0x9;
	_ =	strace $0x80000048  }
0xbc: {  	_ =	swait.ge [sflag:s29], $0x1  }
0xbd: {  	[sflag:s29] =	ssyncadd.s32 $0xFFFFFFFF  }
0xbe: {  	_ =	strace $0x90000048  }
0xbf: {  	_ =	sfence  }
0xc0: {  	s30 =	sld [smem:$0x0];
	_ =	sdelay $0x2  }
0xc1: {  	s31 =	sshll.u32 s1, $0xD;
	s1 =	sshrl.u32 s1, $0x2  }
0xc2: {  	s3 =	sand.u32 $0x4000, s31;
	s1 =	sadd.s32 s1, s30  }
0xc3: {  	s0 =	sor.u32 s3, s0;
	s1 =	sshll.u32 s1, $0x11  }
0xc4: {  	s0 =	sor.u32 s1, s0  }
0xc5: {  	s0 =	sadd.s32 $0x8F2B, s0  }
0xc6: {  	[sflag:s0] =	ssyncadd.remote.s32 $0x1  }
0xc7: {  	_ =	sfence.sel $0xFFFF  }
0xc8: {  	[dreg:$0x0] =	wrdreg $0xFFFFFFFF;
	(pc) =	sbr.abs _section_cstart, $3  }
0xc9: {  	[dreg:$0x1] =	wrdreg $0xFFFFFFFF  }
0xca: {  	_ =	task.clear_ibuf [dreg:s9], $0x2FFFF;
	_ =	strace $0x9FFFFFFF  }
0xcb: {  	(tm) =	ssettm $0x7FFFFFFF  }
tec
execute0_lowered:
.L_overlay_start_1:
0x0: {  	(tag) =	ssettag $0x1  }
0x1: {  	s31 =	rddreg [dreg:$0x0]  }
0x2: {  	s4 =	rddreg [dreg:$0x2]  }
0x3: {  	s0 =	rddreg [dreg:$0x3];
	s1 =	srdreg.scid  }
0x4: {  	s2 =	stileid.u32;
	s5 =	simm.s32 $0x0;
	s17 =	simm.s32 $0x80  }
0x5: {  	s19 =	simm.s32 $0x2;
	s1 =	sand.u32 $0x1, s1;
	s2 =	sshll.u32 s2, $0x1  }
0x6: {  	s21 =	simm.s32 $0x3;
	s22 =	simm.s32 $0x5;
	s2 =	sor.u32 s1, s2  }
0x7: {  	s23 =	simm.s32 $0x4;
	[smem:$0x7FF] =	sst s5;
	s6 =	sshll.u32 s2, $0x10  }
0x8: {  	_ =	strace $0x80000047;
	s1 =	ssub.s32 $0x2, s1;
	s28 =	sadd.s32 s4, s6  }
0x9: {  	s3 =	sshll.u32 s2, $0x9;
	s2 =	sadd.s32 s31, s6;
	[dreg:$0x6] =	wrdreg s28  }
0xa: {  	s0 =	sadd.s32 s3, s0;
	[dreg:$0x5] =	wrdreg s2;
	s2 =	sadd.s32 $0x2000, s2  }
0xb: {  	s26 =	sshrl.u32 s1, $0x1;
	s29 =	sadd.s32 $0xC00, s0;
	[dreg:$0x7] =	wrdreg s2  }
0xc: {  	s1 =	ssub.s32 s1, s26;
	s0 =	sadd.s32 $0x4C00, s0;
	[dreg:$0x8] =	wrdreg s29  }
0xd: {  	s16 =	smov.u32 s4;
	s30 =	smax.u32 s1, $0x1;
	[dreg:$0x9] =	wrdreg s0  }
0xe: {  	v0 =	vimm.f32 $0.0e+00;
	s1 =	simm.s32 $0x9;
	[dreg:$0xa] =	wrdreg s30;
	s2 =	simm.s32 $0x0  }
.LBB2_1:
0xf: {  	[dreg:$0xb] =	wrdreg s2  }
0x10: {  	s0 =	rddreg [dreg:$0x1]  }
0x11: {  	[tilespmem:s5], [sflag:$0x9] =	stream.linear.gather [hbm4b:s0+s5], $0x80, $0x38;
	[tilespmem:$0x12100] =	vst v63  }
0x12: {  	_ =	swait.ge [sflag:s1], $0x80  }
0x13: {  	[sflag:s1] =	ssyncset.done $0x0  }
0x14: {  	[sflag:s1] =	ssyncadd.s32 $0xFFFFFF80  }
0x15: {  	v1 =	vld [tilespmem:$0x0]  }
0x16: {  	v2 =	vld [tilespmem:$0x10]  }
0x17: {  	v3 =	vld [tilespmem:$0x20]  }
0x18: {  	v4 =	vld [tilespmem:$0x30];
	_ =	sdelay $0x1  }
0x19: {  	v1 =	vmul.f32 $3.931825640e+00, v1  }
0x1a: {  	v2 =	vmul.f32 $3.931825640e+00, v2  }
0x1b: {  	v3 =	vmul.f32 $3.931825640e+00, v3;
	v1 =	vmul.f32 $1.442695020e+00, v1  }
0x1c: {  	v4 =	vmul.f32 $3.931825640e+00, v4;
	v2 =	vmul.f32 $1.442695020e+00, v2  }
0x1d: {  	(erf) = vpow2.f32 v1;
	v1 =	vmul.f32 $1.442695020e+00, v3  }
0x1e: {  	(erf) = vpow2.f32 v2;
	v2 =	vmul.f32 $1.442695020e+00, v4  }
0x1f: {  	(erf) = vpow2.f32 v1  }
0x20: {  	(erf) = vpow2.f32 v2;
	_ =	sdelay $0x5  }
0x21: {  	v1 =	vpop (erf)  }
0x22: {  	v2 =	vpop (erf);
	v1 =	vadd.f32 $-1.000000000e+00, v1  }
0x23: {  	v3 =	vpop (erf);
	v2 =	vadd.f32 $-1.000000000e+00, v2  }
0x24: {  	v1 =	vmul.f32 $9.999999770e-03, v1;
	v3 =	vadd.f32 $-1.000000000e+00, v3;
	v63 =	vpop (erf)  }
0x25: {  	v2 =	vmul.f32 $9.999999770e-03, v2;
	v4 =	vadd.f32 $-1.000000000e+00, v63  }
0x26: {  	[tilespmem:$0x80] =	vst v1;
	v1 =	vmul.f32 $9.999999770e-03, v3  }
0x27: {  	[tilespmem:$0x90] =	vst v2;
	v2 =	vmul.f32 $9.999999770e-03, v4  }
0x28: {  	[tilespmem:$0xA0] =	vst v1  }
0x29: {  	s30 =	simm.s32 $0x10120;
	[tilespmem:$0xB0] =	vst v2  }
0x2a: {  	[tilespmem:s30+$0xFFFFFFF0] =	vst v0  }
0x2b: {  	[tilespmem:s30+$0x0] =	vst v0  }
0x2c: {  	[tilespmem:s30+$0x10] =	vst v0  }
0x2d: {  	s0 =	simm.s32 $0x11120;
	[tilespmem:s30+$0xFFFFFFE0] =	vst v0  }
0x2e: {  	[tilespmem:s0+$0xFFFFFFF0] =	vst v0  }
0x2f: {  	[tilespmem:s0+$0x0] =	vst v0  }
0x30: {  	[tilespmem:s0+$0x10] =	vst v0  }
0x31: {  	s2 =	simm.s32 $0x10160;
	s1 =	simm.s32 $0x0;
	[tilespmem:s0+$0xFFFFFFE0] =	vst v0  }
.LBB2_2:
0x32: {  	[tilespmem:s2+$0xFFFFFFF0] =	vst v0;
	s0 =	sadd.s32 $0x40, s0  }
0x33: {  	s1 =	sadd.s32 $0x40, s1;
	[tilespmem:s0+$0xFFFFFFF0] =	vst v0  }
0x34: {  	p0 =	slt.u32 s1, $0xFC0;
	[tilespmem:s2+$0x0] =	vst v0  }
.Ltmp0:
0x35: {  	[tilespmem:s0+$0x0] =	vst v0;
	(pc) =	sbr.rel @p0 .LBB2_2-.Ltmp0, $4  }
0x36: {  	[tilespmem:s2+$0x10] =	vst v0  }
0x37: {  	[tilespmem:s0+$0x10] =	vst v0  }
0x38: {  	[tilespmem:s2+$0xFFFFFFE0] =	vst v0  }
0x39: {  	s2 =	sadd.s32 $0x40, s2;
	[tilespmem:s0+$0xFFFFFFE0] =	vst v0  }
0x3a: {  	s2 =	simm.s32 $0x0;
	s0 =	rddreg [dreg:$0x5];
	s1 =	simm.s32 $0x100  }
0x3b: {  	[tilespmem:s1], [sflag:$0x1] =	stream.linear.gather [hbm4b:s0+s2], $0x4000, $0x38;
	[tilespmem:$0x12100] =	vst v63  }
0x3c: {  	s0 =	simm.s32 $0x0  }
.LBB2_4:
0x3d: {  	s2 =	sshll.u32 s0, $0x2;
	p0 =	seq.s32 s0, $0x0;
	s12 =	simm.s32 $0x4100  }
0x3e: {  	s4 =	simm.s32 $0x0;
	s1 =	simm.s32 @!p0 $0x6;
	s10 =	sor.u32 $0x1, s2  }
0x3f: {  	s13 =	simm.s32 $0x0;
	_ =	swait.ge @!p0 [sflag:s1], $0x4000;
	s3 =	sshll.u32 s10, $0xB  }
0x40: {  	s14 =	simm.s32 $0x1;
	[sflag:s1] =	ssyncset.done @!p0 $0x0;
	s28 =	sadd.s32 s6, s3  }
0x41: {  	[sflag:s1] =	ssyncadd.s32 @!p0 $0xFFFFC000;
	s11 =	sadd.s32 s31, s28;
	s1 =	smul.u32 $0xFFFF0200, s13  }
0x42: {  	[tilespmem:s12], [sflag:$0x2] =	stream.linear.gather [hbm4b:s11+s4], $0x4000, $0x38;
	[tilespmem:$0x12100] =	vst v63  }
0x43: {  	_ =	swait.ge [sflag:s14], $0x4000  }
0x44: {  	s1 =	sshra.s32 s1, $0x2;
	[sflag:s14] =	ssyncset.done $0x0  }
0x45: {  	[sflag:s14] =	ssyncadd.s32 $0xFFFFC000;
	s14 =	sadd.s32 $0x100, s1  }
0x46: {  	v1 =	vld [tilespmem:s14+$0x40];
	_ =	sdelay $0x4  }
0x47: {  	v2 =	vmul.f32 $1.000000000e+02, v1;
	_ =	sdelay $0x1  }
0x48: {  	v2 =	vadd.f32 $-5.000000000e+01, v2;
	_ =	sdelay $0x1  }
0x49: {  	v3 =	vand.u32 $0x7FFFFFFF, v2  }
0x4a: {  	v3 =	vadd.f32 $1.000000000e+00, v3;
	_ =	sdelay $0x1  }
0x4b: {  	v4 =	vand.u32 $0x7FFFFF, v3  }
0x4c: {  	v4 =	vor.u32 $0x3F800000, v4  }
0x4d: {  	v5 =	vmul.f32 $3.741521600e+00, v4;
	_ =	sdelay $0x1  }
0x4e: {  	v5 =	vsub.f32 $2.215607260e+01, v5  }
0x4f: {  	v3 =	vshra.s32 v3, $0x17  }
0x50: {  	v3 =	vcvt.s32.f32 v3;
	v4 =	vmul.f32 v4, v5;
	_ =	sdelay $0x1  }
0x51: {  	v3 =	vmul.f32 $1.110636040e+01, v3;
	v4 =	vadd.f32 $-1.428822020e+03, v4;
	_ =	sdelay $0x1  }
0x52: {  	v3 =	vadd.f32 v4, v3;
	_ =	sdelay $0x1  }
0x53: {  	v3 =	vadd.f32 $8.388608000e+06, v3;
	_ =	sdelay $0x1  }
0x54: {  	v3 =	vand.u32 $0x3F, v3  }
0x55: {  	v4 =	vld [tilespmem:s14+$0x0];
	_ =	sdelay $0x3  }
0x56: {  	v3 =	vld.idx.msk [tilespmem:v3+s17+$0x0], $0xffff  }
0x57: {  	v5 =	vmul.f32 $1.000000000e+02, v4;
	_ =	sdelay $0x1  }
0x58: {  	v5 =	vadd.f32 $-5.000000000e+01, v5  }
0x59: {  	v2 =	vand.u32 $0x80000000, v2  }
0x5a: {  	v6 =	vand.u32 $0x7FFFFFFF, v5;
	v2 =	vor.u32 v3, v2  }
0x5b: {  	v3 =	vadd.f32 $1.000000000e+00, v6;
	v2 =	vadd.f32 $5.000000000e-01, v2;
	_ =	sdelay $0x1  }
0x5c: {  	s15 =	simm.s32 $0x0;
	v6 =	vand.u32 $0x7FFFFF, v3;
	v7 =	vsub.f32 v1, v2  }
0x5d: {  	s24 =	sshll.u32 s0, $0x9;
	s1 =	sand.u32 $0x1FFFFFF0, s15;
	v6 =	vor.u32 $0x3F800000, v6;
	v1 =	vmul.f32 v1, v1  }
0x5e: {  	s3 =	sadd.s32 s24, s1;
	[tilespmem:s14+$0x40] =	vst v2;
	v8 =	vmul.f32 $3.741521600e+00, v6;
	v2 =	vmul.f32 v7, v7  }
0x5f: {  	[tilespmem:s3+$0x10100] =	vst.add.f32.msk $0xffff, v1  }
0x60: {  	v1 =	vsub.f32 $2.215607260e+01, v8;
	[tilespmem:s3+$0x11100] =	vst.add.f32.msk $0xffff, v2  }
0x61: {  	v2 =	vshra.s32 v3, $0x17;
	v3 =	vld [tilespmem:s14+$0x50]  }
0x62: {  	v2 =	vcvt.s32.f32 v2;
	v1 =	vmul.f32 v6, v1;
	_ =	sdelay $0x1  }
0x63: {  	v2 =	vmul.f32 $1.110636040e+01, v2;
	v1 =	vadd.f32 $-1.428822020e+03, v1;
	_ =	sdelay $0x1  }
0x64: {  	s18 =	simm.s32 $0x0;
	v1 =	vadd.f32 v1, v2;
	v2 =	vmul.f32 $1.000000000e+02, v3  }
0x65: {  	s1 =	smul.u32 $0xFFFF0200, s18  }
0x66: {  	v1 =	vadd.f32 $8.388608000e+06, v1;
	v2 =	vadd.f32 $-5.000000000e+01, v2  }
0x67: {  	s1 =	sshra.s32 s1, $0x2  }
0x68: {  	s11 =	sadd.s32 $0x500, s1;
	v1 =	vand.u32 $0x3F, v1;
	v6 =	vand.u32 $0x7FFFFFFF, v2  }
0x69: {  	v7 =	vld [tilespmem:s11+$0x40];
	v6 =	vadd.f32 $1.000000000e+00, v6;
	_ =	sdelay $0x1  }
0x6a: {  	v8 =	vand.u32 $0x7FFFFF, v6  }
0x6b: {  	v8 =	vor.u32 $0x3F800000, v8  }
0x6c: {  	v1 =	vld.idx.msk [tilespmem:v1+s17+$0x0], $0xffff;
	v9 =	vmul.f32 $3.741521600e+00, v8  }
0x6d: {  	v10 =	vmul.f32 $1.000000000e+02, v7  }
0x6e: {  	v9 =	vsub.f32 $2.215607260e+01, v9  }
0x6f: {  	v10 =	vadd.f32 $-5.000000000e+01, v10;
	v6 =	vshra.s32 v6, $0x17  }
0x70: {  	v5 =	vand.u32 $0x80000000, v5;
	v6 =	vcvt.s32.f32 v6;
	v8 =	vmul.f32 v8, v9  }
0x71: {  	v1 =	vor.u32 v1, v5;
	v5 =	vand.u32 $0x7FFFFFFF, v10  }
0x72: {  	v6 =	vmul.f32 $1.110636040e+01, v6;
	v5 =	vadd.f32 $1.000000000e+00, v5;
	v8 =	vadd.f32 $-1.428822020e+03, v8  }
0x73: {  	v1 =	vadd.f32 $5.000000000e-01, v1  }
0x74: {  	v6 =	vadd.f32 v8, v6;
	v8 =	vand.u32 $0x7FFFFF, v5  }
0x75: {  	v9 =	vsub.f32 v4, v1;
	v8 =	vor.u32 $0x3F800000, v8  }
0x76: {  	v11 =	vld [tilespmem:s11+$0x0];
	v4 =	vmul.f32 v4, v4;
	v6 =	vadd.f32 $8.388608000e+06, v6;
	v12 =	vmul.f32 $3.741521600e+00, v8  }
0x77: {  	[tilespmem:s14+$0x0] =	vst v1;
	v1 =	vmul.f32 v9, v9  }
0x78: {  	[tilespmem:s3+$0x10100] =	vst.add.f32.msk $0xffff, v4;
	v4 =	vand.u32 $0x3F, v6;
	v6 =	vsub.f32 $2.215607260e+01, v12  }
0x79: {  	[tilespmem:s3+$0x11100] =	vst.add.f32.msk $0xffff, v1;
	v1 =	vshra.s32 v5, $0x17  }
0x7a: {  	v9 =	vld [tilespmem:s14+$0x10];
	v1 =	vcvt.s32.f32 v1;
	v5 =	vmul.f32 v8, v6  }
0x7b: {  	v6 =	vmul.f32 $1.000000000e+02, v11  }
0x7c: {  	v1 =	vmul.f32 $1.110636040e+01, v1;
	v5 =	vadd.f32 $-1.428822020e+03, v5  }
0x7d: {  	v6 =	vadd.f32 $-5.000000000e+01, v6;
	v4 =	vld.idx.msk [tilespmem:v4+s17+$0x0], $0xffff  }
0x7e: {  	v1 =	vadd.f32 v5, v1  }
0x7f: {  	v5 =	vmul.f32 $1.000000000e+02, v9;
	v8 =	vand.u32 $0x7FFFFFFF, v6  }
0x80: {  	v8 =	vadd.f32 $1.000000000e+00, v8;
	v1 =	vadd.f32 $8.388608000e+06, v1  }
0x81: {  	v2 =	vand.u32 $0x80000000, v2;
	v5 =	vadd.f32 $-5.000000000e+01, v5  }
0x82: {  	v12 =	vand.u32 $0x7FFFFF, v8;
	v1 =	vand.u32 $0x3F, v1;
	v2 =	vor.u32 v4, v2  }
0x83: {  	v4 =	vor.u32 $0x3F800000, v12;
	v2 =	vadd.f32 $5.000000000e-01, v2  }
0x84: {  	v12 =	vand.u32 $0x7FFFFFFF, v5;
	v13 =	vmul.f32 $3.741521600e+00, v4  }
0x85: {  	v12 =	vadd.f32 $1.000000000e+00, v12;
	v14 =	vsub.f32 v3, v2  }
0x86: {  	v13 =	vsub.f32 $2.215607260e+01, v13;
	v3 =	vmul.f32 v3, v3  }
0x87: {  	v8 =	vshra.s32 v8, $0x17;
	v15 =	vand.u32 $0x7FFFFF, v12;
	[tilespmem:s14+$0x50] =	vst v2;
	v1 =	vld.idx.msk [tilespmem:v1+s17+$0x0], $0xffff;
	v2 =	vmul.f32 v14, v14  }
0x88: {  	v8 =	vcvt.s32.f32 v8;
	v14 =	vor.u32 $0x3F800000, v15;
	v4 =	vmul.f32 v4, v13;
	[tilespmem:s3+$0x10100] =	vst.add.f32.msk $0xffff, v3  }
0x89: {  	v3 =	vmul.f32 $3.741521600e+00, v14;
	[tilespmem:s3+$0x11100] =	vst.add.f32.msk $0xffff, v2  }
0x8a: {  	v2 =	vmul.f32 $1.110636040e+01, v8;
	v4 =	vadd.f32 $-1.428822020e+03, v4;
	v8 =	vld [tilespmem:s14+$0x60]  }
0x8b: {  	v10 =	vand.u32 $0x80000000, v10;
	v3 =	vsub.f32 $2.215607260e+01, v3  }
0x8c: {  	v2 =	vadd.f32 v4, v2;
	v1 =	vor.u32 v1, v10  }
0x8d: {  	v4 =	vshra.s32 v12, $0x17;
	v3 =	vmul.f32 v14, v3;
	v1 =	vadd.f32 $5.000000000e-01, v1  }
0x8e: {  	v4 =	vcvt.s32.f32 v4;
	v2 =	vadd.f32 $8.388608000e+06, v2  }
0x8f: {  	s20 =	simm.s32 $0x1;
	v3 =	vadd.f32 $-1.428822020e+03, v3;
	v10 =	vmul.f32 $1.000000000e+02, v8;
	v12 =	vsub.f32 v7, v1  }
0x90: {  	s1 =	sand.u32 $0x1FFFFFF0, s20;
	v4 =	vmul.f32 $1.110636040e+01, v4;
	v2 =	vand.u32 $0x3F, v2;
	v7 =	vmul.f32 v7, v7  }
0x91: {  	s12 =	sadd.s32 s24, s1;
	[tilespmem:s11+$0x40] =	vst v1;
	v10 =	vadd.f32 $-5.000000000e+01, v10;
	v1 =	vmul.f32 v12, v12  }
0x92: {  	v3 =	vadd.f32 v3, v4;
	[tilespmem:s12+$0x10100] =	vst.add.f32.msk $0xffff, v7  }
0x93: {  	v4 =	vand.u32 $0x7FFFFFFF, v10;
	[tilespmem:s12+$0x11100] =	vst.add.f32.msk $0xffff, v1  }
0x94: {  	v1 =	vadd.f32 $8.388608000e+06, v3;
	v3 =	vadd.f32 $1.000000000e+00, v4;
	v7 =	vld [tilespmem:s11+$0x50]  }
0x95: {  	v2 =	vld.idx.msk [tilespmem:v2+s17+$0x0], $0xffff  }
0x96: {  	v4 =	vand.u32 $0x7FFFFF, v3  }
0x97: {  	v1 =	vand.u32 $0x3F, v1;
	v4 =	vor.u32 $0x3F800000, v4  }
0x98: {  	v12 =	vmul.f32 $3.741521600e+00, v4  }
0x99: {  	v6 =	vand.u32 $0x80000000, v6;
	v13 =	vmul.f32 $1.000000000e+02, v7  }
0x9a: {  	v2 =	vor.u32 v2, v6;
	v6 =	vsub.f32 $2.215607260e+01, v12  }
0x9b: {  	v3 =	vshra.s32 v3, $0x17;
	v2 =	vadd.f32 $5.000000000e-01, v2;
	v12 =	vadd.f32 $-5.000000000e+01, v13  }
0x9c: {  	s25 =	simm.s32 $0x0;
	v3 =	vcvt.s32.f32 v3;
	v1 =	vld.idx.msk [tilespmem:v1+s17+$0x0], $0xffff;
	v4 =	vmul.f32 v4, v6  }
0x9d: {  	s1 =	smul.u32 $0xFFFF0200, s25;
	v6 =	vmul.f32 v11, v11;
	v11 =	vsub.f32 v11, v2;
	v13 =	vand.u32 $0x7FFFFFFF, v12  }
0x9e: {  	v3 =	vmul.f32 $1.110636040e+01, v3;
	v4 =	vadd.f32 $-1.428822020e+03, v4;
	v13 =	vadd.f32 $1.000000000e+00, v13  }
0x9f: {  	s1 =	sshra.s32 s1, $0x2;
	v5 =	vand.u32 $0x80000000, v5;
	[tilespmem:s11+$0x0] =	vst v2  }
0xa0: {  	s7 =	sadd.s32 $0x900, s1;
	v2 =	vmul.f32 v11, v11;
	[tilespmem:s12+$0x10100] =	vst.add.f32.msk $0xffff, v6;
	v3 =	vadd.f32 v4, v3;
	v4 =	vand.u32 $0x7FFFFF, v13  }
0xa1: {  	v1 =	vor.u32 v1, v5;
	v5 =	vld [tilespmem:s7+$0x40];
	v6 =	vor.u32 $0x3F800000, v4  }
0xa2: {  	v1 =	vadd.f32 $5.000000000e-01, v1;
	[tilespmem:s12+$0x11100] =	vst.add.f32.msk $0xffff, v2;
	v3 =	vadd.f32 $8.388608000e+06, v3;
	v4 =	vmul.f32 $3.741521600e+00, v6  }
0xa3: {  	v13 =	vshra.s32 v13, $0x17;
	v2 =	vld [tilespmem:s11+$0x10]  }
0xa4: {  	v11 =	vsub.f32 v9, v1;
	v3 =	vand.u32 $0x3F, v3;
	v14 =	vsub.f32 $2.215607260e+01, v4  }
0xa5: {  	v9 =	vmul.f32 v9, v9;
	[tilespmem:s14+$0x10] =	vst v1;
	v1 =	vcvt.s32.f32 v13  }
0xa6: {  	v11 =	vmul.f32 v11, v11;
	v4 =	vld [tilespmem:s7+$0x0];
	v6 =	vmul.f32 v6, v14  }
0xa7: {  	[tilespmem:s3+$0x10100] =	vst.add.f32.msk $0xffff, v9;
	v9 =	vmul.f32 $1.000000000e+02, v5  }
0xa8: {  	v13 =	vmul.f32 $1.110636040e+01, v1;
	[tilespmem:s3+$0x11100] =	vst.add.f32.msk $0xffff, v11;
	v11 =	vmul.f32 $1.000000000e+02, v2;
	v6 =	vadd.f32 $-1.428822020e+03, v6  }
0xa9: {  	v9 =	vadd.f32 $-5.000000000e+01, v9;
	v14 =	vld.idx.msk [tilespmem:v3+s17+$0x0], $0xffff  }
0xaa: {  	v3 =	vadd.f32 $-5.000000000e+01, v11;
	v6 =	vadd.f32 v6, v13  }
0xab: {  	v1 =	vld [tilespmem:s14+$0x20];
	v11 =	vmul.f32 $1.000000000e+02, v4;
	v13 =	vand.u32 $0x7FFFFFFF, v9  }
0xac: {  	v15 =	vand.u32 $0x7FFFFFFF, v3;
	v13 =	vadd.f32 $1.000000000e+00, v13;
	v6 =	vadd.f32 $8.388608000e+06, v6  }
0xad: {  	v10 =	vand.u32 $0x80000000, v10;
	v16 =	vadd.f32 $-5.000000000e+01, v11;
	v15 =	vadd.f32 $1.000000000e+00, v15  }
0xae: {  	v11 =	vand.u32 $0x7FFFFF, v13;
	v6 =	vand.u32 $0x3F, v6;
	v10 =	vor.u32 v14, v10  }
0xaf: {  	v18 =	vand.u32 $0x7FFFFFFF, v16;
	v11 =	vor.u32 $0x3F800000, v11;
	v10 =	vadd.f32 $5.000000000e-01, v10  }
0xb0: {  	v13 =	vshra.s32 v13, $0x17;
	v14 =	vmul.f32 $1.000000000e+02, v1;
	v19 =	vmul.f32 $3.741521600e+00, v11  }
0xb1: {  	v17 =	vand.u32 $0x7FFFFF, v15;
	v18 =	vadd.f32 $1.000000000e+00, v18;
	v20 =	vsub.f32 v8, v10  }
0xb2: {  	v13 =	vcvt.s32.f32 v13;
	v19 =	vsub.f32 $2.215607260e+01, v19;
	v8 =	vmul.f32 v8, v8  }
0xb3: {  	v17 =	vor.u32 $0x3F800000, v17;
	v22 =	vand.u32 $0x7FFFFF, v18;
	[tilespmem:s14+$0x60] =	vst v10;
	v6 =	vld.idx.msk [tilespmem:v6+s17+$0x0], $0xffff;
	v10 =	vmul.f32 v20, v20  }
0xb4: {  	v21 =	vmul.f32 $3.741521600e+00, v17;
	v20 =	vor.u32 $0x3F800000, v22;
	v11 =	vmul.f32 v11, v19;
	[tilespmem:s3+$0x10100] =	vst.add.f32.msk $0xffff, v8  }
0xb5: {  	v12 =	vand.u32 $0x80000000, v12;
	v13 =	vmul.f32 $1.110636040e+01, v13;
	v19 =	vmul.f32 $3.741521600e+00, v20;
	[tilespmem:s3+$0x11100] =	vst.add.f32.msk $0xffff, v10  }
0xb6: {  	v18 =	vshra.s32 v18, $0x17;
	v10 =	vadd.f32 $-5.000000000e+01, v14;
	v14 =	vadd.f32 $-1.428822020e+03, v11;
	v11 =	vld [tilespmem:s14+$0x70]  }
0xb7: {  	v8 =	vshra.s32 v15, $0x17;
	v15 =	vsub.f32 $2.215607260e+01, v21;
	v19 =	vsub.f32 $2.215607260e+01, v19  }
0xb8: {  	v18 =	vcvt.s32.f32 v18;
	v13 =	vadd.f32 v14, v13;
	v6 =	vor.u32 v6, v12  }
0xb9: {  	v12 =	vmul.f32 v17, v15;
	v14 =	vmul.f32 v20, v19;
	v6 =	vadd.f32 $5.000000000e-01, v6  }
0xba: {  	v15 =	vand.u32 $0x7FFFFFFF, v10;
	v17 =	vmul.f32 $1.110636040e+01, v18;
	v13 =	vadd.f32 $8.388608000e+06, v13  }
0xbb: {  	v14 =	vadd.f32 $-1.428822020e+03, v14;
	v18 =	vmul.f32 $1.000000000e+02, v11;
	v19 =	vsub.f32 v7, v6  }
0xbc: {  	v15 =	vadd.f32 $1.000000000e+00, v15;
	v13 =	vand.u32 $0x3F, v13;
	v7 =	vmul.f32 v7, v7  }
0xbd: {  	[tilespmem:s11+$0x50] =	vst v6;
	v14 =	vadd.f32 v14, v17;
	v17 =	vadd.f32 $-5.000000000e+01, v18;
	v6 =	vmul.f32 v19, v19  }
0xbe: {  	v8 =	vcvt.s32.f32 v8;
	v18 =	vand.u32 $0x7FFFFF, v15;
	[tilespmem:s12+$0x10100] =	vst.add.f32.msk $0xffff, v7  }
0xbf: {  	v18 =	vor.u32 $0x3F800000, v18;
	v14 =	vadd.f32 $8.388608000e+06, v14;
	v7 =	vand.u32 $0x7FFFFFFF, v17;
	[tilespmem:s12+$0x11100] =	vst.add.f32.msk $0xffff, v6  }
0xc0: {  	v6 =	vmul.f32 $1.110636040e+01, v8;
	v8 =	vmul.f32 $3.741521600e+00, v18;
	v19 =	vadd.f32 $1.000000000e+00, v7;
	v7 =	vld [tilespmem:s11+$0x60]  }
0xc1: {  	v12 =	vadd.f32 $-1.428822020e+03, v12;
	v13 =	vld.idx.msk [tilespmem:v13+s17+$0x0], $0xffff  }
0xc2: {  	v15 =	vshra.s32 v15, $0x17;
	v14 =	vand.u32 $0x3F, v14;
	v8 =	vsub.f32 $2.215607260e+01, v8  }
0xc3: {  	v15 =	vcvt.s32.f32 v15;
	v6 =	vadd.f32 v12, v6;
	v12 =	vand.u32 $0x7FFFFF, v19  }
0xc4: {  	v9 =	vand.u32 $0x80000000, v9;
	v12 =	vor.u32 $0x3F800000, v12;
	v8 =	vmul.f32 v18, v8  }
0xc5: {  	v15 =	vmul.f32 $1.110636040e+01, v15;
	v6 =	vadd.f32 $8.388608000e+06, v6;
	v18 =	vmul.f32 $3.741521600e+00, v12  }
0xc6: {  	v20 =	vmul.f32 $1.000000000e+02, v7;
	v8 =	vadd.f32 $-1.428822020e+03, v8;
	v9 =	vor.u32 v13, v9  }
0xc7: {  	v16 =	vand.u32 $0x80000000, v16;
	v14 =	vld.idx.msk [tilespmem:v14+s17+$0x0], $0xffff;
	v18 =	vsub.f32 $2.215607260e+01, v18;
	v9 =	vadd.f32 $5.000000000e-01, v9  }
0xc8: {  	v13 =	vadd.f32 $-5.000000000e+01, v20;
	v8 =	vadd.f32 v8, v15;
	v15 =	vshra.s32 v19, $0x17  }
0xc9: {  	v6 =	vand.u32 $0x3F, v6;
	v12 =	vmul.f32 v12, v18;
	v15 =	vcvt.s32.f32 v15  }
0xca: {  	s26 =	simm.s32 $0x2;
	v18 =	vsub.f32 v5, v9;
	v19 =	vand.u32 $0x7FFFFFFF, v13;
	v8 =	vadd.f32 $8.388608000e+06, v8  }
0xcb: {  	s1 =	sand.u32 $0x1FFFFFF0, s26;
	v5 =	vmul.f32 v5, v5;
	v12 =	vadd.f32 $-1.428822020e+03, v12;
	v19 =	vadd.f32 $1.000000000e+00, v19  }
0xcc: {  	s25 =	sadd.s32 s24, s1;
	[tilespmem:s7+$0x40] =	vst v9;
	v15 =	vmul.f32 $1.110636040e+01, v15;
	v14 =	vor.u32 v14, v16;
	v9 =	vmul.f32 v18, v18  }
0xcd: {  	[tilespmem:s25+$0x10100] =	vst.add.f32.msk $0xffff, v5;
	v14 =	vadd.f32 $5.000000000e-01, v14;
	v8 =	vand.u32 $0x3F, v8;
	v5 =	vand.u32 $0x7FFFFF, v19  }
0xce: {  	v12 =	vadd.f32 v12, v15;
	[tilespmem:s25+$0x11100] =	vst.add.f32.msk $0xffff, v9;
	v5 =	vor.u32 $0x3F800000, v5  }
0xcf: {  	v15 =	vsub.f32 v4, v14;
	v9 =	vld [tilespmem:s7+$0x50];
	v4 =	vmul.f32 v4, v4;
	v16 =	vmul.f32 $3.741521600e+00, v5  }
0xd0: {  	v6 =	vld.idx.msk [tilespmem:v6+s17+$0x0], $0xffff;
	[tilespmem:s7+$0x0] =	vst v14;
	v12 =	vadd.f32 $8.388608000e+06, v12  }
0xd1: {  	v14 =	vmul.f32 v15, v15;
	[tilespmem:s25+$0x10100] =	vst.add.f32.msk $0xffff, v4;
	v15 =	vsub.f32 $2.215607260e+01, v16  }
0xd2: {  	v4 =	vand.u32 $0x3F, v12;
	v12 =	vshra.s32 v19, $0x17;
	v8 =	vld.idx.msk [tilespmem:v8+s17+$0x0], $0xffff  }
0xd3: {  	v12 =	vcvt.s32.f32 v12;
	v5 =	vmul.f32 v5, v15  }
0xd4: {  	s4 =	simm.s32 $0x0;
	v13 =	vand.u32 $0x80000000, v13;
	[tilespmem:s25+$0x11100] =	vst.add.f32.msk $0xffff, v14;
	v14 =	vand.u32 $0x80000000, v3;
	v15 =	vmul.f32 $1.000000000e+02, v9  }
0xd5: {  	s1 =	smul.u32 $0xFFFF0200, s4;
	v3 =	vld [tilespmem:s7+$0x10];
	v6 =	vor.u32 v6, v14;
	v14 =	vmul.f32 $1.110636040e+01, v12;
	v5 =	vadd.f32 $-1.428822020e+03, v5  }
0xd6: {  	v18 =	vadd.f32 $5.000000000e-01, v6;
	v6 =	vand.u32 $0x80000000, v10;
	v15 =	vadd.f32 $-5.000000000e+01, v15  }
0xd7: {  	s1 =	sshra.s32 s1, $0x2;
	v16 =	vmul.f32 v2, v2;
	v19 =	vld.idx.msk [tilespmem:v4+s17+$0x0], $0xffff;
	v8 =	vor.u32 v8, v6;
	v5 =	vadd.f32 v5, v14  }
0xd8: {  	s26 =	sadd.s32 $0xD00, s1;
	v2 =	vsub.f32 v2, v18;
	v10 =	vand.u32 $0x7FFFFFFF, v15;
	v24 =	vadd.f32 $5.000000000e-01, v8  }
0xd9: {  	v12 =	vmul.f32 v1, v1;
	v20 =	vadd.f32 $1.000000000e+00, v10;
	v10 =	vld [tilespmem:s26+$0x40];
	v5 =	vadd.f32 $8.388608000e+06, v5  }
0xda: {  	v6 =	vand.u32 $0x80000000, v17;
	v14 =	vmul.f32 $1.000000000e+02, v3;
	v21 =	vmul.f32 v2, v2  }
0xdb: {  	[tilespmem:s11+$0x10] =	vst v18;
	v18 =	vsub.f32 v1, v24;
	v17 =	vand.u32 $0x7FFFFF, v20;
	v22 =	vand.u32 $0x3F, v5  }
0xdc: {  	[tilespmem:s12+$0x10100] =	vst.add.f32.msk $0xffff, v16;
	v14 =	vadd.f32 $-5.000000000e+01, v14;
	v5 =	vor.u32 v19, v6;
	v17 =	vor.u32 $0x3F800000, v17  }
0xdd: {  	v1 =	vshra.s32 v20, $0x17;
	v6 =	vadd.f32 $5.000000000e-01, v5;
	v23 =	vmul.f32 $3.741521600e+00, v17;
	v5 =	vld [tilespmem:s26+$0x0]  }
0xde: {  	[tilespmem:s12+$0x11100] =	vst.add.f32.msk $0xffff, v21;
	v19 =	vand.u32 $0x7FFFFFFF, v14;
	v8 =	vand.u32 $0x80000000, v14;
	v25 =	vmul.f32 $1.000000000e+02, v10  }
0xdf: {  	v19 =	vadd.f32 $1.000000000e+00, v19;
	v14 =	vsub.f32 $2.215607260e+01, v23;
	v23 =	vcvt.s32.f32 v1;
	v1 =	vld [tilespmem:s11+$0x20]  }
0xe0: {  	v4 =	vmul.f32 v11, v11;
	v15 =	vand.u32 $0x80000000, v15;
	v20 =	vld.idx.msk [tilespmem:v22+s17+$0x0], $0xffff;
	v22 =	vadd.f32 $-5.000000000e+01, v25  }
0xe1: {  	v11 =	vsub.f32 v11, v6;
	v16 =	vand.u32 $0x7FFFFF, v19;
	v14 =	vmul.f32 v17, v14  }
0xe2: {  	v16 =	vor.u32 $0x3F800000, v16;
	v17 =	vmul.f32 $1.000000000e+02, v5;
	v21 =	vand.u32 $0x7FFFFFFF, v22  }
0xe3: {  	v23 =	vmul.f32 $1.110636040e+01, v23;
	v14 =	vadd.f32 $-1.428822020e+03, v14;
	v21 =	vadd.f32 $1.000000000e+00, v21  }
0xe4: {  	v25 =	vmul.f32 $3.741521600e+00, v16;
	v17 =	vadd.f32 $-5.000000000e+01, v17;
	v27 =	vmul.f32 $1.000000000e+02, v1  }
0xe5: {  	v14 =	vadd.f32 v14, v23;
	v23 =	vand.u32 $0x7FFFFF, v21;
	v13 =	vor.u32 v20, v13  }
0xe6: {  	v20 =	vsub.f32 $2.215607260e+01, v25;
	v23 =	vor.u32 $0x3F800000, v23;
	v13 =	vadd.f32 $5.000000000e-01, v13  }
0xe7: {  	v25 =	vand.u32 $0x7FFFFFFF, v17;
	v14 =	vadd.f32 $8.388608000e+06, v14;
	v26 =	vmul.f32 $3.741521600e+00, v23  }
0xe8: {  	v21 =	vshra.s32 v21, $0x17;
	v25 =	vadd.f32 $1.000000000e+00, v25;
	v28 =	vsub.f32 v7, v13  }
0xe9: {  	v29 =	vand.u32 $0x3F, v14;
	v7 =	vmul.f32 v7, v7;
	v14 =	vsub.f32 $2.215607260e+01, v26  }
0xea: {  	v21 =	vcvt.s32.f32 v21;
	[tilespmem:s11+$0x60] =	vst v13;
	v26 =	vand.u32 $0x7FFFFF, v25;
	v13 =	vmul.f32 v28, v28  }
0xeb: {  	v26 =	vor.u32 $0x3F800000, v26;
	[tilespmem:s12+$0x10100] =	vst.add.f32.msk $0xffff, v7;
	v7 =	vmul.f32 v11, v11;
	v14 =	vmul.f32 v23, v14  }
0xec: {  	v11 =	vshra.s32 v19, $0x17;
	v19 =	vmul.f32 $3.741521600e+00, v26;
	v23 =	vshra.s32 v25, $0x17;
	[tilespmem:s12+$0x11100] =	vst.add.f32.msk $0xffff, v13  }
0xed: {  	v11 =	vcvt.s32.f32 v11;
	v13 =	vmul.f32 v16, v20;
	v16 =	vadd.f32 $-1.428822020e+03, v14;
	v14 =	vld [tilespmem:s11+$0x70]  }
0xee: {  	v20 =	vmul.f32 $1.110636040e+01, v21;
	v21 =	vadd.f32 $-5.000000000e+01, v27;
	v19 =	vsub.f32 $2.215607260e+01, v19;
	v25 =	vld.idx.msk [tilespmem:v29+s17+$0x0], $0xffff  }
0xef: {  	v23 =	vcvt.s32.f32 v23;
	v11 =	vmul.f32 $1.110636040e+01, v11;
	v13 =	vadd.f32 $-1.428822020e+03, v13  }
0xf0: {  	v16 =	vadd.f32 v16, v20;
	v20 =	vand.u32 $0x7FFFFFFF, v21;
	v19 =	vmul.f32 v26, v19  }
0xf1: {  	v18 =	vmul.f32 v18, v18;
	v20 =	vadd.f32 $1.000000000e+00, v20;
	v11 =	vadd.f32 v13, v11  }
0xf2: {  	v23 =	vmul.f32 $1.110636040e+01, v23;
	v16 =	vadd.f32 $8.388608000e+06, v16;
	v19 =	vadd.f32 $-1.428822020e+03, v19  }
0xf3: {  	v26 =	vmul.f32 $1.000000000e+02, v14;
	v15 =	vor.u32 v25, v15;
	v25 =	vand.u32 $0x7FFFFF, v20  }
0xf4: {  	v11 =	vadd.f32 $8.388608000e+06, v11;
	v16 =	vand.u32 $0x3F, v16;
	v15 =	vadd.f32 $5.000000000e-01, v15  }
0xf5: {  	[tilespmem:s14+$0x20] =	vst v24;
	v13 =	vor.u32 $0x3F800000, v25;
	v19 =	vadd.f32 v19, v23;
	v26 =	vadd.f32 $-5.000000000e+01, v26  }
0xf6: {  	[tilespmem:s3+$0x11100] =	vst.add.f32.msk $0xffff, v18;
	v11 =	vand.u32 $0x3F, v11;
	v25 =	vsub.f32 v9, v15;
	v9 =	vmul.f32 v9, v9  }
0xf7: {  	v19 =	vadd.f32 $8.388608000e+06, v19;
	[tilespmem:s7+$0x50] =	vst v15;
	v27 =	vand.u32 $0x7FFFFFFF, v26  }
0xf8: {  	v23 =	vmul.f32 $3.741521600e+00, v13;
	v27 =	vadd.f32 $1.000000000e+00, v27;
	v15 =	vmul.f32 v25, v25;
	[tilespmem:s25+$0x10100] =	vst.add.f32.msk $0xffff, v9  }
0xf9: {  	v2 =	vmul.f32 v3, v3;
	v22 =	vand.u32 $0x80000000, v22;
	v19 =	vand.u32 $0x3F, v19;
	v54 =	vld.idx.msk [tilespmem:v16+s17+$0x0], $0xffff  }
0xfa: {  	v20 =	vshra.s32 v20, $0x17;
	v16 =	vsub.f32 $2.215607260e+01, v23;
	v9 =	vand.u32 $0x7FFFFF, v27;
	[tilespmem:s25+$0x11100] =	vst.add.f32.msk $0xffff, v15  }
0xfb: {  	v17 =	vand.u32 $0x80000000, v17;
	v20 =	vcvt.s32.f32 v20;
	v11 =	vld.idx.msk [tilespmem:v11+s17+$0x0], $0xffff;
	v9 =	vor.u32 $0x3F800000, v9  }
0xfc: {  	v18 =	vshra.s32 v27, $0x17;
	v13 =	vmul.f32 v13, v16;
	v16 =	vld [tilespmem:s7+$0x60];
	v15 =	vmul.f32 $3.741521600e+00, v9  }
0xfd: {  	[tilespmem:s3+$0x10100] =	vst.add.f32.msk $0xffff, v12;
	v21 =	vand.u32 $0x80000000, v21;
	v20 =	vmul.f32 $1.110636040e+01, v20;
	v18 =	vcvt.s32.f32 v18  }
0xfe: {  	v12 =	vadd.f32 $-1.428822020e+03, v13;
	v19 =	vld.idx.msk [tilespmem:v19+s17+$0x0], $0xffff;
	v13 =	vsub.f32 $2.215607260e+01, v15;
	v15 =	vor.u32 v54, v22  }
0xff: {  	v23 =	vmul.f32 v5, v5;
	v18 =	vmul.f32 $1.110636040e+01, v18;
	v15 =	vadd.f32 $5.000000000e-01, v15  }
0x100: {  	v12 =	vadd.f32 v12, v20;
	v8 =	vor.u32 v11, v8;
	v13 =	vmul.f32 v9, v13  }
0x101: {  	s8 =	simm.s32 $0x3;
	v9 =	vld [tilespmem:s14+$0x30];
	v20 =	vmul.f32 $1.000000000e+02, v16;
	v8 =	vadd.f32 $5.000000000e-01, v8;
	v22 =	vsub.f32 v10, v15  }
0x102: {  	s1 =	sand.u32 $0x1FFFFFF0, s8;
	v12 =	vadd.f32 $8.388608000e+06, v12;
	v10 =	vmul.f32 v10, v10;
	[tilespmem:s26+$0x40] =	vst v15;
	v15 =	vmul.f32 v1, v1  }
0x103: {  	s13 =	sadd.s32 s24, s1;
	v13 =	vadd.f32 $-1.428822020e+03, v13;
	v25 =	vadd.f32 $-5.000000000e+01, v20;
	v17 =	vor.u32 v19, v17;
	[tilespmem:s7+$0x10] =	vst v8  }
0x104: {  	v20 =	vmul.f32 v22, v22;
	v12 =	vand.u32 $0x3F, v12;
	[tilespmem:s13+$0x10100] =	vst.add.f32.msk $0xffff, v10;
	v19 =	vadd.f32 $5.000000000e-01, v17  }
0x105: {  	v3 =	vsub.f32 v3, v8;
	[tilespmem:s25+$0x10100] =	vst.add.f32.msk $0xffff, v2;
	v13 =	vadd.f32 v13, v18;
	v17 =	vand.u32 $0x7FFFFFFF, v25  }
0x106: {  	[tilespmem:s13+$0x11100] =	vst.add.f32.msk $0xffff, v20;
	v18 =	vmul.f32 $1.000000000e+02, v9;
	v20 =	vadd.f32 $1.000000000e+00, v17;
	v5 =	vsub.f32 v5, v19  }
0x107: {  	v10 =	vmul.f32 v14, v14;
	v2 =	vand.u32 $0x80000000, v26;
	[tilespmem:s26+$0x0] =	vst v19;
	v17 =	vld [tilespmem:s26+$0x50];
	v11 =	vadd.f32 $8.388608000e+06, v13  }
0x108: {  	[tilespmem:s13+$0x10100] =	vst.add.f32.msk $0xffff, v23;
	v13 =	vand.u32 $0x7FFFFF, v20;
	v18 =	vadd.f32 $-5.000000000e+01, v18;
	v5 =	vmul.f32 v5, v5  }
0x109: {  	v27 =	vmul.f32 v3, v3;
	v19 =	vand.u32 $0x3F, v11;
	v13 =	vor.u32 $0x3F800000, v13;
	v22 =	vld.idx.msk [tilespmem:v12+s17+$0x0], $0xffff  }
0x10a: {  	s9 =	simm.s32 $0x0;
	v20 =	vshra.s32 v20, $0x17;
	v23 =	vmul.f32 $3.741521600e+00, v13;
	v12 =	vand.u32 $0x7FFFFFFF, v18;
	[tilespmem:s13+$0x11100] =	vst.add.f32.msk $0xffff, v5  }
0x10b: {  	s1 =	smul.u32 $0xFFFF0200, s9;
	v25 =	vand.u32 $0x80000000, v25;
	v20 =	vcvt.s32.f32 v20;
	v5 =	vadd.f32 $1.000000000e+00, v12;
	v3 =	vld [tilespmem:s26+$0x10]  }
0x10c: {  	v12 =	vand.u32 $0x80000000, v18;
	v24 =	vmul.f32 $1.000000000e+02, v17;
	v18 =	vsub.f32 $2.215607260e+01, v23  }
0x10d: {  	s1 =	sshra.s32 s1, $0x2;
	v11 =	vmul.f32 v9, v9;
	v20 =	vmul.f32 $1.110636040e+01, v20;
	v23 =	vshra.s32 v5, $0x17  }
0x10e: {  	s29 =	sadd.s32 $0x1100, s1;
	v55 =	vadd.f32 $-5.000000000e+01, v24;
	v13 =	vmul.f32 v13, v18;
	v19 =	vld.idx.msk [tilespmem:v19+s17+$0x0], $0xffff;
	v21 =	vor.u32 v22, v21  }
0x10f: {  	v5 =	vand.u32 $0x7FFFFF, v5;
	v24 =	vcvt.s32.f32 v23;
	v23 =	vld [tilespmem:s29+$0x40];
	v30 =	vadd.f32 $5.000000000e-01, v21  }
0x110: {  	v18 =	vand.u32 $0x7FFFFFFF, v55;
	v13 =	vadd.f32 $-1.428822020e+03, v13;
	v56 =	vmul.f32 $1.000000000e+02, v3  }
0x111: {  	v28 =	vand.u32 $0x80000000, v55;
	v22 =	vadd.f32 $1.000000000e+00, v18;
	v18 =	vor.u32 $0x3F800000, v5  }
0x112: {  	v5 =	vmul.f32 v3, v3;
	v1 =	vsub.f32 v1, v30;
	v8 =	vadd.f32 v13, v20  }
0x113: {  	v21 =	vld [tilespmem:s29+$0x0];
	v20 =	vadd.f32 $-5.000000000e+01, v56;
	v40 =	vmul.f32 $3.741521600e+00, v18;
	v13 =	vand.u32 $0x7FFFFF, v22  }
0x114: {  	[tilespmem:s25+$0x11100] =	vst.add.f32.msk $0xffff, v27;
	v2 =	vor.u32 v19, v2;
	v27 =	vmul.f32 $1.000000000e+02, v23;
	v26 =	vor.u32 $0x3F800000, v13  }
0x115: {  	v22 =	vshra.s32 v22, $0x17;
	v19 =	vadd.f32 $8.388608000e+06, v8;
	v57 =	vmul.f32 $3.741521600e+00, v26  }
0x116: {  	v1 =	vmul.f32 v1, v1;
	v13 =	vadd.f32 $5.000000000e-01, v2;
	v2 =	vand.u32 $0x7FFFFFFF, v20  }
0x117: {  	[tilespmem:s11+$0x20] =	vst v30;
	v22 =	vcvt.s32.f32 v22;
	v19 =	vand.u32 $0x3F, v19;
	v29 =	vsub.f32 $2.215607260e+01, v57  }
0x118: {  	[tilespmem:s12+$0x10100] =	vst.add.f32.msk $0xffff, v15;
	v20 =	vand.u32 $0x80000000, v20;
	v31 =	vmul.f32 $1.000000000e+02, v21;
	v37 =	vmul.f32 v21, v21  }
0x119: {  	v8 =	vld [tilespmem:s7+$0x20];
	v15 =	vsub.f32 $2.215607260e+01, v40;
	v27 =	vadd.f32 $-5.000000000e+01, v27;
	v26 =	vmul.f32 v26, v29  }
0x11a: {  	v2 =	vadd.f32 $1.000000000e+00, v2;
	[tilespmem:s12+$0x11100] =	vst.add.f32.msk $0xffff, v1;
	v1 =	vmul.f32 $1.110636040e+01, v24;
	v22 =	vmul.f32 $1.110636040e+01, v22  }
0x11b: {  	v31 =	vadd.f32 $-5.000000000e+01, v31;
	v32 =	vand.u32 $0x7FFFFFFF, v27;
	v26 =	vadd.f32 $-1.428822020e+03, v26  }
0x11c: {  	v14 =	vsub.f32 v14, v13;
	v15 =	vmul.f32 v18, v15;
	v32 =	vadd.f32 $1.000000000e+00, v32;
	v19 =	vld.idx.msk [tilespmem:v19+s17+$0x0], $0xffff  }
0x11d: {  	v58 =	vand.u32 $0x7FFFFF, v2;
	v35 =	vand.u32 $0x7FFFFFFF, v31;
	v22 =	vadd.f32 v26, v22  }
0x11e: {  	v33 =	vmul.f32 $1.000000000e+02, v8;
	v35 =	vadd.f32 $1.000000000e+00, v35;
	v26 =	vand.u32 $0x7FFFFF, v32  }
0x11f: {  	v29 =	vor.u32 $0x3F800000, v58;
	v26 =	vor.u32 $0x3F800000, v26;
	v22 =	vadd.f32 $8.388608000e+06, v22  }
0x120: {  	v34 =	vmul.f32 $3.741521600e+00, v29;
	v59 =	vand.u32 $0x7FFFFF, v35;
	v36 =	vmul.f32 $3.741521600e+00, v26  }
0x121: {  	v32 =	vshra.s32 v32, $0x17;
	v19 =	vor.u32 v19, v25;
	v22 =	vand.u32 $0x3F, v22  }
0x122: {  	v25 =	vsub.f32 $2.215607260e+01, v36;
	v19 =	vadd.f32 $5.000000000e-01, v19;
	v36 =	vor.u32 $0x3F800000, v59  }
0x123: {  	v33 =	vadd.f32 $-5.000000000e+01, v33;
	v32 =	vcvt.s32.f32 v32;
	v60 =	vmul.f32 $3.741521600e+00, v36  }
0x124: {  	v25 =	vmul.f32 v26, v25;
	v38 =	vsub.f32 v16, v19;
	v16 =	vmul.f32 v16, v16  }
0x125: {  	v2 =	vshra.s32 v2, $0x17;
	v26 =	vsub.f32 $2.215607260e+01, v34;
	[tilespmem:s7+$0x60] =	vst v19;
	v34 =	vsub.f32 $2.215607260e+01, v60  }
0x126: {  	v32 =	vmul.f32 $1.110636040e+01, v32;
	v25 =	vadd.f32 $-1.428822020e+03, v25;
	v19 =	vmul.f32 v38, v38;
	[tilespmem:s25+$0x10100] =	vst.add.f32.msk $0xffff, v16  }
0x127: {  	v35 =	vshra.s32 v35, $0x17;
	v61 =	vand.u32 $0x7FFFFFFF, v33;
	v22 =	vld.idx.msk [tilespmem:v22+s17+$0x0], $0xffff;
	v62 =	vmul.f32 v36, v34  }
0x128: {  	v16 =	vadd.f32 v25, v32;
	v25 =	vmul.f32 v29, v26;
	v26 =	vcvt.s32.f32 v35;
	[tilespmem:s25+$0x11100] =	vst.add.f32.msk $0xffff, v19  }
0x129: {  	v27 =	vand.u32 $0x80000000, v27;
	v2 =	vcvt.s32.f32 v2;
	v29 =	vadd.f32 $1.000000000e+00, v61;
	v19 =	vld [tilespmem:s7+$0x70]  }
0x12a: {  	v32 =	vadd.f32 $-1.428822020e+03, v62;
	v16 =	vadd.f32 $8.388608000e+06, v16;
	v26 =	vmul.f32 $1.110636040e+01, v26  }
0x12b: {  	v2 =	vmul.f32 $1.110636040e+01, v2;
	v25 =	vadd.f32 $-1.428822020e+03, v25;
	v63 =	vshra.s32 v29, $0x17  }
0x12c: {  	v16 =	vand.u32 $0x3F, v16;
	v22 =	vor.u32 v22, v28;
	v26 =	vadd.f32 v32, v26  }
0x12d: {  	v29 =	vand.u32 $0x7FFFFF, v29;
	v2 =	vadd.f32 v25, v2;
	v22 =	vadd.f32 $5.000000000e-01, v22  }
0x12e: {  	v29 =	vor.u32 $0x3F800000, v29;
	v25 =	vmul.f32 $1.000000000e+02, v19;
	v26 =	vadd.f32 $8.388608000e+06, v26  }
0x12f: {  	v38 =	vmul.f32 $3.741521600e+00, v29;
	v2 =	vadd.f32 $8.388608000e+06, v2;
	v36 =	vsub.f32 v17, v22  }
0x130: {  	v17 =	vmul.f32 v17, v17;
	v25 =	vadd.f32 $-5.000000000e+01, v25;
	v26 =	vand.u32 $0x3F, v26  }
0x131: {  	v15 =	vadd.f32 $-1.428822020e+03, v15;
	[tilespmem:s26+$0x50] =	vst v22;
	v2 =	vand.u32 $0x3F, v2;
	v16 =	vld.idx.msk [tilespmem:v16+s17+$0x0], $0xffff;
	v22 =	vmul.f32 v36, v36  }
0x132: {  	v14 =	vmul.f32 v14, v14;
	[tilespmem:s13+$0x10100] =	vst.add.f32.msk $0xffff, v17;
	v17 =	vsub.f32 $2.215607260e+01, v38;
	v39 =	vand.u32 $0x7FFFFFFF, v25  }
0x133: {  	v31 =	vand.u32 $0x80000000, v31;
	v28 =	vcvt.s32.f32 v63;
	[tilespmem:s13+$0x11100] =	vst.add.f32.msk $0xffff, v22;
	v32 =	vadd.f32 $1.000000000e+00, v39  }
0x134: {  	v46 =	vadd.f32 v15, v1;
	v33 =	vand.u32 $0x80000000, v33;
	v17 =	vmul.f32 v29, v17;
	v22 =	vld [tilespmem:s26+$0x60]  }
0x135: {  	v28 =	vmul.f32 $1.110636040e+01, v28;
	v25 =	vand.u32 $0x80000000, v25;
	v41 =	vand.u32 $0x7FFFFF, v32;
	v26 =	vld.idx.msk [tilespmem:v26+s17+$0x0], $0xffff  }
0x136: {  	v42 =	vadd.f32 $-1.428822020e+03, v17;
	v44 =	vld.idx.msk [tilespmem:v2+s17+$0x0], $0xffff;
	v34 =	vor.u32 $0x3F800000, v41;
	v16 =	vor.u32 v16, v27  }
0x137: {  	v32 =	vshra.s32 v32, $0x17;
	v2 =	vld [tilespmem:s11+$0x30];
	v27 =	vmul.f32 $3.741521600e+00, v34;
	v16 =	vadd.f32 $5.000000000e-01, v16  }
0x138: {  	v17 =	vmul.f32 v8, v8;
	v32 =	vcvt.s32.f32 v32;
	v28 =	vadd.f32 v42, v28  }
0x139: {  	s15 =	simm.s32 $0x4;
	v43 =	vmul.f32 $1.000000000e+02, v22;
	v24 =	vsub.f32 $2.215607260e+01, v27;
	v27 =	vsub.f32 v23, v16  }
0x13a: {  	s1 =	sand.u32 $0x1FFFFFF0, s15;
	v23 =	vmul.f32 v23, v23;
	v28 =	vadd.f32 $8.388608000e+06, v28;
	v26 =	vor.u32 v26, v31  }
0x13b: {  	s30 =	sadd.s32 s24, s1;
	[tilespmem:s29+$0x40] =	vst v16;
	v29 =	vadd.f32 $-5.000000000e+01, v43;
	v27 =	vmul.f32 v27, v27;
	v26 =	vadd.f32 $5.000000000e-01, v26  }
0x13c: {  	v15 =	vor.u32 v44, v20;
	v20 =	vmul.f32 $1.000000000e+02, v2;
	v24 =	vmul.f32 v34, v24;
	[tilespmem:s30+$0x10100] =	vst.add.f32.msk $0xffff, v23  }
0x13d: {  	v30 =	vadd.f32 $5.000000000e-01, v15;
	v23 =	vand.u32 $0x7FFFFFFF, v29;
	[tilespmem:s30+$0x11100] =	vst.add.f32.msk $0xffff, v27;
	v27 =	vsub.f32 v21, v26  }
0x13e: {  	v18 =	vadd.f32 $1.000000000e+00, v23;
	v23 =	vadd.f32 $-1.428822020e+03, v24;
	v24 =	vmul.f32 $1.110636040e+01, v32;
	v21 =	vld [tilespmem:s29+$0x50]  }
0x13f: {  	v16 =	vmul.f32 v19, v19;
	v20 =	vadd.f32 $-5.000000000e+01, v20;
	v3 =	vsub.f32 v3, v30  }
0x140: {  	[tilespmem:s29+$0x0] =	vst v26;
	v45 =	vand.u32 $0x7FFFFF, v18;
	v23 =	vadd.f32 v23, v24;
	v24 =	vmul.f32 v27, v27  }
0x141: {  	[tilespmem:s30+$0x10100] =	vst.add.f32.msk $0xffff, v37;
	v50 =	vmul.f32 v3, v3;
	v27 =	vand.u32 $0x3F, v28;
	v26 =	vor.u32 $0x3F800000, v45  }
0x142: {  	s18 =	simm.s32 $0x0;
	v18 =	vshra.s32 v18, $0x17;
	v28 =	vadd.f32 $8.388608000e+06, v46;
	v1 =	vmul.f32 $3.741521600e+00, v26;
	[tilespmem:s30+$0x11100] =	vst.add.f32.msk $0xffff, v24  }
0x143: {  	s1 =	smul.u32 $0xFFFF0200, s18;
	v29 =	vand.u32 $0x80000000, v29;
	v18 =	vcvt.s32.f32 v18;
	v15 =	vld [tilespmem:s29+$0x10];
	v24 =	vmul.f32 $1.000000000e+02, v21  }
0x144: {  	v23 =	vadd.f32 $8.388608000e+06, v23;
	v28 =	vand.u32 $0x3F, v28;
	v47 =	vsub.f32 $2.215607260e+01, v1  }
0x145: {  	s1 =	sshra.s32 s1, $0x2;
	v3 =	vand.u32 $0x80000000, v20;
	v18 =	vmul.f32 $1.110636040e+01, v18;
	v32 =	vadd.f32 $-5.000000000e+01, v24  }
0x146: {  	s8 =	sadd.s32 $0x1500, s1;
	v23 =	vand.u32 $0x3F, v23;
	v27 =	vld.idx.msk [tilespmem:v27+s17+$0x0], $0xffff;
	v24 =	vmul.f32 v26, v47;
	v26 =	vand.u32 $0x7FFFFFFF, v20  }
0x147: {  	v1 =	vmul.f32 v2, v2;
	v20 =	vld [tilespmem:s8+$0x40];
	v48 =	vand.u32 $0x7FFFFFFF, v32;
	v26 =	vadd.f32 $1.000000000e+00, v26  }
0x148: {  	v24 =	vadd.f32 $-1.428822020e+03, v24;
	v49 =	vmul.f32 $1.000000000e+02, v15;
	v31 =	vadd.f32 $1.000000000e+00, v48  }
0x149: {  	v32 =	vand.u32 $0x80000000, v32;
	v28 =	vld.idx.msk [tilespmem:v28+s17+$0x0], $0xffff;
	v52 =	vshra.s32 v26, $0x17;
	v26 =	vand.u32 $0x7FFFFF, v26  }
0x14a: {  	v24 =	vadd.f32 v24, v18;
	v34 =	vadd.f32 $-5.000000000e+01, v49;
	v51 =	vand.u32 $0x7FFFFF, v31  }
0x14b: {  	v23 =	vld.idx.msk [tilespmem:v23+s17+$0x0], $0xffff;
	v33 =	vor.u32 v27, v33;
	v26 =	vor.u32 $0x3F800000, v26;
	v31 =	vshra.s32 v31, $0x17  }
0x14c: {  	v18 =	vld [tilespmem:s8+$0x0];
	v36 =	vor.u32 $0x3F800000, v51;
	v56 =	vmul.f32 $1.000000000e+02, v20;
	v31 =	vcvt.s32.f32 v31  }
0x14d: {  	[tilespmem:s26+$0x10] =	vst v30;
	v30 =	vadd.f32 $5.000000000e-01, v33;
	v53 =	vadd.f32 $8.388608000e+06, v24;
	v24 =	vand.u32 $0x7FFFFFFF, v34  }
0x14e: {  	v39 =	vmul.f32 $3.741521600e+00, v36;
	v34 =	vand.u32 $0x80000000, v34;
	v12 =	vor.u32 v28, v12  }
0x14f: {  	v40 =	vadd.f32 $1.000000000e+00, v24;
	v24 =	vcvt.s32.f32 v52;
	v31 =	vmul.f32 $1.110636040e+01, v31  }
0x150: {  	v49 =	vsub.f32 v8, v30;
	v54 =	vand.u32 $0x3F, v53;
	v27 =	vsub.f32 $2.215607260e+01, v39  }
0x151: {  	v23 =	vor.u32 v23, v25;
	v55 =	vand.u32 $0x7FFFFF, v40;
	v41 =	vmul.f32 $1.000000000e+02, v18  }
0x152: {  	v63 =	vadd.f32 $5.000000000e-01, v23;
	v23 =	vmul.f32 v15, v15;
	v46 =	vshra.s32 v40, $0x17  }
0x153: {  	v24 =	vmul.f32 $1.110636040e+01, v24;
	v36 =	vmul.f32 v36, v27;
	v27 =	vadd.f32 $-5.000000000e+01, v56  }
0x154: {  	v38 =	vor.u32 $0x3F800000, v55;
	v8 =	vcvt.s32.f32 v46;
	v57 =	vadd.f32 $-5.000000000e+01, v41  }
0x155: {  	v58 =	vmul.f32 $3.741521600e+00, v38;
	v36 =	vadd.f32 $-1.428822020e+03, v36;
	v42 =	vand.u32 $0x7FFFFFFF, v27;
	v37 =	vld.idx.msk [tilespmem:v54+s17+$0x0], $0xffff  }
0x156: {  	[tilespmem:s14+$0x70] =	vst v6;
	v19 =	vsub.f32 v19, v63;
	v53 =	vmul.f32 $1.110636040e+01, v8;
	v42 =	vadd.f32 $1.000000000e+00, v42  }
0x157: {  	[tilespmem:s13+$0x10100] =	vst.add.f32.msk $0xffff, v5;
	v43 =	vand.u32 $0x7FFFFFFF, v57;
	v25 =	vsub.f32 $2.215607260e+01, v58;
	v31 =	vadd.f32 v36, v31  }
0x158: {  	[tilespmem:s13+$0x11100] =	vst.add.f32.msk $0xffff, v50;
	v6 =	vmul.f32 v19, v19;
	v43 =	vadd.f32 $1.000000000e+00, v43;
	v5 =	vand.u32 $0x7FFFFF, v42  }
0x159: {  	v25 =	vmul.f32 v38, v25;
	v60 =	vor.u32 $0x3F800000, v5;
	v5 =	vld [tilespmem:s26+$0x20];
	v31 =	vadd.f32 $8.388608000e+06, v31  }
0x15a: {  	v47 =	vshra.s32 v42, $0x17;
	v61 =	vmul.f32 $3.741521600e+00, v60;
	v29 =	vor.u32 v37, v29  }
0x15b: {  	v59 =	vand.u32 $0x7FFFFF, v43;
	v31 =	vand.u32 $0x3F, v31;
	v29 =	vadd.f32 $5.000000000e-01, v29  }
0x15c: {  	[tilespmem:s3+$0x10100] =	vst.add.f32.msk $0xffff, v4;
	v38 =	vcvt.s32.f32 v47;
	v33 =	vor.u32 $0x3F800000, v59;
	v36 =	vsub.f32 $2.215607260e+01, v61  }
0x15d: {  	[tilespmem:s3+$0x11100] =	vst.add.f32.msk $0xffff, v7;
	v62 =	vmul.f32 $3.741521600e+00, v33;
	v44 =	vsub.f32 v22, v29;
	v22 =	vmul.f32 v22, v22  }
0x15e: {  	v48 =	vshra.s32 v43, $0x17;
	v35 =	vmul.f32 v60, v36;
	v45 =	vmul.f32 $1.000000000e+02, v5;
	[tilespmem:s26+$0x60] =	vst v29  }
0x15f: {  	v25 =	vadd.f32 $-1.428822020e+03, v25;
	v37 =	vsub.f32 $2.215607260e+01, v62;
	v36 =	vmul.f32 v44, v44;
	[tilespmem:s13+$0x10100] =	vst.add.f32.msk $0xffff, v22  }
0x160: {  	v52 =	vmul.f32 $1.110636040e+01, v38;
	v22 =	vadd.f32 $-5.000000000e+01, v45;
	v35 =	vadd.f32 $-1.428822020e+03, v35;
	v31 =	vld.idx.msk [tilespmem:v31+s17+$0x0], $0xffff  }
0x161: {  	v28 =	vadd.f32 $5.000000000e-01, v12;
	v50 =	vcvt.s32.f32 v48;
	v33 =	vmul.f32 v33, v37;
	[tilespmem:s13+$0x11100] =	vst.add.f32.msk $0xffff, v36  }
0x162: {  	v19 =	vadd.f32 v25, v53;
	v51 =	vand.u32 $0x7FFFFFFF, v22;
	v35 =	vadd.f32 v35, v52;
	v8 =	vld [tilespmem:s26+$0x70]  }
0x163: {  	[tilespmem:s11+$0x70] =	vst v13;
	v29 =	vmul.f32 $1.110636040e+01, v50;
	v33 =	vadd.f32 $-1.428822020e+03, v33;
	v36 =	vadd.f32 $1.000000000e+00, v51  }
0x164: {  	[tilespmem:s12+$0x11100] =	vst.add.f32.msk $0xffff, v14;
	v14 =	vadd.f32 $8.388608000e+06, v19;
	v58 =	vand.u32 $0x80000000, v22;
	v13 =	vadd.f32 $8.388608000e+06, v35  }
0x165: {  	[tilespmem:s12+$0x10100] =	vst.add.f32.msk $0xffff, v10;
	v7 =	vadd.f32 v33, v29;
	v55 =	vand.u32 $0x7FFFFF, v36;
	v19 =	vor.u32 v31, v32  }
0x166: {  	[tilespmem:s7+$0x20] =	vst v30;
	v4 =	vor.u32 $0x3F800000, v55;
	v22 =	vand.u32 $0x3F, v13;
	v19 =	vadd.f32 $5.000000000e-01, v19  }
0x167: {  	[tilespmem:s7+$0x70] =	vst v63;
	v56 =	vand.u32 $0x80000000, v57;
	v33 =	vmul.f32 $3.741521600e+00, v4;
	v57 =	vmul.f32 $1.000000000e+02, v8  }
0x168: {  	[tilespmem:s25+$0x11100] =	vst.add.f32.msk $0xffff, v6;
	v6 =	vmul.f32 v21, v21;
	v7 =	vadd.f32 $8.388608000e+06, v7;
	v60 =	vsub.f32 v21, v19  }
0x169: {  	[tilespmem:s25+$0x10100] =	vst.add.f32.msk $0xffff, v17;
	v54 =	vshra.s32 v36, $0x17;
	v17 =	vsub.f32 $2.215607260e+01, v33;
	v13 =	vadd.f32 $-5.000000000e+01, v57  }
0x16a: {  	v29 =	vcvt.s32.f32 v54;
	v21 =	vand.u32 $0x3F, v7;
	[tilespmem:s29+$0x50] =	vst v19;
	v19 =	vmul.f32 $3.741521600e+00, v26  }
0x16b: {  	v7 =	vmul.f32 v60, v60;
	v4 =	vmul.f32 v4, v17;
	v22 =	vld.idx.msk [tilespmem:v22+s17+$0x0], $0xffff;
	v61 =	vand.u32 $0x7FFFFFFF, v13  }
0x16c: {  	v14 =	vand.u32 $0x3F, v14;
	[tilespmem:s30+$0x10100] =	vst.add.f32.msk $0xffff, v6;
	v19 =	vsub.f32 $2.215607260e+01, v19;
	v17 =	vadd.f32 $1.000000000e+00, v61  }
0x16d: {  	v59 =	vmul.f32 v49, v49;
	v29 =	vmul.f32 $1.110636040e+01, v29;
	[tilespmem:s30+$0x11100] =	vst.add.f32.msk $0xffff, v7;
	v4 =	vadd.f32 $-1.428822020e+03, v4  }
0x16e: {  	v9 =	vsub.f32 v9, v28;
	v19 =	vmul.f32 v26, v19;
	v12 =	vld [tilespmem:s29+$0x60];
	v6 =	vand.u32 $0x7FFFFF, v17  }
0x16f: {  	[tilespmem:s25+$0x11100] =	vst.add.f32.msk $0xffff, v59;
	v26 =	vand.u32 $0x80000000, v27;
	v4 =	vadd.f32 v4, v29;
	v6 =	vor.u32 $0x3F800000, v6  }
0x170: {  	v25 =	vmul.f32 v18, v18;
	v21 =	vld.idx.msk [tilespmem:v21+s17+$0x0], $0xffff;
	v22 =	vor.u32 v22, v26;
	v62 =	vmul.f32 $3.741521600e+00, v6  }
0x171: {  	v14 =	vld.idx.msk [tilespmem:v14+s17+$0x0], $0xffff;
	v17 =	vshra.s32 v17, $0x17;
	v27 =	vadd.f32 $8.388608000e+06, v4;
	v22 =	vadd.f32 $5.000000000e-01, v22  }
0x172: {  	[tilespmem:s14+$0x30] =	vst v28;
	v19 =	vadd.f32 $-1.428822020e+03, v19;
	v17 =	vcvt.s32.f32 v17;
	v4 =	vld [tilespmem:s7+$0x30];
	v29 =	vsub.f32 $2.215607260e+01, v62  }
0x173: {  	s20 =	simm.s32 $0x5;
	[tilespmem:s25+$0x10100] =	vst.add.f32.msk $0xffff, v16;
	v16 =	vmul.f32 $1.000000000e+02, v12;
	v26 =	vand.u32 $0x3F, v27;
	v27 =	vsub.f32 v20, v22  }
0x174: {  	s1 =	sand.u32 $0x1FFFFFF0, s20;
	[tilespmem:s3+$0x10100] =	vst.add.f32.msk $0xffff, v11;
	v24 =	vadd.f32 v19, v24;
	v20 =	vmul.f32 v20, v20;
	v6 =	vmul.f32 v6, v29  }
0x175: {  	s9 =	sadd.s32 s24, s1;
	v11 =	vor.u32 v21, v56;
	[tilespmem:s8+$0x40] =	vst v22;
	v19 =	vadd.f32 $-5.000000000e+01, v16;
	v16 =	vmul.f32 v27, v27  }
0x176: {  	v17 =	vmul.f32 $1.110636040e+01, v17;
	v11 =	vadd.f32 $5.000000000e-01, v11;
	[tilespmem:s9+$0x10100] =	vst.add.f32.msk $0xffff, v20;
	v6 =	vadd.f32 $-1.428822020e+03, v6  }
0x177: {  	v14 =	vor.u32 v14, v34;
	v20 =	vmul.f32 $1.000000000e+02, v4;
	[tilespmem:s9+$0x11100] =	vst.add.f32.msk $0xffff, v16;
	v16 =	vmul.f32 v9, v9  }
0x178: {  	[tilespmem:s8+$0x0] =	vst v11;
	v9 =	vsub.f32 v18, v11;
	v6 =	vadd.f32 v6, v17;
	v17 =	vand.u32 $0x7FFFFFFF, v19  }
0x179: {  	v10 =	vmul.f32 v5, v5;
	[tilespmem:s9+$0x10100] =	vst.add.f32.msk $0xffff, v25;
	v11 =	vadd.f32 $5.000000000e-01, v14;
	v17 =	vadd.f32 $1.000000000e+00, v17  }
0x17a: {  	v7 =	vmul.f32 v8, v8;
	v18 =	vld [tilespmem:s8+$0x50];
	v20 =	vadd.f32 $-5.000000000e+01, v20;
	v21 =	vadd.f32 $8.388608000e+06, v6  }
0x17b: {  	v9 =	vmul.f32 v9, v9;
	[tilespmem:s29+$0x10] =	vst v11;
	v11 =	vsub.f32 v15, v11;
	v14 =	vand.u32 $0x7FFFFF, v17  }
0x17c: {  	v26 =	vld.idx.msk [tilespmem:v26+s17+$0x0], $0xffff;
	v15 =	vand.u32 $0x7FFFFFFF, v20;
	v21 =	vand.u32 $0x3F, v21;
	v14 =	vor.u32 $0x3F800000, v14  }
0x17d: {  	[tilespmem:s30+$0x10100] =	vst.add.f32.msk $0xffff, v23;
	v23 =	vadd.f32 $8.388608000e+06, v24;
	v6 =	vmul.f32 v4, v4;
	v22 =	vmul.f32 $3.741521600e+00, v14  }
0x17e: {  	[tilespmem:s9+$0x11100] =	vst.add.f32.msk $0xffff, v9;
	v11 =	vmul.f32 v11, v11;
	v24 =	vadd.f32 $1.000000000e+00, v15;
	v9 =	vand.u32 $0x80000000, v20  }
0x17f: {  	v15 =	vld [tilespmem:s8+$0x10];
	v23 =	vand.u32 $0x3F, v23;
	v20 =	vmul.f32 $1.000000000e+02, v18;
	v25 =	vsub.f32 $2.215607260e+01, v22  }
0x180: {  	v17 =	vshra.s32 v17, $0x17;
	v27 =	vshra.s32 v24, $0x17;
	v63 =	vand.u32 $0x7FFFFF, v24;
	[tilespmem:s30+$0x11100] =	vst.add.f32.msk $0xffff, v11  }
0x181: {  	v22 =	vadd.f32 $-5.000000000e+01, v20;
	v20 =	vcvt.s32.f32 v17;
	v21 =	vld.idx.msk [tilespmem:v21+s17+$0x0], $0xffff;
	v25 =	vmul.f32 v14, v25  }
0x182: {  	s15 =	simm.s32 $0x28;
	s18 =	simm.s32 $0x30;
	s14 =	simm.s32 $0x1500;
	v24 =	vor.u32 v26, v58;
	v11 =	vcvt.s32.f32 v27;
	v17 =	vld [tilespmem:s29+$0x20];
	v14 =	vor.u32 $0x3F800000, v63  }
.LBB2_5:
0x183: {  	s1 =	sshrl.u32 s18, $0x7;
	v26 =	vand.u32 $0x7FFFFFFF, v22;
	v27 =	vadd.f32 $-1.428822020e+03, v25;
	v28 =	vmul.f32 $1.110636040e+01, v20  }
0x184: {  	s1 =	smul.u32 $0xFFFF0200, s1;
	v29 =	vmul.f32 $1.000000000e+02, v15;
	v20 =	vmul.f32 v15, v15;
	v26 =	vadd.f32 $1.000000000e+00, v26;
	v25 =	vld.idx.msk [tilespmem:v23+s17+$0x0], $0xffff  }
0x185: {  	v24 =	vadd.f32 $5.000000000e-01, v24;
	v13 =	vand.u32 $0x80000000, v13;
	v23 =	vadd.f32 v27, v28;
	[tilespmem:s3+$0x11100] =	vst.add.f32.msk $0xffff, v16;
	s3 =	smov.u32 s12;
	s12 =	smov.u32 s25;
	s25 =	smov.u32 s13  }
0x186: {  	s14 =	sadd.s32 $0x400, s14;
	v13 =	vor.u32 v21, v13;
	s13 =	smov.u32 s30;
	s1 =	sshra.s32 s1, $0x2;
	v16 =	vadd.f32 $-5.000000000e+01, v29;
	v27 =	vand.u32 $0x7FFFFF, v26  }
0x187: {  	s30 =	smov.u32 s9;
	v13 =	vadd.f32 $5.000000000e-01, v13;
	s20 =	sadd.s32 s1, s14;
	v27 =	vor.u32 $0x3F800000, v27;
	v28 =	vadd.f32 $8.388608000e+06, v23;
	[tilespmem:s26+$0x20] =	vst v24  }
0x188: {  	v23 =	vld [tilespmem:s20+$0x40];
	v29 =	vand.u32 $0x7FFFFFFF, v16;
	v16 =	vand.u32 $0x80000000, v16;
	v30 =	vmul.f32 $3.741521600e+00, v27  }
0x189: {  	v8 =	vsub.f32 v8, v13;
	v21 =	vld [tilespmem:s20+$0x0];
	v29 =	vadd.f32 $1.000000000e+00, v29;
	v28 =	vand.u32 $0x3F, v28  }
0x18a: {  	v32 =	vsub.f32 v5, v24;
	v31 =	vmul.f32 $1.000000000e+02, v17;
	v5 =	vmovc v17;
	v30 =	vsub.f32 $2.215607260e+01, v30;
	[tilespmem:s25+$0x10100] =	vst.add.f32.msk $0xffff, v10  }
0x18b: {  	v24 =	vshra.s32 v26, $0x17;
	v8 =	vmul.f32 v8, v8;
	v10 =	vand.u32 $0x7FFFFF, v29  }
0x18c: {  	v24 =	vcvt.s32.f32 v24;
	v10 =	vor.u32 $0x3F800000, v10;
	v26 =	vmul.f32 v27, v30;
	[tilespmem:s26+$0x70] =	vst v13  }
0x18d: {  	v27 =	vshra.s32 v29, $0x17;
	v13 =	vmul.f32 $1.000000000e+02, v23;
	v29 =	vmul.f32 $3.741521600e+00, v10;
	[tilespmem:s25+$0x11100] =	vst.add.f32.msk $0xffff, v8  }
0x18e: {  	v30 =	vmul.f32 $1.110636040e+01, v24;
	v8 =	vmul.f32 $1.000000000e+02, v21;
	v26 =	vadd.f32 $-1.428822020e+03, v26;
	v33 =	vld.idx.msk [tilespmem:v28+s17+$0x0], $0xffff  }
0x18f: {  	v24 =	vmul.f32 v21, v21;
	v28 =	vadd.f32 $-5.000000000e+01, v13;
	v13 =	vsub.f32 $2.215607260e+01, v29;
	[tilespmem:s25+$0x10100] =	vst.add.f32.msk $0xffff, v7  }
0x190: {  	v7 =	vadd.f32 $-5.000000000e+01, v8;
	v8 =	vcvt.s32.f32 v27;
	v26 =	vadd.f32 v26, v30  }
0x191: {  	v27 =	vand.u32 $0x7FFFFFFF, v28;
	v10 =	vmul.f32 v10, v13;
	v13 =	vadd.f32 $-5.000000000e+01, v31  }
0x192: {  	v29 =	vand.u32 $0x7FFFFFFF, v7;
	v30 =	vadd.f32 $1.000000000e+00, v27;
	v26 =	vadd.f32 $8.388608000e+06, v26  }
0x193: {  	v27 =	vand.u32 $0x80000000, v7;
	v7 =	vand.u32 $0x80000000, v19;
	v29 =	vadd.f32 $1.000000000e+00, v29  }
0x194: {  	v7 =	vor.u32 v33, v7;
	v19 =	vand.u32 $0x7FFFFF, v30;
	v26 =	vand.u32 $0x3F, v26  }
0x195: {  	v7 =	vadd.f32 $5.000000000e-01, v7;
	v31 =	vand.u32 $0x7FFFFF, v29;
	v19 =	vor.u32 $0x3F800000, v19  }
0x196: {  	v29 =	vshra.s32 v29, $0x17;
	v31 =	vor.u32 $0x3F800000, v31;
	v33 =	vmul.f32 $3.741521600e+00, v19  }
0x197: {  	v29 =	vcvt.s32.f32 v29;
	v35 =	vsub.f32 v12, v7;
	v34 =	vmul.f32 $3.741521600e+00, v31  }
0x198: {  	v10 =	vadd.f32 $-1.428822020e+03, v10;
	v12 =	vmul.f32 v12, v12;
	v33 =	vsub.f32 $2.215607260e+01, v33  }
0x199: {  	v30 =	vshra.s32 v30, $0x17;
	v34 =	vsub.f32 $2.215607260e+01, v34;
	v36 =	vld.idx.msk [tilespmem:v26+s17+$0x0], $0xffff;
	[tilespmem:s29+$0x60] =	vst v7;
	v7 =	vmul.f32 v35, v35  }
0x19a: {  	v26 =	vcvt.s32.f32 v30;
	v30 =	vand.u32 $0x7FFFFFFF, v13;
	v19 =	vmul.f32 v19, v33;
	[tilespmem:s13+$0x10100] =	vst.add.f32.msk $0xffff, v12  }
0x19b: {  	v29 =	vmul.f32 $1.110636040e+01, v29;
	v30 =	vadd.f32 $1.000000000e+00, v30;
	v12 =	vmul.f32 v31, v34;
	[tilespmem:s13+$0x11100] =	vst.add.f32.msk $0xffff, v7  }
0x19c: {  	v7 =	vadd.f32 $-1.428822020e+03, v19;
	v19 =	vmul.f32 $1.110636040e+01, v26;
	v26 =	vmul.f32 $1.110636040e+01, v8;
	v8 =	vld [tilespmem:s29+$0x70]  }
0x19d: {  	v31 =	vshra.s32 v30, $0x17;
	v30 =	vand.u32 $0x7FFFFF, v30;
	v12 =	vadd.f32 $-1.428822020e+03, v12  }
0x19e: {  	v7 =	vadd.f32 v7, v19;
	v10 =	vadd.f32 v10, v26;
	v19 =	vor.u32 $0x3F800000, v30  }
0x19f: {  	v12 =	vadd.f32 v12, v29;
	v29 =	vcvt.s32.f32 v31;
	v30 =	vmul.f32 $3.741521600e+00, v19  }
0x1a0: {  	v26 =	vand.u32 $0x80000000, v13;
	v7 =	vadd.f32 $8.388608000e+06, v7;
	v10 =	vadd.f32 $8.388608000e+06, v10  }
0x1a1: {  	v13 =	vand.u32 $0x80000000, v22;
	v12 =	vadd.f32 $8.388608000e+06, v12;
	v22 =	vmul.f32 $1.000000000e+02, v8  }
0x1a2: {  	v7 =	vand.u32 $0x3F, v7;
	v31 =	vand.u32 $0x3F, v10;
	v10 =	vor.u32 v36, v13  }
0x1a3: {  	v33 =	vand.u32 $0x3F, v12;
	v12 =	vadd.f32 $5.000000000e-01, v10;
	v13 =	vadd.f32 $-5.000000000e+01, v22  }
0x1a4: {  	v29 =	vmul.f32 $1.110636040e+01, v29;
	v22 =	vsub.f32 $2.215607260e+01, v30;
	v30 =	vmul.f32 v32, v32  }
0x1a5: {  	v10 =	vmul.f32 v17, v5;
	v32 =	vsub.f32 v18, v12;
	v17 =	vand.u32 $0x7FFFFFFF, v13  }
0x1a6: {  	v18 =	vmul.f32 v18, v18;
	v19 =	vmul.f32 v19, v22;
	v17 =	vadd.f32 $1.000000000e+00, v17;
	[tilespmem:s25+$0x11100] =	vst.add.f32.msk $0xffff, v30  }
0x1a7: {  	v30 =	vor.u32 v25, v3;
	v22 =	vld.idx.msk [tilespmem:v7+s17+$0x0], $0xffff;
	[tilespmem:s8+$0x50] =	vst v12;
	v7 =	vmul.f32 v32, v32;
	v12 =	vmul.f32 $3.741521600e+00, v14  }
0x1a8: {  	v3 =	vmovc v9;
	v25 =	vadd.f32 $5.000000000e-01, v30;
	[tilespmem:s30+$0x10100] =	vst.add.f32.msk $0xffff, v18;
	v18 =	vadd.f32 $-1.428822020e+03, v19;
	v19 =	vand.u32 $0x7FFFFF, v17  }
0x1a9: {  	v11 =	vmul.f32 $1.110636040e+01, v11;
	[tilespmem:s30+$0x11100] =	vst.add.f32.msk $0xffff, v7;
	v9 =	vor.u32 $0x3F800000, v19;
	v19 =	vsub.f32 $2.215607260e+01, v12  }
0x1aa: {  	v12 =	vld [tilespmem:s8+$0x60];
	v18 =	vadd.f32 v18, v29;
	v29 =	vmul.f32 $3.741521600e+00, v9;
	[tilespmem:s11+$0x30] =	vst v25;
	v25 =	vsub.f32 v2, v25;
	v2 =	vmovc v4;
	s11 =	smov.u32 s7;
	s7 =	smov.u32 s26;
	s26 =	smov.u32 s29  }
0x1ab: {  	v7 =	vmul.f32 v8, v8;
	s29 =	smov.u32 s8;
	s8 =	smov.u32 s20;
	v30 =	vld.idx.msk [tilespmem:v33+s17+$0x0], $0xffff;
	v14 =	vmul.f32 v14, v19  }
0x1ac: {  	v4 =	vand.u32 $0x80000000, v28;
	v28 =	vld.idx.msk [tilespmem:v31+s17+$0x0], $0xffff;
	v18 =	vadd.f32 $8.388608000e+06, v18;
	v19 =	vsub.f32 $2.215607260e+01, v29  }
0x1ad: {  	v17 =	vshra.s32 v17, $0x17;
	v22 =	vor.u32 v22, v4;
	v4 =	vld [tilespmem:s7+$0x30];
	v14 =	vadd.f32 $-1.428822020e+03, v14  }
0x1ae: {  	v17 =	vcvt.s32.f32 v17;
	v22 =	vadd.f32 $5.000000000e-01, v22;
	v9 =	vmul.f32 v9, v19;
	[tilespmem:s3+$0x10100] =	vst.add.f32.msk $0xffff, v1;
	v1 =	vmovc v6  }
0x1af: {  	s15 =	sadd.s32 $0x8, s15;
	v29 =	vand.u32 $0x3F, v18;
	v6 =	vmul.f32 $1.000000000e+02, v12;
	v11 =	vadd.f32 v14, v11  }
0x1b0: {  	p1 =	slt.u32 s15, $0x3F8;
	s1 =	sshrl.u32 s15, $0x3;
	v17 =	vmul.f32 $1.110636040e+01, v17;
	v14 =	vsub.f32 v23, v22;
	v9 =	vadd.f32 $-1.428822020e+03, v9  }
0x1b1: {  	s1 =	sand.u32 $0x1FFFFFF0, s1;
	v23 =	vmul.f32 v23, v23;
	v18 =	vor.u32 v30, v27;
	v19 =	vadd.f32 $-5.000000000e+01, v6  }
0x1b2: {  	s9 =	sadd.s32 s24, s1;
	v6 =	vadd.f32 $5.000000000e-01, v18;
	v14 =	vmul.f32 v14, v14;
	[tilespmem:s8+$0x40] =	vst v22;
	v9 =	vadd.f32 v9, v17  }
0x1b3: {  	v17 =	vor.u32 v28, v16;
	v22 =	vmul.f32 $1.000000000e+02, v4;
	[tilespmem:s9+$0x10100] =	vst.add.f32.msk $0xffff, v23;
	v16 =	vand.u32 $0x7FFFFFFF, v19  }
0x1b4: {  	[tilespmem:s9+$0x11100] =	vst.add.f32.msk $0xffff, v14;
	v14 =	vadd.f32 $1.000000000e+00, v16;
	v9 =	vadd.f32 $8.388608000e+06, v9;
	v16 =	vmul.f32 v25, v25  }
0x1b5: {  	v21 =	vsub.f32 v21, v6;
	v17 =	vadd.f32 $5.000000000e-01, v17;
	[tilespmem:s8+$0x0] =	vst v6;
	v18 =	vld [tilespmem:s8+$0x50];
	v6 =	vmul.f32 v4, v4  }
0x1b6: {  	[tilespmem:s9+$0x10100] =	vst.add.f32.msk $0xffff, v24;
	v23 =	vand.u32 $0x7FFFFF, v14;
	v24 =	vand.u32 $0x3F, v9;
	v9 =	vadd.f32 $-5.000000000e+01, v22  }
0x1b7: {  	v21 =	vmul.f32 v21, v21;
	v15 =	vsub.f32 v15, v17;
	[tilespmem:s29+$0x10] =	vst v17;
	v17 =	vor.u32 $0x3F800000, v23;
	v27 =	vld.idx.msk [tilespmem:v29+s17+$0x0], $0xffff  }
0x1b8: {  	v11 =	vadd.f32 $8.388608000e+06, v11;
	[tilespmem:s30+$0x10100] =	vst.add.f32.msk $0xffff, v20;
	v20 =	vmul.f32 $3.741521600e+00, v17;
	v22 =	vand.u32 $0x7FFFFFFF, v9  }
.Ltmp1:
0x1b9: {  	v25 =	vmul.f32 v15, v15;
	v9 =	vand.u32 $0x80000000, v9;
	[tilespmem:s9+$0x11100] =	vst.add.f32.msk $0xffff, v21;
	v22 =	vadd.f32 $1.000000000e+00, v22;
	(pc) =	sbr.rel @p1 .LBB2_5-.Ltmp1, $4  }
0x1ba: {  	v23 =	vand.u32 $0x3F, v11;
	v15 =	vld [tilespmem:s8+$0x10];
	v28 =	vmul.f32 $1.000000000e+02, v18;
	v29 =	vsub.f32 $2.215607260e+01, v20  }
0x1bb: {  	v11 =	vshra.s32 v14, $0x17;
	v21 =	vld.idx.msk [tilespmem:v24+s17+$0x0], $0xffff;
	v14 =	vshra.s32 v22, $0x17;
	v30 =	vand.u32 $0x7FFFFF, v22  }
0x1bc: {  	v20 =	vcvt.s32.f32 v11;
	v22 =	vadd.f32 $-5.000000000e+01, v28;
	[tilespmem:s30+$0x11100] =	vst.add.f32.msk $0xffff, v25;
	v25 =	vmul.f32 v17, v29  }
0x1bd: {  	s18 =	sadd.s32 $0x8, s18;
	v24 =	vor.u32 v27, v26;
	v11 =	vcvt.s32.f32 v14;
	v14 =	vor.u32 $0x3F800000, v30;
	v17 =	vld [tilespmem:s29+$0x20]  }
0x1be: {  	v26 =	vand.u32 $0x7FFFFFFF, v22  }
0x1bf: {  	v26 =	vadd.f32 $1.000000000e+00, v26;
	_ =	sdelay $0x1  }
0x1c0: {  	v27 =	vand.u32 $0x7FFFFF, v26  }
0x1c1: {  	v27 =	vor.u32 $0x3F800000, v27  }
0x1c2: {  	v28 =	vmul.f32 $3.741521600e+00, v27;
	_ =	sdelay $0x1  }
0x1c3: {  	v29 =	vmul.f32 $1.000000000e+02, v15;
	v28 =	vsub.f32 $2.215607260e+01, v28  }
0x1c4: {  	v26 =	vshra.s32 v26, $0x17  }
0x1c5: {  	v29 =	vadd.f32 $-5.000000000e+01, v29;
	v26 =	vcvt.s32.f32 v26;
	v27 =	vmul.f32 v27, v28;
	_ =	sdelay $0x1  }
0x1c6: {  	v37 =	vand.u32 $0x7FFFFFFF, v29;
	v26 =	vmul.f32 $1.110636040e+01, v26;
	v27 =	vadd.f32 $-1.428822020e+03, v27  }
0x1c7: {  	v28 =	vadd.f32 $1.000000000e+00, v37  }
0x1c8: {  	v26 =	vadd.f32 v27, v26  }
0x1c9: {  	v27 =	vand.u32 $0x7FFFFF, v28  }
0x1ca: {  	v27 =	vor.u32 $0x3F800000, v27;
	v26 =	vadd.f32 $8.388608000e+06, v26  }
0x1cb: {  	v30 =	vmul.f32 $3.741521600e+00, v27  }
0x1cc: {  	v26 =	vand.u32 $0x3F, v26  }
0x1cd: {  	v30 =	vsub.f32 $2.215607260e+01, v30  }
0x1ce: {  	v28 =	vshra.s32 v28, $0x17  }
0x1cf: {  	v28 =	vcvt.s32.f32 v28;
	v27 =	vmul.f32 v27, v30;
	_ =	sdelay $0x1  }
0x1d0: {  	v28 =	vmul.f32 $1.110636040e+01, v28;
	v27 =	vadd.f32 $-1.428822020e+03, v27;
	v26 =	vld.idx.msk [tilespmem:v26+s17+$0x0], $0xffff;
	_ =	sdelay $0x1  }
0x1d1: {  	v27 =	vadd.f32 v27, v28;
	_ =	sdelay $0x1  }
0x1d2: {  	v22 =	vand.u32 $0x80000000, v22;
	v27 =	vadd.f32 $8.388608000e+06, v27  }
0x1d3: {  	v22 =	vor.u32 v26, v22  }
0x1d4: {  	v26 =	vand.u32 $0x3F, v27;
	v22 =	vadd.f32 $5.000000000e-01, v22;
	_ =	sdelay $0x1  }
0x1d5: {  	v27 =	vsub.f32 v18, v22;
	v18 =	vmul.f32 v18, v18  }
0x1d6: {  	[tilespmem:s8+$0x50] =	vst v22  }
0x1d7: {  	v22 =	vmul.f32 v27, v27;
	[tilespmem:s9+$0x10100] =	vst.add.f32.msk $0xffff, v18  }
0x1d8: {  	v18 =	vld.idx.msk [tilespmem:v26+s17+$0x0], $0xffff  }
0x1d9: {  	[tilespmem:s9+$0x11100] =	vst.add.f32.msk $0xffff, v22  }
0x1da: {  	v22 =	vld [tilespmem:s8+$0x60]  }
0x1db: {  	v25 =	vadd.f32 $-1.428822020e+03, v25;
	v20 =	vmul.f32 $1.110636040e+01, v20  }
0x1dc: {  	v26 =	vand.u32 $0x80000000, v29  }
0x1dd: {  	v20 =	vadd.f32 v25, v20;
	v18 =	vor.u32 v18, v26  }
0x1de: {  	v18 =	vadd.f32 $5.000000000e-01, v18  }
0x1df: {  	v20 =	vadd.f32 $8.388608000e+06, v20;
	v25 =	vmul.f32 $1.000000000e+02, v22  }
0x1e0: {  	v26 =	vsub.f32 v15, v18  }
0x1e1: {  	v20 =	vand.u32 $0x3F, v20;
	v15 =	vmul.f32 v15, v15;
	v25 =	vadd.f32 $-5.000000000e+01, v25  }
0x1e2: {  	[tilespmem:s8+$0x10] =	vst v18;
	v18 =	vmul.f32 v26, v26  }
0x1e3: {  	[tilespmem:s9+$0x10100] =	vst.add.f32.msk $0xffff, v15;
	v26 =	vand.u32 $0x7FFFFFFF, v25  }
0x1e4: {  	[tilespmem:s9+$0x11100] =	vst.add.f32.msk $0xffff, v18;
	v15 =	vadd.f32 $1.000000000e+00, v26  }
0x1e5: {  	v18 =	vld [tilespmem:s8+$0x20];
	v26 =	vmul.f32 $1.000000000e+02, v17  }
0x1e6: {  	v20 =	vld.idx.msk [tilespmem:v20+s17+$0x0], $0xffff;
	v27 =	vand.u32 $0x7FFFFF, v15  }
0x1e7: {  	v26 =	vadd.f32 $-5.000000000e+01, v26;
	v27 =	vor.u32 $0x3F800000, v27  }
0x1e8: {  	v38 =	vmul.f32 $3.741521600e+00, v27  }
0x1e9: {  	v19 =	vand.u32 $0x80000000, v19;
	v15 =	vshra.s32 v15, $0x17;
	v39 =	vand.u32 $0x7FFFFFFF, v26  }
0x1ea: {  	v40 =	vmul.f32 $1.000000000e+02, v18;
	v29 =	vadd.f32 $1.000000000e+00, v39;
	v28 =	vsub.f32 $2.215607260e+01, v38  }
0x1eb: {  	v19 =	vor.u32 v20, v19;
	v15 =	vcvt.s32.f32 v15  }
0x1ec: {  	v41 =	vadd.f32 $-5.000000000e+01, v40;
	v20 =	vand.u32 $0x7FFFFF, v29;
	v27 =	vmul.f32 v27, v28  }
0x1ed: {  	v15 =	vmul.f32 $1.110636040e+01, v15;
	v20 =	vor.u32 $0x3F800000, v20  }
0x1ee: {  	v30 =	vand.u32 $0x7FFFFFFF, v41;
	v31 =	vmul.f32 $3.741521600e+00, v20;
	v27 =	vadd.f32 $-1.428822020e+03, v27  }
0x1ef: {  	v30 =	vadd.f32 $1.000000000e+00, v30  }
0x1f0: {  	v29 =	vshra.s32 v29, $0x17;
	v31 =	vsub.f32 $2.215607260e+01, v31;
	v15 =	vadd.f32 v27, v15  }
0x1f1: {  	v19 =	vadd.f32 $5.000000000e-01, v19;
	v29 =	vcvt.s32.f32 v29;
	v32 =	vand.u32 $0x7FFFFF, v30  }
0x1f2: {  	v32 =	vor.u32 $0x3F800000, v32;
	v20 =	vmul.f32 v20, v31;
	v15 =	vadd.f32 $8.388608000e+06, v15  }
0x1f3: {  	v29 =	vmul.f32 $1.110636040e+01, v29;
	v27 =	vsub.f32 v12, v19;
	v33 =	vmul.f32 $3.741521600e+00, v32  }
0x1f4: {  	v12 =	vmul.f32 v12, v12;
	v20 =	vadd.f32 $-1.428822020e+03, v20;
	v15 =	vand.u32 $0x3F, v15  }
0x1f5: {  	[tilespmem:s29+$0x60] =	vst v19;
	v19 =	vmul.f32 v27, v27;
	v27 =	vsub.f32 $2.215607260e+01, v33  }
0x1f6: {  	[tilespmem:s30+$0x10100] =	vst.add.f32.msk $0xffff, v12;
	v12 =	vshra.s32 v30, $0x17;
	v20 =	vadd.f32 v20, v29  }
0x1f7: {  	[tilespmem:s30+$0x11100] =	vst.add.f32.msk $0xffff, v19;
	v19 =	vcvt.s32.f32 v12;
	v27 =	vmul.f32 v32, v27  }
0x1f8: {  	v12 =	vld [tilespmem:s29+$0x70];
	v20 =	vadd.f32 $8.388608000e+06, v20  }
0x1f9: {  	v19 =	vmul.f32 $1.110636040e+01, v19;
	v27 =	vadd.f32 $-1.428822020e+03, v27;
	v15 =	vld.idx.msk [tilespmem:v15+s17+$0x0], $0xffff  }
0x1fa: {  	v24 =	vadd.f32 $5.000000000e-01, v24;
	v20 =	vand.u32 $0x3F, v20  }
0x1fb: {  	v19 =	vadd.f32 v27, v19  }
0x1fc: {  	v5 =	vsub.f32 v5, v24  }
0x1fd: {  	v23 =	vld.idx.msk [tilespmem:v23+s17+$0x0], $0xffff;
	v25 =	vand.u32 $0x80000000, v25;
	v27 =	vmul.f32 $1.000000000e+02, v12;
	v19 =	vadd.f32 $8.388608000e+06, v19  }
0x1fe: {  	v13 =	vand.u32 $0x80000000, v13;
	v42 =	vmul.f32 v5, v5;
	v15 =	vor.u32 v15, v25  }
0x1ff: {  	[tilespmem:s26+$0x20] =	vst v24;
	v25 =	vadd.f32 $-5.000000000e+01, v27;
	v19 =	vand.u32 $0x3F, v19;
	v20 =	vld.idx.msk [tilespmem:v20+s17+$0x0], $0xffff;
	v15 =	vadd.f32 $5.000000000e-01, v15  }
0x200: {  	v13 =	vor.u32 v21, v13;
	[tilespmem:s13+$0x10100] =	vst.add.f32.msk $0xffff, v10  }
0x201: {  	[tilespmem:s13+$0x11100] =	vst.add.f32.msk $0xffff, v42;
	v21 =	vand.u32 $0x7FFFFFFF, v25;
	v27 =	vsub.f32 v22, v15;
	v22 =	vmul.f32 v22, v22  }
0x202: {  	v23 =	vor.u32 v23, v3;
	v3 =	vld [tilespmem:s26+$0x30];
	v21 =	vadd.f32 $1.000000000e+00, v21;
	[tilespmem:s8+$0x60] =	vst v15  }
0x203: {  	v26 =	vand.u32 $0x80000000, v26;
	v15 =	vmul.f32 v27, v27;
	[tilespmem:s9+$0x10100] =	vst.add.f32.msk $0xffff, v22  }
0x204: {  	v22 =	vmul.f32 $3.741521600e+00, v14;
	v27 =	vand.u32 $0x7FFFFF, v21;
	v19 =	vld.idx.msk [tilespmem:v19+s17+$0x0], $0xffff;
	v20 =	vor.u32 v20, v26  }
0x205: {  	v27 =	vor.u32 $0x3F800000, v27;
	v20 =	vadd.f32 $5.000000000e-01, v20;
	[tilespmem:s9+$0x11100] =	vst.add.f32.msk $0xffff, v15  }
0x206: {  	v21 =	vshra.s32 v21, $0x17;
	v15 =	vsub.f32 $2.215607260e+01, v22;
	v22 =	vmul.f32 $3.741521600e+00, v27;
	v5 =	vld [tilespmem:s8+$0x70]  }
0x207: {  	v10 =	vmul.f32 v17, v17;
	v21 =	vcvt.s32.f32 v21;
	v17 =	vsub.f32 v17, v20  }
0x208: {  	v14 =	vmul.f32 v14, v15;
	v15 =	vsub.f32 $2.215607260e+01, v22;
	v22 =	vand.u32 $0x80000000, v41  }
0x209: {  	v11 =	vmul.f32 $1.110636040e+01, v11;
	v21 =	vmul.f32 $1.110636040e+01, v21;
	v19 =	vor.u32 v19, v22  }
0x20a: {  	[tilespmem:s29+$0x20] =	vst v20;
	v17 =	vmul.f32 v17, v17;
	v22 =	vmul.f32 $1.000000000e+02, v3;
	v19 =	vadd.f32 $5.000000000e-01, v19  }
0x20b: {  	[tilespmem:s30+$0x10100] =	vst.add.f32.msk $0xffff, v10;
	v15 =	vmul.f32 v27, v15;
	v14 =	vadd.f32 $-1.428822020e+03, v14;
	v20 =	vmul.f32 $1.000000000e+02, v5  }
0x20c: {  	[tilespmem:s30+$0x11100] =	vst.add.f32.msk $0xffff, v17;
	v17 =	vadd.f32 $5.000000000e-01, v23;
	v10 =	vsub.f32 v18, v19;
	v18 =	vmul.f32 v18, v18  }
0x20d: {  	v15 =	vadd.f32 $-1.428822020e+03, v15;
	v23 =	vld [tilespmem:s29+$0x30];
	[tilespmem:s8+$0x20] =	vst v19;
	v20 =	vadd.f32 $-5.000000000e+01, v20  }
0x20e: {  	v13 =	vadd.f32 $5.000000000e-01, v13;
	v10 =	vmul.f32 v10, v10;
	[tilespmem:s9+$0x10100] =	vst.add.f32.msk $0xffff, v18;
	v18 =	vadd.f32 $-5.000000000e+01, v22  }
0x20f: {  	v11 =	vadd.f32 v14, v11;
	v14 =	vadd.f32 v15, v21;
	v15 =	vand.u32 $0x7FFFFFFF, v20  }
0x210: {  	v8 =	vsub.f32 v8, v13;
	[tilespmem:s9+$0x11100] =	vst.add.f32.msk $0xffff, v10;
	v19 =	vand.u32 $0x7FFFFFFF, v18;
	v15 =	vadd.f32 $1.000000000e+00, v15  }
0x211: {  	v10 =	vadd.f32 $8.388608000e+06, v14;
	v14 =	vld [tilespmem:s8+$0x30];
	v19 =	vadd.f32 $1.000000000e+00, v19  }
0x212: {  	v8 =	vmul.f32 v8, v8;
	v22 =	vmul.f32 $1.000000000e+02, v23;
	v21 =	vand.u32 $0x7FFFFF, v15  }
0x213: {  	v26 =	vshra.s32 v19, $0x17;
	v19 =	vand.u32 $0x7FFFFF, v19;
	v21 =	vor.u32 $0x3F800000, v21  }
0x214: {  	v11 =	vadd.f32 $8.388608000e+06, v11;
	v19 =	vor.u32 $0x3F800000, v19;
	v24 =	vmul.f32 $3.741521600e+00, v21  }
0x215: {  	v10 =	vand.u32 $0x3F, v10;
	v22 =	vadd.f32 $-5.000000000e+01, v22;
	v43 =	vmul.f32 $3.741521600e+00, v19  }
0x216: {  	v15 =	vshra.s32 v15, $0x17;
	v27 =	vmul.f32 $1.000000000e+02, v14;
	v24 =	vsub.f32 $2.215607260e+01, v24  }
0x217: {  	v15 =	vcvt.s32.f32 v15;
	v44 =	vand.u32 $0x7FFFFFFF, v22;
	v28 =	vsub.f32 $2.215607260e+01, v43  }
0x218: {  	v27 =	vadd.f32 $-5.000000000e+01, v27;
	v21 =	vmul.f32 v21, v24;
	v24 =	vadd.f32 $1.000000000e+00, v44  }
0x219: {  	v11 =	vand.u32 $0x3F, v11;
	v26 =	vcvt.s32.f32 v26;
	v15 =	vmul.f32 $1.110636040e+01, v15  }
0x21a: {  	v19 =	vmul.f32 v19, v28;
	v45 =	vand.u32 $0x7FFFFFFF, v27;
	v29 =	vand.u32 $0x7FFFFF, v24  }
0x21b: {  	v10 =	vld.idx.msk [tilespmem:v10+s17+$0x0], $0xffff;
	v21 =	vadd.f32 $-1.428822020e+03, v21;
	v30 =	vadd.f32 $1.000000000e+00, v45;
	v29 =	vor.u32 $0x3F800000, v29  }
0x21c: {  	v25 =	vand.u32 $0x80000000, v25;
	v26 =	vmul.f32 $1.110636040e+01, v26;
	v46 =	vmul.f32 $3.741521600e+00, v29  }
0x21d: {  	v19 =	vadd.f32 $-1.428822020e+03, v19;
	v15 =	vadd.f32 v21, v15;
	v21 =	vand.u32 $0x7FFFFF, v30  }
0x21e: {  	[tilespmem:s3+$0x11100] =	vst.add.f32.msk $0xffff, v16;
	v24 =	vshra.s32 v24, $0x17;
	v21 =	vor.u32 $0x3F800000, v21;
	v28 =	vsub.f32 $2.215607260e+01, v46  }
0x21f: {  	v11 =	vld.idx.msk [tilespmem:v11+s17+$0x0], $0xffff;
	v24 =	vcvt.s32.f32 v24;
	v15 =	vadd.f32 $8.388608000e+06, v15;
	v47 =	vmul.f32 $3.741521600e+00, v21  }
0x220: {  	[tilespmem:s26+$0x70] =	vst v13;
	v10 =	vor.u32 v10, v25;
	v19 =	vadd.f32 v19, v26;
	v25 =	vmul.f32 v29, v28  }
0x221: {  	[tilespmem:s13+$0x10100] =	vst.add.f32.msk $0xffff, v7;
	v16 =	vmul.f32 $1.110636040e+01, v24;
	v15 =	vand.u32 $0x3F, v15;
	v26 =	vsub.f32 $2.215607260e+01, v47  }
0x222: {  	[tilespmem:s13+$0x11100] =	vst.add.f32.msk $0xffff, v8;
	v13 =	vadd.f32 $8.388608000e+06, v19;
	v24 =	vadd.f32 $-1.428822020e+03, v25;
	v25 =	vshra.s32 v30, $0x17  }
0x223: {  	v2 =	vsub.f32 v2, v17;
	[tilespmem:s11+$0x30] =	vst v17;
	v21 =	vmul.f32 v21, v26;
	v19 =	vcvt.s32.f32 v25  }
0x224: {  	[tilespmem:s12+$0x10100] =	vst.add.f32.msk $0xffff, v1;
	v1 =	vor.u32 v11, v9;
	v8 =	vadd.f32 $5.000000000e-01, v10;
	v7 =	vand.u32 $0x3F, v13  }
0x225: {  	v10 =	vadd.f32 v24, v16;
	v16 =	vadd.f32 $-1.428822020e+03, v21;
	v13 =	vmul.f32 $1.110636040e+01, v19  }
0x226: {  	v2 =	vmul.f32 v2, v2;
	v1 =	vadd.f32 $5.000000000e-01, v1;
	v17 =	vsub.f32 v12, v8;
	v15 =	vld.idx.msk [tilespmem:v15+s17+$0x0], $0xffff  }
0x227: {  	v10 =	vadd.f32 $8.388608000e+06, v10;
	v13 =	vadd.f32 v16, v13  }
0x228: {  	[tilespmem:s12+$0x11100] =	vst.add.f32.msk $0xffff, v2  }
0x229: {  	[tilespmem:s7+$0x30] =	vst v1;
	v2 =	vmul.f32 v17, v17;
	v9 =	vand.u32 $0x3F, v10;
	v10 =	vadd.f32 $8.388608000e+06, v13  }
0x22a: {  	v11 =	vmul.f32 v12, v12;
	[tilespmem:s29+$0x70] =	vst v8;
	v8 =	vand.u32 $0x80000000, v20;
	v7 =	vld.idx.msk [tilespmem:v7+s17+$0x0], $0xffff  }
0x22b: {  	[tilespmem:s30+$0x11100] =	vst.add.f32.msk $0xffff, v2;
	v2 =	vsub.f32 v4, v1;
	v4 =	vor.u32 v15, v8;
	v8 =	vand.u32 $0x3F, v10  }
0x22c: {  	[tilespmem:s25+$0x10100] =	vst.add.f32.msk $0xffff, v6  }
0x22d: {  	[tilespmem:s30+$0x10100] =	vst.add.f32.msk $0xffff, v11;
	v1 =	vmul.f32 v2, v2;
	v4 =	vadd.f32 $5.000000000e-01, v4  }
0x22e: {  	v2 =	vld.idx.msk [tilespmem:v9+s17+$0x0], $0xffff;
	v9 =	vand.u32 $0x80000000, v18  }
0x22f: {  	[tilespmem:s25+$0x11100] =	vst.add.f32.msk $0xffff, v1;
	v6 =	vsub.f32 v5, v4;
	v1 =	vor.u32 v7, v9  }
0x230: {  	v5 =	vmul.f32 v5, v5;
	v1 =	vadd.f32 $5.000000000e-01, v1;
	v7 =	vld.idx.msk [tilespmem:v8+s17+$0x0], $0xffff  }
0x231: {  	[tilespmem:s8+$0x70] =	vst v4;
	v6 =	vmul.f32 v6, v6  }
0x232: {  	[tilespmem:s9+$0x10100] =	vst.add.f32.msk $0xffff, v5;
	v8 =	vand.u32 $0x80000000, v22;
	v4 =	vsub.f32 v3, v1  }
0x233: {  	[tilespmem:s9+$0x11100] =	vst.add.f32.msk $0xffff, v6;
	v3 =	vmul.f32 v3, v3;
	v2 =	vor.u32 v2, v8  }
0x234: {  	[tilespmem:s26+$0x30] =	vst v1;
	v2 =	vadd.f32 $5.000000000e-01, v2;
	v1 =	vmul.f32 v4, v4;
	v4 =	vand.u32 $0x80000000, v27  }
0x235: {  	[tilespmem:s13+$0x10100] =	vst.add.f32.msk $0xffff, v3;
	v4 =	vor.u32 v7, v4  }
0x236: {  	v5 =	vmul.f32 v23, v23;
	v3 =	vsub.f32 v23, v2;
	[tilespmem:s13+$0x11100] =	vst.add.f32.msk $0xffff, v1;
	v1 =	vadd.f32 $5.000000000e-01, v4  }
0x237: {  	[tilespmem:s29+$0x30] =	vst v2  }
0x238: {  	[tilespmem:s30+$0x10100] =	vst.add.f32.msk $0xffff, v5;
	v2 =	vmul.f32 v3, v3;
	v3 =	vsub.f32 v14, v1  }
0x239: {  	v4 =	vmul.f32 v14, v14;
	[tilespmem:s8+$0x30] =	vst v1  }
0x23a: {  	[tilespmem:s30+$0x11100] =	vst.add.f32.msk $0xffff, v2;
	v1 =	vmul.f32 v3, v3  }
0x23b: {  	[tilespmem:s9+$0x10100] =	vst.add.f32.msk $0xffff, v4  }
0x23c: {  	[tilespmem:s9+$0x11100] =	vst.add.f32.msk $0xffff, v1  }
0x23d: {  	s3 =	sshll.u32 s0, $0xD;
	s1 =	rddreg [dreg:$0x6]  }
0x23e: {  	s4 =	simm.s32 $0x100;
	s1 =	sadd.s32 s3, s1  }
0x23f: {  	[hbm4b:s1+s5] =	stream.linear.scatter [tilespmem:s4], [sflag:$0x5], $0x4000, $0x38;
	[tilespmem:$0x12100] =	vst v63  }
0x240: {  	s14 =	simm.s32 $0x0;
	s11 =	sor.u32 $0x2, s2;
	s1 =	simm.s32 @!p0 $0x7  }
0x241: {  	s12 =	simm.s32 $0x0;
	s8 =	sshll.u32 s11, $0xB;
	_ =	swait.ge @!p0 [sflag:s1], $0x4000  }
0x242: {  	s13 =	simm.s32 $0x8100;
	s29 =	sadd.s32 s6, s8;
	[sflag:s1] =	ssyncset.done @!p0 $0x0  }
0x243: {  	s9 =	sadd.s32 s31, s29;
	[sflag:s1] =	ssyncadd.s32 @!p0 $0xFFFFC000;
	s1 =	smul.u32 $0xFFFF0200, s14  }
0x244: {  	[tilespmem:s13], [sflag:$0x3] =	stream.linear.gather [hbm4b:s9+s12], $0x4000, $0x38;
	[tilespmem:$0x12100] =	vst v63  }
0x245: {  	_ =	swait.ge [sflag:s19], $0x4000  }
0x246: {  	s1 =	sshra.s32 s1, $0x2;
	[sflag:s19] =	ssyncset.done $0x0  }
0x247: {  	s4 =	smov.u32 s31;
	s31 =	sadd.s32 $0x4100, s1;
	[sflag:s19] =	ssyncadd.s32 $0xFFFFC000  }
0x248: {  	v1 =	vld [tilespmem:s31+$0x40];
	_ =	sdelay $0x4  }
0x249: {  	v2 =	vmul.f32 $1.000000000e+02, v1;
	_ =	sdelay $0x1  }
0x24a: {  	v2 =	vadd.f32 $-5.000000000e+01, v2;
	_ =	sdelay $0x1  }
0x24b: {  	v3 =	vand.u32 $0x7FFFFFFF, v2  }
0x24c: {  	v3 =	vadd.f32 $1.000000000e+00, v3;
	_ =	sdelay $0x1  }
0x24d: {  	v4 =	vand.u32 $0x7FFFFF, v3  }
0x24e: {  	v4 =	vor.u32 $0x3F800000, v4  }
0x24f: {  	v5 =	vmul.f32 $3.741521600e+00, v4;
	_ =	sdelay $0x1  }
0x250: {  	v5 =	vsub.f32 $2.215607260e+01, v5  }
0x251: {  	v3 =	vshra.s32 v3, $0x17  }
0x252: {  	v3 =	vcvt.s32.f32 v3;
	v4 =	vmul.f32 v4, v5;
	_ =	sdelay $0x1  }
0x253: {  	v3 =	vmul.f32 $1.110636040e+01, v3;
	v4 =	vadd.f32 $-1.428822020e+03, v4;
	_ =	sdelay $0x1  }
0x254: {  	v3 =	vadd.f32 v4, v3;
	_ =	sdelay $0x1  }
0x255: {  	v3 =	vadd.f32 $8.388608000e+06, v3;
	_ =	sdelay $0x1  }
0x256: {  	v3 =	vand.u32 $0x3F, v3  }
0x257: {  	v4 =	vld [tilespmem:s31+$0x0];
	_ =	sdelay $0x3  }
0x258: {  	v3 =	vld.idx.msk [tilespmem:v3+s17+$0x0], $0xffff  }
0x259: {  	v5 =	vmul.f32 $1.000000000e+02, v4;
	_ =	sdelay $0x1  }
0x25a: {  	v5 =	vadd.f32 $-5.000000000e+01, v5  }
0x25b: {  	v2 =	vand.u32 $0x80000000, v2  }
0x25c: {  	v6 =	vand.u32 $0x7FFFFFFF, v5;
	v2 =	vor.u32 v3, v2  }
0x25d: {  	v3 =	vadd.f32 $1.000000000e+00, v6;
	v2 =	vadd.f32 $5.000000000e-01, v2;
	_ =	sdelay $0x1  }
0x25e: {  	s15 =	simm.s32 $0x0;
	v6 =	vand.u32 $0x7FFFFF, v3;
	v7 =	vsub.f32 v1, v2  }
0x25f: {  	s25 =	sshll.u32 s10, $0x7;
	s1 =	sand.u32 $0x1FFFFFF0, s15;
	v6 =	vor.u32 $0x3F800000, v6;
	v1 =	vmul.f32 v1, v1  }
0x260: {  	s10 =	sadd.s32 s25, s1;
	[tilespmem:s31+$0x40] =	vst v2;
	v8 =	vmul.f32 $3.741521600e+00, v6;
	v2 =	vmul.f32 v7, v7  }
0x261: {  	[tilespmem:s10+$0x10100] =	vst.add.f32.msk $0xffff, v1  }
0x262: {  	v1 =	vsub.f32 $2.215607260e+01, v8;
	[tilespmem:s10+$0x11100] =	vst.add.f32.msk $0xffff, v2  }
0x263: {  	v2 =	vshra.s32 v3, $0x17;
	v3 =	vld [tilespmem:s31+$0x50]  }
0x264: {  	v2 =	vcvt.s32.f32 v2;
	v1 =	vmul.f32 v6, v1;
	_ =	sdelay $0x1  }
0x265: {  	v2 =	vmul.f32 $1.110636040e+01, v2;
	v1 =	vadd.f32 $-1.428822020e+03, v1;
	_ =	sdelay $0x1  }
0x266: {  	s18 =	simm.s32 $0x0;
	v1 =	vadd.f32 v1, v2;
	v2 =	vmul.f32 $1.000000000e+02, v3  }
0x267: {  	s1 =	smul.u32 $0xFFFF0200, s18  }
0x268: {  	v1 =	vadd.f32 $8.388608000e+06, v1;
	v2 =	vadd.f32 $-5.000000000e+01, v2  }
0x269: {  	s1 =	sshra.s32 s1, $0x2  }
0x26a: {  	s12 =	sadd.s32 $0x4500, s1;
	v1 =	vand.u32 $0x3F, v1;
	v6 =	vand.u32 $0x7FFFFFFF, v2  }
0x26b: {  	v7 =	vld [tilespmem:s12+$0x40];
	v6 =	vadd.f32 $1.000000000e+00, v6;
	_ =	sdelay $0x1  }
0x26c: {  	v8 =	vand.u32 $0x7FFFFF, v6  }
0x26d: {  	v8 =	vor.u32 $0x3F800000, v8  }
0x26e: {  	v1 =	vld.idx.msk [tilespmem:v1+s17+$0x0], $0xffff;
	v9 =	vmul.f32 $3.741521600e+00, v8  }
0x26f: {  	v10 =	vmul.f32 $1.000000000e+02, v7  }
0x270: {  	v9 =	vsub.f32 $2.215607260e+01, v9  }
0x271: {  	v10 =	vadd.f32 $-5.000000000e+01, v10;
	v6 =	vshra.s32 v6, $0x17  }
0x272: {  	v5 =	vand.u32 $0x80000000, v5;
	v6 =	vcvt.s32.f32 v6;
	v8 =	vmul.f32 v8, v9  }
0x273: {  	v1 =	vor.u32 v1, v5;
	v5 =	vand.u32 $0x7FFFFFFF, v10  }
0x274: {  	v6 =	vmul.f32 $1.110636040e+01, v6;
	v5 =	vadd.f32 $1.000000000e+00, v5;
	v8 =	vadd.f32 $-1.428822020e+03, v8  }
0x275: {  	v1 =	vadd.f32 $5.000000000e-01, v1  }
0x276: {  	v6 =	vadd.f32 v8, v6;
	v8 =	vand.u32 $0x7FFFFF, v5  }
0x277: {  	v9 =	vsub.f32 v4, v1;
	v8 =	vor.u32 $0x3F800000, v8  }
0x278: {  	v11 =	vld [tilespmem:s12+$0x0];
	v4 =	vmul.f32 v4, v4;
	v6 =	vadd.f32 $8.388608000e+06, v6;
	v12 =	vmul.f32 $3.741521600e+00, v8  }
0x279: {  	[tilespmem:s31+$0x0] =	vst v1;
	v1 =	vmul.f32 v9, v9  }
0x27a: {  	[tilespmem:s10+$0x10100] =	vst.add.f32.msk $0xffff, v4;
	v4 =	vand.u32 $0x3F, v6;
	v6 =	vsub.f32 $2.215607260e+01, v12  }
0x27b: {  	[tilespmem:s10+$0x11100] =	vst.add.f32.msk $0xffff, v1;
	v1 =	vshra.s32 v5, $0x17  }
0x27c: {  	v9 =	vld [tilespmem:s31+$0x10];
	v1 =	vcvt.s32.f32 v1;
	v5 =	vmul.f32 v8, v6  }
0x27d: {  	v6 =	vmul.f32 $1.000000000e+02, v11  }
0x27e: {  	v1 =	vmul.f32 $1.110636040e+01, v1;
	v5 =	vadd.f32 $-1.428822020e+03, v5  }
0x27f: {  	v6 =	vadd.f32 $-5.000000000e+01, v6;
	v4 =	vld.idx.msk [tilespmem:v4+s17+$0x0], $0xffff  }
0x280: {  	v1 =	vadd.f32 v5, v1  }
0x281: {  	v5 =	vmul.f32 $1.000000000e+02, v9;
	v8 =	vand.u32 $0x7FFFFFFF, v6  }
0x282: {  	v8 =	vadd.f32 $1.000000000e+00, v8;
	v1 =	vadd.f32 $8.388608000e+06, v1  }
0x283: {  	v2 =	vand.u32 $0x80000000, v2;
	v5 =	vadd.f32 $-5.000000000e+01, v5  }
0x284: {  	v12 =	vand.u32 $0x7FFFFF, v8;
	v1 =	vand.u32 $0x3F, v1;
	v2 =	vor.u32 v4, v2  }
0x285: {  	v4 =	vor.u32 $0x3F800000, v12;
	v2 =	vadd.f32 $5.000000000e-01, v2  }
0x286: {  	v12 =	vand.u32 $0x7FFFFFFF, v5;
	v13 =	vmul.f32 $3.741521600e+00, v4  }
0x287: {  	v12 =	vadd.f32 $1.000000000e+00, v12;
	v14 =	vsub.f32 v3, v2  }
0x288: {  	v13 =	vsub.f32 $2.215607260e+01, v13;
	v3 =	vmul.f32 v3, v3  }
0x289: {  	v8 =	vshra.s32 v8, $0x17;
	v15 =	vand.u32 $0x7FFFFF, v12;
	[tilespmem:s31+$0x50] =	vst v2;
	v1 =	vld.idx.msk [tilespmem:v1+s17+$0x0], $0xffff;
	v2 =	vmul.f32 v14, v14  }
0x28a: {  	v8 =	vcvt.s32.f32 v8;
	v14 =	vor.u32 $0x3F800000, v15;
	v4 =	vmul.f32 v4, v13;
	[tilespmem:s10+$0x10100] =	vst.add.f32.msk $0xffff, v3  }
0x28b: {  	v3 =	vmul.f32 $3.741521600e+00, v14;
	[tilespmem:s10+$0x11100] =	vst.add.f32.msk $0xffff, v2  }
0x28c: {  	v2 =	vmul.f32 $1.110636040e+01, v8;
	v4 =	vadd.f32 $-1.428822020e+03, v4;
	v8 =	vld [tilespmem:s31+$0x60]  }
0x28d: {  	v10 =	vand.u32 $0x80000000, v10;
	v3 =	vsub.f32 $2.215607260e+01, v3  }
0x28e: {  	v2 =	vadd.f32 v4, v2;
	v1 =	vor.u32 v1, v10  }
0x28f: {  	v4 =	vshra.s32 v12, $0x17;
	v3 =	vmul.f32 v14, v3;
	v1 =	vadd.f32 $5.000000000e-01, v1  }
0x290: {  	v4 =	vcvt.s32.f32 v4;
	v2 =	vadd.f32 $8.388608000e+06, v2  }
0x291: {  	s20 =	simm.s32 $0x1;
	v3 =	vadd.f32 $-1.428822020e+03, v3;
	v10 =	vmul.f32 $1.000000000e+02, v8;
	v12 =	vsub.f32 v7, v1  }
0x292: {  	s1 =	sand.u32 $0x1FFFFFF0, s20;
	v4 =	vmul.f32 $1.110636040e+01, v4;
	v2 =	vand.u32 $0x3F, v2;
	v7 =	vmul.f32 v7, v7  }
0x293: {  	s7 =	sadd.s32 s25, s1;
	[tilespmem:s12+$0x40] =	vst v1;
	v10 =	vadd.f32 $-5.000000000e+01, v10;
	v1 =	vmul.f32 v12, v12  }
0x294: {  	v3 =	vadd.f32 v3, v4;
	[tilespmem:s7+$0x10100] =	vst.add.f32.msk $0xffff, v7  }
0x295: {  	v4 =	vand.u32 $0x7FFFFFFF, v10;
	[tilespmem:s7+$0x11100] =	vst.add.f32.msk $0xffff, v1  }
0x296: {  	v1 =	vadd.f32 $8.388608000e+06, v3;
	v3 =	vadd.f32 $1.000000000e+00, v4;
	v7 =	vld [tilespmem:s12+$0x50]  }
0x297: {  	v2 =	vld.idx.msk [tilespmem:v2+s17+$0x0], $0xffff  }
0x298: {  	v4 =	vand.u32 $0x7FFFFF, v3  }
0x299: {  	v1 =	vand.u32 $0x3F, v1;
	v4 =	vor.u32 $0x3F800000, v4  }
0x29a: {  	v12 =	vmul.f32 $3.741521600e+00, v4  }
0x29b: {  	v6 =	vand.u32 $0x80000000, v6;
	v13 =	vmul.f32 $1.000000000e+02, v7  }
0x29c: {  	v2 =	vor.u32 v2, v6;
	v6 =	vsub.f32 $2.215607260e+01, v12  }
0x29d: {  	v3 =	vshra.s32 v3, $0x17;
	v2 =	vadd.f32 $5.000000000e-01, v2;
	v12 =	vadd.f32 $-5.000000000e+01, v13  }
0x29e: {  	s24 =	simm.s32 $0x0;
	v3 =	vcvt.s32.f32 v3;
	v1 =	vld.idx.msk [tilespmem:v1+s17+$0x0], $0xffff;
	v4 =	vmul.f32 v4, v6  }
0x29f: {  	s1 =	smul.u32 $0xFFFF0200, s24;
	v6 =	vmul.f32 v11, v11;
	v11 =	vsub.f32 v11, v2;
	v13 =	vand.u32 $0x7FFFFFFF, v12  }
0x2a0: {  	v3 =	vmul.f32 $1.110636040e+01, v3;
	v4 =	vadd.f32 $-1.428822020e+03, v4;
	v13 =	vadd.f32 $1.000000000e+00, v13  }
0x2a1: {  	s1 =	sshra.s32 s1, $0x2;
	v5 =	vand.u32 $0x80000000, v5;
	[tilespmem:s12+$0x0] =	vst v2  }
0x2a2: {  	s24 =	sadd.s32 $0x4900, s1;
	v2 =	vmul.f32 v11, v11;
	[tilespmem:s7+$0x10100] =	vst.add.f32.msk $0xffff, v6;
	v3 =	vadd.f32 v4, v3;
	v4 =	vand.u32 $0x7FFFFF, v13  }
0x2a3: {  	v1 =	vor.u32 v1, v5;
	v5 =	vld [tilespmem:s24+$0x40];
	v6 =	vor.u32 $0x3F800000, v4  }
0x2a4: {  	v1 =	vadd.f32 $5.000000000e-01, v1;
	[tilespmem:s7+$0x11100] =	vst.add.f32.msk $0xffff, v2;
	v3 =	vadd.f32 $8.388608000e+06, v3;
	v4 =	vmul.f32 $3.741521600e+00, v6  }
0x2a5: {  	v13 =	vshra.s32 v13, $0x17;
	v2 =	vld [tilespmem:s12+$0x10]  }
0x2a6: {  	v11 =	vsub.f32 v9, v1;
	v3 =	vand.u32 $0x3F, v3;
	v14 =	vsub.f32 $2.215607260e+01, v4  }
0x2a7: {  	v9 =	vmul.f32 v9, v9;
	[tilespmem:s31+$0x10] =	vst v1;
	v1 =	vcvt.s32.f32 v13  }
0x2a8: {  	v11 =	vmul.f32 v11, v11;
	v4 =	vld [tilespmem:s24+$0x0];
	v6 =	vmul.f32 v6, v14  }
0x2a9: {  	[tilespmem:s10+$0x10100] =	vst.add.f32.msk $0xffff, v9;
	v9 =	vmul.f32 $1.000000000e+02, v5  }
0x2aa: {  	v13 =	vmul.f32 $1.110636040e+01, v1;
	[tilespmem:s10+$0x11100] =	vst.add.f32.msk $0xffff, v11;
	v11 =	vmul.f32 $1.000000000e+02, v2;
	v6 =	vadd.f32 $-1.428822020e+03, v6  }
0x2ab: {  	v9 =	vadd.f32 $-5.000000000e+01, v9;
	v14 =	vld.idx.msk [tilespmem:v3+s17+$0x0], $0xffff  }
0x2ac: {  	v3 =	vadd.f32 $-5.000000000e+01, v11;
	v6 =	vadd.f32 v6, v13  }
0x2ad: {  	v1 =	vld [tilespmem:s31+$0x20];
	v11 =	vmul.f32 $1.000000000e+02, v4;
	v13 =	vand.u32 $0x7FFFFFFF, v9  }
0x2ae: {  	v15 =	vand.u32 $0x7FFFFFFF, v3;
	v13 =	vadd.f32 $1.000000000e+00, v13;
	v6 =	vadd.f32 $8.388608000e+06, v6  }
0x2af: {  	v10 =	vand.u32 $0x80000000, v10;
	v16 =	vadd.f32 $-5.000000000e+01, v11;
	v15 =	vadd.f32 $1.000000000e+00, v15  }
0x2b0: {  	v11 =	vand.u32 $0x7FFFFF, v13;
	v6 =	vand.u32 $0x3F, v6;
	v10 =	vor.u32 v14, v10  }
0x2b1: {  	v18 =	vand.u32 $0x7FFFFFFF, v16;
	v11 =	vor.u32 $0x3F800000, v11;
	v10 =	vadd.f32 $5.000000000e-01, v10  }
0x2b2: {  	v13 =	vshra.s32 v13, $0x17;
	v14 =	vmul.f32 $1.000000000e+02, v1;
	v19 =	vmul.f32 $3.741521600e+00, v11  }
0x2b3: {  	v17 =	vand.u32 $0x7FFFFF, v15;
	v18 =	vadd.f32 $1.000000000e+00, v18;
	v20 =	vsub.f32 v8, v10  }
0x2b4: {  	v13 =	vcvt.s32.f32 v13;
	v19 =	vsub.f32 $2.215607260e+01, v19;
	v8 =	vmul.f32 v8, v8  }
0x2b5: {  	v17 =	vor.u32 $0x3F800000, v17;
	v22 =	vand.u32 $0x7FFFFF, v18;
	[tilespmem:s31+$0x60] =	vst v10;
	v6 =	vld.idx.msk [tilespmem:v6+s17+$0x0], $0xffff;
	v10 =	vmul.f32 v20, v20  }
0x2b6: {  	v21 =	vmul.f32 $3.741521600e+00, v17;
	v20 =	vor.u32 $0x3F800000, v22;
	v11 =	vmul.f32 v11, v19;
	[tilespmem:s10+$0x10100] =	vst.add.f32.msk $0xffff, v8  }
0x2b7: {  	v12 =	vand.u32 $0x80000000, v12;
	v13 =	vmul.f32 $1.110636040e+01, v13;
	v19 =	vmul.f32 $3.741521600e+00, v20;
	[tilespmem:s10+$0x11100] =	vst.add.f32.msk $0xffff, v10  }
0x2b8: {  	v18 =	vshra.s32 v18, $0x17;
	v10 =	vadd.f32 $-5.000000000e+01, v14;
	v14 =	vadd.f32 $-1.428822020e+03, v11;
	v11 =	vld [tilespmem:s31+$0x70]  }
0x2b9: {  	v8 =	vshra.s32 v15, $0x17;
	v15 =	vsub.f32 $2.215607260e+01, v21;
	v19 =	vsub.f32 $2.215607260e+01, v19  }
0x2ba: {  	v18 =	vcvt.s32.f32 v18;
	v13 =	vadd.f32 v14, v13;
	v6 =	vor.u32 v6, v12  }
0x2bb: {  	v12 =	vmul.f32 v17, v15;
	v14 =	vmul.f32 v20, v19;
	v6 =	vadd.f32 $5.000000000e-01, v6  }
0x2bc: {  	v15 =	vand.u32 $0x7FFFFFFF, v10;
	v17 =	vmul.f32 $1.110636040e+01, v18;
	v13 =	vadd.f32 $8.388608000e+06, v13  }
0x2bd: {  	v14 =	vadd.f32 $-1.428822020e+03, v14;
	v18 =	vmul.f32 $1.000000000e+02, v11;
	v19 =	vsub.f32 v7, v6  }
0x2be: {  	v15 =	vadd.f32 $1.000000000e+00, v15;
	v13 =	vand.u32 $0x3F, v13;
	v7 =	vmul.f32 v7, v7  }
0x2bf: {  	[tilespmem:s12+$0x50] =	vst v6;
	v14 =	vadd.f32 v14, v17;
	v17 =	vadd.f32 $-5.000000000e+01, v18;
	v6 =	vmul.f32 v19, v19  }
0x2c0: {  	v8 =	vcvt.s32.f32 v8;
	v18 =	vand.u32 $0x7FFFFF, v15;
	[tilespmem:s7+$0x10100] =	vst.add.f32.msk $0xffff, v7  }
0x2c1: {  	v18 =	vor.u32 $0x3F800000, v18;
	v14 =	vadd.f32 $8.388608000e+06, v14;
	v7 =	vand.u32 $0x7FFFFFFF, v17;
	[tilespmem:s7+$0x11100] =	vst.add.f32.msk $0xffff, v6  }
0x2c2: {  	v6 =	vmul.f32 $1.110636040e+01, v8;
	v8 =	vmul.f32 $3.741521600e+00, v18;
	v19 =	vadd.f32 $1.000000000e+00, v7;
	v7 =	vld [tilespmem:s12+$0x60]  }
0x2c3: {  	v12 =	vadd.f32 $-1.428822020e+03, v12;
	v13 =	vld.idx.msk [tilespmem:v13+s17+$0x0], $0xffff  }
0x2c4: {  	v15 =	vshra.s32 v15, $0x17;
	v14 =	vand.u32 $0x3F, v14;
	v8 =	vsub.f32 $2.215607260e+01, v8  }
0x2c5: {  	v15 =	vcvt.s32.f32 v15;
	v6 =	vadd.f32 v12, v6;
	v12 =	vand.u32 $0x7FFFFF, v19  }
0x2c6: {  	v9 =	vand.u32 $0x80000000, v9;
	v12 =	vor.u32 $0x3F800000, v12;
	v8 =	vmul.f32 v18, v8  }
0x2c7: {  	v15 =	vmul.f32 $1.110636040e+01, v15;
	v6 =	vadd.f32 $8.388608000e+06, v6;
	v18 =	vmul.f32 $3.741521600e+00, v12  }
0x2c8: {  	v20 =	vmul.f32 $1.000000000e+02, v7;
	v8 =	vadd.f32 $-1.428822020e+03, v8;
	v9 =	vor.u32 v13, v9  }
0x2c9: {  	v16 =	vand.u32 $0x80000000, v16;
	v14 =	vld.idx.msk [tilespmem:v14+s17+$0x0], $0xffff;
	v18 =	vsub.f32 $2.215607260e+01, v18;
	v9 =	vadd.f32 $5.000000000e-01, v9  }
0x2ca: {  	v13 =	vadd.f32 $-5.000000000e+01, v20;
	v8 =	vadd.f32 v8, v15;
	v15 =	vshra.s32 v19, $0x17  }
0x2cb: {  	v6 =	vand.u32 $0x3F, v6;
	v12 =	vmul.f32 v12, v18;
	v15 =	vcvt.s32.f32 v15  }
0x2cc: {  	s26 =	simm.s32 $0x2;
	v18 =	vsub.f32 v5, v9;
	v19 =	vand.u32 $0x7FFFFFFF, v13;
	v8 =	vadd.f32 $8.388608000e+06, v8  }
0x2cd: {  	s1 =	sand.u32 $0x1FFFFFF0, s26;
	v5 =	vmul.f32 v5, v5;
	v12 =	vadd.f32 $-1.428822020e+03, v12;
	v19 =	vadd.f32 $1.000000000e+00, v19  }
0x2ce: {  	s26 =	sadd.s32 s25, s1;
	[tilespmem:s24+$0x40] =	vst v9;
	v15 =	vmul.f32 $1.110636040e+01, v15;
	v14 =	vor.u32 v14, v16;
	v9 =	vmul.f32 v18, v18  }
0x2cf: {  	[tilespmem:s26+$0x10100] =	vst.add.f32.msk $0xffff, v5;
	v14 =	vadd.f32 $5.000000000e-01, v14;
	v8 =	vand.u32 $0x3F, v8;
	v5 =	vand.u32 $0x7FFFFF, v19  }
0x2d0: {  	v12 =	vadd.f32 v12, v15;
	[tilespmem:s26+$0x11100] =	vst.add.f32.msk $0xffff, v9;
	v5 =	vor.u32 $0x3F800000, v5  }
0x2d1: {  	v15 =	vsub.f32 v4, v14;
	v9 =	vld [tilespmem:s24+$0x50];
	v4 =	vmul.f32 v4, v4;
	v16 =	vmul.f32 $3.741521600e+00, v5  }
0x2d2: {  	v6 =	vld.idx.msk [tilespmem:v6+s17+$0x0], $0xffff;
	[tilespmem:s24+$0x0] =	vst v14;
	v12 =	vadd.f32 $8.388608000e+06, v12  }
0x2d3: {  	v14 =	vmul.f32 v15, v15;
	[tilespmem:s26+$0x10100] =	vst.add.f32.msk $0xffff, v4;
	v15 =	vsub.f32 $2.215607260e+01, v16  }
0x2d4: {  	v4 =	vand.u32 $0x3F, v12;
	v12 =	vshra.s32 v19, $0x17;
	v8 =	vld.idx.msk [tilespmem:v8+s17+$0x0], $0xffff  }
0x2d5: {  	v12 =	vcvt.s32.f32 v12;
	v5 =	vmul.f32 v5, v15  }
0x2d6: {  	s8 =	simm.s32 $0x0;
	v13 =	vand.u32 $0x80000000, v13;
	[tilespmem:s26+$0x11100] =	vst.add.f32.msk $0xffff, v14;
	v14 =	vand.u32 $0x80000000, v3;
	v15 =	vmul.f32 $1.000000000e+02, v9  }
0x2d7: {  	s1 =	smul.u32 $0xFFFF0200, s8;
	v3 =	vld [tilespmem:s24+$0x10];
	v6 =	vor.u32 v6, v14;
	v14 =	vmul.f32 $1.110636040e+01, v12;
	v5 =	vadd.f32 $-1.428822020e+03, v5  }
0x2d8: {  	v18 =	vadd.f32 $5.000000000e-01, v6;
	v6 =	vand.u32 $0x80000000, v10;
	v15 =	vadd.f32 $-5.000000000e+01, v15  }
0x2d9: {  	s1 =	sshra.s32 s1, $0x2;
	v16 =	vmul.f32 v2, v2;
	v19 =	vld.idx.msk [tilespmem:v4+s17+$0x0], $0xffff;
	v8 =	vor.u32 v8, v6;
	v5 =	vadd.f32 v5, v14  }
0x2da: {  	s13 =	sadd.s32 $0x4D00, s1;
	v2 =	vsub.f32 v2, v18;
	v10 =	vand.u32 $0x7FFFFFFF, v15;
	v24 =	vadd.f32 $5.000000000e-01, v8  }
0x2db: {  	v12 =	vmul.f32 v1, v1;
	v20 =	vadd.f32 $1.000000000e+00, v10;
	v10 =	vld [tilespmem:s13+$0x40];
	v5 =	vadd.f32 $8.388608000e+06, v5  }
0x2dc: {  	v6 =	vand.u32 $0x80000000, v17;
	v14 =	vmul.f32 $1.000000000e+02, v3;
	v21 =	vmul.f32 v2, v2  }
0x2dd: {  	[tilespmem:s12+$0x10] =	vst v18;
	v18 =	vsub.f32 v1, v24;
	v17 =	vand.u32 $0x7FFFFF, v20;
	v22 =	vand.u32 $0x3F, v5  }
0x2de: {  	[tilespmem:s7+$0x10100] =	vst.add.f32.msk $0xffff, v16;
	v14 =	vadd.f32 $-5.000000000e+01, v14;
	v5 =	vor.u32 v19, v6;
	v17 =	vor.u32 $0x3F800000, v17  }
0x2df: {  	v1 =	vshra.s32 v20, $0x17;
	v6 =	vadd.f32 $5.000000000e-01, v5;
	v23 =	vmul.f32 $3.741521600e+00, v17;
	v5 =	vld [tilespmem:s13+$0x0]  }
0x2e0: {  	[tilespmem:s7+$0x11100] =	vst.add.f32.msk $0xffff, v21;
	v19 =	vand.u32 $0x7FFFFFFF, v14;
	v8 =	vand.u32 $0x80000000, v14;
	v25 =	vmul.f32 $1.000000000e+02, v10  }
0x2e1: {  	v19 =	vadd.f32 $1.000000000e+00, v19;
	v14 =	vsub.f32 $2.215607260e+01, v23;
	v23 =	vcvt.s32.f32 v1;
	v1 =	vld [tilespmem:s12+$0x20]  }
0x2e2: {  	v4 =	vmul.f32 v11, v11;
	v15 =	vand.u32 $0x80000000, v15;
	v20 =	vld.idx.msk [tilespmem:v22+s17+$0x0], $0xffff;
	v22 =	vadd.f32 $-5.000000000e+01, v25  }
0x2e3: {  	v11 =	vsub.f32 v11, v6;
	v16 =	vand.u32 $0x7FFFFF, v19;
	v14 =	vmul.f32 v17, v14  }
0x2e4: {  	v16 =	vor.u32 $0x3F800000, v16;
	v17 =	vmul.f32 $1.000000000e+02, v5;
	v21 =	vand.u32 $0x7FFFFFFF, v22  }
0x2e5: {  	v23 =	vmul.f32 $1.110636040e+01, v23;
	v14 =	vadd.f32 $-1.428822020e+03, v14;
	v21 =	vadd.f32 $1.000000000e+00, v21  }
0x2e6: {  	v25 =	vmul.f32 $3.741521600e+00, v16;
	v17 =	vadd.f32 $-5.000000000e+01, v17;
	v27 =	vmul.f32 $1.000000000e+02, v1  }
0x2e7: {  	v14 =	vadd.f32 v14, v23;
	v23 =	vand.u32 $0x7FFFFF, v21;
	v13 =	vor.u32 v20, v13  }
0x2e8: {  	v20 =	vsub.f32 $2.215607260e+01, v25;
	v23 =	vor.u32 $0x3F800000, v23;
	v13 =	vadd.f32 $5.000000000e-01, v13  }
0x2e9: {  	v25 =	vand.u32 $0x7FFFFFFF, v17;
	v14 =	vadd.f32 $8.388608000e+06, v14;
	v26 =	vmul.f32 $3.741521600e+00, v23  }
0x2ea: {  	v21 =	vshra.s32 v21, $0x17;
	v25 =	vadd.f32 $1.000000000e+00, v25;
	v48 =	vsub.f32 v7, v13  }
0x2eb: {  	v49 =	vand.u32 $0x3F, v14;
	v7 =	vmul.f32 v7, v7;
	v14 =	vsub.f32 $2.215607260e+01, v26  }
0x2ec: {  	v21 =	vcvt.s32.f32 v21;
	[tilespmem:s12+$0x60] =	vst v13;
	v26 =	vand.u32 $0x7FFFFF, v25;
	v13 =	vmul.f32 v48, v48  }
0x2ed: {  	v26 =	vor.u32 $0x3F800000, v26;
	[tilespmem:s7+$0x10100] =	vst.add.f32.msk $0xffff, v7;
	v7 =	vmul.f32 v11, v11;
	v14 =	vmul.f32 v23, v14  }
0x2ee: {  	v11 =	vshra.s32 v19, $0x17;
	v19 =	vmul.f32 $3.741521600e+00, v26;
	v23 =	vshra.s32 v25, $0x17;
	[tilespmem:s7+$0x11100] =	vst.add.f32.msk $0xffff, v13  }
0x2ef: {  	v11 =	vcvt.s32.f32 v11;
	v13 =	vmul.f32 v16, v20;
	v16 =	vadd.f32 $-1.428822020e+03, v14;
	v14 =	vld [tilespmem:s12+$0x70]  }
0x2f0: {  	v20 =	vmul.f32 $1.110636040e+01, v21;
	v21 =	vadd.f32 $-5.000000000e+01, v27;
	v19 =	vsub.f32 $2.215607260e+01, v19;
	v25 =	vld.idx.msk [tilespmem:v49+s17+$0x0], $0xffff  }
0x2f1: {  	v23 =	vcvt.s32.f32 v23;
	v11 =	vmul.f32 $1.110636040e+01, v11;
	v13 =	vadd.f32 $-1.428822020e+03, v13  }
0x2f2: {  	v16 =	vadd.f32 v16, v20;
	v20 =	vand.u32 $0x7FFFFFFF, v21;
	v19 =	vmul.f32 v26, v19  }
0x2f3: {  	v18 =	vmul.f32 v18, v18;
	v20 =	vadd.f32 $1.000000000e+00, v20;
	v11 =	vadd.f32 v13, v11  }
0x2f4: {  	v23 =	vmul.f32 $1.110636040e+01, v23;
	v16 =	vadd.f32 $8.388608000e+06, v16;
	v19 =	vadd.f32 $-1.428822020e+03, v19  }
0x2f5: {  	v26 =	vmul.f32 $1.000000000e+02, v14;
	v15 =	vor.u32 v25, v15;
	v25 =	vand.u32 $0x7FFFFF, v20  }
0x2f6: {  	v11 =	vadd.f32 $8.388608000e+06, v11;
	v16 =	vand.u32 $0x3F, v16;
	v15 =	vadd.f32 $5.000000000e-01, v15  }
0x2f7: {  	[tilespmem:s31+$0x20] =	vst v24;
	v13 =	vor.u32 $0x3F800000, v25;
	v19 =	vadd.f32 v19, v23;
	v26 =	vadd.f32 $-5.000000000e+01, v26  }
0x2f8: {  	[tilespmem:s10+$0x11100] =	vst.add.f32.msk $0xffff, v18;
	v11 =	vand.u32 $0x3F, v11;
	v25 =	vsub.f32 v9, v15;
	v9 =	vmul.f32 v9, v9  }
0x2f9: {  	v19 =	vadd.f32 $8.388608000e+06, v19;
	[tilespmem:s24+$0x50] =	vst v15;
	v27 =	vand.u32 $0x7FFFFFFF, v26  }
0x2fa: {  	v23 =	vmul.f32 $3.741521600e+00, v13;
	v27 =	vadd.f32 $1.000000000e+00, v27;
	v15 =	vmul.f32 v25, v25;
	[tilespmem:s26+$0x10100] =	vst.add.f32.msk $0xffff, v9  }
0x2fb: {  	v2 =	vmul.f32 v3, v3;
	v22 =	vand.u32 $0x80000000, v22;
	v19 =	vand.u32 $0x3F, v19;
	v50 =	vld.idx.msk [tilespmem:v16+s17+$0x0], $0xffff  }
0x2fc: {  	v20 =	vshra.s32 v20, $0x17;
	v16 =	vsub.f32 $2.215607260e+01, v23;
	v9 =	vand.u32 $0x7FFFFF, v27;
	[tilespmem:s26+$0x11100] =	vst.add.f32.msk $0xffff, v15  }
0x2fd: {  	v17 =	vand.u32 $0x80000000, v17;
	v20 =	vcvt.s32.f32 v20;
	v11 =	vld.idx.msk [tilespmem:v11+s17+$0x0], $0xffff;
	v9 =	vor.u32 $0x3F800000, v9  }
0x2fe: {  	v18 =	vshra.s32 v27, $0x17;
	v13 =	vmul.f32 v13, v16;
	v16 =	vld [tilespmem:s24+$0x60];
	v15 =	vmul.f32 $3.741521600e+00, v9  }
0x2ff: {  	[tilespmem:s10+$0x10100] =	vst.add.f32.msk $0xffff, v12;
	v21 =	vand.u32 $0x80000000, v21;
	v20 =	vmul.f32 $1.110636040e+01, v20;
	v18 =	vcvt.s32.f32 v18  }
0x300: {  	v12 =	vadd.f32 $-1.428822020e+03, v13;
	v19 =	vld.idx.msk [tilespmem:v19+s17+$0x0], $0xffff;
	v13 =	vsub.f32 $2.215607260e+01, v15;
	v15 =	vor.u32 v50, v22  }
0x301: {  	v23 =	vmul.f32 v5, v5;
	v18 =	vmul.f32 $1.110636040e+01, v18;
	v15 =	vadd.f32 $5.000000000e-01, v15  }
0x302: {  	v12 =	vadd.f32 v12, v20;
	v8 =	vor.u32 v11, v8;
	v13 =	vmul.f32 v9, v13  }
0x303: {  	s9 =	simm.s32 $0x3;
	v9 =	vld [tilespmem:s31+$0x30];
	v20 =	vmul.f32 $1.000000000e+02, v16;
	v8 =	vadd.f32 $5.000000000e-01, v8;
	v22 =	vsub.f32 v10, v15  }
0x304: {  	s1 =	sand.u32 $0x1FFFFFF0, s9;
	v12 =	vadd.f32 $8.388608000e+06, v12;
	v10 =	vmul.f32 v10, v10;
	[tilespmem:s13+$0x40] =	vst v15;
	v15 =	vmul.f32 v1, v1  }
0x305: {  	s30 =	sadd.s32 s25, s1;
	v13 =	vadd.f32 $-1.428822020e+03, v13;
	v25 =	vadd.f32 $-5.000000000e+01, v20;
	v17 =	vor.u32 v19, v17;
	[tilespmem:s24+$0x10] =	vst v8  }
0x306: {  	v20 =	vmul.f32 v22, v22;
	v12 =	vand.u32 $0x3F, v12;
	[tilespmem:s30+$0x10100] =	vst.add.f32.msk $0xffff, v10;
	v19 =	vadd.f32 $5.000000000e-01, v17  }
0x307: {  	v3 =	vsub.f32 v3, v8;
	[tilespmem:s26+$0x10100] =	vst.add.f32.msk $0xffff, v2;
	v13 =	vadd.f32 v13, v18;
	v17 =	vand.u32 $0x7FFFFFFF, v25  }
0x308: {  	[tilespmem:s30+$0x11100] =	vst.add.f32.msk $0xffff, v20;
	v18 =	vmul.f32 $1.000000000e+02, v9;
	v20 =	vadd.f32 $1.000000000e+00, v17;
	v5 =	vsub.f32 v5, v19  }
0x309: {  	v10 =	vmul.f32 v14, v14;
	v2 =	vand.u32 $0x80000000, v26;
	[tilespmem:s13+$0x0] =	vst v19;
	v17 =	vld [tilespmem:s13+$0x50];
	v11 =	vadd.f32 $8.388608000e+06, v13  }
0x30a: {  	[tilespmem:s30+$0x10100] =	vst.add.f32.msk $0xffff, v23;
	v13 =	vand.u32 $0x7FFFFF, v20;
	v18 =	vadd.f32 $-5.000000000e+01, v18;
	v5 =	vmul.f32 v5, v5  }
0x30b: {  	v27 =	vmul.f32 v3, v3;
	v19 =	vand.u32 $0x3F, v11;
	v13 =	vor.u32 $0x3F800000, v13;
	v22 =	vld.idx.msk [tilespmem:v12+s17+$0x0], $0xffff  }
0x30c: {  	s14 =	simm.s32 $0x0;
	v20 =	vshra.s32 v20, $0x17;
	v23 =	vmul.f32 $3.741521600e+00, v13;
	v12 =	vand.u32 $0x7FFFFFFF, v18;
	[tilespmem:s30+$0x11100] =	vst.add.f32.msk $0xffff, v5  }
0x30d: {  	s1 =	smul.u32 $0xFFFF0200, s14;
	v25 =	vand.u32 $0x80000000, v25;
	v20 =	vcvt.s32.f32 v20;
	v5 =	vadd.f32 $1.000000000e+00, v12;
	v3 =	vld [tilespmem:s13+$0x10]  }
0x30e: {  	v12 =	vand.u32 $0x80000000, v18;
	v24 =	vmul.f32 $1.000000000e+02, v17;
	v18 =	vsub.f32 $2.215607260e+01, v23  }
0x30f: {  	s1 =	sshra.s32 s1, $0x2;
	v11 =	vmul.f32 v9, v9;
	v20 =	vmul.f32 $1.110636040e+01, v20;
	v23 =	vshra.s32 v5, $0x17  }
0x310: {  	s14 =	sadd.s32 $0x5100, s1;
	v51 =	vadd.f32 $-5.000000000e+01, v24;
	v13 =	vmul.f32 v13, v18;
	v19 =	vld.idx.msk [tilespmem:v19+s17+$0x0], $0xffff;
	v21 =	vor.u32 v22, v21  }
0x311: {  	v5 =	vand.u32 $0x7FFFFF, v5;
	v24 =	vcvt.s32.f32 v23;
	v23 =	vld [tilespmem:s14+$0x40];
	v53 =	vadd.f32 $5.000000000e-01, v21  }
0x312: {  	v18 =	vand.u32 $0x7FFFFFFF, v51;
	v13 =	vadd.f32 $-1.428822020e+03, v13;
	v52 =	vmul.f32 $1.000000000e+02, v3  }
0x313: {  	v28 =	vand.u32 $0x80000000, v51;
	v22 =	vadd.f32 $1.000000000e+00, v18;
	v18 =	vor.u32 $0x3F800000, v5  }
0x314: {  	v5 =	vmul.f32 v3, v3;
	v1 =	vsub.f32 v1, v53;
	v8 =	vadd.f32 v13, v20  }
0x315: {  	v21 =	vld [tilespmem:s14+$0x0];
	v20 =	vadd.f32 $-5.000000000e+01, v52;
	v40 =	vmul.f32 $3.741521600e+00, v18;
	v13 =	vand.u32 $0x7FFFFF, v22  }
0x316: {  	[tilespmem:s26+$0x11100] =	vst.add.f32.msk $0xffff, v27;
	v2 =	vor.u32 v19, v2;
	v27 =	vmul.f32 $1.000000000e+02, v23;
	v26 =	vor.u32 $0x3F800000, v13  }
0x317: {  	v22 =	vshra.s32 v22, $0x17;
	v19 =	vadd.f32 $8.388608000e+06, v8;
	v54 =	vmul.f32 $3.741521600e+00, v26  }
0x318: {  	v1 =	vmul.f32 v1, v1;
	v13 =	vadd.f32 $5.000000000e-01, v2;
	v2 =	vand.u32 $0x7FFFFFFF, v20  }
0x319: {  	[tilespmem:s12+$0x20] =	vst v53;
	v22 =	vcvt.s32.f32 v22;
	v19 =	vand.u32 $0x3F, v19;
	v29 =	vsub.f32 $2.215607260e+01, v54  }
0x31a: {  	[tilespmem:s7+$0x10100] =	vst.add.f32.msk $0xffff, v15;
	v20 =	vand.u32 $0x80000000, v20;
	v56 =	vmul.f32 $1.000000000e+02, v21;
	v37 =	vmul.f32 v21, v21  }
0x31b: {  	v8 =	vld [tilespmem:s24+$0x20];
	v15 =	vsub.f32 $2.215607260e+01, v40;
	v27 =	vadd.f32 $-5.000000000e+01, v27;
	v26 =	vmul.f32 v26, v29  }
0x31c: {  	v2 =	vadd.f32 $1.000000000e+00, v2;
	[tilespmem:s7+$0x11100] =	vst.add.f32.msk $0xffff, v1;
	v1 =	vmul.f32 $1.110636040e+01, v24;
	v22 =	vmul.f32 $1.110636040e+01, v22  }
0x31d: {  	v31 =	vadd.f32 $-5.000000000e+01, v56;
	v57 =	vand.u32 $0x7FFFFFFF, v27;
	v26 =	vadd.f32 $-1.428822020e+03, v26  }
0x31e: {  	v14 =	vsub.f32 v14, v13;
	v15 =	vmul.f32 v18, v15;
	v32 =	vadd.f32 $1.000000000e+00, v57;
	v19 =	vld.idx.msk [tilespmem:v19+s17+$0x0], $0xffff  }
0x31f: {  	v55 =	vand.u32 $0x7FFFFF, v2;
	v35 =	vand.u32 $0x7FFFFFFF, v31;
	v22 =	vadd.f32 v26, v22  }
0x320: {  	v58 =	vmul.f32 $1.000000000e+02, v8;
	v35 =	vadd.f32 $1.000000000e+00, v35;
	v26 =	vand.u32 $0x7FFFFF, v32  }
0x321: {  	v29 =	vor.u32 $0x3F800000, v55;
	v26 =	vor.u32 $0x3F800000, v26;
	v22 =	vadd.f32 $8.388608000e+06, v22  }
0x322: {  	v34 =	vmul.f32 $3.741521600e+00, v29;
	v59 =	vand.u32 $0x7FFFFF, v35;
	v36 =	vmul.f32 $3.741521600e+00, v26  }
0x323: {  	v32 =	vshra.s32 v32, $0x17;
	v19 =	vor.u32 v19, v25;
	v22 =	vand.u32 $0x3F, v22  }
0x324: {  	v25 =	vsub.f32 $2.215607260e+01, v36;
	v19 =	vadd.f32 $5.000000000e-01, v19;
	v36 =	vor.u32 $0x3F800000, v59  }
0x325: {  	v33 =	vadd.f32 $-5.000000000e+01, v58;
	v32 =	vcvt.s32.f32 v32;
	v60 =	vmul.f32 $3.741521600e+00, v36  }
0x326: {  	v25 =	vmul.f32 v26, v25;
	v38 =	vsub.f32 v16, v19;
	v16 =	vmul.f32 v16, v16  }
0x327: {  	v2 =	vshra.s32 v2, $0x17;
	v26 =	vsub.f32 $2.215607260e+01, v34;
	[tilespmem:s24+$0x60] =	vst v19;
	v34 =	vsub.f32 $2.215607260e+01, v60  }
0x328: {  	v32 =	vmul.f32 $1.110636040e+01, v32;
	v25 =	vadd.f32 $-1.428822020e+03, v25;
	v19 =	vmul.f32 v38, v38;
	[tilespmem:s26+$0x10100] =	vst.add.f32.msk $0xffff, v16  }
0x329: {  	v35 =	vshra.s32 v35, $0x17;
	v61 =	vand.u32 $0x7FFFFFFF, v33;
	v22 =	vld.idx.msk [tilespmem:v22+s17+$0x0], $0xffff;
	v62 =	vmul.f32 v36, v34  }
0x32a: {  	v16 =	vadd.f32 v25, v32;
	v25 =	vmul.f32 v29, v26;
	v26 =	vcvt.s32.f32 v35;
	[tilespmem:s26+$0x11100] =	vst.add.f32.msk $0xffff, v19  }
0x32b: {  	v27 =	vand.u32 $0x80000000, v27;
	v2 =	vcvt.s32.f32 v2;
	v29 =	vadd.f32 $1.000000000e+00, v61;
	v19 =	vld [tilespmem:s24+$0x70]  }
0x32c: {  	v32 =	vadd.f32 $-1.428822020e+03, v62;
	v16 =	vadd.f32 $8.388608000e+06, v16;
	v26 =	vmul.f32 $1.110636040e+01, v26  }
0x32d: {  	v2 =	vmul.f32 $1.110636040e+01, v2;
	v25 =	vadd.f32 $-1.428822020e+03, v25;
	v63 =	vshra.s32 v29, $0x17  }
0x32e: {  	v16 =	vand.u32 $0x3F, v16;
	v22 =	vor.u32 v22, v28;
	v26 =	vadd.f32 v32, v26  }
0x32f: {  	v29 =	vand.u32 $0x7FFFFF, v29;
	v2 =	vadd.f32 v25, v2;
	v22 =	vadd.f32 $5.000000000e-01, v22  }
0x330: {  	v29 =	vor.u32 $0x3F800000, v29;
	v25 =	vmul.f32 $1.000000000e+02, v19;
	v26 =	vadd.f32 $8.388608000e+06, v26  }
0x331: {  	v38 =	vmul.f32 $3.741521600e+00, v29;
	v2 =	vadd.f32 $8.388608000e+06, v2;
	v36 =	vsub.f32 v17, v22  }
0x332: {  	v17 =	vmul.f32 v17, v17;
	v25 =	vadd.f32 $-5.000000000e+01, v25;
	v26 =	vand.u32 $0x3F, v26  }
0x333: {  	v15 =	vadd.f32 $-1.428822020e+03, v15;
	[tilespmem:s13+$0x50] =	vst v22;
	v2 =	vand.u32 $0x3F, v2;
	v16 =	vld.idx.msk [tilespmem:v16+s17+$0x0], $0xffff;
	v22 =	vmul.f32 v36, v36  }
0x334: {  	v14 =	vmul.f32 v14, v14;
	[tilespmem:s30+$0x10100] =	vst.add.f32.msk $0xffff, v17;
	v17 =	vsub.f32 $2.215607260e+01, v38;
	v39 =	vand.u32 $0x7FFFFFFF, v25  }
0x335: {  	v31 =	vand.u32 $0x80000000, v31;
	v28 =	vcvt.s32.f32 v63;
	[tilespmem:s30+$0x11100] =	vst.add.f32.msk $0xffff, v22;
	v32 =	vadd.f32 $1.000000000e+00, v39  }
0x336: {  	v46 =	vadd.f32 v15, v1;
	v33 =	vand.u32 $0x80000000, v33;
	v17 =	vmul.f32 v29, v17;
	v22 =	vld [tilespmem:s13+$0x60]  }
0x337: {  	v28 =	vmul.f32 $1.110636040e+01, v28;
	v25 =	vand.u32 $0x80000000, v25;
	v41 =	vand.u32 $0x7FFFFF, v32;
	v26 =	vld.idx.msk [tilespmem:v26+s17+$0x0], $0xffff  }
0x338: {  	v42 =	vadd.f32 $-1.428822020e+03, v17;
	v44 =	vld.idx.msk [tilespmem:v2+s17+$0x0], $0xffff;
	v34 =	vor.u32 $0x3F800000, v41;
	v16 =	vor.u32 v16, v27  }
0x339: {  	v32 =	vshra.s32 v32, $0x17;
	v2 =	vld [tilespmem:s12+$0x30];
	v27 =	vmul.f32 $3.741521600e+00, v34;
	v16 =	vadd.f32 $5.000000000e-01, v16  }
0x33a: {  	v17 =	vmul.f32 v8, v8;
	v32 =	vcvt.s32.f32 v32;
	v28 =	vadd.f32 v42, v28  }
0x33b: {  	s15 =	simm.s32 $0x4;
	v43 =	vmul.f32 $1.000000000e+02, v22;
	v24 =	vsub.f32 $2.215607260e+01, v27;
	v27 =	vsub.f32 v23, v16  }
0x33c: {  	s1 =	sand.u32 $0x1FFFFFF0, s15;
	v23 =	vmul.f32 v23, v23;
	v28 =	vadd.f32 $8.388608000e+06, v28;
	v26 =	vor.u32 v26, v31  }
0x33d: {  	s8 =	sadd.s32 s25, s1;
	[tilespmem:s14+$0x40] =	vst v16;
	v29 =	vadd.f32 $-5.000000000e+01, v43;
	v27 =	vmul.f32 v27, v27;
	v26 =	vadd.f32 $5.000000000e-01, v26  }
0x33e: {  	v15 =	vor.u32 v44, v20;
	v20 =	vmul.f32 $1.000000000e+02, v2;
	v24 =	vmul.f32 v34, v24;
	[tilespmem:s8+$0x10100] =	vst.add.f32.msk $0xffff, v23  }
0x33f: {  	v30 =	vadd.f32 $5.000000000e-01, v15;
	v23 =	vand.u32 $0x7FFFFFFF, v29;
	[tilespmem:s8+$0x11100] =	vst.add.f32.msk $0xffff, v27;
	v27 =	vsub.f32 v21, v26  }
0x340: {  	v18 =	vadd.f32 $1.000000000e+00, v23;
	v23 =	vadd.f32 $-1.428822020e+03, v24;
	v24 =	vmul.f32 $1.110636040e+01, v32;
	v21 =	vld [tilespmem:s14+$0x50]  }
0x341: {  	v16 =	vmul.f32 v19, v19;
	v20 =	vadd.f32 $-5.000000000e+01, v20;
	v3 =	vsub.f32 v3, v30  }
0x342: {  	[tilespmem:s14+$0x0] =	vst v26;
	v45 =	vand.u32 $0x7FFFFF, v18;
	v23 =	vadd.f32 v23, v24;
	v24 =	vmul.f32 v27, v27  }
0x343: {  	[tilespmem:s8+$0x10100] =	vst.add.f32.msk $0xffff, v37;
	v50 =	vmul.f32 v3, v3;
	v27 =	vand.u32 $0x3F, v28;
	v26 =	vor.u32 $0x3F800000, v45  }
0x344: {  	s18 =	simm.s32 $0x0;
	v18 =	vshra.s32 v18, $0x17;
	v28 =	vadd.f32 $8.388608000e+06, v46;
	v1 =	vmul.f32 $3.741521600e+00, v26;
	[tilespmem:s8+$0x11100] =	vst.add.f32.msk $0xffff, v24  }
0x345: {  	s1 =	smul.u32 $0xFFFF0200, s18;
	v29 =	vand.u32 $0x80000000, v29;
	v18 =	vcvt.s32.f32 v18;
	v15 =	vld [tilespmem:s14+$0x10];
	v24 =	vmul.f32 $1.000000000e+02, v21  }
0x346: {  	v23 =	vadd.f32 $8.388608000e+06, v23;
	v28 =	vand.u32 $0x3F, v28;
	v47 =	vsub.f32 $2.215607260e+01, v1  }
0x347: {  	s1 =	sshra.s32 s1, $0x2;
	v3 =	vand.u32 $0x80000000, v20;
	v18 =	vmul.f32 $1.110636040e+01, v18;
	v32 =	vadd.f32 $-5.000000000e+01, v24  }
0x348: {  	s9 =	sadd.s32 $0x5500, s1;
	v23 =	vand.u32 $0x3F, v23;
	v27 =	vld.idx.msk [tilespmem:v27+s17+$0x0], $0xffff;
	v24 =	vmul.f32 v26, v47;
	v26 =	vand.u32 $0x7FFFFFFF, v20  }
0x349: {  	v1 =	vmul.f32 v2, v2;
	v20 =	vld [tilespmem:s9+$0x40];
	v48 =	vand.u32 $0x7FFFFFFF, v32;
	v26 =	vadd.f32 $1.000000000e+00, v26  }
0x34a: {  	v24 =	vadd.f32 $-1.428822020e+03, v24;
	v49 =	vmul.f32 $1.000000000e+02, v15;
	v31 =	vadd.f32 $1.000000000e+00, v48  }
0x34b: {  	v32 =	vand.u32 $0x80000000, v32;
	v28 =	vld.idx.msk [tilespmem:v28+s17+$0x0], $0xffff;
	v52 =	vshra.s32 v26, $0x17;
	v26 =	vand.u32 $0x7FFFFF, v26  }
0x34c: {  	v24 =	vadd.f32 v24, v18;
	v34 =	vadd.f32 $-5.000000000e+01, v49;
	v51 =	vand.u32 $0x7FFFFF, v31  }
0x34d: {  	v23 =	vld.idx.msk [tilespmem:v23+s17+$0x0], $0xffff;
	v33 =	vor.u32 v27, v33;
	v26 =	vor.u32 $0x3F800000, v26;
	v31 =	vshra.s32 v31, $0x17  }
0x34e: {  	v18 =	vld [tilespmem:s9+$0x0];
	v36 =	vor.u32 $0x3F800000, v51;
	v56 =	vmul.f32 $1.000000000e+02, v20;
	v31 =	vcvt.s32.f32 v31  }
0x34f: {  	[tilespmem:s13+$0x10] =	vst v30;
	v30 =	vadd.f32 $5.000000000e-01, v33;
	v53 =	vadd.f32 $8.388608000e+06, v24;
	v24 =	vand.u32 $0x7FFFFFFF, v34  }
0x350: {  	v39 =	vmul.f32 $3.741521600e+00, v36;
	v34 =	vand.u32 $0x80000000, v34;
	v12 =	vor.u32 v28, v12  }
0x351: {  	v40 =	vadd.f32 $1.000000000e+00, v24;
	v24 =	vcvt.s32.f32 v52;
	v31 =	vmul.f32 $1.110636040e+01, v31  }
0x352: {  	v49 =	vsub.f32 v8, v30;
	v54 =	vand.u32 $0x3F, v53;
	v27 =	vsub.f32 $2.215607260e+01, v39  }
0x353: {  	v23 =	vor.u32 v23, v25;
	v55 =	vand.u32 $0x7FFFFF, v40;
	v41 =	vmul.f32 $1.000000000e+02, v18  }
0x354: {  	v63 =	vadd.f32 $5.000000000e-01, v23;
	v23 =	vmul.f32 v15, v15;
	v46 =	vshra.s32 v40, $0x17  }
0x355: {  	v24 =	vmul.f32 $1.110636040e+01, v24;
	v36 =	vmul.f32 v36, v27;
	v27 =	vadd.f32 $-5.000000000e+01, v56  }
0x356: {  	v38 =	vor.u32 $0x3F800000, v55;
	v8 =	vcvt.s32.f32 v46;
	v57 =	vadd.f32 $-5.000000000e+01, v41  }
0x357: {  	v58 =	vmul.f32 $3.741521600e+00, v38;
	v36 =	vadd.f32 $-1.428822020e+03, v36;
	v42 =	vand.u32 $0x7FFFFFFF, v27;
	v37 =	vld.idx.msk [tilespmem:v54+s17+$0x0], $0xffff  }
0x358: {  	[tilespmem:s31+$0x70] =	vst v6;
	v19 =	vsub.f32 v19, v63;
	v53 =	vmul.f32 $1.110636040e+01, v8;
	v42 =	vadd.f32 $1.000000000e+00, v42  }
0x359: {  	[tilespmem:s30+$0x10100] =	vst.add.f32.msk $0xffff, v5;
	v43 =	vand.u32 $0x7FFFFFFF, v57;
	v25 =	vsub.f32 $2.215607260e+01, v58;
	v31 =	vadd.f32 v36, v31  }
0x35a: {  	[tilespmem:s30+$0x11100] =	vst.add.f32.msk $0xffff, v50;
	v6 =	vmul.f32 v19, v19;
	v43 =	vadd.f32 $1.000000000e+00, v43;
	v5 =	vand.u32 $0x7FFFFF, v42  }
0x35b: {  	v25 =	vmul.f32 v38, v25;
	v60 =	vor.u32 $0x3F800000, v5;
	v5 =	vld [tilespmem:s13+$0x20];
	v31 =	vadd.f32 $8.388608000e+06, v31  }
0x35c: {  	v47 =	vshra.s32 v42, $0x17;
	v61 =	vmul.f32 $3.741521600e+00, v60;
	v29 =	vor.u32 v37, v29  }
0x35d: {  	v59 =	vand.u32 $0x7FFFFF, v43;
	v31 =	vand.u32 $0x3F, v31;
	v29 =	vadd.f32 $5.000000000e-01, v29  }
0x35e: {  	[tilespmem:s10+$0x10100] =	vst.add.f32.msk $0xffff, v4;
	v38 =	vcvt.s32.f32 v47;
	v33 =	vor.u32 $0x3F800000, v59;
	v36 =	vsub.f32 $2.215607260e+01, v61  }
0x35f: {  	[tilespmem:s10+$0x11100] =	vst.add.f32.msk $0xffff, v7;
	v62 =	vmul.f32 $3.741521600e+00, v33;
	v44 =	vsub.f32 v22, v29;
	v22 =	vmul.f32 v22, v22  }
0x360: {  	v48 =	vshra.s32 v43, $0x17;
	v35 =	vmul.f32 v60, v36;
	v45 =	vmul.f32 $1.000000000e+02, v5;
	[tilespmem:s13+$0x60] =	vst v29  }
0x361: {  	v25 =	vadd.f32 $-1.428822020e+03, v25;
	v37 =	vsub.f32 $2.215607260e+01, v62;
	v36 =	vmul.f32 v44, v44;
	[tilespmem:s30+$0x10100] =	vst.add.f32.msk $0xffff, v22  }
0x362: {  	v52 =	vmul.f32 $1.110636040e+01, v38;
	v22 =	vadd.f32 $-5.000000000e+01, v45;
	v35 =	vadd.f32 $-1.428822020e+03, v35;
	v31 =	vld.idx.msk [tilespmem:v31+s17+$0x0], $0xffff  }
0x363: {  	v28 =	vadd.f32 $5.000000000e-01, v12;
	v50 =	vcvt.s32.f32 v48;
	v33 =	vmul.f32 v33, v37;
	[tilespmem:s30+$0x11100] =	vst.add.f32.msk $0xffff, v36  }
0x364: {  	v19 =	vadd.f32 v25, v53;
	v51 =	vand.u32 $0x7FFFFFFF, v22;
	v35 =	vadd.f32 v35, v52;
	v8 =	vld [tilespmem:s13+$0x70]  }
0x365: {  	[tilespmem:s12+$0x70] =	vst v13;
	v29 =	vmul.f32 $1.110636040e+01, v50;
	v33 =	vadd.f32 $-1.428822020e+03, v33;
	v36 =	vadd.f32 $1.000000000e+00, v51  }
0x366: {  	[tilespmem:s7+$0x11100] =	vst.add.f32.msk $0xffff, v14;
	v14 =	vadd.f32 $8.388608000e+06, v19;
	v58 =	vand.u32 $0x80000000, v22;
	v13 =	vadd.f32 $8.388608000e+06, v35  }
0x367: {  	[tilespmem:s7+$0x10100] =	vst.add.f32.msk $0xffff, v10;
	v7 =	vadd.f32 v33, v29;
	v55 =	vand.u32 $0x7FFFFF, v36;
	v19 =	vor.u32 v31, v32  }
0x368: {  	[tilespmem:s24+$0x20] =	vst v30;
	v4 =	vor.u32 $0x3F800000, v55;
	v22 =	vand.u32 $0x3F, v13;
	v19 =	vadd.f32 $5.000000000e-01, v19  }
0x369: {  	[tilespmem:s24+$0x70] =	vst v63;
	v56 =	vand.u32 $0x80000000, v57;
	v33 =	vmul.f32 $3.741521600e+00, v4;
	v57 =	vmul.f32 $1.000000000e+02, v8  }
0x36a: {  	[tilespmem:s26+$0x11100] =	vst.add.f32.msk $0xffff, v6;
	v6 =	vmul.f32 v21, v21;
	v7 =	vadd.f32 $8.388608000e+06, v7;
	v60 =	vsub.f32 v21, v19  }
0x36b: {  	[tilespmem:s26+$0x10100] =	vst.add.f32.msk $0xffff, v17;
	v54 =	vshra.s32 v36, $0x17;
	v17 =	vsub.f32 $2.215607260e+01, v33;
	v13 =	vadd.f32 $-5.000000000e+01, v57  }
0x36c: {  	v29 =	vcvt.s32.f32 v54;
	v21 =	vand.u32 $0x3F, v7;
	[tilespmem:s14+$0x50] =	vst v19;
	v19 =	vmul.f32 $3.741521600e+00, v26  }
0x36d: {  	v7 =	vmul.f32 v60, v60;
	v4 =	vmul.f32 v4, v17;
	v22 =	vld.idx.msk [tilespmem:v22+s17+$0x0], $0xffff;
	v61 =	vand.u32 $0x7FFFFFFF, v13  }
0x36e: {  	v14 =	vand.u32 $0x3F, v14;
	[tilespmem:s8+$0x10100] =	vst.add.f32.msk $0xffff, v6;
	v19 =	vsub.f32 $2.215607260e+01, v19;
	v17 =	vadd.f32 $1.000000000e+00, v61  }
0x36f: {  	v59 =	vmul.f32 v49, v49;
	v29 =	vmul.f32 $1.110636040e+01, v29;
	[tilespmem:s8+$0x11100] =	vst.add.f32.msk $0xffff, v7;
	v4 =	vadd.f32 $-1.428822020e+03, v4  }
0x370: {  	v9 =	vsub.f32 v9, v28;
	v19 =	vmul.f32 v26, v19;
	v12 =	vld [tilespmem:s14+$0x60];
	v6 =	vand.u32 $0x7FFFFF, v17  }
0x371: {  	[tilespmem:s26+$0x11100] =	vst.add.f32.msk $0xffff, v59;
	v26 =	vand.u32 $0x80000000, v27;
	v4 =	vadd.f32 v4, v29;
	v6 =	vor.u32 $0x3F800000, v6  }
0x372: {  	v25 =	vmul.f32 v18, v18;
	v21 =	vld.idx.msk [tilespmem:v21+s17+$0x0], $0xffff;
	v22 =	vor.u32 v22, v26;
	v62 =	vmul.f32 $3.741521600e+00, v6  }
0x373: {  	v14 =	vld.idx.msk [tilespmem:v14+s17+$0x0], $0xffff;
	v17 =	vshra.s32 v17, $0x17;
	v27 =	vadd.f32 $8.388608000e+06, v4;
	v22 =	vadd.f32 $5.000000000e-01, v22  }
0x374: {  	[tilespmem:s31+$0x30] =	vst v28;
	v19 =	vadd.f32 $-1.428822020e+03, v19;
	v17 =	vcvt.s32.f32 v17;
	v4 =	vld [tilespmem:s24+$0x30];
	v29 =	vsub.f32 $2.215607260e+01, v62  }
0x375: {  	s20 =	simm.s32 $0x5;
	[tilespmem:s26+$0x10100] =	vst.add.f32.msk $0xffff, v16;
	v16 =	vmul.f32 $1.000000000e+02, v12;
	v26 =	vand.u32 $0x3F, v27;
	v27 =	vsub.f32 v20, v22  }
0x376: {  	s1 =	sand.u32 $0x1FFFFFF0, s20;
	[tilespmem:s10+$0x10100] =	vst.add.f32.msk $0xffff, v11;
	v24 =	vadd.f32 v19, v24;
	v20 =	vmul.f32 v20, v20;
	v6 =	vmul.f32 v6, v29  }
0x377: {  	s31 =	sadd.s32 s25, s1;
	v11 =	vor.u32 v21, v56;
	[tilespmem:s9+$0x40] =	vst v22;
	v19 =	vadd.f32 $-5.000000000e+01, v16;
	v16 =	vmul.f32 v27, v27  }
0x378: {  	v17 =	vmul.f32 $1.110636040e+01, v17;
	v11 =	vadd.f32 $5.000000000e-01, v11;
	[tilespmem:s31+$0x10100] =	vst.add.f32.msk $0xffff, v20;
	v6 =	vadd.f32 $-1.428822020e+03, v6  }
0x379: {  	v14 =	vor.u32 v14, v34;
	v20 =	vmul.f32 $1.000000000e+02, v4;
	[tilespmem:s31+$0x11100] =	vst.add.f32.msk $0xffff, v16;
	v16 =	vmul.f32 v9, v9  }
0x37a: {  	[tilespmem:s9+$0x0] =	vst v11;
	v9 =	vsub.f32 v18, v11;
	v6 =	vadd.f32 v6, v17;
	v17 =	vand.u32 $0x7FFFFFFF, v19  }
0x37b: {  	v10 =	vmul.f32 v5, v5;
	[tilespmem:s31+$0x10100] =	vst.add.f32.msk $0xffff, v25;
	v11 =	vadd.f32 $5.000000000e-01, v14;
	v17 =	vadd.f32 $1.000000000e+00, v17  }
0x37c: {  	v7 =	vmul.f32 v8, v8;
	v18 =	vld [tilespmem:s9+$0x50];
	v20 =	vadd.f32 $-5.000000000e+01, v20;
	v21 =	vadd.f32 $8.388608000e+06, v6  }
0x37d: {  	v9 =	vmul.f32 v9, v9;
	[tilespmem:s14+$0x10] =	vst v11;
	v11 =	vsub.f32 v15, v11;
	v14 =	vand.u32 $0x7FFFFF, v17  }
0x37e: {  	v26 =	vld.idx.msk [tilespmem:v26+s17+$0x0], $0xffff;
	v15 =	vand.u32 $0x7FFFFFFF, v20;
	v21 =	vand.u32 $0x3F, v21;
	v14 =	vor.u32 $0x3F800000, v14  }
0x37f: {  	[tilespmem:s8+$0x10100] =	vst.add.f32.msk $0xffff, v23;
	v23 =	vadd.f32 $8.388608000e+06, v24;
	v6 =	vmul.f32 v4, v4;
	v22 =	vmul.f32 $3.741521600e+00, v14  }
0x380: {  	[tilespmem:s31+$0x11100] =	vst.add.f32.msk $0xffff, v9;
	v11 =	vmul.f32 v11, v11;
	v24 =	vadd.f32 $1.000000000e+00, v15;
	v9 =	vand.u32 $0x80000000, v20  }
0x381: {  	v15 =	vld [tilespmem:s9+$0x10];
	v23 =	vand.u32 $0x3F, v23;
	v20 =	vmul.f32 $1.000000000e+02, v18;
	v25 =	vsub.f32 $2.215607260e+01, v22  }
0x382: {  	v17 =	vshra.s32 v17, $0x17;
	v27 =	vshra.s32 v24, $0x17;
	v63 =	vand.u32 $0x7FFFFF, v24;
	[tilespmem:s8+$0x11100] =	vst.add.f32.msk $0xffff, v11  }
0x383: {  	v22 =	vadd.f32 $-5.000000000e+01, v20;
	v20 =	vcvt.s32.f32 v17;
	v21 =	vld.idx.msk [tilespmem:v21+s17+$0x0], $0xffff;
	v25 =	vmul.f32 v14, v25  }
0x384: {  	s15 =	simm.s32 $0x5500;
	s18 =	simm.s32 $0x28;
	s20 =	simm.s32 $0x30;
	v24 =	vor.u32 v26, v58;
	v11 =	vcvt.s32.f32 v27;
	v17 =	vld [tilespmem:s14+$0x20];
	v14 =	vor.u32 $0x3F800000, v63  }
.LBB2_7:
0x385: {  	s1 =	sshrl.u32 s20, $0x7;
	v26 =	vand.u32 $0x7FFFFFFF, v22;
	v27 =	vadd.f32 $-1.428822020e+03, v25;
	v28 =	vmul.f32 $1.110636040e+01, v20  }
0x386: {  	s1 =	smul.u32 $0xFFFF0200, s1;
	v29 =	vmul.f32 $1.000000000e+02, v15;
	v20 =	vmul.f32 v15, v15;
	v26 =	vadd.f32 $1.000000000e+00, v26;
	v25 =	vld.idx.msk [tilespmem:v23+s17+$0x0], $0xffff  }
0x387: {  	v24 =	vadd.f32 $5.000000000e-01, v24;
	v13 =	vand.u32 $0x80000000, v13;
	v23 =	vadd.f32 v27, v28;
	[tilespmem:s10+$0x11100] =	vst.add.f32.msk $0xffff, v16;
	s10 =	smov.u32 s7;
	s7 =	smov.u32 s26;
	s26 =	smov.u32 s30  }
0x388: {  	s15 =	sadd.s32 $0x400, s15;
	v13 =	vor.u32 v21, v13;
	s30 =	smov.u32 s8;
	s1 =	sshra.s32 s1, $0x2;
	v16 =	vadd.f32 $-5.000000000e+01, v29;
	v27 =	vand.u32 $0x7FFFFF, v26  }
0x389: {  	s8 =	smov.u32 s31;
	v13 =	vadd.f32 $5.000000000e-01, v13;
	s1 =	sadd.s32 s1, s15;
	v27 =	vor.u32 $0x3F800000, v27;
	v28 =	vadd.f32 $8.388608000e+06, v23;
	[tilespmem:s13+$0x20] =	vst v24  }
0x38a: {  	v23 =	vld [tilespmem:s1+$0x40];
	v29 =	vand.u32 $0x7FFFFFFF, v16;
	v16 =	vand.u32 $0x80000000, v16;
	v30 =	vmul.f32 $3.741521600e+00, v27  }
0x38b: {  	v8 =	vsub.f32 v8, v13;
	v21 =	vld [tilespmem:s1+$0x0];
	v29 =	vadd.f32 $1.000000000e+00, v29;
	v28 =	vand.u32 $0x3F, v28  }
0x38c: {  	v32 =	vsub.f32 v5, v24;
	v31 =	vmul.f32 $1.000000000e+02, v17;
	v5 =	vmovc v17;
	v30 =	vsub.f32 $2.215607260e+01, v30;
	[tilespmem:s26+$0x10100] =	vst.add.f32.msk $0xffff, v10  }
0x38d: {  	v24 =	vshra.s32 v26, $0x17;
	v8 =	vmul.f32 v8, v8;
	v10 =	vand.u32 $0x7FFFFF, v29  }
0x38e: {  	v24 =	vcvt.s32.f32 v24;
	v10 =	vor.u32 $0x3F800000, v10;
	v26 =	vmul.f32 v27, v30;
	[tilespmem:s13+$0x70] =	vst v13  }
0x38f: {  	v27 =	vshra.s32 v29, $0x17;
	v13 =	vmul.f32 $1.000000000e+02, v23;
	v29 =	vmul.f32 $3.741521600e+00, v10;
	[tilespmem:s26+$0x11100] =	vst.add.f32.msk $0xffff, v8  }
0x390: {  	v30 =	vmul.f32 $1.110636040e+01, v24;
	v8 =	vmul.f32 $1.000000000e+02, v21;
	v26 =	vadd.f32 $-1.428822020e+03, v26;
	v33 =	vld.idx.msk [tilespmem:v28+s17+$0x0], $0xffff  }
0x391: {  	v24 =	vmul.f32 v21, v21;
	v28 =	vadd.f32 $-5.000000000e+01, v13;
	v13 =	vsub.f32 $2.215607260e+01, v29;
	[tilespmem:s26+$0x10100] =	vst.add.f32.msk $0xffff, v7  }
0x392: {  	v7 =	vadd.f32 $-5.000000000e+01, v8;
	v8 =	vcvt.s32.f32 v27;
	v26 =	vadd.f32 v26, v30  }
0x393: {  	v27 =	vand.u32 $0x7FFFFFFF, v28;
	v10 =	vmul.f32 v10, v13;
	v13 =	vadd.f32 $-5.000000000e+01, v31  }
0x394: {  	v29 =	vand.u32 $0x7FFFFFFF, v7;
	v30 =	vadd.f32 $1.000000000e+00, v27;
	v26 =	vadd.f32 $8.388608000e+06, v26  }
0x395: {  	v27 =	vand.u32 $0x80000000, v7;
	v7 =	vand.u32 $0x80000000, v19;
	v29 =	vadd.f32 $1.000000000e+00, v29  }
0x396: {  	v7 =	vor.u32 v33, v7;
	v19 =	vand.u32 $0x7FFFFF, v30;
	v26 =	vand.u32 $0x3F, v26  }
0x397: {  	v7 =	vadd.f32 $5.000000000e-01, v7;
	v31 =	vand.u32 $0x7FFFFF, v29;
	v19 =	vor.u32 $0x3F800000, v19  }
0x398: {  	v29 =	vshra.s32 v29, $0x17;
	v31 =	vor.u32 $0x3F800000, v31;
	v33 =	vmul.f32 $3.741521600e+00, v19  }
0x399: {  	v29 =	vcvt.s32.f32 v29;
	v35 =	vsub.f32 v12, v7;
	v34 =	vmul.f32 $3.741521600e+00, v31  }
0x39a: {  	v10 =	vadd.f32 $-1.428822020e+03, v10;
	v12 =	vmul.f32 v12, v12;
	v33 =	vsub.f32 $2.215607260e+01, v33  }
0x39b: {  	v30 =	vshra.s32 v30, $0x17;
	v34 =	vsub.f32 $2.215607260e+01, v34;
	v36 =	vld.idx.msk [tilespmem:v26+s17+$0x0], $0xffff;
	[tilespmem:s14+$0x60] =	vst v7;
	v7 =	vmul.f32 v35, v35  }
0x39c: {  	v26 =	vcvt.s32.f32 v30;
	v30 =	vand.u32 $0x7FFFFFFF, v13;
	v19 =	vmul.f32 v19, v33;
	[tilespmem:s30+$0x10100] =	vst.add.f32.msk $0xffff, v12  }
0x39d: {  	v29 =	vmul.f32 $1.110636040e+01, v29;
	v30 =	vadd.f32 $1.000000000e+00, v30;
	v12 =	vmul.f32 v31, v34;
	[tilespmem:s30+$0x11100] =	vst.add.f32.msk $0xffff, v7  }
0x39e: {  	v7 =	vadd.f32 $-1.428822020e+03, v19;
	v19 =	vmul.f32 $1.110636040e+01, v26;
	v26 =	vmul.f32 $1.110636040e+01, v8;
	v8 =	vld [tilespmem:s14+$0x70]  }
0x39f: {  	v31 =	vshra.s32 v30, $0x17;
	v30 =	vand.u32 $0x7FFFFF, v30;
	v12 =	vadd.f32 $-1.428822020e+03, v12  }
0x3a0: {  	v7 =	vadd.f32 v7, v19;
	v10 =	vadd.f32 v10, v26;
	v19 =	vor.u32 $0x3F800000, v30  }
0x3a1: {  	v12 =	vadd.f32 v12, v29;
	v29 =	vcvt.s32.f32 v31;
	v30 =	vmul.f32 $3.741521600e+00, v19  }
0x3a2: {  	v26 =	vand.u32 $0x80000000, v13;
	v7 =	vadd.f32 $8.388608000e+06, v7;
	v10 =	vadd.f32 $8.388608000e+06, v10  }
0x3a3: {  	v13 =	vand.u32 $0x80000000, v22;
	v12 =	vadd.f32 $8.388608000e+06, v12;
	v22 =	vmul.f32 $1.000000000e+02, v8  }
0x3a4: {  	v7 =	vand.u32 $0x3F, v7;
	v31 =	vand.u32 $0x3F, v10;
	v10 =	vor.u32 v36, v13  }
0x3a5: {  	v33 =	vand.u32 $0x3F, v12;
	v12 =	vadd.f32 $5.000000000e-01, v10;
	v13 =	vadd.f32 $-5.000000000e+01, v22  }
0x3a6: {  	v29 =	vmul.f32 $1.110636040e+01, v29;
	v22 =	vsub.f32 $2.215607260e+01, v30;
	v30 =	vmul.f32 v32, v32  }
0x3a7: {  	v10 =	vmul.f32 v17, v5;
	v32 =	vsub.f32 v18, v12;
	v17 =	vand.u32 $0x7FFFFFFF, v13  }
0x3a8: {  	v18 =	vmul.f32 v18, v18;
	v19 =	vmul.f32 v19, v22;
	v17 =	vadd.f32 $1.000000000e+00, v17;
	[tilespmem:s26+$0x11100] =	vst.add.f32.msk $0xffff, v30  }
0x3a9: {  	v30 =	vor.u32 v25, v3;
	v22 =	vld.idx.msk [tilespmem:v7+s17+$0x0], $0xffff;
	[tilespmem:s9+$0x50] =	vst v12;
	v7 =	vmul.f32 v32, v32;
	v12 =	vmul.f32 $3.741521600e+00, v14  }
0x3aa: {  	v3 =	vmovc v9;
	v25 =	vadd.f32 $5.000000000e-01, v30;
	[tilespmem:s8+$0x10100] =	vst.add.f32.msk $0xffff, v18;
	v18 =	vadd.f32 $-1.428822020e+03, v19;
	v19 =	vand.u32 $0x7FFFFF, v17  }
0x3ab: {  	v11 =	vmul.f32 $1.110636040e+01, v11;
	[tilespmem:s8+$0x11100] =	vst.add.f32.msk $0xffff, v7;
	v9 =	vor.u32 $0x3F800000, v19;
	v19 =	vsub.f32 $2.215607260e+01, v12  }
0x3ac: {  	v12 =	vld [tilespmem:s9+$0x60];
	v18 =	vadd.f32 v18, v29;
	v29 =	vmul.f32 $3.741521600e+00, v9;
	[tilespmem:s12+$0x30] =	vst v25;
	v25 =	vsub.f32 v2, v25;
	v2 =	vmovc v4;
	s12 =	smov.u32 s24;
	s24 =	smov.u32 s13;
	s13 =	smov.u32 s14  }
0x3ad: {  	v7 =	vmul.f32 v8, v8;
	s14 =	smov.u32 s9;
	s9 =	smov.u32 s1;
	v30 =	vld.idx.msk [tilespmem:v33+s17+$0x0], $0xffff;
	v14 =	vmul.f32 v14, v19  }
0x3ae: {  	v4 =	vand.u32 $0x80000000, v28;
	v28 =	vld.idx.msk [tilespmem:v31+s17+$0x0], $0xffff;
	v18 =	vadd.f32 $8.388608000e+06, v18;
	v19 =	vsub.f32 $2.215607260e+01, v29  }
0x3af: {  	v17 =	vshra.s32 v17, $0x17;
	v22 =	vor.u32 v22, v4;
	v4 =	vld [tilespmem:s24+$0x30];
	v14 =	vadd.f32 $-1.428822020e+03, v14  }
0x3b0: {  	v17 =	vcvt.s32.f32 v17;
	v22 =	vadd.f32 $5.000000000e-01, v22;
	v9 =	vmul.f32 v9, v19;
	[tilespmem:s10+$0x10100] =	vst.add.f32.msk $0xffff, v1;
	v1 =	vmovc v6  }
0x3b1: {  	s18 =	sadd.s32 $0x8, s18;
	v29 =	vand.u32 $0x3F, v18;
	v6 =	vmul.f32 $1.000000000e+02, v12;
	v11 =	vadd.f32 v14, v11  }
0x3b2: {  	p1 =	slt.u32 s18, $0x3F8;
	s1 =	sshrl.u32 s18, $0x3;
	v17 =	vmul.f32 $1.110636040e+01, v17;
	v14 =	vsub.f32 v23, v22;
	v9 =	vadd.f32 $-1.428822020e+03, v9  }
0x3b3: {  	s1 =	sand.u32 $0x1FFFFFF0, s1;
	v23 =	vmul.f32 v23, v23;
	v18 =	vor.u32 v30, v27;
	v19 =	vadd.f32 $-5.000000000e+01, v6  }
0x3b4: {  	s31 =	sadd.s32 s25, s1;
	v6 =	vadd.f32 $5.000000000e-01, v18;
	v14 =	vmul.f32 v14, v14;
	[tilespmem:s9+$0x40] =	vst v22;
	v9 =	vadd.f32 v9, v17  }
0x3b5: {  	v17 =	vor.u32 v28, v16;
	v22 =	vmul.f32 $1.000000000e+02, v4;
	[tilespmem:s31+$0x10100] =	vst.add.f32.msk $0xffff, v23;
	v16 =	vand.u32 $0x7FFFFFFF, v19  }
0x3b6: {  	[tilespmem:s31+$0x11100] =	vst.add.f32.msk $0xffff, v14;
	v14 =	vadd.f32 $1.000000000e+00, v16;
	v9 =	vadd.f32 $8.388608000e+06, v9;
	v16 =	vmul.f32 v25, v25  }
0x3b7: {  	v21 =	vsub.f32 v21, v6;
	v17 =	vadd.f32 $5.000000000e-01, v17;
	[tilespmem:s9+$0x0] =	vst v6;
	v18 =	vld [tilespmem:s9+$0x50];
	v6 =	vmul.f32 v4, v4  }
0x3b8: {  	[tilespmem:s31+$0x10100] =	vst.add.f32.msk $0xffff, v24;
	v23 =	vand.u32 $0x7FFFFF, v14;
	v24 =	vand.u32 $0x3F, v9;
	v9 =	vadd.f32 $-5.000000000e+01, v22  }
0x3b9: {  	v21 =	vmul.f32 v21, v21;
	v15 =	vsub.f32 v15, v17;
	[tilespmem:s14+$0x10] =	vst v17;
	v17 =	vor.u32 $0x3F800000, v23;
	v27 =	vld.idx.msk [tilespmem:v29+s17+$0x0], $0xffff  }
0x3ba: {  	v11 =	vadd.f32 $8.388608000e+06, v11;
	[tilespmem:s8+$0x10100] =	vst.add.f32.msk $0xffff, v20;
	v20 =	vmul.f32 $3.741521600e+00, v17;
	v22 =	vand.u32 $0x7FFFFFFF, v9  }
.Ltmp2:
0x3bb: {  	v25 =	vmul.f32 v15, v15;
	v9 =	vand.u32 $0x80000000, v9;
	[tilespmem:s31+$0x11100] =	vst.add.f32.msk $0xffff, v21;
	v22 =	vadd.f32 $1.000000000e+00, v22;
	(pc) =	sbr.rel @p1 .LBB2_7-.Ltmp2, $4  }
0x3bc: {  	v23 =	vand.u32 $0x3F, v11;
	v15 =	vld [tilespmem:s9+$0x10];
	v28 =	vmul.f32 $1.000000000e+02, v18;
	v29 =	vsub.f32 $2.215607260e+01, v20  }
0x3bd: {  	v11 =	vshra.s32 v14, $0x17;
	v21 =	vld.idx.msk [tilespmem:v24+s17+$0x0], $0xffff;
	v14 =	vshra.s32 v22, $0x17;
	v30 =	vand.u32 $0x7FFFFF, v22  }
0x3be: {  	v20 =	vcvt.s32.f32 v11;
	v22 =	vadd.f32 $-5.000000000e+01, v28;
	[tilespmem:s8+$0x11100] =	vst.add.f32.msk $0xffff, v25;
	v25 =	vmul.f32 v17, v29  }
0x3bf: {  	s20 =	sadd.s32 $0x8, s20;
	v24 =	vor.u32 v27, v26;
	v11 =	vcvt.s32.f32 v14;
	v14 =	vor.u32 $0x3F800000, v30;
	v17 =	vld [tilespmem:s14+$0x20]  }
0x3c0: {  	v26 =	vand.u32 $0x7FFFFFFF, v22  }
0x3c1: {  	v26 =	vadd.f32 $1.000000000e+00, v26;
	_ =	sdelay $0x1  }
0x3c2: {  	v27 =	vand.u32 $0x7FFFFF, v26  }
0x3c3: {  	v27 =	vor.u32 $0x3F800000, v27  }
0x3c4: {  	v28 =	vmul.f32 $3.741521600e+00, v27;
	_ =	sdelay $0x1  }
0x3c5: {  	v29 =	vmul.f32 $1.000000000e+02, v15;
	v28 =	vsub.f32 $2.215607260e+01, v28  }
0x3c6: {  	v26 =	vshra.s32 v26, $0x17  }
0x3c7: {  	v29 =	vadd.f32 $-5.000000000e+01, v29;
	v26 =	vcvt.s32.f32 v26;
	v27 =	vmul.f32 v27, v28;
	_ =	sdelay $0x1  }
0x3c8: {  	v37 =	vand.u32 $0x7FFFFFFF, v29;
	v26 =	vmul.f32 $1.110636040e+01, v26;
	v27 =	vadd.f32 $-1.428822020e+03, v27  }
0x3c9: {  	v28 =	vadd.f32 $1.000000000e+00, v37  }
0x3ca: {  	v26 =	vadd.f32 v27, v26  }
0x3cb: {  	v27 =	vand.u32 $0x7FFFFF, v28  }
0x3cc: {  	v27 =	vor.u32 $0x3F800000, v27;
	v26 =	vadd.f32 $8.388608000e+06, v26  }
0x3cd: {  	v30 =	vmul.f32 $3.741521600e+00, v27  }
0x3ce: {  	v26 =	vand.u32 $0x3F, v26  }
0x3cf: {  	v30 =	vsub.f32 $2.215607260e+01, v30  }
0x3d0: {  	v28 =	vshra.s32 v28, $0x17  }
0x3d1: {  	v28 =	vcvt.s32.f32 v28;
	v27 =	vmul.f32 v27, v30;
	_ =	sdelay $0x1  }
0x3d2: {  	v28 =	vmul.f32 $1.110636040e+01, v28;
	v27 =	vadd.f32 $-1.428822020e+03, v27;
	v26 =	vld.idx.msk [tilespmem:v26+s17+$0x0], $0xffff;
	_ =	sdelay $0x1  }
0x3d3: {  	v27 =	vadd.f32 v27, v28;
	_ =	sdelay $0x1  }
0x3d4: {  	v22 =	vand.u32 $0x80000000, v22;
	v27 =	vadd.f32 $8.388608000e+06, v27  }
0x3d5: {  	v22 =	vor.u32 v26, v22  }
0x3d6: {  	v26 =	vand.u32 $0x3F, v27;
	v22 =	vadd.f32 $5.000000000e-01, v22;
	_ =	sdelay $0x1  }
0x3d7: {  	v27 =	vsub.f32 v18, v22;
	v18 =	vmul.f32 v18, v18  }
0x3d8: {  	[tilespmem:s9+$0x50] =	vst v22  }
0x3d9: {  	v22 =	vmul.f32 v27, v27;
	[tilespmem:s31+$0x10100] =	vst.add.f32.msk $0xffff, v18  }
0x3da: {  	v18 =	vld.idx.msk [tilespmem:v26+s17+$0x0], $0xffff  }
0x3db: {  	[tilespmem:s31+$0x11100] =	vst.add.f32.msk $0xffff, v22  }
0x3dc: {  	v22 =	vld [tilespmem:s9+$0x60]  }
0x3dd: {  	v25 =	vadd.f32 $-1.428822020e+03, v25;
	v20 =	vmul.f32 $1.110636040e+01, v20  }
0x3de: {  	v26 =	vand.u32 $0x80000000, v29  }
0x3df: {  	v20 =	vadd.f32 v25, v20;
	v18 =	vor.u32 v18, v26  }
0x3e0: {  	v18 =	vadd.f32 $5.000000000e-01, v18  }
0x3e1: {  	v20 =	vadd.f32 $8.388608000e+06, v20;
	v25 =	vmul.f32 $1.000000000e+02, v22  }
0x3e2: {  	v26 =	vsub.f32 v15, v18  }
0x3e3: {  	v20 =	vand.u32 $0x3F, v20;
	v15 =	vmul.f32 v15, v15;
	v25 =	vadd.f32 $-5.000000000e+01, v25  }
0x3e4: {  	[tilespmem:s9+$0x10] =	vst v18;
	v18 =	vmul.f32 v26, v26  }
0x3e5: {  	[tilespmem:s31+$0x10100] =	vst.add.f32.msk $0xffff, v15;
	v26 =	vand.u32 $0x7FFFFFFF, v25  }
0x3e6: {  	[tilespmem:s31+$0x11100] =	vst.add.f32.msk $0xffff, v18;
	v15 =	vadd.f32 $1.000000000e+00, v26  }
0x3e7: {  	v18 =	vld [tilespmem:s9+$0x20];
	v26 =	vmul.f32 $1.000000000e+02, v17  }
0x3e8: {  	v20 =	vld.idx.msk [tilespmem:v20+s17+$0x0], $0xffff;
	v27 =	vand.u32 $0x7FFFFF, v15  }
0x3e9: {  	v26 =	vadd.f32 $-5.000000000e+01, v26;
	v27 =	vor.u32 $0x3F800000, v27  }
0x3ea: {  	v38 =	vmul.f32 $3.741521600e+00, v27  }
0x3eb: {  	v19 =	vand.u32 $0x80000000, v19;
	v15 =	vshra.s32 v15, $0x17;
	v39 =	vand.u32 $0x7FFFFFFF, v26  }
0x3ec: {  	v40 =	vmul.f32 $1.000000000e+02, v18;
	v29 =	vadd.f32 $1.000000000e+00, v39;
	v28 =	vsub.f32 $2.215607260e+01, v38  }
0x3ed: {  	v19 =	vor.u32 v20, v19;
	v15 =	vcvt.s32.f32 v15  }
0x3ee: {  	v41 =	vadd.f32 $-5.000000000e+01, v40;
	v20 =	vand.u32 $0x7FFFFF, v29;
	v27 =	vmul.f32 v27, v28  }
0x3ef: {  	v15 =	vmul.f32 $1.110636040e+01, v15;
	v20 =	vor.u32 $0x3F800000, v20  }
0x3f0: {  	v30 =	vand.u32 $0x7FFFFFFF, v41;
	v31 =	vmul.f32 $3.741521600e+00, v20;
	v27 =	vadd.f32 $-1.428822020e+03, v27  }
0x3f1: {  	v30 =	vadd.f32 $1.000000000e+00, v30  }
0x3f2: {  	v29 =	vshra.s32 v29, $0x17;
	v31 =	vsub.f32 $2.215607260e+01, v31;
	v15 =	vadd.f32 v27, v15  }
0x3f3: {  	v19 =	vadd.f32 $5.000000000e-01, v19;
	v29 =	vcvt.s32.f32 v29;
	v32 =	vand.u32 $0x7FFFFF, v30  }
0x3f4: {  	v32 =	vor.u32 $0x3F800000, v32;
	v20 =	vmul.f32 v20, v31;
	v15 =	vadd.f32 $8.388608000e+06, v15  }
0x3f5: {  	v29 =	vmul.f32 $1.110636040e+01, v29;
	v27 =	vsub.f32 v12, v19;
	v33 =	vmul.f32 $3.741521600e+00, v32  }
0x3f6: {  	v12 =	vmul.f32 v12, v12;
	v20 =	vadd.f32 $-1.428822020e+03, v20;
	v15 =	vand.u32 $0x3F, v15  }
0x3f7: {  	[tilespmem:s14+$0x60] =	vst v19;
	v19 =	vmul.f32 v27, v27;
	v27 =	vsub.f32 $2.215607260e+01, v33  }
0x3f8: {  	[tilespmem:s8+$0x10100] =	vst.add.f32.msk $0xffff, v12;
	v12 =	vshra.s32 v30, $0x17;
	v20 =	vadd.f32 v20, v29  }
0x3f9: {  	[tilespmem:s8+$0x11100] =	vst.add.f32.msk $0xffff, v19;
	v19 =	vcvt.s32.f32 v12;
	v27 =	vmul.f32 v32, v27  }
0x3fa: {  	v12 =	vld [tilespmem:s14+$0x70];
	v20 =	vadd.f32 $8.388608000e+06, v20  }
0x3fb: {  	v19 =	vmul.f32 $1.110636040e+01, v19;
	v27 =	vadd.f32 $-1.428822020e+03, v27;
	v15 =	vld.idx.msk [tilespmem:v15+s17+$0x0], $0xffff  }
0x3fc: {  	v24 =	vadd.f32 $5.000000000e-01, v24;
	v20 =	vand.u32 $0x3F, v20  }
0x3fd: {  	v19 =	vadd.f32 v27, v19  }
0x3fe: {  	v5 =	vsub.f32 v5, v24  }
0x3ff: {  	v23 =	vld.idx.msk [tilespmem:v23+s17+$0x0], $0xffff;
	v25 =	vand.u32 $0x80000000, v25;
	v27 =	vmul.f32 $1.000000000e+02, v12;
	v19 =	vadd.f32 $8.388608000e+06, v19  }
0x400: {  	v13 =	vand.u32 $0x80000000, v13;
	v42 =	vmul.f32 v5, v5;
	v15 =	vor.u32 v15, v25  }
0x401: {  	[tilespmem:s13+$0x20] =	vst v24;
	v25 =	vadd.f32 $-5.000000000e+01, v27;
	v19 =	vand.u32 $0x3F, v19;
	v20 =	vld.idx.msk [tilespmem:v20+s17+$0x0], $0xffff;
	v15 =	vadd.f32 $5.000000000e-01, v15  }
0x402: {  	v13 =	vor.u32 v21, v13;
	[tilespmem:s30+$0x10100] =	vst.add.f32.msk $0xffff, v10  }
0x403: {  	[tilespmem:s30+$0x11100] =	vst.add.f32.msk $0xffff, v42;
	v21 =	vand.u32 $0x7FFFFFFF, v25;
	v27 =	vsub.f32 v22, v15;
	v22 =	vmul.f32 v22, v22  }
0x404: {  	v23 =	vor.u32 v23, v3;
	v3 =	vld [tilespmem:s13+$0x30];
	v21 =	vadd.f32 $1.000000000e+00, v21;
	[tilespmem:s9+$0x60] =	vst v15  }
0x405: {  	v26 =	vand.u32 $0x80000000, v26;
	v15 =	vmul.f32 v27, v27;
	[tilespmem:s31+$0x10100] =	vst.add.f32.msk $0xffff, v22  }
0x406: {  	v22 =	vmul.f32 $3.741521600e+00, v14;
	v27 =	vand.u32 $0x7FFFFF, v21;
	v19 =	vld.idx.msk [tilespmem:v19+s17+$0x0], $0xffff;
	v20 =	vor.u32 v20, v26  }
0x407: {  	v27 =	vor.u32 $0x3F800000, v27;
	v20 =	vadd.f32 $5.000000000e-01, v20;
	[tilespmem:s31+$0x11100] =	vst.add.f32.msk $0xffff, v15  }
0x408: {  	v21 =	vshra.s32 v21, $0x17;
	v15 =	vsub.f32 $2.215607260e+01, v22;
	v22 =	vmul.f32 $3.741521600e+00, v27;
	v5 =	vld [tilespmem:s9+$0x70]  }
0x409: {  	v10 =	vmul.f32 v17, v17;
	v21 =	vcvt.s32.f32 v21;
	v17 =	vsub.f32 v17, v20  }
0x40a: {  	v14 =	vmul.f32 v14, v15;
	v15 =	vsub.f32 $2.215607260e+01, v22;
	v22 =	vand.u32 $0x80000000, v41  }
0x40b: {  	v11 =	vmul.f32 $1.110636040e+01, v11;
	v21 =	vmul.f32 $1.110636040e+01, v21;
	v19 =	vor.u32 v19, v22  }
0x40c: {  	[tilespmem:s14+$0x20] =	vst v20;
	v17 =	vmul.f32 v17, v17;
	v22 =	vmul.f32 $1.000000000e+02, v3;
	v19 =	vadd.f32 $5.000000000e-01, v19  }
0x40d: {  	[tilespmem:s8+$0x10100] =	vst.add.f32.msk $0xffff, v10;
	v15 =	vmul.f32 v27, v15;
	v14 =	vadd.f32 $-1.428822020e+03, v14;
	v20 =	vmul.f32 $1.000000000e+02, v5  }
0x40e: {  	[tilespmem:s8+$0x11100] =	vst.add.f32.msk $0xffff, v17;
	v17 =	vadd.f32 $5.000000000e-01, v23;
	v10 =	vsub.f32 v18, v19;
	v18 =	vmul.f32 v18, v18  }
0x40f: {  	v15 =	vadd.f32 $-1.428822020e+03, v15;
	v23 =	vld [tilespmem:s14+$0x30];
	[tilespmem:s9+$0x20] =	vst v19;
	v20 =	vadd.f32 $-5.000000000e+01, v20  }
0x410: {  	v13 =	vadd.f32 $5.000000000e-01, v13;
	v10 =	vmul.f32 v10, v10;
	[tilespmem:s31+$0x10100] =	vst.add.f32.msk $0xffff, v18;
	v18 =	vadd.f32 $-5.000000000e+01, v22  }
0x411: {  	v11 =	vadd.f32 v14, v11;
	v14 =	vadd.f32 v15, v21;
	v15 =	vand.u32 $0x7FFFFFFF, v20  }
0x412: {  	v8 =	vsub.f32 v8, v13;
	[tilespmem:s31+$0x11100] =	vst.add.f32.msk $0xffff, v10;
	v19 =	vand.u32 $0x7FFFFFFF, v18;
	v15 =	vadd.f32 $1.000000000e+00, v15  }
0x413: {  	v10 =	vadd.f32 $8.388608000e+06, v14;
	v14 =	vld [tilespmem:s9+$0x30];
	v19 =	vadd.f32 $1.000000000e+00, v19  }
0x414: {  	v8 =	vmul.f32 v8, v8;
	v22 =	vmul.f32 $1.000000000e+02, v23;
	v21 =	vand.u32 $0x7FFFFF, v15  }
0x415: {  	v26 =	vshra.s32 v19, $0x17;
	v19 =	vand.u32 $0x7FFFFF, v19;
	v21 =	vor.u32 $0x3F800000, v21  }
0x416: {  	v11 =	vadd.f32 $8.388608000e+06, v11;
	v19 =	vor.u32 $0x3F800000, v19;
	v24 =	vmul.f32 $3.741521600e+00, v21  }
0x417: {  	v10 =	vand.u32 $0x3F, v10;
	v22 =	vadd.f32 $-5.000000000e+01, v22;
	v43 =	vmul.f32 $3.741521600e+00, v19  }
0x418: {  	v15 =	vshra.s32 v15, $0x17;
	v27 =	vmul.f32 $1.000000000e+02, v14;
	v24 =	vsub.f32 $2.215607260e+01, v24  }
0x419: {  	v15 =	vcvt.s32.f32 v15;
	v44 =	vand.u32 $0x7FFFFFFF, v22;
	v28 =	vsub.f32 $2.215607260e+01, v43  }
0x41a: {  	v27 =	vadd.f32 $-5.000000000e+01, v27;
	v21 =	vmul.f32 v21, v24;
	v24 =	vadd.f32 $1.000000000e+00, v44  }
0x41b: {  	v11 =	vand.u32 $0x3F, v11;
	v26 =	vcvt.s32.f32 v26;
	v15 =	vmul.f32 $1.110636040e+01, v15  }
0x41c: {  	v19 =	vmul.f32 v19, v28;
	v45 =	vand.u32 $0x7FFFFFFF, v27;
	v29 =	vand.u32 $0x7FFFFF, v24  }
0x41d: {  	v10 =	vld.idx.msk [tilespmem:v10+s17+$0x0], $0xffff;
	v21 =	vadd.f32 $-1.428822020e+03, v21;
	v30 =	vadd.f32 $1.000000000e+00, v45;
	v29 =	vor.u32 $0x3F800000, v29  }
0x41e: {  	v25 =	vand.u32 $0x80000000, v25;
	v26 =	vmul.f32 $1.110636040e+01, v26;
	v46 =	vmul.f32 $3.741521600e+00, v29  }
0x41f: {  	v19 =	vadd.f32 $-1.428822020e+03, v19;
	v15 =	vadd.f32 v21, v15;
	v21 =	vand.u32 $0x7FFFFF, v30  }
0x420: {  	[tilespmem:s10+$0x11100] =	vst.add.f32.msk $0xffff, v16;
	v24 =	vshra.s32 v24, $0x17;
	v21 =	vor.u32 $0x3F800000, v21;
	v28 =	vsub.f32 $2.215607260e+01, v46  }
0x421: {  	v11 =	vld.idx.msk [tilespmem:v11+s17+$0x0], $0xffff;
	v24 =	vcvt.s32.f32 v24;
	v15 =	vadd.f32 $8.388608000e+06, v15;
	v47 =	vmul.f32 $3.741521600e+00, v21  }
0x422: {  	[tilespmem:s13+$0x70] =	vst v13;
	v10 =	vor.u32 v10, v25;
	v19 =	vadd.f32 v19, v26;
	v25 =	vmul.f32 v29, v28  }
0x423: {  	[tilespmem:s30+$0x10100] =	vst.add.f32.msk $0xffff, v7;
	v16 =	vmul.f32 $1.110636040e+01, v24;
	v15 =	vand.u32 $0x3F, v15;
	v26 =	vsub.f32 $2.215607260e+01, v47  }
0x424: {  	[tilespmem:s30+$0x11100] =	vst.add.f32.msk $0xffff, v8;
	v13 =	vadd.f32 $8.388608000e+06, v19;
	v24 =	vadd.f32 $-1.428822020e+03, v25;
	v25 =	vshra.s32 v30, $0x17  }
0x425: {  	v2 =	vsub.f32 v2, v17;
	[tilespmem:s12+$0x30] =	vst v17;
	v21 =	vmul.f32 v21, v26;
	v19 =	vcvt.s32.f32 v25  }
0x426: {  	[tilespmem:s7+$0x10100] =	vst.add.f32.msk $0xffff, v1;
	v1 =	vor.u32 v11, v9;
	v8 =	vadd.f32 $5.000000000e-01, v10;
	v7 =	vand.u32 $0x3F, v13  }
0x427: {  	v10 =	vadd.f32 v24, v16;
	v16 =	vadd.f32 $-1.428822020e+03, v21;
	v13 =	vmul.f32 $1.110636040e+01, v19  }
0x428: {  	v2 =	vmul.f32 v2, v2;
	v1 =	vadd.f32 $5.000000000e-01, v1;
	v17 =	vsub.f32 v12, v8;
	v15 =	vld.idx.msk [tilespmem:v15+s17+$0x0], $0xffff  }
0x429: {  	v10 =	vadd.f32 $8.388608000e+06, v10;
	v13 =	vadd.f32 v16, v13  }
0x42a: {  	[tilespmem:s7+$0x11100] =	vst.add.f32.msk $0xffff, v2  }
0x42b: {  	[tilespmem:s24+$0x30] =	vst v1;
	v2 =	vmul.f32 v17, v17;
	v9 =	vand.u32 $0x3F, v10;
	v10 =	vadd.f32 $8.388608000e+06, v13  }
0x42c: {  	v11 =	vmul.f32 v12, v12;
	[tilespmem:s14+$0x70] =	vst v8;
	v8 =	vand.u32 $0x80000000, v20;
	v7 =	vld.idx.msk [tilespmem:v7+s17+$0x0], $0xffff  }
0x42d: {  	[tilespmem:s8+$0x11100] =	vst.add.f32.msk $0xffff, v2;
	v2 =	vsub.f32 v4, v1;
	v4 =	vor.u32 v15, v8;
	v8 =	vand.u32 $0x3F, v10  }
0x42e: {  	[tilespmem:s26+$0x10100] =	vst.add.f32.msk $0xffff, v6  }
0x42f: {  	[tilespmem:s8+$0x10100] =	vst.add.f32.msk $0xffff, v11;
	v1 =	vmul.f32 v2, v2;
	v4 =	vadd.f32 $5.000000000e-01, v4  }
0x430: {  	v2 =	vld.idx.msk [tilespmem:v9+s17+$0x0], $0xffff;
	v9 =	vand.u32 $0x80000000, v18  }
0x431: {  	[tilespmem:s26+$0x11100] =	vst.add.f32.msk $0xffff, v1;
	v6 =	vsub.f32 v5, v4;
	v1 =	vor.u32 v7, v9  }
0x432: {  	v5 =	vmul.f32 v5, v5;
	v1 =	vadd.f32 $5.000000000e-01, v1;
	v7 =	vld.idx.msk [tilespmem:v8+s17+$0x0], $0xffff  }
0x433: {  	[tilespmem:s9+$0x70] =	vst v4;
	v6 =	vmul.f32 v6, v6  }
0x434: {  	[tilespmem:s31+$0x10100] =	vst.add.f32.msk $0xffff, v5;
	v8 =	vand.u32 $0x80000000, v22;
	v4 =	vsub.f32 v3, v1  }
0x435: {  	[tilespmem:s31+$0x11100] =	vst.add.f32.msk $0xffff, v6;
	v3 =	vmul.f32 v3, v3;
	v2 =	vor.u32 v2, v8  }
0x436: {  	[tilespmem:s13+$0x30] =	vst v1;
	v2 =	vadd.f32 $5.000000000e-01, v2;
	v1 =	vmul.f32 v4, v4;
	v4 =	vand.u32 $0x80000000, v27  }
0x437: {  	[tilespmem:s30+$0x10100] =	vst.add.f32.msk $0xffff, v3;
	v4 =	vor.u32 v7, v4  }
0x438: {  	v5 =	vmul.f32 v23, v23;
	v3 =	vsub.f32 v23, v2;
	[tilespmem:s30+$0x11100] =	vst.add.f32.msk $0xffff, v1;
	v1 =	vadd.f32 $5.000000000e-01, v4  }
0x439: {  	[tilespmem:s14+$0x30] =	vst v2  }
0x43a: {  	[tilespmem:s8+$0x10100] =	vst.add.f32.msk $0xffff, v5;
	v2 =	vmul.f32 v3, v3;
	v3 =	vsub.f32 v14, v1  }
0x43b: {  	v4 =	vmul.f32 v14, v14;
	[tilespmem:s9+$0x30] =	vst v1  }
0x43c: {  	[tilespmem:s8+$0x11100] =	vst.add.f32.msk $0xffff, v2;
	v1 =	vmul.f32 v3, v3  }
0x43d: {  	[tilespmem:s31+$0x10100] =	vst.add.f32.msk $0xffff, v4  }
0x43e: {  	s1 =	sadd.s32 s16, s28;
	s10 =	simm.s32 $0x4100;
	[tilespmem:s31+$0x11100] =	vst.add.f32.msk $0xffff, v1  }
0x43f: {  	[hbm4b:s1+s5] =	stream.linear.scatter [tilespmem:s10], [sflag:$0x6], $0x4000, $0x38;
	[tilespmem:$0x12100] =	vst v63  }
0x440: {  	s15 =	simm.s32 $0x0;
	s1 =	simm.s32 @!p0 $0x8;
	s10 =	sor.u32 $0x3, s2  }
0x441: {  	s13 =	simm.s32 $0x0;
	_ =	swait.ge @!p0 [sflag:s1], $0x4000;
	s2 =	sshll.u32 s10, $0xB  }
0x442: {  	s14 =	simm.s32 $0xC100;
	[sflag:s1] =	ssyncset.done @!p0 $0x0;
	s2 =	sadd.s32 s6, s2  }
0x443: {  	[sflag:s1] =	ssyncadd.s32 @!p0 $0xFFFFC000;
	s12 =	sadd.s32 s4, s2;
	s1 =	smul.u32 $0xFFFF0200, s15  }
0x444: {  	[tilespmem:s14], [sflag:$0x4] =	stream.linear.gather [hbm4b:s12+s13], $0x4000, $0x38;
	[tilespmem:$0x12100] =	vst v63  }
0x445: {  	_ =	swait.ge [sflag:s21], $0x4000  }
0x446: {  	s1 =	sshra.s32 s1, $0x2;
	[sflag:s21] =	ssyncset.done $0x0  }
0x447: {  	s30 =	sadd.s32 $0x8100, s1;
	[sflag:s21] =	ssyncadd.s32 $0xFFFFC000  }
0x448: {  	v1 =	vld [tilespmem:s30+$0x40];
	_ =	sdelay $0x4  }
0x449: {  	v2 =	vmul.f32 $1.000000000e+02, v1;
	_ =	sdelay $0x1  }
0x44a: {  	v2 =	vadd.f32 $-5.000000000e+01, v2;
	_ =	sdelay $0x1  }
0x44b: {  	v3 =	vand.u32 $0x7FFFFFFF, v2  }
0x44c: {  	v3 =	vadd.f32 $1.000000000e+00, v3;
	_ =	sdelay $0x1  }
0x44d: {  	v4 =	vand.u32 $0x7FFFFF, v3  }
0x44e: {  	v4 =	vor.u32 $0x3F800000, v4  }
0x44f: {  	v5 =	vmul.f32 $3.741521600e+00, v4;
	_ =	sdelay $0x1  }
0x450: {  	v5 =	vsub.f32 $2.215607260e+01, v5  }
0x451: {  	v3 =	vshra.s32 v3, $0x17  }
0x452: {  	v3 =	vcvt.s32.f32 v3;
	v4 =	vmul.f32 v4, v5;
	_ =	sdelay $0x1  }
0x453: {  	v3 =	vmul.f32 $1.110636040e+01, v3;
	v4 =	vadd.f32 $-1.428822020e+03, v4;
	_ =	sdelay $0x1  }
0x454: {  	v3 =	vadd.f32 v4, v3;
	_ =	sdelay $0x1  }
0x455: {  	v3 =	vadd.f32 $8.388608000e+06, v3;
	_ =	sdelay $0x1  }
0x456: {  	v3 =	vand.u32 $0x3F, v3  }
0x457: {  	v4 =	vld [tilespmem:s30+$0x0];
	_ =	sdelay $0x3  }
0x458: {  	v3 =	vld.idx.msk [tilespmem:v3+s17+$0x0], $0xffff  }
0x459: {  	v5 =	vmul.f32 $1.000000000e+02, v4;
	_ =	sdelay $0x1  }
0x45a: {  	v5 =	vadd.f32 $-5.000000000e+01, v5  }
0x45b: {  	v2 =	vand.u32 $0x80000000, v2  }
0x45c: {  	v6 =	vand.u32 $0x7FFFFFFF, v5;
	v2 =	vor.u32 v3, v2  }
0x45d: {  	v3 =	vadd.f32 $1.000000000e+00, v6;
	v2 =	vadd.f32 $5.000000000e-01, v2;
	_ =	sdelay $0x1  }
0x45e: {  	s18 =	simm.s32 $0x0;
	v6 =	vand.u32 $0x7FFFFF, v3;
	v7 =	vsub.f32 v1, v2  }
0x45f: {  	s25 =	sshll.u32 s11, $0x7;
	s1 =	sand.u32 $0x1FFFFFF0, s18;
	v6 =	vor.u32 $0x3F800000, v6;
	v1 =	vmul.f32 v1, v1  }
0x460: {  	s11 =	sadd.s32 s25, s1;
	[tilespmem:s30+$0x40] =	vst v2;
	v8 =	vmul.f32 $3.741521600e+00, v6;
	v2 =	vmul.f32 v7, v7  }
0x461: {  	[tilespmem:s11+$0x10100] =	vst.add.f32.msk $0xffff, v1  }
0x462: {  	v1 =	vsub.f32 $2.215607260e+01, v8;
	[tilespmem:s11+$0x11100] =	vst.add.f32.msk $0xffff, v2  }
0x463: {  	v2 =	vshra.s32 v3, $0x17;
	v3 =	vld [tilespmem:s30+$0x50]  }
0x464: {  	v2 =	vcvt.s32.f32 v2;
	v1 =	vmul.f32 v6, v1;
	_ =	sdelay $0x1  }
0x465: {  	v2 =	vmul.f32 $1.110636040e+01, v2;
	v1 =	vadd.f32 $-1.428822020e+03, v1;
	_ =	sdelay $0x1  }
0x466: {  	s20 =	simm.s32 $0x0;
	v1 =	vadd.f32 v1, v2;
	v2 =	vmul.f32 $1.000000000e+02, v3  }
0x467: {  	s1 =	smul.u32 $0xFFFF0200, s20  }
0x468: {  	v1 =	vadd.f32 $8.388608000e+06, v1;
	v2 =	vadd.f32 $-5.000000000e+01, v2  }
0x469: {  	s1 =	sshra.s32 s1, $0x2  }
0x46a: {  	s12 =	sadd.s32 $0x8500, s1;
	v1 =	vand.u32 $0x3F, v1;
	v6 =	vand.u32 $0x7FFFFFFF, v2  }
0x46b: {  	v7 =	vld [tilespmem:s12+$0x40];
	v6 =	vadd.f32 $1.000000000e+00, v6;
	_ =	sdelay $0x1  }
0x46c: {  	v8 =	vand.u32 $0x7FFFFF, v6  }
0x46d: {  	v8 =	vor.u32 $0x3F800000, v8  }
0x46e: {  	v1 =	vld.idx.msk [tilespmem:v1+s17+$0x0], $0xffff;
	v9 =	vmul.f32 $3.741521600e+00, v8  }
0x46f: {  	v10 =	vmul.f32 $1.000000000e+02, v7  }
0x470: {  	v9 =	vsub.f32 $2.215607260e+01, v9  }
0x471: {  	v10 =	vadd.f32 $-5.000000000e+01, v10;
	v6 =	vshra.s32 v6, $0x17  }
0x472: {  	v5 =	vand.u32 $0x80000000, v5;
	v6 =	vcvt.s32.f32 v6;
	v8 =	vmul.f32 v8, v9  }
0x473: {  	v1 =	vor.u32 v1, v5;
	v5 =	vand.u32 $0x7FFFFFFF, v10  }
0x474: {  	v6 =	vmul.f32 $1.110636040e+01, v6;
	v5 =	vadd.f32 $1.000000000e+00, v5;
	v8 =	vadd.f32 $-1.428822020e+03, v8  }
0x475: {  	v1 =	vadd.f32 $5.000000000e-01, v1  }
0x476: {  	v6 =	vadd.f32 v8, v6;
	v8 =	vand.u32 $0x7FFFFF, v5  }
0x477: {  	v9 =	vsub.f32 v4, v1;
	v8 =	vor.u32 $0x3F800000, v8  }
0x478: {  	v11 =	vld [tilespmem:s12+$0x0];
	v4 =	vmul.f32 v4, v4;
	v6 =	vadd.f32 $8.388608000e+06, v6;
	v12 =	vmul.f32 $3.741521600e+00, v8  }
0x479: {  	[tilespmem:s30+$0x0] =	vst v1;
	v1 =	vmul.f32 v9, v9  }
0x47a: {  	[tilespmem:s11+$0x10100] =	vst.add.f32.msk $0xffff, v4;
	v4 =	vand.u32 $0x3F, v6;
	v6 =	vsub.f32 $2.215607260e+01, v12  }
0x47b: {  	[tilespmem:s11+$0x11100] =	vst.add.f32.msk $0xffff, v1;
	v1 =	vshra.s32 v5, $0x17  }
0x47c: {  	v9 =	vld [tilespmem:s30+$0x10];
	v1 =	vcvt.s32.f32 v1;
	v5 =	vmul.f32 v8, v6  }
0x47d: {  	v6 =	vmul.f32 $1.000000000e+02, v11  }
0x47e: {  	v1 =	vmul.f32 $1.110636040e+01, v1;
	v5 =	vadd.f32 $-1.428822020e+03, v5  }
0x47f: {  	v6 =	vadd.f32 $-5.000000000e+01, v6;
	v4 =	vld.idx.msk [tilespmem:v4+s17+$0x0], $0xffff  }
0x480: {  	v1 =	vadd.f32 v5, v1  }
0x481: {  	v5 =	vmul.f32 $1.000000000e+02, v9;
	v8 =	vand.u32 $0x7FFFFFFF, v6  }
0x482: {  	v8 =	vadd.f32 $1.000000000e+00, v8;
	v1 =	vadd.f32 $8.388608000e+06, v1  }
0x483: {  	v2 =	vand.u32 $0x80000000, v2;
	v5 =	vadd.f32 $-5.000000000e+01, v5  }
0x484: {  	v12 =	vand.u32 $0x7FFFFF, v8;
	v1 =	vand.u32 $0x3F, v1;
	v2 =	vor.u32 v4, v2  }
0x485: {  	v4 =	vor.u32 $0x3F800000, v12;
	v2 =	vadd.f32 $5.000000000e-01, v2  }
0x486: {  	v12 =	vand.u32 $0x7FFFFFFF, v5;
	v13 =	vmul.f32 $3.741521600e+00, v4  }
0x487: {  	v12 =	vadd.f32 $1.000000000e+00, v12;
	v14 =	vsub.f32 v3, v2  }
0x488: {  	v13 =	vsub.f32 $2.215607260e+01, v13;
	v3 =	vmul.f32 v3, v3  }
0x489: {  	v8 =	vshra.s32 v8, $0x17;
	v15 =	vand.u32 $0x7FFFFF, v12;
	[tilespmem:s30+$0x50] =	vst v2;
	v1 =	vld.idx.msk [tilespmem:v1+s17+$0x0], $0xffff;
	v2 =	vmul.f32 v14, v14  }
0x48a: {  	v8 =	vcvt.s32.f32 v8;
	v14 =	vor.u32 $0x3F800000, v15;
	v4 =	vmul.f32 v4, v13;
	[tilespmem:s11+$0x10100] =	vst.add.f32.msk $0xffff, v3  }
0x48b: {  	v3 =	vmul.f32 $3.741521600e+00, v14;
	[tilespmem:s11+$0x11100] =	vst.add.f32.msk $0xffff, v2  }
0x48c: {  	v2 =	vmul.f32 $1.110636040e+01, v8;
	v4 =	vadd.f32 $-1.428822020e+03, v4;
	v8 =	vld [tilespmem:s30+$0x60]  }
0x48d: {  	v10 =	vand.u32 $0x80000000, v10;
	v3 =	vsub.f32 $2.215607260e+01, v3  }
0x48e: {  	v2 =	vadd.f32 v4, v2;
	v1 =	vor.u32 v1, v10  }
0x48f: {  	v4 =	vshra.s32 v12, $0x17;
	v3 =	vmul.f32 v14, v3;
	v1 =	vadd.f32 $5.000000000e-01, v1  }
0x490: {  	v4 =	vcvt.s32.f32 v4;
	v2 =	vadd.f32 $8.388608000e+06, v2  }
0x491: {  	s24 =	simm.s32 $0x1;
	v3 =	vadd.f32 $-1.428822020e+03, v3;
	v10 =	vmul.f32 $1.000000000e+02, v8;
	v12 =	vsub.f32 v7, v1  }
0x492: {  	s1 =	sand.u32 $0x1FFFFFF0, s24;
	v4 =	vmul.f32 $1.110636040e+01, v4;
	v2 =	vand.u32 $0x3F, v2;
	v7 =	vmul.f32 v7, v7  }
0x493: {  	s7 =	sadd.s32 s25, s1;
	[tilespmem:s12+$0x40] =	vst v1;
	v10 =	vadd.f32 $-5.000000000e+01, v10;
	v1 =	vmul.f32 v12, v12  }
0x494: {  	v3 =	vadd.f32 v3, v4;
	[tilespmem:s7+$0x10100] =	vst.add.f32.msk $0xffff, v7  }
0x495: {  	v4 =	vand.u32 $0x7FFFFFFF, v10;
	[tilespmem:s7+$0x11100] =	vst.add.f32.msk $0xffff, v1  }
0x496: {  	v1 =	vadd.f32 $8.388608000e+06, v3;
	v3 =	vadd.f32 $1.000000000e+00, v4;
	v7 =	vld [tilespmem:s12+$0x50]  }
0x497: {  	v2 =	vld.idx.msk [tilespmem:v2+s17+$0x0], $0xffff  }
0x498: {  	v4 =	vand.u32 $0x7FFFFF, v3  }
0x499: {  	v1 =	vand.u32 $0x3F, v1;
	v4 =	vor.u32 $0x3F800000, v4  }
0x49a: {  	v12 =	vmul.f32 $3.741521600e+00, v4  }
0x49b: {  	v6 =	vand.u32 $0x80000000, v6;
	v13 =	vmul.f32 $1.000000000e+02, v7  }
0x49c: {  	v2 =	vor.u32 v2, v6;
	v6 =	vsub.f32 $2.215607260e+01, v12  }
0x49d: {  	v3 =	vshra.s32 v3, $0x17;
	v2 =	vadd.f32 $5.000000000e-01, v2;
	v12 =	vadd.f32 $-5.000000000e+01, v13  }
0x49e: {  	s26 =	simm.s32 $0x0;
	v3 =	vcvt.s32.f32 v3;
	v1 =	vld.idx.msk [tilespmem:v1+s17+$0x0], $0xffff;
	v4 =	vmul.f32 v4, v6  }
0x49f: {  	s1 =	smul.u32 $0xFFFF0200, s26;
	v6 =	vmul.f32 v11, v11;
	v11 =	vsub.f32 v11, v2;
	v13 =	vand.u32 $0x7FFFFFFF, v12  }
0x4a0: {  	v3 =	vmul.f32 $1.110636040e+01, v3;
	v4 =	vadd.f32 $-1.428822020e+03, v4;
	v13 =	vadd.f32 $1.000000000e+00, v13  }
0x4a1: {  	s1 =	sshra.s32 s1, $0x2;
	v5 =	vand.u32 $0x80000000, v5;
	[tilespmem:s12+$0x0] =	vst v2  }
0x4a2: {  	s24 =	sadd.s32 $0x8900, s1;
	v2 =	vmul.f32 v11, v11;
	[tilespmem:s7+$0x10100] =	vst.add.f32.msk $0xffff, v6;
	v3 =	vadd.f32 v4, v3;
	v4 =	vand.u32 $0x7FFFFF, v13  }
0x4a3: {  	v1 =	vor.u32 v1, v5;
	v5 =	vld [tilespmem:s24+$0x40];
	v6 =	vor.u32 $0x3F800000, v4  }
0x4a4: {  	v1 =	vadd.f32 $5.000000000e-01, v1;
	[tilespmem:s7+$0x11100] =	vst.add.f32.msk $0xffff, v2;
	v3 =	vadd.f32 $8.388608000e+06, v3;
	v4 =	vmul.f32 $3.741521600e+00, v6  }
0x4a5: {  	v13 =	vshra.s32 v13, $0x17;
	v2 =	vld [tilespmem:s12+$0x10]  }
0x4a6: {  	v11 =	vsub.f32 v9, v1;
	v3 =	vand.u32 $0x3F, v3;
	v14 =	vsub.f32 $2.215607260e+01, v4  }
0x4a7: {  	v9 =	vmul.f32 v9, v9;
	[tilespmem:s30+$0x10] =	vst v1;
	v1 =	vcvt.s32.f32 v13  }
0x4a8: {  	v11 =	vmul.f32 v11, v11;
	v4 =	vld [tilespmem:s24+$0x0];
	v6 =	vmul.f32 v6, v14  }
0x4a9: {  	[tilespmem:s11+$0x10100] =	vst.add.f32.msk $0xffff, v9;
	v9 =	vmul.f32 $1.000000000e+02, v5  }
0x4aa: {  	v13 =	vmul.f32 $1.110636040e+01, v1;
	[tilespmem:s11+$0x11100] =	vst.add.f32.msk $0xffff, v11;
	v11 =	vmul.f32 $1.000000000e+02, v2;
	v6 =	vadd.f32 $-1.428822020e+03, v6  }
0x4ab: {  	v9 =	vadd.f32 $-5.000000000e+01, v9;
	v14 =	vld.idx.msk [tilespmem:v3+s17+$0x0], $0xffff  }
0x4ac: {  	v3 =	vadd.f32 $-5.000000000e+01, v11;
	v6 =	vadd.f32 v6, v13  }
0x4ad: {  	v1 =	vld [tilespmem:s30+$0x20];
	v11 =	vmul.f32 $1.000000000e+02, v4;
	v13 =	vand.u32 $0x7FFFFFFF, v9  }
0x4ae: {  	v15 =	vand.u32 $0x7FFFFFFF, v3;
	v13 =	vadd.f32 $1.000000000e+00, v13;
	v6 =	vadd.f32 $8.388608000e+06, v6  }
0x4af: {  	v10 =	vand.u32 $0x80000000, v10;
	v16 =	vadd.f32 $-5.000000000e+01, v11;
	v15 =	vadd.f32 $1.000000000e+00, v15  }
0x4b0: {  	v11 =	vand.u32 $0x7FFFFF, v13;
	v6 =	vand.u32 $0x3F, v6;
	v10 =	vor.u32 v14, v10  }
0x4b1: {  	v18 =	vand.u32 $0x7FFFFFFF, v16;
	v11 =	vor.u32 $0x3F800000, v11;
	v10 =	vadd.f32 $5.000000000e-01, v10  }
0x4b2: {  	v13 =	vshra.s32 v13, $0x17;
	v14 =	vmul.f32 $1.000000000e+02, v1;
	v19 =	vmul.f32 $3.741521600e+00, v11  }
0x4b3: {  	v17 =	vand.u32 $0x7FFFFF, v15;
	v18 =	vadd.f32 $1.000000000e+00, v18;
	v20 =	vsub.f32 v8, v10  }
0x4b4: {  	v13 =	vcvt.s32.f32 v13;
	v19 =	vsub.f32 $2.215607260e+01, v19;
	v8 =	vmul.f32 v8, v8  }
0x4b5: {  	v17 =	vor.u32 $0x3F800000, v17;
	v22 =	vand.u32 $0x7FFFFF, v18;
	[tilespmem:s30+$0x60] =	vst v10;
	v6 =	vld.idx.msk [tilespmem:v6+s17+$0x0], $0xffff;
	v10 =	vmul.f32 v20, v20  }
0x4b6: {  	v21 =	vmul.f32 $3.741521600e+00, v17;
	v20 =	vor.u32 $0x3F800000, v22;
	v11 =	vmul.f32 v11, v19;
	[tilespmem:s11+$0x10100] =	vst.add.f32.msk $0xffff, v8  }
0x4b7: {  	v12 =	vand.u32 $0x80000000, v12;
	v13 =	vmul.f32 $1.110636040e+01, v13;
	v19 =	vmul.f32 $3.741521600e+00, v20;
	[tilespmem:s11+$0x11100] =	vst.add.f32.msk $0xffff, v10  }
0x4b8: {  	v18 =	vshra.s32 v18, $0x17;
	v10 =	vadd.f32 $-5.000000000e+01, v14;
	v14 =	vadd.f32 $-1.428822020e+03, v11;
	v11 =	vld [tilespmem:s30+$0x70]  }
0x4b9: {  	v8 =	vshra.s32 v15, $0x17;
	v15 =	vsub.f32 $2.215607260e+01, v21;
	v19 =	vsub.f32 $2.215607260e+01, v19  }
0x4ba: {  	v18 =	vcvt.s32.f32 v18;
	v13 =	vadd.f32 v14, v13;
	v6 =	vor.u32 v6, v12  }
0x4bb: {  	v12 =	vmul.f32 v17, v15;
	v14 =	vmul.f32 v20, v19;
	v6 =	vadd.f32 $5.000000000e-01, v6  }
0x4bc: {  	v15 =	vand.u32 $0x7FFFFFFF, v10;
	v17 =	vmul.f32 $1.110636040e+01, v18;
	v13 =	vadd.f32 $8.388608000e+06, v13  }
0x4bd: {  	v14 =	vadd.f32 $-1.428822020e+03, v14;
	v18 =	vmul.f32 $1.000000000e+02, v11;
	v19 =	vsub.f32 v7, v6  }
0x4be: {  	v15 =	vadd.f32 $1.000000000e+00, v15;
	v13 =	vand.u32 $0x3F, v13;
	v7 =	vmul.f32 v7, v7  }
0x4bf: {  	[tilespmem:s12+$0x50] =	vst v6;
	v14 =	vadd.f32 v14, v17;
	v17 =	vadd.f32 $-5.000000000e+01, v18;
	v6 =	vmul.f32 v19, v19  }
0x4c0: {  	v8 =	vcvt.s32.f32 v8;
	v18 =	vand.u32 $0x7FFFFF, v15;
	[tilespmem:s7+$0x10100] =	vst.add.f32.msk $0xffff, v7  }
0x4c1: {  	v18 =	vor.u32 $0x3F800000, v18;
	v14 =	vadd.f32 $8.388608000e+06, v14;
	v7 =	vand.u32 $0x7FFFFFFF, v17;
	[tilespmem:s7+$0x11100] =	vst.add.f32.msk $0xffff, v6  }
0x4c2: {  	v6 =	vmul.f32 $1.110636040e+01, v8;
	v8 =	vmul.f32 $3.741521600e+00, v18;
	v19 =	vadd.f32 $1.000000000e+00, v7;
	v7 =	vld [tilespmem:s12+$0x60]  }
0x4c3: {  	v12 =	vadd.f32 $-1.428822020e+03, v12;
	v13 =	vld.idx.msk [tilespmem:v13+s17+$0x0], $0xffff  }
0x4c4: {  	v15 =	vshra.s32 v15, $0x17;
	v14 =	vand.u32 $0x3F, v14;
	v8 =	vsub.f32 $2.215607260e+01, v8  }
0x4c5: {  	v15 =	vcvt.s32.f32 v15;
	v6 =	vadd.f32 v12, v6;
	v12 =	vand.u32 $0x7FFFFF, v19  }
0x4c6: {  	v9 =	vand.u32 $0x80000000, v9;
	v12 =	vor.u32 $0x3F800000, v12;
	v8 =	vmul.f32 v18, v8  }
0x4c7: {  	v15 =	vmul.f32 $1.110636040e+01, v15;
	v6 =	vadd.f32 $8.388608000e+06, v6;
	v18 =	vmul.f32 $3.741521600e+00, v12  }
0x4c8: {  	v20 =	vmul.f32 $1.000000000e+02, v7;
	v8 =	vadd.f32 $-1.428822020e+03, v8;
	v9 =	vor.u32 v13, v9  }
0x4c9: {  	v16 =	vand.u32 $0x80000000, v16;
	v14 =	vld.idx.msk [tilespmem:v14+s17+$0x0], $0xffff;
	v18 =	vsub.f32 $2.215607260e+01, v18;
	v9 =	vadd.f32 $5.000000000e-01, v9  }
0x4ca: {  	v13 =	vadd.f32 $-5.000000000e+01, v20;
	v8 =	vadd.f32 v8, v15;
	v15 =	vshra.s32 v19, $0x17  }
0x4cb: {  	v6 =	vand.u32 $0x3F, v6;
	v12 =	vmul.f32 v12, v18;
	v15 =	vcvt.s32.f32 v15  }
0x4cc: {  	s31 =	smov.u32 s4;
	s4 =	simm.s32 $0x2;
	v18 =	vsub.f32 v5, v9;
	v19 =	vand.u32 $0x7FFFFFFF, v13;
	v8 =	vadd.f32 $8.388608000e+06, v8  }
0x4cd: {  	s1 =	sand.u32 $0x1FFFFFF0, s4;
	v5 =	vmul.f32 v5, v5;
	v12 =	vadd.f32 $-1.428822020e+03, v12;
	v19 =	vadd.f32 $1.000000000e+00, v19  }
0x4ce: {  	s26 =	sadd.s32 s25, s1;
	[tilespmem:s24+$0x40] =	vst v9;
	v15 =	vmul.f32 $1.110636040e+01, v15;
	v14 =	vor.u32 v14, v16;
	v9 =	vmul.f32 v18, v18  }
0x4cf: {  	[tilespmem:s26+$0x10100] =	vst.add.f32.msk $0xffff, v5;
	v14 =	vadd.f32 $5.000000000e-01, v14;
	v8 =	vand.u32 $0x3F, v8;
	v5 =	vand.u32 $0x7FFFFF, v19  }
0x4d0: {  	v12 =	vadd.f32 v12, v15;
	[tilespmem:s26+$0x11100] =	vst.add.f32.msk $0xffff, v9;
	v5 =	vor.u32 $0x3F800000, v5  }
0x4d1: {  	v15 =	vsub.f32 v4, v14;
	v9 =	vld [tilespmem:s24+$0x50];
	v4 =	vmul.f32 v4, v4;
	v16 =	vmul.f32 $3.741521600e+00, v5  }
0x4d2: {  	v6 =	vld.idx.msk [tilespmem:v6+s17+$0x0], $0xffff;
	[tilespmem:s24+$0x0] =	vst v14;
	v12 =	vadd.f32 $8.388608000e+06, v12  }
0x4d3: {  	v14 =	vmul.f32 v15, v15;
	[tilespmem:s26+$0x10100] =	vst.add.f32.msk $0xffff, v4;
	v15 =	vsub.f32 $2.215607260e+01, v16  }
0x4d4: {  	v4 =	vand.u32 $0x3F, v12;
	v12 =	vshra.s32 v19, $0x17;
	v8 =	vld.idx.msk [tilespmem:v8+s17+$0x0], $0xffff  }
0x4d5: {  	v12 =	vcvt.s32.f32 v12;
	v5 =	vmul.f32 v5, v15  }
0x4d6: {  	s8 =	simm.s32 $0x0;
	v13 =	vand.u32 $0x80000000, v13;
	[tilespmem:s26+$0x11100] =	vst.add.f32.msk $0xffff, v14;
	v14 =	vand.u32 $0x80000000, v3;
	v15 =	vmul.f32 $1.000000000e+02, v9  }
0x4d7: {  	s1 =	smul.u32 $0xFFFF0200, s8;
	v3 =	vld [tilespmem:s24+$0x10];
	v6 =	vor.u32 v6, v14;
	v14 =	vmul.f32 $1.110636040e+01, v12;
	v5 =	vadd.f32 $-1.428822020e+03, v5  }
0x4d8: {  	v18 =	vadd.f32 $5.000000000e-01, v6;
	v6 =	vand.u32 $0x80000000, v10;
	v15 =	vadd.f32 $-5.000000000e+01, v15  }
0x4d9: {  	s1 =	sshra.s32 s1, $0x2;
	v16 =	vmul.f32 v2, v2;
	v19 =	vld.idx.msk [tilespmem:v4+s17+$0x0], $0xffff;
	v8 =	vor.u32 v8, v6;
	v5 =	vadd.f32 v5, v14  }
0x4da: {  	s13 =	sadd.s32 $0x8D00, s1;
	v2 =	vsub.f32 v2, v18;
	v10 =	vand.u32 $0x7FFFFFFF, v15;
	v24 =	vadd.f32 $5.000000000e-01, v8  }
0x4db: {  	v12 =	vmul.f32 v1, v1;
	v20 =	vadd.f32 $1.000000000e+00, v10;
	v10 =	vld [tilespmem:s13+$0x40];
	v5 =	vadd.f32 $8.388608000e+06, v5  }
0x4dc: {  	v6 =	vand.u32 $0x80000000, v17;
	v14 =	vmul.f32 $1.000000000e+02, v3;
	v21 =	vmul.f32 v2, v2  }
0x4dd: {  	[tilespmem:s12+$0x10] =	vst v18;
	v18 =	vsub.f32 v1, v24;
	v17 =	vand.u32 $0x7FFFFF, v20;
	v22 =	vand.u32 $0x3F, v5  }
0x4de: {  	[tilespmem:s7+$0x10100] =	vst.add.f32.msk $0xffff, v16;
	v14 =	vadd.f32 $-5.000000000e+01, v14;
	v5 =	vor.u32 v19, v6;
	v17 =	vor.u32 $0x3F800000, v17  }
0x4df: {  	v1 =	vshra.s32 v20, $0x17;
	v6 =	vadd.f32 $5.000000000e-01, v5;
	v23 =	vmul.f32 $3.741521600e+00, v17;
	v5 =	vld [tilespmem:s13+$0x0]  }
0x4e0: {  	[tilespmem:s7+$0x11100] =	vst.add.f32.msk $0xffff, v21;
	v19 =	vand.u32 $0x7FFFFFFF, v14;
	v8 =	vand.u32 $0x80000000, v14;
	v25 =	vmul.f32 $1.000000000e+02, v10  }
0x4e1: {  	v19 =	vadd.f32 $1.000000000e+00, v19;
	v14 =	vsub.f32 $2.215607260e+01, v23;
	v23 =	vcvt.s32.f32 v1;
	v1 =	vld [tilespmem:s12+$0x20]  }
0x4e2: {  	v4 =	vmul.f32 v11, v11;
	v15 =	vand.u32 $0x80000000, v15;
	v20 =	vld.idx.msk [tilespmem:v22+s17+$0x0], $0xffff;
	v22 =	vadd.f32 $-5.000000000e+01, v25  }
0x4e3: {  	v11 =	vsub.f32 v11, v6;
	v16 =	vand.u32 $0x7FFFFF, v19;
	v14 =	vmul.f32 v17, v14  }
0x4e4: {  	v16 =	vor.u32 $0x3F800000, v16;
	v17 =	vmul.f32 $1.000000000e+02, v5;
	v21 =	vand.u32 $0x7FFFFFFF, v22  }
0x4e5: {  	v23 =	vmul.f32 $1.110636040e+01, v23;
	v14 =	vadd.f32 $-1.428822020e+03, v14;
	v21 =	vadd.f32 $1.000000000e+00, v21  }
0x4e6: {  	v25 =	vmul.f32 $3.741521600e+00, v16;
	v17 =	vadd.f32 $-5.000000000e+01, v17;
	v27 =	vmul.f32 $1.000000000e+02, v1  }
0x4e7: {  	v14 =	vadd.f32 v14, v23;
	v23 =	vand.u32 $0x7FFFFF, v21;
	v13 =	vor.u32 v20, v13  }
0x4e8: {  	v20 =	vsub.f32 $2.215607260e+01, v25;
	v23 =	vor.u32 $0x3F800000, v23;
	v13 =	vadd.f32 $5.000000000e-01, v13  }
0x4e9: {  	v25 =	vand.u32 $0x7FFFFFFF, v17;
	v14 =	vadd.f32 $8.388608000e+06, v14;
	v26 =	vmul.f32 $3.741521600e+00, v23  }
0x4ea: {  	v21 =	vshra.s32 v21, $0x17;
	v25 =	vadd.f32 $1.000000000e+00, v25;
	v48 =	vsub.f32 v7, v13  }
0x4eb: {  	v49 =	vand.u32 $0x3F, v14;
	v7 =	vmul.f32 v7, v7;
	v14 =	vsub.f32 $2.215607260e+01, v26  }
0x4ec: {  	v21 =	vcvt.s32.f32 v21;
	[tilespmem:s12+$0x60] =	vst v13;
	v26 =	vand.u32 $0x7FFFFF, v25;
	v13 =	vmul.f32 v48, v48  }
0x4ed: {  	v26 =	vor.u32 $0x3F800000, v26;
	[tilespmem:s7+$0x10100] =	vst.add.f32.msk $0xffff, v7;
	v7 =	vmul.f32 v11, v11;
	v14 =	vmul.f32 v23, v14  }
0x4ee: {  	v11 =	vshra.s32 v19, $0x17;
	v19 =	vmul.f32 $3.741521600e+00, v26;
	v23 =	vshra.s32 v25, $0x17;
	[tilespmem:s7+$0x11100] =	vst.add.f32.msk $0xffff, v13  }
0x4ef: {  	v11 =	vcvt.s32.f32 v11;
	v13 =	vmul.f32 v16, v20;
	v16 =	vadd.f32 $-1.428822020e+03, v14;
	v14 =	vld [tilespmem:s12+$0x70]  }
0x4f0: {  	v20 =	vmul.f32 $1.110636040e+01, v21;
	v21 =	vadd.f32 $-5.000000000e+01, v27;
	v19 =	vsub.f32 $2.215607260e+01, v19;
	v25 =	vld.idx.msk [tilespmem:v49+s17+$0x0], $0xffff  }
0x4f1: {  	v23 =	vcvt.s32.f32 v23;
	v11 =	vmul.f32 $1.110636040e+01, v11;
	v13 =	vadd.f32 $-1.428822020e+03, v13  }
0x4f2: {  	v16 =	vadd.f32 v16, v20;
	v20 =	vand.u32 $0x7FFFFFFF, v21;
	v19 =	vmul.f32 v26, v19  }
0x4f3: {  	v18 =	vmul.f32 v18, v18;
	v20 =	vadd.f32 $1.000000000e+00, v20;
	v11 =	vadd.f32 v13, v11  }
0x4f4: {  	v23 =	vmul.f32 $1.110636040e+01, v23;
	v16 =	vadd.f32 $8.388608000e+06, v16;
	v19 =	vadd.f32 $-1.428822020e+03, v19  }
0x4f5: {  	v26 =	vmul.f32 $1.000000000e+02, v14;
	v15 =	vor.u32 v25, v15;
	v25 =	vand.u32 $0x7FFFFF, v20  }
0x4f6: {  	v11 =	vadd.f32 $8.388608000e+06, v11;
	v16 =	vand.u32 $0x3F, v16;
	v15 =	vadd.f32 $5.000000000e-01, v15  }
0x4f7: {  	[tilespmem:s30+$0x20] =	vst v24;
	v13 =	vor.u32 $0x3F800000, v25;
	v19 =	vadd.f32 v19, v23;
	v26 =	vadd.f32 $-5.000000000e+01, v26  }
0x4f8: {  	[tilespmem:s11+$0x11100] =	vst.add.f32.msk $0xffff, v18;
	v11 =	vand.u32 $0x3F, v11;
	v25 =	vsub.f32 v9, v15;
	v9 =	vmul.f32 v9, v9  }
0x4f9: {  	v19 =	vadd.f32 $8.388608000e+06, v19;
	[tilespmem:s24+$0x50] =	vst v15;
	v27 =	vand.u32 $0x7FFFFFFF, v26  }
0x4fa: {  	v23 =	vmul.f32 $3.741521600e+00, v13;
	v27 =	vadd.f32 $1.000000000e+00, v27;
	v15 =	vmul.f32 v25, v25;
	[tilespmem:s26+$0x10100] =	vst.add.f32.msk $0xffff, v9  }
0x4fb: {  	v2 =	vmul.f32 v3, v3;
	v22 =	vand.u32 $0x80000000, v22;
	v19 =	vand.u32 $0x3F, v19;
	v50 =	vld.idx.msk [tilespmem:v16+s17+$0x0], $0xffff  }
0x4fc: {  	v20 =	vshra.s32 v20, $0x17;
	v16 =	vsub.f32 $2.215607260e+01, v23;
	v9 =	vand.u32 $0x7FFFFF, v27;
	[tilespmem:s26+$0x11100] =	vst.add.f32.msk $0xffff, v15  }
0x4fd: {  	v17 =	vand.u32 $0x80000000, v17;
	v20 =	vcvt.s32.f32 v20;
	v11 =	vld.idx.msk [tilespmem:v11+s17+$0x0], $0xffff;
	v9 =	vor.u32 $0x3F800000, v9  }
0x4fe: {  	v18 =	vshra.s32 v27, $0x17;
	v13 =	vmul.f32 v13, v16;
	v16 =	vld [tilespmem:s24+$0x60];
	v15 =	vmul.f32 $3.741521600e+00, v9  }
0x4ff: {  	[tilespmem:s11+$0x10100] =	vst.add.f32.msk $0xffff, v12;
	v21 =	vand.u32 $0x80000000, v21;
	v20 =	vmul.f32 $1.110636040e+01, v20;
	v18 =	vcvt.s32.f32 v18  }
0x500: {  	v12 =	vadd.f32 $-1.428822020e+03, v13;
	v19 =	vld.idx.msk [tilespmem:v19+s17+$0x0], $0xffff;
	v13 =	vsub.f32 $2.215607260e+01, v15;
	v15 =	vor.u32 v50, v22  }
0x501: {  	v23 =	vmul.f32 v5, v5;
	v18 =	vmul.f32 $1.110636040e+01, v18;
	v15 =	vadd.f32 $5.000000000e-01, v15  }
0x502: {  	v12 =	vadd.f32 v12, v20;
	v8 =	vor.u32 v11, v8;
	v13 =	vmul.f32 v9, v13  }
0x503: {  	s9 =	simm.s32 $0x3;
	v9 =	vld [tilespmem:s30+$0x30];
	v20 =	vmul.f32 $1.000000000e+02, v16;
	v8 =	vadd.f32 $5.000000000e-01, v8;
	v22 =	vsub.f32 v10, v15  }
0x504: {  	s1 =	sand.u32 $0x1FFFFFF0, s9;
	v12 =	vadd.f32 $8.388608000e+06, v12;
	v10 =	vmul.f32 v10, v10;
	[tilespmem:s13+$0x40] =	vst v15;
	v15 =	vmul.f32 v1, v1  }
0x505: {  	s28 =	sadd.s32 s25, s1;
	v13 =	vadd.f32 $-1.428822020e+03, v13;
	v25 =	vadd.f32 $-5.000000000e+01, v20;
	v17 =	vor.u32 v19, v17;
	[tilespmem:s24+$0x10] =	vst v8  }
0x506: {  	v20 =	vmul.f32 v22, v22;
	v12 =	vand.u32 $0x3F, v12;
	[tilespmem:s28+$0x10100] =	vst.add.f32.msk $0xffff, v10;
	v19 =	vadd.f32 $5.000000000e-01, v17  }
0x507: {  	v3 =	vsub.f32 v3, v8;
	[tilespmem:s26+$0x10100] =	vst.add.f32.msk $0xffff, v2;
	v13 =	vadd.f32 v13, v18;
	v17 =	vand.u32 $0x7FFFFFFF, v25  }
0x508: {  	[tilespmem:s28+$0x11100] =	vst.add.f32.msk $0xffff, v20;
	v18 =	vmul.f32 $1.000000000e+02, v9;
	v20 =	vadd.f32 $1.000000000e+00, v17;
	v5 =	vsub.f32 v5, v19  }
0x509: {  	v10 =	vmul.f32 v14, v14;
	v2 =	vand.u32 $0x80000000, v26;
	[tilespmem:s13+$0x0] =	vst v19;
	v17 =	vld [tilespmem:s13+$0x50];
	v11 =	vadd.f32 $8.388608000e+06, v13  }
0x50a: {  	[tilespmem:s28+$0x10100] =	vst.add.f32.msk $0xffff, v23;
	v13 =	vand.u32 $0x7FFFFF, v20;
	v18 =	vadd.f32 $-5.000000000e+01, v18;
	v5 =	vmul.f32 v5, v5  }
0x50b: {  	v27 =	vmul.f32 v3, v3;
	v19 =	vand.u32 $0x3F, v11;
	v13 =	vor.u32 $0x3F800000, v13;
	v22 =	vld.idx.msk [tilespmem:v12+s17+$0x0], $0xffff  }
0x50c: {  	s14 =	simm.s32 $0x0;
	v20 =	vshra.s32 v20, $0x17;
	v23 =	vmul.f32 $3.741521600e+00, v13;
	v12 =	vand.u32 $0x7FFFFFFF, v18;
	[tilespmem:s28+$0x11100] =	vst.add.f32.msk $0xffff, v5  }
0x50d: {  	s1 =	smul.u32 $0xFFFF0200, s14;
	v25 =	vand.u32 $0x80000000, v25;
	v20 =	vcvt.s32.f32 v20;
	v5 =	vadd.f32 $1.000000000e+00, v12;
	v3 =	vld [tilespmem:s13+$0x10]  }
0x50e: {  	v12 =	vand.u32 $0x80000000, v18;
	v24 =	vmul.f32 $1.000000000e+02, v17;
	v18 =	vsub.f32 $2.215607260e+01, v23  }
0x50f: {  	s1 =	sshra.s32 s1, $0x2;
	v11 =	vmul.f32 v9, v9;
	v20 =	vmul.f32 $1.110636040e+01, v20;
	v23 =	vshra.s32 v5, $0x17  }
0x510: {  	s14 =	sadd.s32 $0x9100, s1;
	v51 =	vadd.f32 $-5.000000000e+01, v24;
	v13 =	vmul.f32 v13, v18;
	v19 =	vld.idx.msk [tilespmem:v19+s17+$0x0], $0xffff;
	v21 =	vor.u32 v22, v21  }
0x511: {  	v5 =	vand.u32 $0x7FFFFF, v5;
	v24 =	vcvt.s32.f32 v23;
	v23 =	vld [tilespmem:s14+$0x40];
	v53 =	vadd.f32 $5.000000000e-01, v21  }
0x512: {  	v18 =	vand.u32 $0x7FFFFFFF, v51;
	v13 =	vadd.f32 $-1.428822020e+03, v13;
	v52 =	vmul.f32 $1.000000000e+02, v3  }
0x513: {  	v28 =	vand.u32 $0x80000000, v51;
	v22 =	vadd.f32 $1.000000000e+00, v18;
	v18 =	vor.u32 $0x3F800000, v5  }
0x514: {  	v5 =	vmul.f32 v3, v3;
	v1 =	vsub.f32 v1, v53;
	v8 =	vadd.f32 v13, v20  }
0x515: {  	v21 =	vld [tilespmem:s14+$0x0];
	v20 =	vadd.f32 $-5.000000000e+01, v52;
	v40 =	vmul.f32 $3.741521600e+00, v18;
	v13 =	vand.u32 $0x7FFFFF, v22  }
0x516: {  	[tilespmem:s26+$0x11100] =	vst.add.f32.msk $0xffff, v27;
	v2 =	vor.u32 v19, v2;
	v27 =	vmul.f32 $1.000000000e+02, v23;
	v26 =	vor.u32 $0x3F800000, v13  }
0x517: {  	v22 =	vshra.s32 v22, $0x17;
	v19 =	vadd.f32 $8.388608000e+06, v8;
	v54 =	vmul.f32 $3.741521600e+00, v26  }
0x518: {  	v1 =	vmul.f32 v1, v1;
	v13 =	vadd.f32 $5.000000000e-01, v2;
	v2 =	vand.u32 $0x7FFFFFFF, v20  }
0x519: {  	[tilespmem:s12+$0x20] =	vst v53;
	v22 =	vcvt.s32.f32 v22;
	v19 =	vand.u32 $0x3F, v19;
	v29 =	vsub.f32 $2.215607260e+01, v54  }
0x51a: {  	[tilespmem:s7+$0x10100] =	vst.add.f32.msk $0xffff, v15;
	v20 =	vand.u32 $0x80000000, v20;
	v56 =	vmul.f32 $1.000000000e+02, v21;
	v37 =	vmul.f32 v21, v21  }
0x51b: {  	v8 =	vld [tilespmem:s24+$0x20];
	v15 =	vsub.f32 $2.215607260e+01, v40;
	v27 =	vadd.f32 $-5.000000000e+01, v27;
	v26 =	vmul.f32 v26, v29  }
0x51c: {  	v2 =	vadd.f32 $1.000000000e+00, v2;
	[tilespmem:s7+$0x11100] =	vst.add.f32.msk $0xffff, v1;
	v1 =	vmul.f32 $1.110636040e+01, v24;
	v22 =	vmul.f32 $1.110636040e+01, v22  }
0x51d: {  	v31 =	vadd.f32 $-5.000000000e+01, v56;
	v57 =	vand.u32 $0x7FFFFFFF, v27;
	v26 =	vadd.f32 $-1.428822020e+03, v26  }
0x51e: {  	v14 =	vsub.f32 v14, v13;
	v15 =	vmul.f32 v18, v15;
	v32 =	vadd.f32 $1.000000000e+00, v57;
	v19 =	vld.idx.msk [tilespmem:v19+s17+$0x0], $0xffff  }
0x51f: {  	v55 =	vand.u32 $0x7FFFFF, v2;
	v35 =	vand.u32 $0x7FFFFFFF, v31;
	v22 =	vadd.f32 v26, v22  }
0x520: {  	v58 =	vmul.f32 $1.000000000e+02, v8;
	v35 =	vadd.f32 $1.000000000e+00, v35;
	v26 =	vand.u32 $0x7FFFFF, v32  }
0x521: {  	v29 =	vor.u32 $0x3F800000, v55;
	v26 =	vor.u32 $0x3F800000, v26;
	v22 =	vadd.f32 $8.388608000e+06, v22  }
0x522: {  	v34 =	vmul.f32 $3.741521600e+00, v29;
	v59 =	vand.u32 $0x7FFFFF, v35;
	v36 =	vmul.f32 $3.741521600e+00, v26  }
0x523: {  	v32 =	vshra.s32 v32, $0x17;
	v19 =	vor.u32 v19, v25;
	v22 =	vand.u32 $0x3F, v22  }
0x524: {  	v25 =	vsub.f32 $2.215607260e+01, v36;
	v19 =	vadd.f32 $5.000000000e-01, v19;
	v36 =	vor.u32 $0x3F800000, v59  }
0x525: {  	v33 =	vadd.f32 $-5.000000000e+01, v58;
	v32 =	vcvt.s32.f32 v32;
	v60 =	vmul.f32 $3.741521600e+00, v36  }
0x526: {  	v25 =	vmul.f32 v26, v25;
	v38 =	vsub.f32 v16, v19;
	v16 =	vmul.f32 v16, v16  }
0x527: {  	v2 =	vshra.s32 v2, $0x17;
	v26 =	vsub.f32 $2.215607260e+01, v34;
	[tilespmem:s24+$0x60] =	vst v19;
	v34 =	vsub.f32 $2.215607260e+01, v60  }
0x528: {  	v32 =	vmul.f32 $1.110636040e+01, v32;
	v25 =	vadd.f32 $-1.428822020e+03, v25;
	v19 =	vmul.f32 v38, v38;
	[tilespmem:s26+$0x10100] =	vst.add.f32.msk $0xffff, v16  }
0x529: {  	v35 =	vshra.s32 v35, $0x17;
	v61 =	vand.u32 $0x7FFFFFFF, v33;
	v22 =	vld.idx.msk [tilespmem:v22+s17+$0x0], $0xffff;
	v62 =	vmul.f32 v36, v34  }
0x52a: {  	v16 =	vadd.f32 v25, v32;
	v25 =	vmul.f32 v29, v26;
	v26 =	vcvt.s32.f32 v35;
	[tilespmem:s26+$0x11100] =	vst.add.f32.msk $0xffff, v19  }
0x52b: {  	v27 =	vand.u32 $0x80000000, v27;
	v2 =	vcvt.s32.f32 v2;
	v29 =	vadd.f32 $1.000000000e+00, v61;
	v19 =	vld [tilespmem:s24+$0x70]  }
0x52c: {  	v32 =	vadd.f32 $-1.428822020e+03, v62;
	v16 =	vadd.f32 $8.388608000e+06, v16;
	v26 =	vmul.f32 $1.110636040e+01, v26  }
0x52d: {  	v2 =	vmul.f32 $1.110636040e+01, v2;
	v25 =	vadd.f32 $-1.428822020e+03, v25;
	v63 =	vshra.s32 v29, $0x17  }
0x52e: {  	v16 =	vand.u32 $0x3F, v16;
	v22 =	vor.u32 v22, v28;
	v26 =	vadd.f32 v32, v26  }
0x52f: {  	v29 =	vand.u32 $0x7FFFFF, v29;
	v2 =	vadd.f32 v25, v2;
	v22 =	vadd.f32 $5.000000000e-01, v22  }
0x530: {  	v29 =	vor.u32 $0x3F800000, v29;
	v25 =	vmul.f32 $1.000000000e+02, v19;
	v26 =	vadd.f32 $8.388608000e+06, v26  }
0x531: {  	v38 =	vmul.f32 $3.741521600e+00, v29;
	v2 =	vadd.f32 $8.388608000e+06, v2;
	v36 =	vsub.f32 v17, v22  }
0x532: {  	v17 =	vmul.f32 v17, v17;
	v25 =	vadd.f32 $-5.000000000e+01, v25;
	v26 =	vand.u32 $0x3F, v26  }
0x533: {  	v15 =	vadd.f32 $-1.428822020e+03, v15;
	[tilespmem:s13+$0x50] =	vst v22;
	v2 =	vand.u32 $0x3F, v2;
	v16 =	vld.idx.msk [tilespmem:v16+s17+$0x0], $0xffff;
	v22 =	vmul.f32 v36, v36  }
0x534: {  	v14 =	vmul.f32 v14, v14;
	[tilespmem:s28+$0x10100] =	vst.add.f32.msk $0xffff, v17;
	v17 =	vsub.f32 $2.215607260e+01, v38;
	v39 =	vand.u32 $0x7FFFFFFF, v25  }
0x535: {  	v31 =	vand.u32 $0x80000000, v31;
	v28 =	vcvt.s32.f32 v63;
	[tilespmem:s28+$0x11100] =	vst.add.f32.msk $0xffff, v22;
	v32 =	vadd.f32 $1.000000000e+00, v39  }
0x536: {  	v46 =	vadd.f32 v15, v1;
	v33 =	vand.u32 $0x80000000, v33;
	v17 =	vmul.f32 v29, v17;
	v22 =	vld [tilespmem:s13+$0x60]  }
0x537: {  	v28 =	vmul.f32 $1.110636040e+01, v28;
	v25 =	vand.u32 $0x80000000, v25;
	v41 =	vand.u32 $0x7FFFFF, v32;
	v26 =	vld.idx.msk [tilespmem:v26+s17+$0x0], $0xffff  }
0x538: {  	v42 =	vadd.f32 $-1.428822020e+03, v17;
	v44 =	vld.idx.msk [tilespmem:v2+s17+$0x0], $0xffff;
	v34 =	vor.u32 $0x3F800000, v41;
	v16 =	vor.u32 v16, v27  }
0x539: {  	v32 =	vshra.s32 v32, $0x17;
	v2 =	vld [tilespmem:s12+$0x30];
	v27 =	vmul.f32 $3.741521600e+00, v34;
	v16 =	vadd.f32 $5.000000000e-01, v16  }
0x53a: {  	v17 =	vmul.f32 v8, v8;
	v32 =	vcvt.s32.f32 v32;
	v28 =	vadd.f32 v42, v28  }
0x53b: {  	s15 =	simm.s32 $0x4;
	v43 =	vmul.f32 $1.000000000e+02, v22;
	v24 =	vsub.f32 $2.215607260e+01, v27;
	v27 =	vsub.f32 v23, v16  }
0x53c: {  	s1 =	sand.u32 $0x1FFFFFF0, s15;
	v23 =	vmul.f32 v23, v23;
	v28 =	vadd.f32 $8.388608000e+06, v28;
	v26 =	vor.u32 v26, v31  }
0x53d: {  	s8 =	sadd.s32 s25, s1;
	[tilespmem:s14+$0x40] =	vst v16;
	v29 =	vadd.f32 $-5.000000000e+01, v43;
	v27 =	vmul.f32 v27, v27;
	v26 =	vadd.f32 $5.000000000e-01, v26  }
0x53e: {  	v15 =	vor.u32 v44, v20;
	v20 =	vmul.f32 $1.000000000e+02, v2;
	v24 =	vmul.f32 v34, v24;
	[tilespmem:s8+$0x10100] =	vst.add.f32.msk $0xffff, v23  }
0x53f: {  	v30 =	vadd.f32 $5.000000000e-01, v15;
	v23 =	vand.u32 $0x7FFFFFFF, v29;
	[tilespmem:s8+$0x11100] =	vst.add.f32.msk $0xffff, v27;
	v27 =	vsub.f32 v21, v26  }
0x540: {  	v18 =	vadd.f32 $1.000000000e+00, v23;
	v23 =	vadd.f32 $-1.428822020e+03, v24;
	v24 =	vmul.f32 $1.110636040e+01, v32;
	v21 =	vld [tilespmem:s14+$0x50]  }
0x541: {  	v16 =	vmul.f32 v19, v19;
	v20 =	vadd.f32 $-5.000000000e+01, v20;
	v3 =	vsub.f32 v3, v30  }
0x542: {  	[tilespmem:s14+$0x0] =	vst v26;
	v45 =	vand.u32 $0x7FFFFF, v18;
	v23 =	vadd.f32 v23, v24;
	v24 =	vmul.f32 v27, v27  }
0x543: {  	[tilespmem:s8+$0x10100] =	vst.add.f32.msk $0xffff, v37;
	v50 =	vmul.f32 v3, v3;
	v27 =	vand.u32 $0x3F, v28;
	v26 =	vor.u32 $0x3F800000, v45  }
0x544: {  	s18 =	simm.s32 $0x0;
	v18 =	vshra.s32 v18, $0x17;
	v28 =	vadd.f32 $8.388608000e+06, v46;
	v1 =	vmul.f32 $3.741521600e+00, v26;
	[tilespmem:s8+$0x11100] =	vst.add.f32.msk $0xffff, v24  }
0x545: {  	s1 =	smul.u32 $0xFFFF0200, s18;
	v29 =	vand.u32 $0x80000000, v29;
	v18 =	vcvt.s32.f32 v18;
	v15 =	vld [tilespmem:s14+$0x10];
	v24 =	vmul.f32 $1.000000000e+02, v21  }
0x546: {  	v23 =	vadd.f32 $8.388608000e+06, v23;
	v28 =	vand.u32 $0x3F, v28;
	v47 =	vsub.f32 $2.215607260e+01, v1  }
0x547: {  	s1 =	sshra.s32 s1, $0x2;
	v3 =	vand.u32 $0x80000000, v20;
	v18 =	vmul.f32 $1.110636040e+01, v18;
	v32 =	vadd.f32 $-5.000000000e+01, v24  }
0x548: {  	s9 =	sadd.s32 $0x9500, s1;
	v23 =	vand.u32 $0x3F, v23;
	v27 =	vld.idx.msk [tilespmem:v27+s17+$0x0], $0xffff;
	v24 =	vmul.f32 v26, v47;
	v26 =	vand.u32 $0x7FFFFFFF, v20  }
0x549: {  	v1 =	vmul.f32 v2, v2;
	v20 =	vld [tilespmem:s9+$0x40];
	v48 =	vand.u32 $0x7FFFFFFF, v32;
	v26 =	vadd.f32 $1.000000000e+00, v26  }
0x54a: {  	v24 =	vadd.f32 $-1.428822020e+03, v24;
	v49 =	vmul.f32 $1.000000000e+02, v15;
	v31 =	vadd.f32 $1.000000000e+00, v48  }
0x54b: {  	v32 =	vand.u32 $0x80000000, v32;
	v28 =	vld.idx.msk [tilespmem:v28+s17+$0x0], $0xffff;
	v52 =	vshra.s32 v26, $0x17;
	v26 =	vand.u32 $0x7FFFFF, v26  }
0x54c: {  	v24 =	vadd.f32 v24, v18;
	v34 =	vadd.f32 $-5.000000000e+01, v49;
	v51 =	vand.u32 $0x7FFFFF, v31  }
0x54d: {  	v23 =	vld.idx.msk [tilespmem:v23+s17+$0x0], $0xffff;
	v33 =	vor.u32 v27, v33;
	v26 =	vor.u32 $0x3F800000, v26;
	v31 =	vshra.s32 v31, $0x17  }
0x54e: {  	v18 =	vld [tilespmem:s9+$0x0];
	v36 =	vor.u32 $0x3F800000, v51;
	v56 =	vmul.f32 $1.000000000e+02, v20;
	v31 =	vcvt.s32.f32 v31  }
0x54f: {  	[tilespmem:s13+$0x10] =	vst v30;
	v30 =	vadd.f32 $5.000000000e-01, v33;
	v53 =	vadd.f32 $8.388608000e+06, v24;
	v24 =	vand.u32 $0x7FFFFFFF, v34  }
0x550: {  	v39 =	vmul.f32 $3.741521600e+00, v36;
	v34 =	vand.u32 $0x80000000, v34;
	v12 =	vor.u32 v28, v12  }
0x551: {  	v40 =	vadd.f32 $1.000000000e+00, v24;
	v24 =	vcvt.s32.f32 v52;
	v31 =	vmul.f32 $1.110636040e+01, v31  }
0x552: {  	v49 =	vsub.f32 v8, v30;
	v54 =	vand.u32 $0x3F, v53;
	v27 =	vsub.f32 $2.215607260e+01, v39  }
0x553: {  	v23 =	vor.u32 v23, v25;
	v55 =	vand.u32 $0x7FFFFF, v40;
	v41 =	vmul.f32 $1.000000000e+02, v18  }
0x554: {  	v63 =	vadd.f32 $5.000000000e-01, v23;
	v23 =	vmul.f32 v15, v15;
	v46 =	vshra.s32 v40, $0x17  }
0x555: {  	v24 =	vmul.f32 $1.110636040e+01, v24;
	v36 =	vmul.f32 v36, v27;
	v27 =	vadd.f32 $-5.000000000e+01, v56  }
0x556: {  	v38 =	vor.u32 $0x3F800000, v55;
	v8 =	vcvt.s32.f32 v46;
	v57 =	vadd.f32 $-5.000000000e+01, v41  }
0x557: {  	v58 =	vmul.f32 $3.741521600e+00, v38;
	v36 =	vadd.f32 $-1.428822020e+03, v36;
	v42 =	vand.u32 $0x7FFFFFFF, v27;
	v37 =	vld.idx.msk [tilespmem:v54+s17+$0x0], $0xffff  }
0x558: {  	[tilespmem:s30+$0x70] =	vst v6;
	v19 =	vsub.f32 v19, v63;
	v53 =	vmul.f32 $1.110636040e+01, v8;
	v42 =	vadd.f32 $1.000000000e+00, v42  }
0x559: {  	[tilespmem:s28+$0x10100] =	vst.add.f32.msk $0xffff, v5;
	v43 =	vand.u32 $0x7FFFFFFF, v57;
	v25 =	vsub.f32 $2.215607260e+01, v58;
	v31 =	vadd.f32 v36, v31  }
0x55a: {  	[tilespmem:s28+$0x11100] =	vst.add.f32.msk $0xffff, v50;
	v6 =	vmul.f32 v19, v19;
	v43 =	vadd.f32 $1.000000000e+00, v43;
	v5 =	vand.u32 $0x7FFFFF, v42  }
0x55b: {  	v25 =	vmul.f32 v38, v25;
	v60 =	vor.u32 $0x3F800000, v5;
	v5 =	vld [tilespmem:s13+$0x20];
	v31 =	vadd.f32 $8.388608000e+06, v31  }
0x55c: {  	v47 =	vshra.s32 v42, $0x17;
	v61 =	vmul.f32 $3.741521600e+00, v60;
	v29 =	vor.u32 v37, v29  }
0x55d: {  	v59 =	vand.u32 $0x7FFFFF, v43;
	v31 =	vand.u32 $0x3F, v31;
	v29 =	vadd.f32 $5.000000000e-01, v29  }
0x55e: {  	[tilespmem:s11+$0x10100] =	vst.add.f32.msk $0xffff, v4;
	v38 =	vcvt.s32.f32 v47;
	v33 =	vor.u32 $0x3F800000, v59;
	v36 =	vsub.f32 $2.215607260e+01, v61  }
0x55f: {  	[tilespmem:s11+$0x11100] =	vst.add.f32.msk $0xffff, v7;
	v62 =	vmul.f32 $3.741521600e+00, v33;
	v44 =	vsub.f32 v22, v29;
	v22 =	vmul.f32 v22, v22  }
0x560: {  	v48 =	vshra.s32 v43, $0x17;
	v35 =	vmul.f32 v60, v36;
	v45 =	vmul.f32 $1.000000000e+02, v5;
	[tilespmem:s13+$0x60] =	vst v29  }
0x561: {  	v25 =	vadd.f32 $-1.428822020e+03, v25;
	v37 =	vsub.f32 $2.215607260e+01, v62;
	v36 =	vmul.f32 v44, v44;
	[tilespmem:s28+$0x10100] =	vst.add.f32.msk $0xffff, v22  }
0x562: {  	v52 =	vmul.f32 $1.110636040e+01, v38;
	v22 =	vadd.f32 $-5.000000000e+01, v45;
	v35 =	vadd.f32 $-1.428822020e+03, v35;
	v31 =	vld.idx.msk [tilespmem:v31+s17+$0x0], $0xffff  }
0x563: {  	v28 =	vadd.f32 $5.000000000e-01, v12;
	v50 =	vcvt.s32.f32 v48;
	v33 =	vmul.f32 v33, v37;
	[tilespmem:s28+$0x11100] =	vst.add.f32.msk $0xffff, v36  }
0x564: {  	v19 =	vadd.f32 v25, v53;
	v51 =	vand.u32 $0x7FFFFFFF, v22;
	v35 =	vadd.f32 v35, v52;
	v8 =	vld [tilespmem:s13+$0x70]  }
0x565: {  	[tilespmem:s12+$0x70] =	vst v13;
	v29 =	vmul.f32 $1.110636040e+01, v50;
	v33 =	vadd.f32 $-1.428822020e+03, v33;
	v36 =	vadd.f32 $1.000000000e+00, v51  }
0x566: {  	[tilespmem:s7+$0x11100] =	vst.add.f32.msk $0xffff, v14;
	v14 =	vadd.f32 $8.388608000e+06, v19;
	v58 =	vand.u32 $0x80000000, v22;
	v13 =	vadd.f32 $8.388608000e+06, v35  }
0x567: {  	[tilespmem:s7+$0x10100] =	vst.add.f32.msk $0xffff, v10;
	v7 =	vadd.f32 v33, v29;
	v55 =	vand.u32 $0x7FFFFF, v36;
	v19 =	vor.u32 v31, v32  }
0x568: {  	[tilespmem:s24+$0x20] =	vst v30;
	v4 =	vor.u32 $0x3F800000, v55;
	v22 =	vand.u32 $0x3F, v13;
	v19 =	vadd.f32 $5.000000000e-01, v19  }
0x569: {  	[tilespmem:s24+$0x70] =	vst v63;
	v56 =	vand.u32 $0x80000000, v57;
	v33 =	vmul.f32 $3.741521600e+00, v4;
	v57 =	vmul.f32 $1.000000000e+02, v8  }
0x56a: {  	[tilespmem:s26+$0x11100] =	vst.add.f32.msk $0xffff, v6;
	v6 =	vmul.f32 v21, v21;
	v7 =	vadd.f32 $8.388608000e+06, v7;
	v60 =	vsub.f32 v21, v19  }
0x56b: {  	[tilespmem:s26+$0x10100] =	vst.add.f32.msk $0xffff, v17;
	v54 =	vshra.s32 v36, $0x17;
	v17 =	vsub.f32 $2.215607260e+01, v33;
	v13 =	vadd.f32 $-5.000000000e+01, v57  }
0x56c: {  	v29 =	vcvt.s32.f32 v54;
	v21 =	vand.u32 $0x3F, v7;
	[tilespmem:s14+$0x50] =	vst v19;
	v19 =	vmul.f32 $3.741521600e+00, v26  }
0x56d: {  	v7 =	vmul.f32 v60, v60;
	v4 =	vmul.f32 v4, v17;
	v22 =	vld.idx.msk [tilespmem:v22+s17+$0x0], $0xffff;
	v61 =	vand.u32 $0x7FFFFFFF, v13  }
0x56e: {  	v14 =	vand.u32 $0x3F, v14;
	[tilespmem:s8+$0x10100] =	vst.add.f32.msk $0xffff, v6;
	v19 =	vsub.f32 $2.215607260e+01, v19;
	v17 =	vadd.f32 $1.000000000e+00, v61  }
0x56f: {  	v59 =	vmul.f32 v49, v49;
	v29 =	vmul.f32 $1.110636040e+01, v29;
	[tilespmem:s8+$0x11100] =	vst.add.f32.msk $0xffff, v7;
	v4 =	vadd.f32 $-1.428822020e+03, v4  }
0x570: {  	v9 =	vsub.f32 v9, v28;
	v19 =	vmul.f32 v26, v19;
	v12 =	vld [tilespmem:s14+$0x60];
	v6 =	vand.u32 $0x7FFFFF, v17  }
0x571: {  	[tilespmem:s26+$0x11100] =	vst.add.f32.msk $0xffff, v59;
	v26 =	vand.u32 $0x80000000, v27;
	v4 =	vadd.f32 v4, v29;
	v6 =	vor.u32 $0x3F800000, v6  }
0x572: {  	v25 =	vmul.f32 v18, v18;
	v21 =	vld.idx.msk [tilespmem:v21+s17+$0x0], $0xffff;
	v22 =	vor.u32 v22, v26;
	v62 =	vmul.f32 $3.741521600e+00, v6  }
0x573: {  	v14 =	vld.idx.msk [tilespmem:v14+s17+$0x0], $0xffff;
	v17 =	vshra.s32 v17, $0x17;
	v27 =	vadd.f32 $8.388608000e+06, v4;
	v22 =	vadd.f32 $5.000000000e-01, v22  }
0x574: {  	[tilespmem:s30+$0x30] =	vst v28;
	v19 =	vadd.f32 $-1.428822020e+03, v19;
	v17 =	vcvt.s32.f32 v17;
	v4 =	vld [tilespmem:s24+$0x30];
	v29 =	vsub.f32 $2.215607260e+01, v62  }
0x575: {  	s20 =	simm.s32 $0x5;
	[tilespmem:s26+$0x10100] =	vst.add.f32.msk $0xffff, v16;
	v16 =	vmul.f32 $1.000000000e+02, v12;
	v26 =	vand.u32 $0x3F, v27;
	v27 =	vsub.f32 v20, v22  }
0x576: {  	s1 =	sand.u32 $0x1FFFFFF0, s20;
	[tilespmem:s11+$0x10100] =	vst.add.f32.msk $0xffff, v11;
	v24 =	vadd.f32 v19, v24;
	v20 =	vmul.f32 v20, v20;
	v6 =	vmul.f32 v6, v29  }
0x577: {  	s30 =	sadd.s32 s25, s1;
	v11 =	vor.u32 v21, v56;
	[tilespmem:s9+$0x40] =	vst v22;
	v19 =	vadd.f32 $-5.000000000e+01, v16;
	v16 =	vmul.f32 v27, v27  }
0x578: {  	v17 =	vmul.f32 $1.110636040e+01, v17;
	v11 =	vadd.f32 $5.000000000e-01, v11;
	[tilespmem:s30+$0x10100] =	vst.add.f32.msk $0xffff, v20;
	v6 =	vadd.f32 $-1.428822020e+03, v6  }
0x579: {  	v14 =	vor.u32 v14, v34;
	v20 =	vmul.f32 $1.000000000e+02, v4;
	[tilespmem:s30+$0x11100] =	vst.add.f32.msk $0xffff, v16;
	v16 =	vmul.f32 v9, v9  }
0x57a: {  	[tilespmem:s9+$0x0] =	vst v11;
	v9 =	vsub.f32 v18, v11;
	v6 =	vadd.f32 v6, v17;
	v17 =	vand.u32 $0x7FFFFFFF, v19  }
0x57b: {  	v10 =	vmul.f32 v5, v5;
	[tilespmem:s30+$0x10100] =	vst.add.f32.msk $0xffff, v25;
	v11 =	vadd.f32 $5.000000000e-01, v14;
	v17 =	vadd.f32 $1.000000000e+00, v17  }
0x57c: {  	v7 =	vmul.f32 v8, v8;
	v18 =	vld [tilespmem:s9+$0x50];
	v20 =	vadd.f32 $-5.000000000e+01, v20;
	v21 =	vadd.f32 $8.388608000e+06, v6  }
0x57d: {  	v9 =	vmul.f32 v9, v9;
	[tilespmem:s14+$0x10] =	vst v11;
	v11 =	vsub.f32 v15, v11;
	v14 =	vand.u32 $0x7FFFFF, v17  }
0x57e: {  	v26 =	vld.idx.msk [tilespmem:v26+s17+$0x0], $0xffff;
	v15 =	vand.u32 $0x7FFFFFFF, v20;
	v21 =	vand.u32 $0x3F, v21;
	v14 =	vor.u32 $0x3F800000, v14  }
0x57f: {  	[tilespmem:s8+$0x10100] =	vst.add.f32.msk $0xffff, v23;
	v23 =	vadd.f32 $8.388608000e+06, v24;
	v6 =	vmul.f32 v4, v4;
	v22 =	vmul.f32 $3.741521600e+00, v14  }
0x580: {  	[tilespmem:s30+$0x11100] =	vst.add.f32.msk $0xffff, v9;
	v11 =	vmul.f32 v11, v11;
	v24 =	vadd.f32 $1.000000000e+00, v15;
	v9 =	vand.u32 $0x80000000, v20  }
0x581: {  	v15 =	vld [tilespmem:s9+$0x10];
	v23 =	vand.u32 $0x3F, v23;
	v20 =	vmul.f32 $1.000000000e+02, v18;
	v25 =	vsub.f32 $2.215607260e+01, v22  }
0x582: {  	v17 =	vshra.s32 v17, $0x17;
	v27 =	vshra.s32 v24, $0x17;
	v63 =	vand.u32 $0x7FFFFF, v24;
	[tilespmem:s8+$0x11100] =	vst.add.f32.msk $0xffff, v11  }
0x583: {  	v22 =	vadd.f32 $-5.000000000e+01, v20;
	v20 =	vcvt.s32.f32 v17;
	v21 =	vld.idx.msk [tilespmem:v21+s17+$0x0], $0xffff;
	v25 =	vmul.f32 v14, v25  }
0x584: {  	s15 =	simm.s32 $0x9500;
	s18 =	simm.s32 $0x28;
	s20 =	simm.s32 $0x30;
	v24 =	vor.u32 v26, v58;
	v11 =	vcvt.s32.f32 v27;
	v17 =	vld [tilespmem:s14+$0x20];
	v14 =	vor.u32 $0x3F800000, v63  }
.LBB2_9:
0x585: {  	s1 =	sshrl.u32 s20, $0x7;
	v26 =	vand.u32 $0x7FFFFFFF, v22;
	v27 =	vadd.f32 $-1.428822020e+03, v25;
	v28 =	vmul.f32 $1.110636040e+01, v20  }
0x586: {  	s1 =	smul.u32 $0xFFFF0200, s1;
	v29 =	vmul.f32 $1.000000000e+02, v15;
	v20 =	vmul.f32 v15, v15;
	v26 =	vadd.f32 $1.000000000e+00, v26;
	v25 =	vld.idx.msk [tilespmem:v23+s17+$0x0], $0xffff  }
0x587: {  	v24 =	vadd.f32 $5.000000000e-01, v24;
	v13 =	vand.u32 $0x80000000, v13;
	v23 =	vadd.f32 v27, v28;
	[tilespmem:s11+$0x11100] =	vst.add.f32.msk $0xffff, v16;
	s11 =	smov.u32 s7;
	s7 =	smov.u32 s26;
	s26 =	smov.u32 s28  }
0x588: {  	s15 =	sadd.s32 $0x400, s15;
	v13 =	vor.u32 v21, v13;
	s28 =	smov.u32 s8;
	s1 =	sshra.s32 s1, $0x2;
	v16 =	vadd.f32 $-5.000000000e+01, v29;
	v27 =	vand.u32 $0x7FFFFF, v26  }
0x589: {  	s8 =	smov.u32 s30;
	v13 =	vadd.f32 $5.000000000e-01, v13;
	s1 =	sadd.s32 s1, s15;
	v27 =	vor.u32 $0x3F800000, v27;
	v28 =	vadd.f32 $8.388608000e+06, v23;
	[tilespmem:s13+$0x20] =	vst v24  }
0x58a: {  	v23 =	vld [tilespmem:s1+$0x40];
	v29 =	vand.u32 $0x7FFFFFFF, v16;
	v16 =	vand.u32 $0x80000000, v16;
	v30 =	vmul.f32 $3.741521600e+00, v27  }
0x58b: {  	v8 =	vsub.f32 v8, v13;
	v21 =	vld [tilespmem:s1+$0x0];
	v29 =	vadd.f32 $1.000000000e+00, v29;
	v28 =	vand.u32 $0x3F, v28  }
0x58c: {  	v32 =	vsub.f32 v5, v24;
	v31 =	vmul.f32 $1.000000000e+02, v17;
	v5 =	vmovc v17;
	v30 =	vsub.f32 $2.215607260e+01, v30;
	[tilespmem:s26+$0x10100] =	vst.add.f32.msk $0xffff, v10  }
0x58d: {  	v24 =	vshra.s32 v26, $0x17;
	v8 =	vmul.f32 v8, v8;
	v10 =	vand.u32 $0x7FFFFF, v29  }
0x58e: {  	v24 =	vcvt.s32.f32 v24;
	v10 =	vor.u32 $0x3F800000, v10;
	v26 =	vmul.f32 v27, v30;
	[tilespmem:s13+$0x70] =	vst v13  }
0x58f: {  	v27 =	vshra.s32 v29, $0x17;
	v13 =	vmul.f32 $1.000000000e+02, v23;
	v29 =	vmul.f32 $3.741521600e+00, v10;
	[tilespmem:s26+$0x11100] =	vst.add.f32.msk $0xffff, v8  }
0x590: {  	v30 =	vmul.f32 $1.110636040e+01, v24;
	v8 =	vmul.f32 $1.000000000e+02, v21;
	v26 =	vadd.f32 $-1.428822020e+03, v26;
	v33 =	vld.idx.msk [tilespmem:v28+s17+$0x0], $0xffff  }
0x591: {  	v24 =	vmul.f32 v21, v21;
	v28 =	vadd.f32 $-5.000000000e+01, v13;
	v13 =	vsub.f32 $2.215607260e+01, v29;
	[tilespmem:s26+$0x10100] =	vst.add.f32.msk $0xffff, v7  }
0x592: {  	v7 =	vadd.f32 $-5.000000000e+01, v8;
	v8 =	vcvt.s32.f32 v27;
	v26 =	vadd.f32 v26, v30  }
0x593: {  	v27 =	vand.u32 $0x7FFFFFFF, v28;
	v10 =	vmul.f32 v10, v13;
	v13 =	vadd.f32 $-5.000000000e+01, v31  }
0x594: {  	v29 =	vand.u32 $0x7FFFFFFF, v7;
	v30 =	vadd.f32 $1.000000000e+00, v27;
	v26 =	vadd.f32 $8.388608000e+06, v26  }
0x595: {  	v27 =	vand.u32 $0x80000000, v7;
	v7 =	vand.u32 $0x80000000, v19;
	v29 =	vadd.f32 $1.000000000e+00, v29  }
0x596: {  	v7 =	vor.u32 v33, v7;
	v19 =	vand.u32 $0x7FFFFF, v30;
	v26 =	vand.u32 $0x3F, v26  }
0x597: {  	v7 =	vadd.f32 $5.000000000e-01, v7;
	v31 =	vand.u32 $0x7FFFFF, v29;
	v19 =	vor.u32 $0x3F800000, v19  }
0x598: {  	v29 =	vshra.s32 v29, $0x17;
	v31 =	vor.u32 $0x3F800000, v31;
	v33 =	vmul.f32 $3.741521600e+00, v19  }
0x599: {  	v29 =	vcvt.s32.f32 v29;
	v35 =	vsub.f32 v12, v7;
	v34 =	vmul.f32 $3.741521600e+00, v31  }
0x59a: {  	v10 =	vadd.f32 $-1.428822020e+03, v10;
	v12 =	vmul.f32 v12, v12;
	v33 =	vsub.f32 $2.215607260e+01, v33  }
0x59b: {  	v30 =	vshra.s32 v30, $0x17;
	v34 =	vsub.f32 $2.215607260e+01, v34;
	v36 =	vld.idx.msk [tilespmem:v26+s17+$0x0], $0xffff;
	[tilespmem:s14+$0x60] =	vst v7;
	v7 =	vmul.f32 v35, v35  }
0x59c: {  	v26 =	vcvt.s32.f32 v30;
	v30 =	vand.u32 $0x7FFFFFFF, v13;
	v19 =	vmul.f32 v19, v33;
	[tilespmem:s28+$0x10100] =	vst.add.f32.msk $0xffff, v12  }
0x59d: {  	v29 =	vmul.f32 $1.110636040e+01, v29;
	v30 =	vadd.f32 $1.000000000e+00, v30;
	v12 =	vmul.f32 v31, v34;
	[tilespmem:s28+$0x11100] =	vst.add.f32.msk $0xffff, v7  }
0x59e: {  	v7 =	vadd.f32 $-1.428822020e+03, v19;
	v19 =	vmul.f32 $1.110636040e+01, v26;
	v26 =	vmul.f32 $1.110636040e+01, v8;
	v8 =	vld [tilespmem:s14+$0x70]  }
0x59f: {  	v31 =	vshra.s32 v30, $0x17;
	v30 =	vand.u32 $0x7FFFFF, v30;
	v12 =	vadd.f32 $-1.428822020e+03, v12  }
0x5a0: {  	v7 =	vadd.f32 v7, v19;
	v10 =	vadd.f32 v10, v26;
	v19 =	vor.u32 $0x3F800000, v30  }
0x5a1: {  	v12 =	vadd.f32 v12, v29;
	v29 =	vcvt.s32.f32 v31;
	v30 =	vmul.f32 $3.741521600e+00, v19  }
0x5a2: {  	v26 =	vand.u32 $0x80000000, v13;
	v7 =	vadd.f32 $8.388608000e+06, v7;
	v10 =	vadd.f32 $8.388608000e+06, v10  }
0x5a3: {  	v13 =	vand.u32 $0x80000000, v22;
	v12 =	vadd.f32 $8.388608000e+06, v12;
	v22 =	vmul.f32 $1.000000000e+02, v8  }
0x5a4: {  	v7 =	vand.u32 $0x3F, v7;
	v31 =	vand.u32 $0x3F, v10;
	v10 =	vor.u32 v36, v13  }
0x5a5: {  	v33 =	vand.u32 $0x3F, v12;
	v12 =	vadd.f32 $5.000000000e-01, v10;
	v13 =	vadd.f32 $-5.000000000e+01, v22  }
0x5a6: {  	v29 =	vmul.f32 $1.110636040e+01, v29;
	v22 =	vsub.f32 $2.215607260e+01, v30;
	v30 =	vmul.f32 v32, v32  }
0x5a7: {  	v10 =	vmul.f32 v17, v5;
	v32 =	vsub.f32 v18, v12;
	v17 =	vand.u32 $0x7FFFFFFF, v13  }
0x5a8: {  	v18 =	vmul.f32 v18, v18;
	v19 =	vmul.f32 v19, v22;
	v17 =	vadd.f32 $1.000000000e+00, v17;
	[tilespmem:s26+$0x11100] =	vst.add.f32.msk $0xffff, v30  }
0x5a9: {  	v30 =	vor.u32 v25, v3;
	v22 =	vld.idx.msk [tilespmem:v7+s17+$0x0], $0xffff;
	[tilespmem:s9+$0x50] =	vst v12;
	v7 =	vmul.f32 v32, v32;
	v12 =	vmul.f32 $3.741521600e+00, v14  }
0x5aa: {  	v3 =	vmovc v9;
	v25 =	vadd.f32 $5.000000000e-01, v30;
	[tilespmem:s8+$0x10100] =	vst.add.f32.msk $0xffff, v18;
	v18 =	vadd.f32 $-1.428822020e+03, v19;
	v19 =	vand.u32 $0x7FFFFF, v17  }
0x5ab: {  	v11 =	vmul.f32 $1.110636040e+01, v11;
	[tilespmem:s8+$0x11100] =	vst.add.f32.msk $0xffff, v7;
	v9 =	vor.u32 $0x3F800000, v19;
	v19 =	vsub.f32 $2.215607260e+01, v12  }
0x5ac: {  	v12 =	vld [tilespmem:s9+$0x60];
	v18 =	vadd.f32 v18, v29;
	v29 =	vmul.f32 $3.741521600e+00, v9;
	[tilespmem:s12+$0x30] =	vst v25;
	v25 =	vsub.f32 v2, v25;
	v2 =	vmovc v4;
	s12 =	smov.u32 s24;
	s24 =	smov.u32 s13;
	s13 =	smov.u32 s14  }
0x5ad: {  	v7 =	vmul.f32 v8, v8;
	s14 =	smov.u32 s9;
	s9 =	smov.u32 s1;
	v30 =	vld.idx.msk [tilespmem:v33+s17+$0x0], $0xffff;
	v14 =	vmul.f32 v14, v19  }
0x5ae: {  	v4 =	vand.u32 $0x80000000, v28;
	v28 =	vld.idx.msk [tilespmem:v31+s17+$0x0], $0xffff;
	v18 =	vadd.f32 $8.388608000e+06, v18;
	v19 =	vsub.f32 $2.215607260e+01, v29  }
0x5af: {  	v17 =	vshra.s32 v17, $0x17;
	v22 =	vor.u32 v22, v4;
	v4 =	vld [tilespmem:s24+$0x30];
	v14 =	vadd.f32 $-1.428822020e+03, v14  }
0x5b0: {  	v17 =	vcvt.s32.f32 v17;
	v22 =	vadd.f32 $5.000000000e-01, v22;
	v9 =	vmul.f32 v9, v19;
	[tilespmem:s11+$0x10100] =	vst.add.f32.msk $0xffff, v1;
	v1 =	vmovc v6  }
0x5b1: {  	s18 =	sadd.s32 $0x8, s18;
	v29 =	vand.u32 $0x3F, v18;
	v6 =	vmul.f32 $1.000000000e+02, v12;
	v11 =	vadd.f32 v14, v11  }
0x5b2: {  	p0 =	slt.u32 s18, $0x3F8;
	s1 =	sshrl.u32 s18, $0x3;
	v17 =	vmul.f32 $1.110636040e+01, v17;
	v14 =	vsub.f32 v23, v22;
	v9 =	vadd.f32 $-1.428822020e+03, v9  }
0x5b3: {  	s1 =	sand.u32 $0x1FFFFFF0, s1;
	v23 =	vmul.f32 v23, v23;
	v18 =	vor.u32 v30, v27;
	v19 =	vadd.f32 $-5.000000000e+01, v6  }
0x5b4: {  	s30 =	sadd.s32 s25, s1;
	v6 =	vadd.f32 $5.000000000e-01, v18;
	v14 =	vmul.f32 v14, v14;
	[tilespmem:s9+$0x40] =	vst v22;
	v9 =	vadd.f32 v9, v17  }
0x5b5: {  	v17 =	vor.u32 v28, v16;
	v22 =	vmul.f32 $1.000000000e+02, v4;
	[tilespmem:s30+$0x10100] =	vst.add.f32.msk $0xffff, v23;
	v16 =	vand.u32 $0x7FFFFFFF, v19  }
0x5b6: {  	[tilespmem:s30+$0x11100] =	vst.add.f32.msk $0xffff, v14;
	v14 =	vadd.f32 $1.000000000e+00, v16;
	v9 =	vadd.f32 $8.388608000e+06, v9;
	v16 =	vmul.f32 v25, v25  }
0x5b7: {  	v21 =	vsub.f32 v21, v6;
	v17 =	vadd.f32 $5.000000000e-01, v17;
	[tilespmem:s9+$0x0] =	vst v6;
	v18 =	vld [tilespmem:s9+$0x50];
	v6 =	vmul.f32 v4, v4  }
0x5b8: {  	[tilespmem:s30+$0x10100] =	vst.add.f32.msk $0xffff, v24;
	v23 =	vand.u32 $0x7FFFFF, v14;
	v24 =	vand.u32 $0x3F, v9;
	v9 =	vadd.f32 $-5.000000000e+01, v22  }
0x5b9: {  	v21 =	vmul.f32 v21, v21;
	v15 =	vsub.f32 v15, v17;
	[tilespmem:s14+$0x10] =	vst v17;
	v17 =	vor.u32 $0x3F800000, v23;
	v27 =	vld.idx.msk [tilespmem:v29+s17+$0x0], $0xffff  }
0x5ba: {  	v11 =	vadd.f32 $8.388608000e+06, v11;
	[tilespmem:s8+$0x10100] =	vst.add.f32.msk $0xffff, v20;
	v20 =	vmul.f32 $3.741521600e+00, v17;
	v22 =	vand.u32 $0x7FFFFFFF, v9  }
.Ltmp3:
0x5bb: {  	v25 =	vmul.f32 v15, v15;
	v9 =	vand.u32 $0x80000000, v9;
	[tilespmem:s30+$0x11100] =	vst.add.f32.msk $0xffff, v21;
	v22 =	vadd.f32 $1.000000000e+00, v22;
	(pc) =	sbr.rel @p0 .LBB2_9-.Ltmp3, $4  }
0x5bc: {  	v23 =	vand.u32 $0x3F, v11;
	v15 =	vld [tilespmem:s9+$0x10];
	v28 =	vmul.f32 $1.000000000e+02, v18;
	v29 =	vsub.f32 $2.215607260e+01, v20  }
0x5bd: {  	v11 =	vshra.s32 v14, $0x17;
	v21 =	vld.idx.msk [tilespmem:v24+s17+$0x0], $0xffff;
	v14 =	vshra.s32 v22, $0x17;
	v30 =	vand.u32 $0x7FFFFF, v22  }
0x5be: {  	v20 =	vcvt.s32.f32 v11;
	v22 =	vadd.f32 $-5.000000000e+01, v28;
	[tilespmem:s8+$0x11100] =	vst.add.f32.msk $0xffff, v25;
	v25 =	vmul.f32 v17, v29  }
0x5bf: {  	s20 =	sadd.s32 $0x8, s20;
	v24 =	vor.u32 v27, v26;
	v11 =	vcvt.s32.f32 v14;
	v14 =	vor.u32 $0x3F800000, v30;
	v17 =	vld [tilespmem:s14+$0x20]  }
0x5c0: {  	v26 =	vand.u32 $0x7FFFFFFF, v22  }
0x5c1: {  	v26 =	vadd.f32 $1.000000000e+00, v26;
	_ =	sdelay $0x1  }
0x5c2: {  	v27 =	vand.u32 $0x7FFFFF, v26  }
0x5c3: {  	v27 =	vor.u32 $0x3F800000, v27  }
0x5c4: {  	v28 =	vmul.f32 $3.741521600e+00, v27;
	_ =	sdelay $0x1  }
0x5c5: {  	v29 =	vmul.f32 $1.000000000e+02, v15;
	v28 =	vsub.f32 $2.215607260e+01, v28  }
0x5c6: {  	v26 =	vshra.s32 v26, $0x17  }
0x5c7: {  	v29 =	vadd.f32 $-5.000000000e+01, v29;
	v26 =	vcvt.s32.f32 v26;
	v27 =	vmul.f32 v27, v28;
	_ =	sdelay $0x1  }
0x5c8: {  	v44 =	vand.u32 $0x7FFFFFFF, v29;
	v26 =	vmul.f32 $1.110636040e+01, v26;
	v27 =	vadd.f32 $-1.428822020e+03, v27  }
0x5c9: {  	v28 =	vadd.f32 $1.000000000e+00, v44  }
0x5ca: {  	v26 =	vadd.f32 v27, v26  }
0x5cb: {  	v27 =	vand.u32 $0x7FFFFF, v28  }
0x5cc: {  	v27 =	vor.u32 $0x3F800000, v27;
	v26 =	vadd.f32 $8.388608000e+06, v26  }
0x5cd: {  	v30 =	vmul.f32 $3.741521600e+00, v27  }
0x5ce: {  	v26 =	vand.u32 $0x3F, v26  }
0x5cf: {  	v30 =	vsub.f32 $2.215607260e+01, v30  }
0x5d0: {  	v28 =	vshra.s32 v28, $0x17  }
0x5d1: {  	v28 =	vcvt.s32.f32 v28;
	v27 =	vmul.f32 v27, v30;
	_ =	sdelay $0x1  }
0x5d2: {  	v28 =	vmul.f32 $1.110636040e+01, v28;
	v27 =	vadd.f32 $-1.428822020e+03, v27;
	v26 =	vld.idx.msk [tilespmem:v26+s17+$0x0], $0xffff;
	_ =	sdelay $0x1  }
0x5d3: {  	v27 =	vadd.f32 v27, v28;
	_ =	sdelay $0x1  }
0x5d4: {  	v22 =	vand.u32 $0x80000000, v22;
	v27 =	vadd.f32 $8.388608000e+06, v27  }
0x5d5: {  	v22 =	vor.u32 v26, v22  }
0x5d6: {  	v26 =	vand.u32 $0x3F, v27;
	v22 =	vadd.f32 $5.000000000e-01, v22;
	_ =	sdelay $0x1  }
0x5d7: {  	v27 =	vsub.f32 v18, v22;
	v18 =	vmul.f32 v18, v18  }
0x5d8: {  	[tilespmem:s9+$0x50] =	vst v22  }
0x5d9: {  	v22 =	vmul.f32 v27, v27;
	[tilespmem:s30+$0x10100] =	vst.add.f32.msk $0xffff, v18  }
0x5da: {  	v18 =	vld.idx.msk [tilespmem:v26+s17+$0x0], $0xffff  }
0x5db: {  	[tilespmem:s30+$0x11100] =	vst.add.f32.msk $0xffff, v22  }
0x5dc: {  	v22 =	vld [tilespmem:s9+$0x60]  }
0x5dd: {  	v25 =	vadd.f32 $-1.428822020e+03, v25;
	v20 =	vmul.f32 $1.110636040e+01, v20  }
0x5de: {  	v26 =	vand.u32 $0x80000000, v29  }
0x5df: {  	v20 =	vadd.f32 v25, v20;
	v18 =	vor.u32 v18, v26  }
0x5e0: {  	v18 =	vadd.f32 $5.000000000e-01, v18  }
0x5e1: {  	v20 =	vadd.f32 $8.388608000e+06, v20;
	v25 =	vmul.f32 $1.000000000e+02, v22  }
0x5e2: {  	v26 =	vsub.f32 v15, v18  }
0x5e3: {  	v20 =	vand.u32 $0x3F, v20;
	v15 =	vmul.f32 v15, v15;
	v25 =	vadd.f32 $-5.000000000e+01, v25  }
0x5e4: {  	[tilespmem:s9+$0x10] =	vst v18;
	v18 =	vmul.f32 v26, v26  }
0x5e5: {  	[tilespmem:s30+$0x10100] =	vst.add.f32.msk $0xffff, v15;
	v26 =	vand.u32 $0x7FFFFFFF, v25  }
0x5e6: {  	[tilespmem:s30+$0x11100] =	vst.add.f32.msk $0xffff, v18;
	v15 =	vadd.f32 $1.000000000e+00, v26  }
0x5e7: {  	v18 =	vld [tilespmem:s9+$0x20];
	v26 =	vmul.f32 $1.000000000e+02, v17  }
0x5e8: {  	v20 =	vld.idx.msk [tilespmem:v20+s17+$0x0], $0xffff;
	v27 =	vand.u32 $0x7FFFFF, v15  }
0x5e9: {  	v26 =	vadd.f32 $-5.000000000e+01, v26;
	v27 =	vor.u32 $0x3F800000, v27  }
0x5ea: {  	v45 =	vmul.f32 $3.741521600e+00, v27  }
0x5eb: {  	v19 =	vand.u32 $0x80000000, v19;
	v15 =	vshra.s32 v15, $0x17;
	v46 =	vand.u32 $0x7FFFFFFF, v26  }
0x5ec: {  	v47 =	vmul.f32 $1.000000000e+02, v18;
	v29 =	vadd.f32 $1.000000000e+00, v46;
	v28 =	vsub.f32 $2.215607260e+01, v45  }
0x5ed: {  	v19 =	vor.u32 v20, v19;
	v15 =	vcvt.s32.f32 v15  }
0x5ee: {  	v48 =	vadd.f32 $-5.000000000e+01, v47;
	v20 =	vand.u32 $0x7FFFFF, v29;
	v27 =	vmul.f32 v27, v28  }
0x5ef: {  	v15 =	vmul.f32 $1.110636040e+01, v15;
	v20 =	vor.u32 $0x3F800000, v20  }
0x5f0: {  	v30 =	vand.u32 $0x7FFFFFFF, v48;
	v31 =	vmul.f32 $3.741521600e+00, v20;
	v27 =	vadd.f32 $-1.428822020e+03, v27  }
0x5f1: {  	v30 =	vadd.f32 $1.000000000e+00, v30  }
0x5f2: {  	v29 =	vshra.s32 v29, $0x17;
	v31 =	vsub.f32 $2.215607260e+01, v31;
	v15 =	vadd.f32 v27, v15  }
0x5f3: {  	v19 =	vadd.f32 $5.000000000e-01, v19;
	v29 =	vcvt.s32.f32 v29;
	v32 =	vand.u32 $0x7FFFFF, v30  }
0x5f4: {  	v32 =	vor.u32 $0x3F800000, v32;
	v20 =	vmul.f32 v20, v31;
	v15 =	vadd.f32 $8.388608000e+06, v15  }
0x5f5: {  	v29 =	vmul.f32 $1.110636040e+01, v29;
	v27 =	vsub.f32 v12, v19;
	v33 =	vmul.f32 $3.741521600e+00, v32  }
0x5f6: {  	v12 =	vmul.f32 v12, v12;
	v20 =	vadd.f32 $-1.428822020e+03, v20;
	v15 =	vand.u32 $0x3F, v15  }
0x5f7: {  	[tilespmem:s14+$0x60] =	vst v19;
	v19 =	vmul.f32 v27, v27;
	v27 =	vsub.f32 $2.215607260e+01, v33  }
0x5f8: {  	[tilespmem:s8+$0x10100] =	vst.add.f32.msk $0xffff, v12;
	v12 =	vshra.s32 v30, $0x17;
	v20 =	vadd.f32 v20, v29  }
0x5f9: {  	[tilespmem:s8+$0x11100] =	vst.add.f32.msk $0xffff, v19;
	v19 =	vcvt.s32.f32 v12;
	v27 =	vmul.f32 v32, v27  }
0x5fa: {  	v12 =	vld [tilespmem:s14+$0x70];
	v20 =	vadd.f32 $8.388608000e+06, v20  }
0x5fb: {  	v19 =	vmul.f32 $1.110636040e+01, v19;
	v27 =	vadd.f32 $-1.428822020e+03, v27;
	v15 =	vld.idx.msk [tilespmem:v15+s17+$0x0], $0xffff  }
0x5fc: {  	v24 =	vadd.f32 $5.000000000e-01, v24;
	v20 =	vand.u32 $0x3F, v20  }
0x5fd: {  	v19 =	vadd.f32 v27, v19  }
0x5fe: {  	v5 =	vsub.f32 v5, v24  }
0x5ff: {  	v23 =	vld.idx.msk [tilespmem:v23+s17+$0x0], $0xffff;
	v25 =	vand.u32 $0x80000000, v25;
	v27 =	vmul.f32 $1.000000000e+02, v12;
	v19 =	vadd.f32 $8.388608000e+06, v19  }
0x600: {  	v13 =	vand.u32 $0x80000000, v13;
	v49 =	vmul.f32 v5, v5;
	v15 =	vor.u32 v15, v25  }
0x601: {  	[tilespmem:s13+$0x20] =	vst v24;
	v25 =	vadd.f32 $-5.000000000e+01, v27;
	v19 =	vand.u32 $0x3F, v19;
	v20 =	vld.idx.msk [tilespmem:v20+s17+$0x0], $0xffff;
	v15 =	vadd.f32 $5.000000000e-01, v15  }
0x602: {  	v13 =	vor.u32 v21, v13;
	[tilespmem:s28+$0x10100] =	vst.add.f32.msk $0xffff, v10  }
0x603: {  	[tilespmem:s28+$0x11100] =	vst.add.f32.msk $0xffff, v49;
	v21 =	vand.u32 $0x7FFFFFFF, v25;
	v27 =	vsub.f32 v22, v15;
	v22 =	vmul.f32 v22, v22  }
0x604: {  	v23 =	vor.u32 v23, v3;
	v3 =	vld [tilespmem:s13+$0x30];
	v21 =	vadd.f32 $1.000000000e+00, v21;
	[tilespmem:s9+$0x60] =	vst v15  }
0x605: {  	v26 =	vand.u32 $0x80000000, v26;
	v15 =	vmul.f32 v27, v27;
	[tilespmem:s30+$0x10100] =	vst.add.f32.msk $0xffff, v22  }
0x606: {  	v22 =	vmul.f32 $3.741521600e+00, v14;
	v27 =	vand.u32 $0x7FFFFF, v21;
	v19 =	vld.idx.msk [tilespmem:v19+s17+$0x0], $0xffff;
	v20 =	vor.u32 v20, v26  }
0x607: {  	v27 =	vor.u32 $0x3F800000, v27;
	v20 =	vadd.f32 $5.000000000e-01, v20;
	[tilespmem:s30+$0x11100] =	vst.add.f32.msk $0xffff, v15  }
0x608: {  	v21 =	vshra.s32 v21, $0x17;
	v15 =	vsub.f32 $2.215607260e+01, v22;
	v22 =	vmul.f32 $3.741521600e+00, v27;
	v5 =	vld [tilespmem:s9+$0x70]  }
0x609: {  	v10 =	vmul.f32 v17, v17;
	v21 =	vcvt.s32.f32 v21;
	v17 =	vsub.f32 v17, v20  }
0x60a: {  	v14 =	vmul.f32 v14, v15;
	v15 =	vsub.f32 $2.215607260e+01, v22;
	v22 =	vand.u32 $0x80000000, v48  }
0x60b: {  	v11 =	vmul.f32 $1.110636040e+01, v11;
	v21 =	vmul.f32 $1.110636040e+01, v21;
	v19 =	vor.u32 v19, v22  }
0x60c: {  	[tilespmem:s14+$0x20] =	vst v20;
	v17 =	vmul.f32 v17, v17;
	v22 =	vmul.f32 $1.000000000e+02, v3;
	v19 =	vadd.f32 $5.000000000e-01, v19  }
0x60d: {  	[tilespmem:s8+$0x10100] =	vst.add.f32.msk $0xffff, v10;
	v15 =	vmul.f32 v27, v15;
	v14 =	vadd.f32 $-1.428822020e+03, v14;
	v20 =	vmul.f32 $1.000000000e+02, v5  }
0x60e: {  	[tilespmem:s8+$0x11100] =	vst.add.f32.msk $0xffff, v17;
	v17 =	vadd.f32 $5.000000000e-01, v23;
	v10 =	vsub.f32 v18, v19;
	v18 =	vmul.f32 v18, v18  }
0x60f: {  	v15 =	vadd.f32 $-1.428822020e+03, v15;
	v23 =	vld [tilespmem:s14+$0x30];
	[tilespmem:s9+$0x20] =	vst v19;
	v20 =	vadd.f32 $-5.000000000e+01, v20  }
0x610: {  	v13 =	vadd.f32 $5.000000000e-01, v13;
	v10 =	vmul.f32 v10, v10;
	[tilespmem:s30+$0x10100] =	vst.add.f32.msk $0xffff, v18;
	v18 =	vadd.f32 $-5.000000000e+01, v22  }
0x611: {  	v11 =	vadd.f32 v14, v11;
	v14 =	vadd.f32 v15, v21;
	v15 =	vand.u32 $0x7FFFFFFF, v20  }
0x612: {  	v8 =	vsub.f32 v8, v13;
	[tilespmem:s30+$0x11100] =	vst.add.f32.msk $0xffff, v10;
	v19 =	vand.u32 $0x7FFFFFFF, v18;
	v15 =	vadd.f32 $1.000000000e+00, v15  }
0x613: {  	v10 =	vadd.f32 $8.388608000e+06, v14;
	v14 =	vld [tilespmem:s9+$0x30];
	v19 =	vadd.f32 $1.000000000e+00, v19  }
0x614: {  	v8 =	vmul.f32 v8, v8;
	v22 =	vmul.f32 $1.000000000e+02, v23;
	v21 =	vand.u32 $0x7FFFFF, v15  }
0x615: {  	v26 =	vshra.s32 v19, $0x17;
	v19 =	vand.u32 $0x7FFFFF, v19;
	v21 =	vor.u32 $0x3F800000, v21  }
0x616: {  	v11 =	vadd.f32 $8.388608000e+06, v11;
	v19 =	vor.u32 $0x3F800000, v19;
	v24 =	vmul.f32 $3.741521600e+00, v21  }
0x617: {  	v10 =	vand.u32 $0x3F, v10;
	v22 =	vadd.f32 $-5.000000000e+01, v22;
	v50 =	vmul.f32 $3.741521600e+00, v19  }
0x618: {  	v15 =	vshra.s32 v15, $0x17;
	v27 =	vmul.f32 $1.000000000e+02, v14;
	v24 =	vsub.f32 $2.215607260e+01, v24  }
0x619: {  	v15 =	vcvt.s32.f32 v15;
	v51 =	vand.u32 $0x7FFFFFFF, v22;
	v28 =	vsub.f32 $2.215607260e+01, v50  }
0x61a: {  	v27 =	vadd.f32 $-5.000000000e+01, v27;
	v21 =	vmul.f32 v21, v24;
	v24 =	vadd.f32 $1.000000000e+00, v51  }
0x61b: {  	v11 =	vand.u32 $0x3F, v11;
	v26 =	vcvt.s32.f32 v26;
	v15 =	vmul.f32 $1.110636040e+01, v15  }
0x61c: {  	v19 =	vmul.f32 v19, v28;
	v52 =	vand.u32 $0x7FFFFFFF, v27;
	v29 =	vand.u32 $0x7FFFFF, v24  }
0x61d: {  	v10 =	vld.idx.msk [tilespmem:v10+s17+$0x0], $0xffff;
	v21 =	vadd.f32 $-1.428822020e+03, v21;
	v30 =	vadd.f32 $1.000000000e+00, v52;
	v29 =	vor.u32 $0x3F800000, v29  }
0x61e: {  	v25 =	vand.u32 $0x80000000, v25;
	v26 =	vmul.f32 $1.110636040e+01, v26;
	v53 =	vmul.f32 $3.741521600e+00, v29  }
0x61f: {  	v19 =	vadd.f32 $-1.428822020e+03, v19;
	v15 =	vadd.f32 v21, v15;
	v21 =	vand.u32 $0x7FFFFF, v30  }
0x620: {  	[tilespmem:s11+$0x11100] =	vst.add.f32.msk $0xffff, v16;
	v24 =	vshra.s32 v24, $0x17;
	v21 =	vor.u32 $0x3F800000, v21;
	v28 =	vsub.f32 $2.215607260e+01, v53  }
0x621: {  	v11 =	vld.idx.msk [tilespmem:v11+s17+$0x0], $0xffff;
	v24 =	vcvt.s32.f32 v24;
	v15 =	vadd.f32 $8.388608000e+06, v15;
	v54 =	vmul.f32 $3.741521600e+00, v21  }
0x622: {  	[tilespmem:s13+$0x70] =	vst v13;
	v10 =	vor.u32 v10, v25;
	v19 =	vadd.f32 v19, v26;
	v25 =	vmul.f32 v29, v28  }
0x623: {  	[tilespmem:s28+$0x10100] =	vst.add.f32.msk $0xffff, v7;
	v16 =	vmul.f32 $1.110636040e+01, v24;
	v15 =	vand.u32 $0x3F, v15;
	v26 =	vsub.f32 $2.215607260e+01, v54  }
0x624: {  	[tilespmem:s28+$0x11100] =	vst.add.f32.msk $0xffff, v8;
	v13 =	vadd.f32 $8.388608000e+06, v19;
	v24 =	vadd.f32 $-1.428822020e+03, v25;
	v25 =	vshra.s32 v30, $0x17  }
0x625: {  	v2 =	vsub.f32 v2, v17;
	[tilespmem:s12+$0x30] =	vst v17;
	v21 =	vmul.f32 v21, v26;
	v19 =	vcvt.s32.f32 v25  }
0x626: {  	[tilespmem:s7+$0x10100] =	vst.add.f32.msk $0xffff, v1;
	v1 =	vor.u32 v11, v9;
	v8 =	vadd.f32 $5.000000000e-01, v10;
	v7 =	vand.u32 $0x3F, v13  }
0x627: {  	v10 =	vadd.f32 v24, v16;
	v16 =	vadd.f32 $-1.428822020e+03, v21;
	v13 =	vmul.f32 $1.110636040e+01, v19  }
0x628: {  	v2 =	vmul.f32 v2, v2;
	v1 =	vadd.f32 $5.000000000e-01, v1;
	v17 =	vsub.f32 v12, v8;
	v15 =	vld.idx.msk [tilespmem:v15+s17+$0x0], $0xffff  }
0x629: {  	v10 =	vadd.f32 $8.388608000e+06, v10;
	v13 =	vadd.f32 v16, v13  }
0x62a: {  	[tilespmem:s7+$0x11100] =	vst.add.f32.msk $0xffff, v2  }
0x62b: {  	[tilespmem:s24+$0x30] =	vst v1;
	v2 =	vmul.f32 v17, v17;
	v9 =	vand.u32 $0x3F, v10;
	v10 =	vadd.f32 $8.388608000e+06, v13  }
0x62c: {  	v11 =	vmul.f32 v12, v12;
	[tilespmem:s14+$0x70] =	vst v8;
	v8 =	vand.u32 $0x80000000, v20;
	v7 =	vld.idx.msk [tilespmem:v7+s17+$0x0], $0xffff  }
0x62d: {  	[tilespmem:s8+$0x11100] =	vst.add.f32.msk $0xffff, v2;
	v2 =	vsub.f32 v4, v1;
	v4 =	vor.u32 v15, v8;
	v8 =	vand.u32 $0x3F, v10  }
0x62e: {  	[tilespmem:s26+$0x10100] =	vst.add.f32.msk $0xffff, v6  }
0x62f: {  	[tilespmem:s8+$0x10100] =	vst.add.f32.msk $0xffff, v11;
	v1 =	vmul.f32 v2, v2;
	v4 =	vadd.f32 $5.000000000e-01, v4  }
0x630: {  	v2 =	vld.idx.msk [tilespmem:v9+s17+$0x0], $0xffff;
	v9 =	vand.u32 $0x80000000, v18  }
0x631: {  	[tilespmem:s26+$0x11100] =	vst.add.f32.msk $0xffff, v1;
	v6 =	vsub.f32 v5, v4;
	v1 =	vor.u32 v7, v9  }
0x632: {  	v5 =	vmul.f32 v5, v5;
	v1 =	vadd.f32 $5.000000000e-01, v1;
	v7 =	vld.idx.msk [tilespmem:v8+s17+$0x0], $0xffff  }
0x633: {  	[tilespmem:s9+$0x70] =	vst v4;
	v6 =	vmul.f32 v6, v6  }
0x634: {  	[tilespmem:s30+$0x10100] =	vst.add.f32.msk $0xffff, v5;
	v8 =	vand.u32 $0x80000000, v22;
	v4 =	vsub.f32 v3, v1  }
0x635: {  	[tilespmem:s30+$0x11100] =	vst.add.f32.msk $0xffff, v6;
	v3 =	vmul.f32 v3, v3;
	v2 =	vor.u32 v2, v8  }
0x636: {  	[tilespmem:s13+$0x30] =	vst v1;
	v2 =	vadd.f32 $5.000000000e-01, v2;
	v1 =	vmul.f32 v4, v4;
	v4 =	vand.u32 $0x80000000, v27  }
0x637: {  	[tilespmem:s28+$0x10100] =	vst.add.f32.msk $0xffff, v3;
	v4 =	vor.u32 v7, v4  }
0x638: {  	v5 =	vmul.f32 v23, v23;
	v3 =	vsub.f32 v23, v2;
	[tilespmem:s28+$0x11100] =	vst.add.f32.msk $0xffff, v1;
	v1 =	vadd.f32 $5.000000000e-01, v4  }
0x639: {  	[tilespmem:s14+$0x30] =	vst v2  }
0x63a: {  	[tilespmem:s8+$0x10100] =	vst.add.f32.msk $0xffff, v5;
	v2 =	vmul.f32 v3, v3;
	v3 =	vsub.f32 v14, v1  }
0x63b: {  	v4 =	vmul.f32 v14, v14;
	[tilespmem:s9+$0x30] =	vst v1  }
0x63c: {  	[tilespmem:s8+$0x11100] =	vst.add.f32.msk $0xffff, v2;
	v1 =	vmul.f32 v3, v3  }
0x63d: {  	[tilespmem:s30+$0x10100] =	vst.add.f32.msk $0xffff, v4  }
0x63e: {  	s1 =	sadd.s32 s16, s29;
	s4 =	simm.s32 $0x8100;
	[tilespmem:s30+$0x11100] =	vst.add.f32.msk $0xffff, v1  }
0x63f: {  	[hbm4b:s1+s5] =	stream.linear.scatter [tilespmem:s4], [sflag:$0x7], $0x4000, $0x38;
	[tilespmem:$0x12100] =	vst v63  }
0x640: {  	p0 =	seq.s32 s0, $0x7;
	s29 =	simm.s32 $0x0;
	_ =	swait.ge [sflag:s22], $0x4000  }
0x641: {  	s7 =	simm.s32 @!p0 $0x100;
	[sflag:s22] =	ssyncset.done $0x0;
	s1 =	rddreg [dreg:$0x7]  }
0x642: {  	[sflag:s22] =	ssyncadd.s32 $0xFFFFC000;
	s1 =	sadd.s32 @!p0 s3, s1;
	s3 =	simm.s32 @!p0 $0x0  }
0x643: {  	[tilespmem:s7], [sflag:$0x1] =	stream.linear.gather @!p0 [hbm4b:s1+s3], $0x4000, $0x38;
	[tilespmem:$0x12100] =	vst v63  }
0x644: {  	s1 =	smul.u32 $0xFFFF0200, s29  }
0x645: {  	_ =	swait.ge [sflag:s23], $0x4000  }
0x646: {  	[sflag:s23] =	ssyncset.done $0x0;
	s1 =	sshra.s32 s1, $0x2  }
0x647: {  	[sflag:s23] =	ssyncadd.s32 $0xFFFFC000;
	s30 =	sadd.s32 $0xC100, s1  }
0x648: {  	v1 =	vld [tilespmem:s30+$0x40];
	_ =	sdelay $0x4  }
0x649: {  	v2 =	vmul.f32 $1.000000000e+02, v1;
	_ =	sdelay $0x1  }
0x64a: {  	v2 =	vadd.f32 $-5.000000000e+01, v2;
	_ =	sdelay $0x1  }
0x64b: {  	v3 =	vand.u32 $0x7FFFFFFF, v2  }
0x64c: {  	v3 =	vadd.f32 $1.000000000e+00, v3;
	_ =	sdelay $0x1  }
0x64d: {  	v4 =	vand.u32 $0x7FFFFF, v3  }
0x64e: {  	v4 =	vor.u32 $0x3F800000, v4  }
0x64f: {  	v5 =	vmul.f32 $3.741521600e+00, v4;
	_ =	sdelay $0x1  }
0x650: {  	v5 =	vsub.f32 $2.215607260e+01, v5  }
0x651: {  	v3 =	vshra.s32 v3, $0x17  }
0x652: {  	v3 =	vcvt.s32.f32 v3;
	v4 =	vmul.f32 v4, v5;
	_ =	sdelay $0x1  }
0x653: {  	v3 =	vmul.f32 $1.110636040e+01, v3;
	v4 =	vadd.f32 $-1.428822020e+03, v4;
	_ =	sdelay $0x1  }
0x654: {  	v3 =	vadd.f32 v4, v3;
	_ =	sdelay $0x1  }
0x655: {  	v3 =	vadd.f32 $8.388608000e+06, v3;
	_ =	sdelay $0x1  }
0x656: {  	v3 =	vand.u32 $0x3F, v3  }
0x657: {  	v4 =	vld [tilespmem:s30+$0x0];
	_ =	sdelay $0x3  }
0x658: {  	v3 =	vld.idx.msk [tilespmem:v3+s17+$0x0], $0xffff  }
0x659: {  	v5 =	vmul.f32 $1.000000000e+02, v4;
	_ =	sdelay $0x1  }
0x65a: {  	v5 =	vadd.f32 $-5.000000000e+01, v5  }
0x65b: {  	v2 =	vand.u32 $0x80000000, v2  }
0x65c: {  	v6 =	vand.u32 $0x7FFFFFFF, v5;
	v2 =	vor.u32 v3, v2  }
0x65d: {  	v3 =	vadd.f32 $1.000000000e+00, v6;
	v2 =	vadd.f32 $5.000000000e-01, v2;
	_ =	sdelay $0x1  }
0x65e: {  	s3 =	simm.s32 $0x0;
	v6 =	vand.u32 $0x7FFFFF, v3;
	v7 =	vsub.f32 v1, v2  }
0x65f: {  	s12 =	sshll.u32 s10, $0x7;
	s1 =	sand.u32 $0x1FFFFFF0, s3;
	v6 =	vor.u32 $0x3F800000, v6;
	v1 =	vmul.f32 v1, v1  }
0x660: {  	s3 =	sadd.s32 s12, s1;
	[tilespmem:s30+$0x40] =	vst v2;
	v8 =	vmul.f32 $3.741521600e+00, v6;
	v2 =	vmul.f32 v7, v7  }
0x661: {  	[tilespmem:s3+$0x10100] =	vst.add.f32.msk $0xffff, v1  }
0x662: {  	v1 =	vsub.f32 $2.215607260e+01, v8;
	[tilespmem:s3+$0x11100] =	vst.add.f32.msk $0xffff, v2  }
0x663: {  	v2 =	vshra.s32 v3, $0x17;
	v3 =	vld [tilespmem:s30+$0x50]  }
0x664: {  	v2 =	vcvt.s32.f32 v2;
	v1 =	vmul.f32 v6, v1;
	_ =	sdelay $0x1  }
0x665: {  	v2 =	vmul.f32 $1.110636040e+01, v2;
	v1 =	vadd.f32 $-1.428822020e+03, v1;
	_ =	sdelay $0x1  }
0x666: {  	s4 =	simm.s32 $0x0;
	v1 =	vadd.f32 v1, v2;
	v2 =	vmul.f32 $1.000000000e+02, v3  }
0x667: {  	s1 =	smul.u32 $0xFFFF0200, s4  }
0x668: {  	v1 =	vadd.f32 $8.388608000e+06, v1;
	v2 =	vadd.f32 $-5.000000000e+01, v2  }
0x669: {  	s1 =	sshra.s32 s1, $0x2  }
0x66a: {  	s10 =	sadd.s32 $0xC500, s1;
	v1 =	vand.u32 $0x3F, v1;
	v6 =	vand.u32 $0x7FFFFFFF, v2  }
0x66b: {  	v7 =	vld [tilespmem:s10+$0x40];
	v6 =	vadd.f32 $1.000000000e+00, v6;
	_ =	sdelay $0x1  }
0x66c: {  	v8 =	vand.u32 $0x7FFFFF, v6  }
0x66d: {  	v8 =	vor.u32 $0x3F800000, v8  }
0x66e: {  	v1 =	vld.idx.msk [tilespmem:v1+s17+$0x0], $0xffff;
	v9 =	vmul.f32 $3.741521600e+00, v8  }
0x66f: {  	v10 =	vmul.f32 $1.000000000e+02, v7  }
0x670: {  	v9 =	vsub.f32 $2.215607260e+01, v9  }
0x671: {  	v10 =	vadd.f32 $-5.000000000e+01, v10;
	v6 =	vshra.s32 v6, $0x17  }
0x672: {  	v5 =	vand.u32 $0x80000000, v5;
	v6 =	vcvt.s32.f32 v6;
	v8 =	vmul.f32 v8, v9  }
0x673: {  	v1 =	vor.u32 v1, v5;
	v5 =	vand.u32 $0x7FFFFFFF, v10  }
0x674: {  	v6 =	vmul.f32 $1.110636040e+01, v6;
	v5 =	vadd.f32 $1.000000000e+00, v5;
	v8 =	vadd.f32 $-1.428822020e+03, v8  }
0x675: {  	v1 =	vadd.f32 $5.000000000e-01, v1  }
0x676: {  	v6 =	vadd.f32 v8, v6;
	v8 =	vand.u32 $0x7FFFFF, v5  }
0x677: {  	v9 =	vsub.f32 v4, v1;
	v8 =	vor.u32 $0x3F800000, v8  }
0x678: {  	v11 =	vld [tilespmem:s10+$0x0];
	v4 =	vmul.f32 v4, v4;
	v6 =	vadd.f32 $8.388608000e+06, v6;
	v12 =	vmul.f32 $3.741521600e+00, v8  }
0x679: {  	[tilespmem:s30+$0x0] =	vst v1;
	v1 =	vmul.f32 v9, v9  }
0x67a: {  	[tilespmem:s3+$0x10100] =	vst.add.f32.msk $0xffff, v4;
	v4 =	vand.u32 $0x3F, v6;
	v6 =	vsub.f32 $2.215607260e+01, v12  }
0x67b: {  	[tilespmem:s3+$0x11100] =	vst.add.f32.msk $0xffff, v1;
	v1 =	vshra.s32 v5, $0x17  }
0x67c: {  	v9 =	vld [tilespmem:s30+$0x10];
	v1 =	vcvt.s32.f32 v1;
	v5 =	vmul.f32 v8, v6  }
0x67d: {  	v6 =	vmul.f32 $1.000000000e+02, v11  }
0x67e: {  	v1 =	vmul.f32 $1.110636040e+01, v1;
	v5 =	vadd.f32 $-1.428822020e+03, v5  }
0x67f: {  	v6 =	vadd.f32 $-5.000000000e+01, v6;
	v4 =	vld.idx.msk [tilespmem:v4+s17+$0x0], $0xffff  }
0x680: {  	v1 =	vadd.f32 v5, v1  }
0x681: {  	v5 =	vmul.f32 $1.000000000e+02, v9;
	v8 =	vand.u32 $0x7FFFFFFF, v6  }
0x682: {  	v8 =	vadd.f32 $1.000000000e+00, v8;
	v1 =	vadd.f32 $8.388608000e+06, v1  }
0x683: {  	v2 =	vand.u32 $0x80000000, v2;
	v5 =	vadd.f32 $-5.000000000e+01, v5  }
0x684: {  	v12 =	vand.u32 $0x7FFFFF, v8;
	v1 =	vand.u32 $0x3F, v1;
	v2 =	vor.u32 v4, v2  }
0x685: {  	v4 =	vor.u32 $0x3F800000, v12;
	v2 =	vadd.f32 $5.000000000e-01, v2  }
0x686: {  	v12 =	vand.u32 $0x7FFFFFFF, v5;
	v13 =	vmul.f32 $3.741521600e+00, v4  }
0x687: {  	v12 =	vadd.f32 $1.000000000e+00, v12;
	v14 =	vsub.f32 v3, v2  }
0x688: {  	v13 =	vsub.f32 $2.215607260e+01, v13;
	v3 =	vmul.f32 v3, v3  }
0x689: {  	v8 =	vshra.s32 v8, $0x17;
	v15 =	vand.u32 $0x7FFFFF, v12;
	[tilespmem:s30+$0x50] =	vst v2;
	v1 =	vld.idx.msk [tilespmem:v1+s17+$0x0], $0xffff;
	v2 =	vmul.f32 v14, v14  }
0x68a: {  	v8 =	vcvt.s32.f32 v8;
	v14 =	vor.u32 $0x3F800000, v15;
	v4 =	vmul.f32 v4, v13;
	[tilespmem:s3+$0x10100] =	vst.add.f32.msk $0xffff, v3  }
0x68b: {  	v3 =	vmul.f32 $3.741521600e+00, v14;
	[tilespmem:s3+$0x11100] =	vst.add.f32.msk $0xffff, v2  }
0x68c: {  	v2 =	vmul.f32 $1.110636040e+01, v8;
	v4 =	vadd.f32 $-1.428822020e+03, v4;
	v8 =	vld [tilespmem:s30+$0x60]  }
0x68d: {  	v10 =	vand.u32 $0x80000000, v10;
	v3 =	vsub.f32 $2.215607260e+01, v3  }
0x68e: {  	v2 =	vadd.f32 v4, v2;
	v1 =	vor.u32 v1, v10  }
0x68f: {  	v4 =	vshra.s32 v12, $0x17;
	v3 =	vmul.f32 v14, v3;
	v1 =	vadd.f32 $5.000000000e-01, v1  }
0x690: {  	v4 =	vcvt.s32.f32 v4;
	v2 =	vadd.f32 $8.388608000e+06, v2  }
0x691: {  	s7 =	simm.s32 $0x1;
	v3 =	vadd.f32 $-1.428822020e+03, v3;
	v10 =	vmul.f32 $1.000000000e+02, v8;
	v12 =	vsub.f32 v7, v1  }
0x692: {  	s1 =	sand.u32 $0x1FFFFFF0, s7;
	v4 =	vmul.f32 $1.110636040e+01, v4;
	v2 =	vand.u32 $0x3F, v2;
	v7 =	vmul.f32 v7, v7  }
0x693: {  	s11 =	sadd.s32 s12, s1;
	[tilespmem:s10+$0x40] =	vst v1;
	v10 =	vadd.f32 $-5.000000000e+01, v10;
	v1 =	vmul.f32 v12, v12  }
0x694: {  	v3 =	vadd.f32 v3, v4;
	[tilespmem:s11+$0x10100] =	vst.add.f32.msk $0xffff, v7  }
0x695: {  	v4 =	vand.u32 $0x7FFFFFFF, v10;
	[tilespmem:s11+$0x11100] =	vst.add.f32.msk $0xffff, v1  }
0x696: {  	v1 =	vadd.f32 $8.388608000e+06, v3;
	v3 =	vadd.f32 $1.000000000e+00, v4;
	v7 =	vld [tilespmem:s10+$0x50]  }
0x697: {  	v2 =	vld.idx.msk [tilespmem:v2+s17+$0x0], $0xffff  }
0x698: {  	v4 =	vand.u32 $0x7FFFFF, v3  }
0x699: {  	v1 =	vand.u32 $0x3F, v1;
	v4 =	vor.u32 $0x3F800000, v4  }
0x69a: {  	v12 =	vmul.f32 $3.741521600e+00, v4  }
0x69b: {  	v6 =	vand.u32 $0x80000000, v6;
	v13 =	vmul.f32 $1.000000000e+02, v7  }
0x69c: {  	v2 =	vor.u32 v2, v6;
	v6 =	vsub.f32 $2.215607260e+01, v12  }
0x69d: {  	v3 =	vshra.s32 v3, $0x17;
	v2 =	vadd.f32 $5.000000000e-01, v2;
	v12 =	vadd.f32 $-5.000000000e+01, v13  }
0x69e: {  	s8 =	simm.s32 $0x0;
	v3 =	vcvt.s32.f32 v3;
	v1 =	vld.idx.msk [tilespmem:v1+s17+$0x0], $0xffff;
	v4 =	vmul.f32 v4, v6  }
0x69f: {  	s1 =	smul.u32 $0xFFFF0200, s8;
	v6 =	vmul.f32 v11, v11;
	v11 =	vsub.f32 v11, v2;
	v13 =	vand.u32 $0x7FFFFFFF, v12  }
0x6a0: {  	v3 =	vmul.f32 $1.110636040e+01, v3;
	v4 =	vadd.f32 $-1.428822020e+03, v4;
	v13 =	vadd.f32 $1.000000000e+00, v13  }
0x6a1: {  	s1 =	sshra.s32 s1, $0x2;
	v5 =	vand.u32 $0x80000000, v5;
	[tilespmem:s10+$0x0] =	vst v2  }
0x6a2: {  	s7 =	sadd.s32 $0xC900, s1;
	v2 =	vmul.f32 v11, v11;
	[tilespmem:s11+$0x10100] =	vst.add.f32.msk $0xffff, v6;
	v3 =	vadd.f32 v4, v3;
	v4 =	vand.u32 $0x7FFFFF, v13  }
0x6a3: {  	v1 =	vor.u32 v1, v5;
	v5 =	vld [tilespmem:s7+$0x40];
	v6 =	vor.u32 $0x3F800000, v4  }
0x6a4: {  	v1 =	vadd.f32 $5.000000000e-01, v1;
	[tilespmem:s11+$0x11100] =	vst.add.f32.msk $0xffff, v2;
	v3 =	vadd.f32 $8.388608000e+06, v3;
	v4 =	vmul.f32 $3.741521600e+00, v6  }
0x6a5: {  	v13 =	vshra.s32 v13, $0x17;
	v2 =	vld [tilespmem:s10+$0x10]  }
0x6a6: {  	v11 =	vsub.f32 v9, v1;
	v3 =	vand.u32 $0x3F, v3;
	v14 =	vsub.f32 $2.215607260e+01, v4  }
0x6a7: {  	v9 =	vmul.f32 v9, v9;
	[tilespmem:s30+$0x10] =	vst v1;
	v1 =	vcvt.s32.f32 v13  }
0x6a8: {  	v11 =	vmul.f32 v11, v11;
	v4 =	vld [tilespmem:s7+$0x0];
	v6 =	vmul.f32 v6, v14  }
0x6a9: {  	[tilespmem:s3+$0x10100] =	vst.add.f32.msk $0xffff, v9;
	v9 =	vmul.f32 $1.000000000e+02, v5  }
0x6aa: {  	v13 =	vmul.f32 $1.110636040e+01, v1;
	[tilespmem:s3+$0x11100] =	vst.add.f32.msk $0xffff, v11;
	v11 =	vmul.f32 $1.000000000e+02, v2;
	v6 =	vadd.f32 $-1.428822020e+03, v6  }
0x6ab: {  	v9 =	vadd.f32 $-5.000000000e+01, v9;
	v14 =	vld.idx.msk [tilespmem:v3+s17+$0x0], $0xffff  }
0x6ac: {  	v3 =	vadd.f32 $-5.000000000e+01, v11;
	v6 =	vadd.f32 v6, v13  }
0x6ad: {  	v1 =	vld [tilespmem:s30+$0x20];
	v11 =	vmul.f32 $1.000000000e+02, v4;
	v13 =	vand.u32 $0x7FFFFFFF, v9  }
0x6ae: {  	v15 =	vand.u32 $0x7FFFFFFF, v3;
	v13 =	vadd.f32 $1.000000000e+00, v13;
	v6 =	vadd.f32 $8.388608000e+06, v6  }
0x6af: {  	v10 =	vand.u32 $0x80000000, v10;
	v16 =	vadd.f32 $-5.000000000e+01, v11;
	v15 =	vadd.f32 $1.000000000e+00, v15  }
0x6b0: {  	v11 =	vand.u32 $0x7FFFFF, v13;
	v6 =	vand.u32 $0x3F, v6;
	v10 =	vor.u32 v14, v10  }
0x6b1: {  	v18 =	vand.u32 $0x7FFFFFFF, v16;
	v11 =	vor.u32 $0x3F800000, v11;
	v10 =	vadd.f32 $5.000000000e-01, v10  }
0x6b2: {  	v13 =	vshra.s32 v13, $0x17;
	v14 =	vmul.f32 $1.000000000e+02, v1;
	v19 =	vmul.f32 $3.741521600e+00, v11  }
0x6b3: {  	v17 =	vand.u32 $0x7FFFFF, v15;
	v18 =	vadd.f32 $1.000000000e+00, v18;
	v20 =	vsub.f32 v8, v10  }
0x6b4: {  	v13 =	vcvt.s32.f32 v13;
	v19 =	vsub.f32 $2.215607260e+01, v19;
	v8 =	vmul.f32 v8, v8  }
0x6b5: {  	v17 =	vor.u32 $0x3F800000, v17;
	v22 =	vand.u32 $0x7FFFFF, v18;
	[tilespmem:s30+$0x60] =	vst v10;
	v6 =	vld.idx.msk [tilespmem:v6+s17+$0x0], $0xffff;
	v10 =	vmul.f32 v20, v20  }
0x6b6: {  	v21 =	vmul.f32 $3.741521600e+00, v17;
	v20 =	vor.u32 $0x3F800000, v22;
	v11 =	vmul.f32 v11, v19;
	[tilespmem:s3+$0x10100] =	vst.add.f32.msk $0xffff, v8  }
0x6b7: {  	v12 =	vand.u32 $0x80000000, v12;
	v13 =	vmul.f32 $1.110636040e+01, v13;
	v19 =	vmul.f32 $3.741521600e+00, v20;
	[tilespmem:s3+$0x11100] =	vst.add.f32.msk $0xffff, v10  }
0x6b8: {  	v18 =	vshra.s32 v18, $0x17;
	v10 =	vadd.f32 $-5.000000000e+01, v14;
	v14 =	vadd.f32 $-1.428822020e+03, v11;
	v11 =	vld [tilespmem:s30+$0x70]  }
0x6b9: {  	v8 =	vshra.s32 v15, $0x17;
	v15 =	vsub.f32 $2.215607260e+01, v21;
	v19 =	vsub.f32 $2.215607260e+01, v19  }
0x6ba: {  	v18 =	vcvt.s32.f32 v18;
	v13 =	vadd.f32 v14, v13;
	v6 =	vor.u32 v6, v12  }
0x6bb: {  	v12 =	vmul.f32 v17, v15;
	v14 =	vmul.f32 v20, v19;
	v6 =	vadd.f32 $5.000000000e-01, v6  }
0x6bc: {  	v15 =	vand.u32 $0x7FFFFFFF, v10;
	v17 =	vmul.f32 $1.110636040e+01, v18;
	v13 =	vadd.f32 $8.388608000e+06, v13  }
0x6bd: {  	v14 =	vadd.f32 $-1.428822020e+03, v14;
	v18 =	vmul.f32 $1.000000000e+02, v11;
	v19 =	vsub.f32 v7, v6  }
0x6be: {  	v15 =	vadd.f32 $1.000000000e+00, v15;
	v13 =	vand.u32 $0x3F, v13;
	v7 =	vmul.f32 v7, v7  }
0x6bf: {  	[tilespmem:s10+$0x50] =	vst v6;
	v14 =	vadd.f32 v14, v17;
	v17 =	vadd.f32 $-5.000000000e+01, v18;
	v6 =	vmul.f32 v19, v19  }
0x6c0: {  	v8 =	vcvt.s32.f32 v8;
	v18 =	vand.u32 $0x7FFFFF, v15;
	[tilespmem:s11+$0x10100] =	vst.add.f32.msk $0xffff, v7  }
0x6c1: {  	v12 =	vadd.f32 $-1.428822020e+03, v12;
	v7 =	vor.u32 $0x3F800000, v18;
	v18 =	vand.u32 $0x7FFFFFFF, v17;
	[tilespmem:s11+$0x11100] =	vst.add.f32.msk $0xffff, v6  }
0x6c2: {  	v14 =	vadd.f32 $8.388608000e+06, v14;
	v6 =	vmul.f32 $1.110636040e+01, v8;
	v19 =	vmul.f32 $3.741521600e+00, v7;
	v8 =	vld [tilespmem:s10+$0x60]  }
0x6c3: {  	v15 =	vshra.s32 v15, $0x17;
	v18 =	vadd.f32 $1.000000000e+00, v18;
	v13 =	vld.idx.msk [tilespmem:v13+s17+$0x0], $0xffff  }
0x6c4: {  	v14 =	vand.u32 $0x3F, v14;
	v6 =	vadd.f32 v12, v6;
	v12 =	vsub.f32 $2.215607260e+01, v19  }
0x6c5: {  	v15 =	vcvt.s32.f32 v15;
	v19 =	vand.u32 $0x7FFFFF, v18  }
0x6c6: {  	v9 =	vand.u32 $0x80000000, v9;
	v19 =	vor.u32 $0x3F800000, v19;
	v7 =	vmul.f32 v7, v12  }
0x6c7: {  	v15 =	vmul.f32 $1.110636040e+01, v15;
	v6 =	vadd.f32 $8.388608000e+06, v6;
	v12 =	vmul.f32 $3.741521600e+00, v19  }
0x6c8: {  	v20 =	vmul.f32 $1.000000000e+02, v8;
	v7 =	vadd.f32 $-1.428822020e+03, v7;
	v9 =	vor.u32 v13, v9  }
0x6c9: {  	v16 =	vand.u32 $0x80000000, v16;
	v14 =	vld.idx.msk [tilespmem:v14+s17+$0x0], $0xffff;
	v12 =	vsub.f32 $2.215607260e+01, v12;
	v9 =	vadd.f32 $5.000000000e-01, v9  }
0x6ca: {  	v13 =	vadd.f32 $-5.000000000e+01, v20;
	v7 =	vadd.f32 v7, v15;
	v15 =	vshra.s32 v18, $0x17  }
0x6cb: {  	v6 =	vand.u32 $0x3F, v6;
	v12 =	vmul.f32 v19, v12;
	v15 =	vcvt.s32.f32 v15  }
0x6cc: {  	s9 =	simm.s32 $0x2;
	v18 =	vsub.f32 v5, v9;
	v19 =	vand.u32 $0x7FFFFFFF, v13;
	v7 =	vadd.f32 $8.388608000e+06, v7  }
0x6cd: {  	s1 =	sand.u32 $0x1FFFFFF0, s9;
	v5 =	vmul.f32 v5, v5;
	v12 =	vadd.f32 $-1.428822020e+03, v12;
	v19 =	vadd.f32 $1.000000000e+00, v19  }
0x6ce: {  	s24 =	sadd.s32 s12, s1;
	[tilespmem:s7+$0x40] =	vst v9;
	v15 =	vmul.f32 $1.110636040e+01, v15;
	v14 =	vor.u32 v14, v16;
	v9 =	vmul.f32 v18, v18  }
0x6cf: {  	[tilespmem:s24+$0x10100] =	vst.add.f32.msk $0xffff, v5;
	v14 =	vadd.f32 $5.000000000e-01, v14;
	v7 =	vand.u32 $0x3F, v7;
	v5 =	vand.u32 $0x7FFFFF, v19  }
0x6d0: {  	v12 =	vadd.f32 v12, v15;
	[tilespmem:s24+$0x11100] =	vst.add.f32.msk $0xffff, v9;
	v5 =	vor.u32 $0x3F800000, v5  }
0x6d1: {  	v15 =	vsub.f32 v4, v14;
	v9 =	vld [tilespmem:s7+$0x50];
	v4 =	vmul.f32 v4, v4;
	v16 =	vmul.f32 $3.741521600e+00, v5  }
0x6d2: {  	v6 =	vld.idx.msk [tilespmem:v6+s17+$0x0], $0xffff;
	[tilespmem:s7+$0x0] =	vst v14;
	v12 =	vadd.f32 $8.388608000e+06, v12  }
0x6d3: {  	v14 =	vmul.f32 v15, v15;
	[tilespmem:s24+$0x10100] =	vst.add.f32.msk $0xffff, v4;
	v15 =	vsub.f32 $2.215607260e+01, v16  }
0x6d4: {  	v4 =	vand.u32 $0x3F, v12;
	v12 =	vshra.s32 v19, $0x17;
	v7 =	vld.idx.msk [tilespmem:v7+s17+$0x0], $0xffff  }
0x6d5: {  	v12 =	vcvt.s32.f32 v12;
	v5 =	vmul.f32 v5, v15  }
0x6d6: {  	s13 =	simm.s32 $0x0;
	[tilespmem:s24+$0x11100] =	vst.add.f32.msk $0xffff, v14;
	v14 =	vand.u32 $0x80000000, v3;
	v15 =	vmul.f32 $1.000000000e+02, v9  }
0x6d7: {  	s1 =	smul.u32 $0xFFFF0200, s13;
	v3 =	vld [tilespmem:s7+$0x10];
	v6 =	vor.u32 v6, v14;
	v14 =	vmul.f32 $1.110636040e+01, v12;
	v5 =	vadd.f32 $-1.428822020e+03, v5  }
0x6d8: {  	v18 =	vadd.f32 $5.000000000e-01, v6;
	v6 =	vand.u32 $0x80000000, v10;
	v15 =	vadd.f32 $-5.000000000e+01, v15  }
0x6d9: {  	s1 =	sshra.s32 s1, $0x2;
	v16 =	vmul.f32 v2, v2;
	v19 =	vld.idx.msk [tilespmem:v4+s17+$0x0], $0xffff;
	v7 =	vor.u32 v7, v6;
	v5 =	vadd.f32 v5, v14  }
0x6da: {  	s25 =	sadd.s32 $0xCD00, s1;
	v2 =	vsub.f32 v2, v18;
	v10 =	vand.u32 $0x7FFFFFFF, v15;
	v24 =	vadd.f32 $5.000000000e-01, v7  }
0x6db: {  	v12 =	vmul.f32 v1, v1;
	v20 =	vadd.f32 $1.000000000e+00, v10;
	v10 =	vld [tilespmem:s25+$0x40];
	v5 =	vadd.f32 $8.388608000e+06, v5  }
0x6dc: {  	v6 =	vand.u32 $0x80000000, v17;
	v14 =	vmul.f32 $1.000000000e+02, v3;
	v21 =	vmul.f32 v2, v2  }
0x6dd: {  	[tilespmem:s10+$0x10] =	vst v18;
	v18 =	vsub.f32 v1, v24;
	v17 =	vand.u32 $0x7FFFFF, v20;
	v22 =	vand.u32 $0x3F, v5  }
0x6de: {  	[tilespmem:s11+$0x10100] =	vst.add.f32.msk $0xffff, v16;
	v14 =	vadd.f32 $-5.000000000e+01, v14;
	v5 =	vor.u32 v19, v6;
	v17 =	vor.u32 $0x3F800000, v17  }
0x6df: {  	v1 =	vshra.s32 v20, $0x17;
	v6 =	vadd.f32 $5.000000000e-01, v5;
	v23 =	vmul.f32 $3.741521600e+00, v17;
	v5 =	vld [tilespmem:s25+$0x0]  }
0x6e0: {  	[tilespmem:s11+$0x11100] =	vst.add.f32.msk $0xffff, v21;
	v19 =	vand.u32 $0x7FFFFFFF, v14;
	v7 =	vand.u32 $0x80000000, v14;
	v25 =	vmul.f32 $1.000000000e+02, v10  }
0x6e1: {  	v19 =	vadd.f32 $1.000000000e+00, v19;
	v14 =	vsub.f32 $2.215607260e+01, v23;
	v23 =	vcvt.s32.f32 v1;
	v1 =	vld [tilespmem:s10+$0x20]  }
0x6e2: {  	v13 =	vand.u32 $0x80000000, v13;
	v4 =	vmul.f32 v11, v11;
	v20 =	vld.idx.msk [tilespmem:v22+s17+$0x0], $0xffff;
	v22 =	vadd.f32 $-5.000000000e+01, v25  }
0x6e3: {  	v11 =	vsub.f32 v11, v6;
	v16 =	vand.u32 $0x7FFFFF, v19;
	v14 =	vmul.f32 v17, v14  }
0x6e4: {  	v16 =	vor.u32 $0x3F800000, v16;
	v17 =	vmul.f32 $1.000000000e+02, v5;
	v21 =	vand.u32 $0x7FFFFFFF, v22  }
0x6e5: {  	v23 =	vmul.f32 $1.110636040e+01, v23;
	v14 =	vadd.f32 $-1.428822020e+03, v14;
	v21 =	vadd.f32 $1.000000000e+00, v21  }
0x6e6: {  	v25 =	vmul.f32 $3.741521600e+00, v16;
	v17 =	vadd.f32 $-5.000000000e+01, v17;
	v27 =	vmul.f32 $1.000000000e+02, v1  }
0x6e7: {  	v14 =	vadd.f32 v14, v23;
	v23 =	vand.u32 $0x7FFFFF, v21;
	v13 =	vor.u32 v20, v13  }
0x6e8: {  	v20 =	vsub.f32 $2.215607260e+01, v25;
	v23 =	vor.u32 $0x3F800000, v23;
	v13 =	vadd.f32 $5.000000000e-01, v13  }
0x6e9: {  	v25 =	vand.u32 $0x7FFFFFFF, v17;
	v14 =	vadd.f32 $8.388608000e+06, v14;
	v26 =	vmul.f32 $3.741521600e+00, v23  }
0x6ea: {  	v21 =	vshra.s32 v21, $0x17;
	v25 =	vadd.f32 $1.000000000e+00, v25;
	v55 =	vsub.f32 v8, v13  }
0x6eb: {  	v56 =	vand.u32 $0x3F, v14;
	v8 =	vmul.f32 v8, v8;
	v14 =	vsub.f32 $2.215607260e+01, v26  }
0x6ec: {  	v21 =	vcvt.s32.f32 v21;
	[tilespmem:s10+$0x60] =	vst v13;
	v26 =	vand.u32 $0x7FFFFF, v25;
	v13 =	vmul.f32 v55, v55  }
0x6ed: {  	v26 =	vor.u32 $0x3F800000, v26;
	[tilespmem:s11+$0x10100] =	vst.add.f32.msk $0xffff, v8;
	v8 =	vmul.f32 v11, v11;
	v14 =	vmul.f32 v23, v14  }
0x6ee: {  	v11 =	vshra.s32 v19, $0x17;
	v19 =	vmul.f32 $3.741521600e+00, v26;
	v23 =	vshra.s32 v25, $0x17;
	[tilespmem:s11+$0x11100] =	vst.add.f32.msk $0xffff, v13  }
0x6ef: {  	v11 =	vcvt.s32.f32 v11;
	v13 =	vmul.f32 v16, v20;
	v16 =	vadd.f32 $-1.428822020e+03, v14;
	v14 =	vld [tilespmem:s10+$0x70]  }
0x6f0: {  	v20 =	vmul.f32 $1.110636040e+01, v21;
	v21 =	vadd.f32 $-5.000000000e+01, v27;
	v19 =	vsub.f32 $2.215607260e+01, v19;
	v25 =	vld.idx.msk [tilespmem:v56+s17+$0x0], $0xffff  }
0x6f1: {  	v23 =	vcvt.s32.f32 v23;
	v11 =	vmul.f32 $1.110636040e+01, v11;
	v13 =	vadd.f32 $-1.428822020e+03, v13  }
0x6f2: {  	v16 =	vadd.f32 v16, v20;
	v20 =	vand.u32 $0x7FFFFFFF, v21;
	v19 =	vmul.f32 v26, v19  }
0x6f3: {  	v15 =	vand.u32 $0x80000000, v15;
	v20 =	vadd.f32 $1.000000000e+00, v20;
	v11 =	vadd.f32 v13, v11  }
0x6f4: {  	v23 =	vmul.f32 $1.110636040e+01, v23;
	v16 =	vadd.f32 $8.388608000e+06, v16;
	v19 =	vadd.f32 $-1.428822020e+03, v19  }
0x6f5: {  	v26 =	vmul.f32 $1.000000000e+02, v14;
	v15 =	vor.u32 v25, v15;
	v11 =	vadd.f32 $8.388608000e+06, v11  }
0x6f6: {  	v25 =	vand.u32 $0x7FFFFF, v20;
	v16 =	vand.u32 $0x3F, v16;
	v15 =	vadd.f32 $5.000000000e-01, v15  }
0x6f7: {  	[tilespmem:s30+$0x20] =	vst v24;
	v19 =	vadd.f32 v19, v23;
	v26 =	vadd.f32 $-5.000000000e+01, v26;
	v11 =	vand.u32 $0x3F, v11  }
0x6f8: {  	[tilespmem:s3+$0x10100] =	vst.add.f32.msk $0xffff, v12;
	v13 =	vor.u32 $0x3F800000, v25;
	v25 =	vsub.f32 v9, v15;
	v9 =	vmul.f32 v9, v9  }
0x6f9: {  	v2 =	vmul.f32 v3, v3;
	v19 =	vadd.f32 $8.388608000e+06, v19;
	[tilespmem:s7+$0x50] =	vst v15;
	v27 =	vand.u32 $0x7FFFFFFF, v26  }
0x6fa: {  	v18 =	vmul.f32 v18, v18;
	v23 =	vmul.f32 $3.741521600e+00, v13;
	v27 =	vadd.f32 $1.000000000e+00, v27;
	[tilespmem:s24+$0x10100] =	vst.add.f32.msk $0xffff, v9  }
0x6fb: {  	v22 =	vand.u32 $0x80000000, v22;
	v15 =	vmul.f32 v25, v25;
	v19 =	vand.u32 $0x3F, v19;
	v57 =	vld.idx.msk [tilespmem:v16+s17+$0x0], $0xffff  }
0x6fc: {  	v20 =	vshra.s32 v20, $0x17;
	v16 =	vsub.f32 $2.215607260e+01, v23;
	v9 =	vand.u32 $0x7FFFFF, v27;
	v11 =	vld.idx.msk [tilespmem:v11+s17+$0x0], $0xffff  }
0x6fd: {  	v17 =	vand.u32 $0x80000000, v17;
	v20 =	vcvt.s32.f32 v20;
	[tilespmem:s24+$0x11100] =	vst.add.f32.msk $0xffff, v15;
	v9 =	vor.u32 $0x3F800000, v9  }
0x6fe: {  	v21 =	vand.u32 $0x80000000, v21;
	v13 =	vmul.f32 v13, v16;
	v16 =	vld [tilespmem:s7+$0x60];
	v15 =	vmul.f32 $3.741521600e+00, v9  }
0x6ff: {  	[tilespmem:s3+$0x11100] =	vst.add.f32.msk $0xffff, v18;
	v20 =	vmul.f32 $1.110636040e+01, v20;
	v23 =	vmul.f32 v5, v5;
	v18 =	vshra.s32 v27, $0x17  }
0x700: {  	v12 =	vadd.f32 $-1.428822020e+03, v13;
	v19 =	vld.idx.msk [tilespmem:v19+s17+$0x0], $0xffff;
	v13 =	vsub.f32 $2.215607260e+01, v15;
	v15 =	vor.u32 v57, v22  }
0x701: {  	v18 =	vcvt.s32.f32 v18;
	v15 =	vadd.f32 $5.000000000e-01, v15;
	v7 =	vor.u32 v11, v7  }
0x702: {  	s15 =	simm.s32 $0x3;
	v12 =	vadd.f32 v12, v20;
	v13 =	vmul.f32 v9, v13;
	v7 =	vadd.f32 $5.000000000e-01, v7  }
0x703: {  	s1 =	sand.u32 $0x1FFFFFF0, s15;
	v9 =	vld [tilespmem:s30+$0x30];
	v20 =	vmul.f32 $1.000000000e+02, v16;
	v22 =	vsub.f32 v10, v15;
	v10 =	vmul.f32 v10, v10;
	[tilespmem:s25+$0x40] =	vst v15  }
0x704: {  	s13 =	sadd.s32 s12, s1;
	v18 =	vmul.f32 $1.110636040e+01, v18;
	v12 =	vadd.f32 $8.388608000e+06, v12;
	v13 =	vadd.f32 $-1.428822020e+03, v13;
	[tilespmem:s7+$0x10] =	vst v7  }
0x705: {  	v24 =	vadd.f32 $-5.000000000e+01, v20;
	v17 =	vor.u32 v19, v17;
	v20 =	vmul.f32 v22, v22;
	[tilespmem:s13+$0x10100] =	vst.add.f32.msk $0xffff, v10  }
0x706: {  	v15 =	vmul.f32 v1, v1;
	v12 =	vand.u32 $0x3F, v12;
	v19 =	vadd.f32 $5.000000000e-01, v17;
	[tilespmem:s24+$0x10100] =	vst.add.f32.msk $0xffff, v2  }
0x707: {  	v3 =	vsub.f32 v3, v7;
	v13 =	vadd.f32 v13, v18;
	v17 =	vand.u32 $0x7FFFFFFF, v24;
	[tilespmem:s13+$0x11100] =	vst.add.f32.msk $0xffff, v20  }
0x708: {  	v18 =	vmul.f32 $1.000000000e+02, v9;
	v20 =	vadd.f32 $1.000000000e+00, v17;
	v5 =	vsub.f32 v5, v19;
	v17 =	vld [tilespmem:s25+$0x50]  }
0x709: {  	v10 =	vmul.f32 v14, v14;
	v2 =	vand.u32 $0x80000000, v26;
	[tilespmem:s25+$0x0] =	vst v19;
	v11 =	vadd.f32 $8.388608000e+06, v13  }
0x70a: {  	[tilespmem:s13+$0x10100] =	vst.add.f32.msk $0xffff, v23;
	v13 =	vand.u32 $0x7FFFFF, v20;
	v18 =	vadd.f32 $-5.000000000e+01, v18;
	v5 =	vmul.f32 v5, v5  }
0x70b: {  	v27 =	vmul.f32 v3, v3;
	v11 =	vand.u32 $0x3F, v11;
	v19 =	vor.u32 $0x3F800000, v13;
	v22 =	vld.idx.msk [tilespmem:v12+s17+$0x0], $0xffff  }
0x70c: {  	v20 =	vshra.s32 v20, $0x17;
	v23 =	vmul.f32 $3.741521600e+00, v19;
	v13 =	vand.u32 $0x7FFFFFFF, v18;
	[tilespmem:s13+$0x11100] =	vst.add.f32.msk $0xffff, v5  }
0x70d: {  	v20 =	vcvt.s32.f32 v20;
	v5 =	vadd.f32 $1.000000000e+00, v13;
	v3 =	vld [tilespmem:s25+$0x10];
	v25 =	vmul.f32 $1.000000000e+02, v17  }
0x70e: {  	s18 =	simm.s32 $0x0;
	v12 =	vmul.f32 v9, v9;
	v13 =	vand.u32 $0x80000000, v18;
	v18 =	vsub.f32 $2.215607260e+01, v23  }
0x70f: {  	s1 =	smul.u32 $0xFFFF0200, s18;
	v20 =	vmul.f32 $1.110636040e+01, v20;
	v23 =	vshra.s32 v5, $0x17;
	v25 =	vadd.f32 $-5.000000000e+01, v25  }
0x710: {  	v5 =	vand.u32 $0x7FFFFF, v5;
	v18 =	vmul.f32 v19, v18;
	v11 =	vld.idx.msk [tilespmem:v11+s17+$0x0], $0xffff;
	v19 =	vor.u32 v22, v21  }
0x711: {  	s1 =	sshra.s32 s1, $0x2;
	v23 =	vcvt.s32.f32 v23;
	v60 =	vadd.f32 $5.000000000e-01, v19;
	v21 =	vand.u32 $0x7FFFFFFF, v25  }
0x712: {  	s26 =	sadd.s32 $0xD100, s1;
	v22 =	vadd.f32 $-1.428822020e+03, v18;
	v59 =	vmul.f32 $1.000000000e+02, v3;
	v58 =	vadd.f32 $1.000000000e+00, v21  }
0x713: {  	v18 =	vor.u32 $0x3F800000, v5;
	v5 =	vmul.f32 v3, v3;
	v23 =	vmul.f32 $1.110636040e+01, v23;
	v21 =	vld [tilespmem:s26+$0x40]  }
0x714: {  	v1 =	vsub.f32 v1, v60;
	v7 =	vadd.f32 v22, v20;
	v19 =	vand.u32 $0x7FFFFF, v58  }
0x715: {  	v22 =	vadd.f32 $-5.000000000e+01, v59;
	v2 =	vor.u32 v11, v2;
	v19 =	vor.u32 $0x3F800000, v19  }
0x716: {  	v20 =	vld [tilespmem:s26+$0x0];
	v28 =	vshra.s32 v58, $0x17;
	v26 =	vadd.f32 $8.388608000e+06, v7;
	v61 =	vmul.f32 $3.741521600e+00, v19  }
0x717: {  	[tilespmem:s24+$0x11100] =	vst.add.f32.msk $0xffff, v27;
	v11 =	vadd.f32 $5.000000000e-01, v2;
	v27 =	vand.u32 $0x7FFFFFFF, v22;
	v2 =	vand.u32 $0x80000000, v22  }
0x718: {  	v7 =	vld [tilespmem:s7+$0x20];
	v62 =	vmul.f32 $1.000000000e+02, v21;
	v22 =	vand.u32 $0x3F, v26;
	v26 =	vsub.f32 $2.215607260e+01, v61  }
0x719: {  	v24 =	vand.u32 $0x80000000, v24;
	v1 =	vmul.f32 v1, v1;
	v28 =	vcvt.s32.f32 v28  }
0x71a: {  	v27 =	vadd.f32 $1.000000000e+00, v27;
	v63 =	vadd.f32 $-5.000000000e+01, v62;
	v19 =	vmul.f32 v19, v26  }
0x71b: {  	v25 =	vand.u32 $0x80000000, v25;
	v28 =	vmul.f32 $1.110636040e+01, v28;
	v38 =	vmul.f32 $1.000000000e+02, v20  }
0x71c: {  	v26 =	vand.u32 $0x7FFFFF, v27;
	v39 =	vand.u32 $0x7FFFFFFF, v63;
	v19 =	vadd.f32 $-1.428822020e+03, v19  }
0x71d: {  	v40 =	vmul.f32 $1.000000000e+02, v7;
	v31 =	vadd.f32 $-5.000000000e+01, v38;
	v32 =	vadd.f32 $1.000000000e+00, v39;
	v22 =	vld.idx.msk [tilespmem:v22+s17+$0x0], $0xffff  }
0x71e: {  	v27 =	vshra.s32 v27, $0x17;
	v26 =	vor.u32 $0x3F800000, v26;
	v19 =	vadd.f32 v19, v28  }
0x71f: {  	v27 =	vcvt.s32.f32 v27;
	v35 =	vand.u32 $0x7FFFFFFF, v31;
	v41 =	vand.u32 $0x7FFFFF, v32  }
0x720: {  	v35 =	vadd.f32 $1.000000000e+00, v35;
	v28 =	vor.u32 $0x3F800000, v41;
	v19 =	vadd.f32 $8.388608000e+06, v19  }
0x721: {  	v34 =	vmul.f32 $3.741521600e+00, v26;
	v32 =	vshra.s32 v32, $0x17;
	v36 =	vmul.f32 $3.741521600e+00, v28  }
0x722: {  	v42 =	vand.u32 $0x7FFFFF, v35;
	v22 =	vor.u32 v22, v24;
	v19 =	vand.u32 $0x3F, v19  }
0x723: {  	v24 =	vsub.f32 $2.215607260e+01, v36;
	v22 =	vadd.f32 $5.000000000e-01, v22;
	v36 =	vor.u32 $0x3F800000, v42  }
0x724: {  	v33 =	vadd.f32 $-5.000000000e+01, v40;
	v32 =	vcvt.s32.f32 v32;
	v44 =	vmul.f32 $3.741521600e+00, v36  }
0x725: {  	v43 =	vsub.f32 $2.215607260e+01, v34;
	v24 =	vmul.f32 v28, v24;
	v38 =	vsub.f32 v16, v22  }
0x726: {  	v32 =	vmul.f32 $1.110636040e+01, v32;
	v16 =	vmul.f32 v16, v16;
	v34 =	vsub.f32 $2.215607260e+01, v44  }
0x727: {  	[tilespmem:s7+$0x60] =	vst v22;
	v22 =	vshra.s32 v35, $0x17;
	v24 =	vadd.f32 $-1.428822020e+03, v24;
	v39 =	vld.idx.msk [tilespmem:v19+s17+$0x0], $0xffff;
	v19 =	vmul.f32 v38, v38  }
0x728: {  	v14 =	vsub.f32 v14, v11;
	v22 =	vcvt.s32.f32 v22;
	[tilespmem:s24+$0x10100] =	vst.add.f32.msk $0xffff, v16;
	v45 =	vmul.f32 v36, v34  }
0x729: {  	v16 =	vadd.f32 v24, v32;
	v24 =	vmul.f32 v26, v43;
	v26 =	vand.u32 $0x7FFFFFFF, v33;
	[tilespmem:s24+$0x11100] =	vst.add.f32.msk $0xffff, v19  }
0x72a: {  	v37 =	vmul.f32 v20, v20;
	v14 =	vmul.f32 v14, v14;
	v26 =	vadd.f32 $1.000000000e+00, v26;
	v19 =	vld [tilespmem:s7+$0x70]  }
0x72b: {  	[tilespmem:s10+$0x20] =	vst v60;
	v27 =	vmul.f32 $1.110636040e+01, v27;
	v22 =	vmul.f32 $1.110636040e+01, v22;
	v28 =	vadd.f32 $-1.428822020e+03, v45  }
0x72c: {  	[tilespmem:s11+$0x10100] =	vst.add.f32.msk $0xffff, v15;
	v16 =	vadd.f32 $8.388608000e+06, v16;
	v24 =	vadd.f32 $-1.428822020e+03, v24;
	v46 =	vshra.s32 v26, $0x17  }
0x72d: {  	[tilespmem:s11+$0x11100] =	vst.add.f32.msk $0xffff, v1;
	v26 =	vand.u32 $0x7FFFFF, v26;
	v22 =	vadd.f32 v28, v22;
	v25 =	vor.u32 v39, v25  }
0x72e: {  	v1 =	vld [tilespmem:s10+$0x30];
	v16 =	vand.u32 $0x3F, v16;
	v27 =	vadd.f32 v24, v27;
	v25 =	vadd.f32 $5.000000000e-01, v25  }
0x72f: {  	v26 =	vor.u32 $0x3F800000, v26;
	v22 =	vadd.f32 $8.388608000e+06, v22;
	v24 =	vmul.f32 $1.000000000e+02, v19  }
0x730: {  	v48 =	vmul.f32 $3.741521600e+00, v26;
	v47 =	vsub.f32 v17, v25;
	v17 =	vmul.f32 v17, v17  }
0x731: {  	v29 =	vand.u32 $0x80000000, v63;
	[tilespmem:s25+$0x50] =	vst v25;
	v51 =	vand.u32 $0x3F, v22;
	v24 =	vadd.f32 $-5.000000000e+01, v24  }
0x732: {  	v25 =	vmul.f32 v47, v47;
	[tilespmem:s13+$0x10100] =	vst.add.f32.msk $0xffff, v17;
	v17 =	vadd.f32 $8.388608000e+06, v27;
	v27 =	vsub.f32 $2.215607260e+01, v48  }
0x733: {  	v49 =	vand.u32 $0x80000000, v31;
	v62 =	vmul.f32 $1.000000000e+02, v1;
	v50 =	vcvt.s32.f32 v46;
	v16 =	vld.idx.msk [tilespmem:v16+s17+$0x0], $0xffff  }
0x734: {  	v22 =	vand.u32 $0x7FFFFFFF, v24;
	[tilespmem:s13+$0x11100] =	vst.add.f32.msk $0xffff, v25;
	v53 =	vand.u32 $0x3F, v17;
	v17 =	vmul.f32 v26, v27  }
0x735: {  	v31 =	vmul.f32 $1.110636040e+01, v50;
	v26 =	vmul.f32 $3.741521600e+00, v18;
	v52 =	vadd.f32 $1.000000000e+00, v22;
	v22 =	vld [tilespmem:s25+$0x60]  }
0x736: {  	v25 =	vand.u32 $0x80000000, v33;
	v24 =	vand.u32 $0x80000000, v24;
	v32 =	vld.idx.msk [tilespmem:v51+s17+$0x0], $0xffff;
	v54 =	vadd.f32 $-1.428822020e+03, v17  }
0x737: {  	v17 =	vmul.f32 v7, v7;
	v15 =	vsub.f32 $2.215607260e+01, v26;
	v27 =	vand.u32 $0x7FFFFF, v52  }
0x738: {  	v16 =	vor.u32 v16, v29;
	v33 =	vshra.s32 v52, $0x17;
	v27 =	vor.u32 $0x3F800000, v27  }
0x739: {  	v16 =	vadd.f32 $5.000000000e-01, v16;
	v33 =	vcvt.s32.f32 v33;
	v15 =	vmul.f32 v18, v15  }
0x73a: {  	v26 =	vadd.f32 v54, v31;
	v55 =	vmul.f32 $3.741521600e+00, v27;
	v56 =	vmul.f32 $1.000000000e+02, v22  }
0x73b: {  	s20 =	simm.s32 $0x4;
	v34 =	vld.idx.msk [tilespmem:v53+s17+$0x0], $0xffff;
	v57 =	vsub.f32 v21, v16;
	v21 =	vmul.f32 v21, v21;
	v28 =	vor.u32 v32, v49  }
0x73c: {  	s1 =	sand.u32 $0x1FFFFFF0, s20;
	[tilespmem:s26+$0x40] =	vst v16;
	v16 =	vmul.f32 v19, v19;
	v26 =	vadd.f32 $8.388608000e+06, v26;
	v15 =	vadd.f32 $-1.428822020e+03, v15  }
0x73d: {  	s28 =	sadd.s32 s12, s1;
	v58 =	vmul.f32 $1.110636040e+01, v33;
	v29 =	vsub.f32 $2.215607260e+01, v55;
	v28 =	vadd.f32 $5.000000000e-01, v28  }
0x73e: {  	v30 =	vadd.f32 $-5.000000000e+01, v56;
	v31 =	vmul.f32 v57, v57;
	[tilespmem:s28+$0x10100] =	vst.add.f32.msk $0xffff, v21;
	v26 =	vand.u32 $0x3F, v26  }
0x73f: {  	v23 =	vadd.f32 v15, v23;
	v27 =	vmul.f32 v27, v29;
	v20 =	vsub.f32 v20, v28;
	[tilespmem:s26+$0x0] =	vst v28  }
0x740: {  	v21 =	vand.u32 $0x7FFFFFFF, v30;
	[tilespmem:s28+$0x11100] =	vst.add.f32.msk $0xffff, v31;
	v2 =	vor.u32 v34, v2;
	v31 =	vadd.f32 $-5.000000000e+01, v62  }
0x741: {  	[tilespmem:s28+$0x10100] =	vst.add.f32.msk $0xffff, v37;
	v23 =	vadd.f32 $8.388608000e+06, v23;
	v18 =	vadd.f32 $1.000000000e+00, v21;
	v20 =	vmul.f32 v20, v20  }
0x742: {  	v30 =	vand.u32 $0x80000000, v30;
	v27 =	vadd.f32 $-1.428822020e+03, v27;
	v21 =	vld [tilespmem:s26+$0x50];
	v63 =	vadd.f32 $5.000000000e-01, v2  }
0x743: {  	v2 =	vmul.f32 v1, v1;
	v44 =	vand.u32 $0x7FFFFFFF, v31;
	v59 =	vand.u32 $0x7FFFFF, v18;
	[tilespmem:s28+$0x11100] =	vst.add.f32.msk $0xffff, v20  }
0x744: {  	v37 =	vand.u32 $0x3F, v23;
	v27 =	vadd.f32 v27, v58;
	v26 =	vld.idx.msk [tilespmem:v26+s17+$0x0], $0xffff;
	v60 =	vor.u32 $0x3F800000, v59  }
0x745: {  	v18 =	vshra.s32 v18, $0x17;
	v3 =	vsub.f32 v3, v63;
	v15 =	vld [tilespmem:s26+$0x10];
	v61 =	vmul.f32 $3.741521600e+00, v60  }
0x746: {  	v28 =	vadd.f32 $1.000000000e+00, v44;
	v18 =	vcvt.s32.f32 v18;
	v27 =	vadd.f32 $8.388608000e+06, v27  }
0x747: {  	s29 =	simm.s32 $0x0;
	v48 =	vmul.f32 v3, v3;
	v20 =	vmul.f32 $1.000000000e+02, v21;
	v29 =	vsub.f32 $2.215607260e+01, v61  }
0x748: {  	s1 =	smul.u32 $0xFFFF0200, s29;
	v3 =	vand.u32 $0x80000000, v31;
	v23 =	vshra.s32 v28, $0x17;
	v28 =	vand.u32 $0x7FFFFF, v28  }
0x749: {  	v27 =	vand.u32 $0x3F, v27;
	v33 =	vadd.f32 $-5.000000000e+01, v20;
	v20 =	vmul.f32 v60, v29  }
0x74a: {  	s1 =	sshra.s32 s1, $0x2;
	v18 =	vmul.f32 $1.110636040e+01, v18;
	v40 =	vor.u32 v26, v25;
	v47 =	vmul.f32 $1.000000000e+02, v15  }
0x74b: {  	s8 =	sadd.s32 $0xD500, s1;
	v25 =	vcvt.s32.f32 v23;
	v45 =	vand.u32 $0x7FFFFFFF, v33;
	v46 =	vadd.f32 $-1.428822020e+03, v20  }
0x74c: {  	v26 =	vor.u32 $0x3F800000, v28;
	v29 =	vadd.f32 $1.000000000e+00, v45;
	v20 =	vld [tilespmem:s8+$0x40];
	v50 =	vadd.f32 $-5.000000000e+01, v47  }
0x74d: {  	v59 =	vadd.f32 $5.000000000e-01, v40;
	v25 =	vmul.f32 $1.110636040e+01, v25;
	v49 =	vadd.f32 v46, v18  }
0x74e: {  	v43 =	vld.idx.msk [tilespmem:v27+s17+$0x0], $0xffff;
	v51 =	vand.u32 $0x7FFFFF, v29;
	v52 =	vand.u32 $0x7FFFFFFF, v50;
	v56 =	vshra.s32 v29, $0x17  }
0x74f: {  	v18 =	vld [tilespmem:s8+$0x0];
	v34 =	vand.u32 $0x80000000, v50;
	v35 =	vor.u32 $0x3F800000, v51;
	v38 =	vadd.f32 $1.000000000e+00, v52  }
0x750: {  	v28 =	vcvt.s32.f32 v56;
	v31 =	vadd.f32 $8.388608000e+06, v49;
	v53 =	vmul.f32 $3.741521600e+00, v35  }
0x751: {  	v49 =	vsub.f32 v7, v59;
	v55 =	vand.u32 $0x7FFFFF, v38;
	v41 =	vmul.f32 $1.000000000e+02, v20  }
0x752: {  	v28 =	vmul.f32 $1.110636040e+01, v28;
	v38 =	vshra.s32 v38, $0x17;
	v23 =	vand.u32 $0x3F, v31  }
0x753: {  	v54 =	vsub.f32 $2.215607260e+01, v53;
	v57 =	vor.u32 $0x3F800000, v55;
	v24 =	vor.u32 v43, v24  }
0x754: {  	v7 =	vcvt.s32.f32 v38;
	v55 =	vand.u32 $0x80000000, v33;
	v42 =	vmul.f32 $1.000000000e+02, v18  }
0x755: {  	v27 =	vadd.f32 $-5.000000000e+01, v41;
	v39 =	vmul.f32 $3.741521600e+00, v57;
	v31 =	vmul.f32 v35, v54  }
0x756: {  	[tilespmem:s30+$0x70] =	vst v6;
	v24 =	vadd.f32 $5.000000000e-01, v24;
	v53 =	vmul.f32 v18, v18;
	v58 =	vadd.f32 $-5.000000000e+01, v42  }
0x757: {  	v41 =	vand.u32 $0x7FFFFFFF, v27;
	v39 =	vsub.f32 $2.215607260e+01, v39;
	v31 =	vadd.f32 $-1.428822020e+03, v31;
	v23 =	vld.idx.msk [tilespmem:v23+s17+$0x0], $0xffff  }
0x758: {  	[tilespmem:s25+$0x10] =	vst v63;
	v52 =	vmul.f32 $1.110636040e+01, v7;
	v19 =	vsub.f32 v19, v24;
	v41 =	vadd.f32 $1.000000000e+00, v41  }
0x759: {  	[tilespmem:s13+$0x10100] =	vst.add.f32.msk $0xffff, v5;
	v42 =	vand.u32 $0x7FFFFFFF, v58;
	v29 =	vmul.f32 v57, v39;
	v28 =	vadd.f32 v31, v28  }
0x75a: {  	[tilespmem:s13+$0x11100] =	vst.add.f32.msk $0xffff, v48;
	v6 =	vmul.f32 v19, v19;
	v42 =	vadd.f32 $1.000000000e+00, v42;
	v5 =	vand.u32 $0x7FFFFF, v41  }
0x75b: {  	v47 =	vshra.s32 v41, $0x17;
	v61 =	vor.u32 $0x3F800000, v5;
	v5 =	vld [tilespmem:s25+$0x20];
	v28 =	vadd.f32 $8.388608000e+06, v28  }
0x75c: {  	v39 =	vcvt.s32.f32 v47;
	v62 =	vmul.f32 $3.741521600e+00, v61;
	v23 =	vor.u32 v23, v30  }
0x75d: {  	v60 =	vand.u32 $0x7FFFFF, v42;
	v28 =	vand.u32 $0x3F, v28;
	v44 =	vadd.f32 $5.000000000e-01, v23  }
0x75e: {  	[tilespmem:s10+$0x70] =	vst v11;
	v29 =	vadd.f32 $-1.428822020e+03, v29;
	v31 =	vor.u32 $0x3F800000, v60;
	v30 =	vsub.f32 $2.215607260e+01, v62  }
0x75f: {  	[tilespmem:s11+$0x11100] =	vst.add.f32.msk $0xffff, v14;
	v63 =	vmul.f32 $3.741521600e+00, v31;
	v45 =	vsub.f32 v22, v44;
	v22 =	vmul.f32 v22, v22  }
0x760: {  	v48 =	vshra.s32 v42, $0x17;
	v30 =	vmul.f32 v61, v30;
	v46 =	vmul.f32 $1.000000000e+02, v5;
	[tilespmem:s25+$0x60] =	vst v44  }
0x761: {  	v19 =	vadd.f32 v29, v52;
	v40 =	vsub.f32 $2.215607260e+01, v63;
	v36 =	vmul.f32 v45, v45;
	[tilespmem:s13+$0x10100] =	vst.add.f32.msk $0xffff, v22  }
0x762: {  	v39 =	vmul.f32 $1.110636040e+01, v39;
	v30 =	vadd.f32 $-1.428822020e+03, v30;
	v22 =	vadd.f32 $-5.000000000e+01, v46;
	v28 =	vld.idx.msk [tilespmem:v28+s17+$0x0], $0xffff  }
0x763: {  	v35 =	vand.u32 $0x80000000, v58;
	v50 =	vcvt.s32.f32 v48;
	v31 =	vmul.f32 v31, v40;
	[tilespmem:s13+$0x11100] =	vst.add.f32.msk $0xffff, v36  }
0x764: {  	v14 =	vadd.f32 $8.388608000e+06, v19;
	v30 =	vadd.f32 v30, v39;
	v51 =	vand.u32 $0x7FFFFFFF, v22;
	v7 =	vld [tilespmem:s25+$0x70]  }
0x765: {  	[tilespmem:s7+$0x70] =	vst v24;
	v58 =	vld.idx.msk [tilespmem:v37+s17+$0x0], $0xffff;
	v38 =	vmul.f32 $1.110636040e+01, v50;
	v31 =	vadd.f32 $-1.428822020e+03, v31;
	v36 =	vadd.f32 $1.000000000e+00, v51  }
0x766: {  	[tilespmem:s24+$0x11100] =	vst.add.f32.msk $0xffff, v6;
	v6 =	vmul.f32 v21, v21;
	v14 =	vand.u32 $0x3F, v14;
	v11 =	vadd.f32 $8.388608000e+06, v30  }
0x767: {  	[tilespmem:s3+$0x11100] =	vst.add.f32.msk $0xffff, v8;
	v57 =	vand.u32 $0x80000000, v22;
	v8 =	vadd.f32 v31, v38;
	v54 =	vshra.s32 v36, $0x17  }
0x768: {  	[tilespmem:s3+$0x10100] =	vst.add.f32.msk $0xffff, v4;
	v36 =	vand.u32 $0x7FFFFF, v36;
	v19 =	vor.u32 v28, v55;
	v22 =	vand.u32 $0x3F, v11  }
0x769: {  	[tilespmem:s11+$0x10100] =	vst.add.f32.msk $0xffff, v10;
	v4 =	vor.u32 $0x3F800000, v36;
	v19 =	vadd.f32 $5.000000000e-01, v19;
	v56 =	vmul.f32 $1.000000000e+02, v7  }
0x76a: {  	[tilespmem:s7+$0x20] =	vst v59;
	v60 =	vmul.f32 v49, v49;
	v8 =	vadd.f32 $8.388608000e+06, v8;
	v36 =	vmul.f32 $3.741521600e+00, v4  }
0x76b: {  	[tilespmem:s24+$0x10100] =	vst.add.f32.msk $0xffff, v17;
	v13 =	vor.u32 v58, v13;
	v24 =	vsub.f32 v21, v19;
	v11 =	vadd.f32 $-5.000000000e+01, v56  }
0x76c: {  	v14 =	vld.idx.msk [tilespmem:v14+s17+$0x0], $0xffff;
	v31 =	vcvt.s32.f32 v54;
	v21 =	vand.u32 $0x3F, v8;
	v17 =	vsub.f32 $2.215607260e+01, v36  }
0x76d: {  	[tilespmem:s26+$0x50] =	vst v19;
	v19 =	vmul.f32 $3.741521600e+00, v26;
	v22 =	vld.idx.msk [tilespmem:v22+s17+$0x0], $0xffff;
	v8 =	vmul.f32 v24, v24;
	v61 =	vand.u32 $0x7FFFFFFF, v11  }
0x76e: {  	[tilespmem:s28+$0x10100] =	vst.add.f32.msk $0xffff, v6;
	v24 =	vadd.f32 $5.000000000e-01, v13;
	v4 =	vmul.f32 v4, v17;
	v17 =	vadd.f32 $1.000000000e+00, v61  }
0x76f: {  	v23 =	vmul.f32 v15, v15;
	v59 =	vmul.f32 $1.110636040e+01, v31;
	v19 =	vsub.f32 $2.215607260e+01, v19;
	[tilespmem:s28+$0x11100] =	vst.add.f32.msk $0xffff, v8  }
0x770: {  	v9 =	vsub.f32 v9, v24;
	v4 =	vadd.f32 $-1.428822020e+03, v4;
	v13 =	vld [tilespmem:s26+$0x60];
	v6 =	vand.u32 $0x7FFFFF, v17  }
0x771: {  	[tilespmem:s24+$0x10100] =	vst.add.f32.msk $0xffff, v16;
	v19 =	vmul.f32 v26, v19;
	v26 =	vand.u32 $0x80000000, v27;
	v6 =	vor.u32 $0x3F800000, v6  }
0x772: {  	v21 =	vld.idx.msk [tilespmem:v21+s17+$0x0], $0xffff;
	v4 =	vadd.f32 v4, v59;
	v22 =	vor.u32 v22, v26;
	v62 =	vmul.f32 $3.741521600e+00, v6  }
0x773: {  	[tilespmem:s24+$0x11100] =	vst.add.f32.msk $0xffff, v60;
	v14 =	vor.u32 v14, v34;
	v19 =	vadd.f32 $-1.428822020e+03, v19;
	v22 =	vadd.f32 $5.000000000e-01, v22  }
0x774: {  	v17 =	vshra.s32 v17, $0x17;
	v27 =	vadd.f32 $8.388608000e+06, v4;
	v4 =	vld [tilespmem:s7+$0x30];
	v28 =	vsub.f32 $2.215607260e+01, v62  }
0x775: {  	[tilespmem:s30+$0x30] =	vst v24;
	s30 =	simm.s32 $0x5;
	v17 =	vcvt.s32.f32 v17;
	v16 =	vmul.f32 $1.000000000e+02, v13;
	v24 =	vsub.f32 v20, v22  }
0x776: {  	[tilespmem:s3+$0x10100] =	vst.add.f32.msk $0xffff, v12;
	s1 =	sand.u32 $0x1FFFFFF0, s30;
	v25 =	vadd.f32 v19, v25;
	v20 =	vmul.f32 v20, v20;
	v6 =	vmul.f32 v6, v28  }
0x777: {  	s9 =	sadd.s32 s12, s1;
	v12 =	vor.u32 v21, v35;
	[tilespmem:s8+$0x40] =	vst v22;
	v19 =	vadd.f32 $-5.000000000e+01, v16;
	v16 =	vmul.f32 v24, v24  }
0x778: {  	v17 =	vmul.f32 $1.110636040e+01, v17;
	v12 =	vadd.f32 $5.000000000e-01, v12;
	[tilespmem:s9+$0x10100] =	vst.add.f32.msk $0xffff, v20;
	v6 =	vadd.f32 $-1.428822020e+03, v6  }
0x779: {  	v26 =	vand.u32 $0x3F, v27;
	v20 =	vmul.f32 $1.000000000e+02, v4;
	[tilespmem:s9+$0x11100] =	vst.add.f32.msk $0xffff, v16;
	v16 =	vmul.f32 v9, v9  }
0x77a: {  	[tilespmem:s8+$0x0] =	vst v12;
	v9 =	vsub.f32 v18, v12;
	v6 =	vadd.f32 v6, v17;
	v17 =	vand.u32 $0x7FFFFFFF, v19  }
0x77b: {  	v10 =	vmul.f32 v5, v5;
	v12 =	vadd.f32 $5.000000000e-01, v14;
	[tilespmem:s9+$0x10100] =	vst.add.f32.msk $0xffff, v53;
	v17 =	vadd.f32 $1.000000000e+00, v17  }
0x77c: {  	v8 =	vmul.f32 v7, v7;
	v18 =	vld [tilespmem:s8+$0x50];
	v20 =	vadd.f32 $-5.000000000e+01, v20;
	v21 =	vadd.f32 $8.388608000e+06, v6  }
0x77d: {  	v9 =	vmul.f32 v9, v9;
	[tilespmem:s26+$0x10] =	vst v12;
	v12 =	vsub.f32 v15, v12;
	v14 =	vand.u32 $0x7FFFFF, v17  }
0x77e: {  	[tilespmem:s28+$0x10100] =	vst.add.f32.msk $0xffff, v23;
	v23 =	vadd.f32 $8.388608000e+06, v25;
	v22 =	vand.u32 $0x3F, v21;
	v14 =	vor.u32 $0x3F800000, v14  }
0x77f: {  	v24 =	vld.idx.msk [tilespmem:v26+s17+$0x0], $0xffff;
	v15 =	vand.u32 $0x7FFFFFFF, v20;
	v12 =	vmul.f32 v12, v12;
	v21 =	vmul.f32 $3.741521600e+00, v14  }
0x780: {  	[tilespmem:s9+$0x11100] =	vst.add.f32.msk $0xffff, v9;
	v9 =	vand.u32 $0x80000000, v20;
	v6 =	vmul.f32 v4, v4;
	v25 =	vadd.f32 $1.000000000e+00, v15  }
0x781: {  	v15 =	vld [tilespmem:s8+$0x10];
	v20 =	vmul.f32 $1.000000000e+02, v18;
	v26 =	vsub.f32 $2.215607260e+01, v21;
	v21 =	vand.u32 $0x3F, v23  }
0x782: {  	v17 =	vshra.s32 v17, $0x17;
	[tilespmem:s28+$0x11100] =	vst.add.f32.msk $0xffff, v12;
	v27 =	vshra.s32 v25, $0x17;
	v63 =	vand.u32 $0x7FFFFF, v25  }
0x783: {  	s0 =	sadd.s32 $0x1, s0;
	v23 =	vadd.f32 $-5.000000000e+01, v20;
	v20 =	vcvt.s32.f32 v17;
	v22 =	vld.idx.msk [tilespmem:v22+s17+$0x0], $0xffff;
	v25 =	vmul.f32 v14, v26  }
0x784: {  	s14 =	simm.s32 $0xD500;
	s15 =	simm.s32 $0x28;
	s18 =	simm.s32 $0x30;
	v24 =	vor.u32 v24, v57;
	v12 =	vor.u32 $0x3F800000, v63;
	v17 =	vld [tilespmem:s26+$0x20];
	v14 =	vcvt.s32.f32 v27  }
.LBB2_11:
0x785: {  	s1 =	sshrl.u32 s18, $0x7;
	v26 =	vand.u32 $0x7FFFFFFF, v23;
	v27 =	vadd.f32 $-1.428822020e+03, v25;
	v28 =	vmul.f32 $1.110636040e+01, v20  }
0x786: {  	s1 =	smul.u32 $0xFFFF0200, s1;
	v29 =	vmul.f32 $1.000000000e+02, v15;
	v20 =	vmul.f32 v15, v15;
	v26 =	vadd.f32 $1.000000000e+00, v26;
	v25 =	vld.idx.msk [tilespmem:v21+s17+$0x0], $0xffff  }
0x787: {  	v24 =	vadd.f32 $5.000000000e-01, v24;
	v11 =	vand.u32 $0x80000000, v11;
	v21 =	vadd.f32 v27, v28;
	[tilespmem:s3+$0x11100] =	vst.add.f32.msk $0xffff, v16;
	s3 =	smov.u32 s11;
	s11 =	smov.u32 s24;
	s24 =	smov.u32 s13  }
0x788: {  	s14 =	sadd.s32 $0x400, s14;
	v11 =	vor.u32 v22, v11;
	s13 =	smov.u32 s28;
	s1 =	sshra.s32 s1, $0x2;
	v16 =	vadd.f32 $-5.000000000e+01, v29;
	v27 =	vand.u32 $0x7FFFFF, v26  }
0x789: {  	s28 =	smov.u32 s9;
	v11 =	vadd.f32 $5.000000000e-01, v11;
	s1 =	sadd.s32 s1, s14;
	v27 =	vor.u32 $0x3F800000, v27;
	v28 =	vadd.f32 $8.388608000e+06, v21;
	[tilespmem:s25+$0x20] =	vst v24  }
0x78a: {  	v22 =	vld [tilespmem:s1+$0x40];
	v29 =	vand.u32 $0x7FFFFFFF, v16;
	v16 =	vand.u32 $0x80000000, v16;
	v30 =	vmul.f32 $3.741521600e+00, v27  }
0x78b: {  	v7 =	vsub.f32 v7, v11;
	v21 =	vld [tilespmem:s1+$0x0];
	v29 =	vadd.f32 $1.000000000e+00, v29;
	v28 =	vand.u32 $0x3F, v28  }
0x78c: {  	v32 =	vsub.f32 v5, v24;
	v31 =	vmul.f32 $1.000000000e+02, v17;
	v5 =	vmovc v17;
	v30 =	vsub.f32 $2.215607260e+01, v30;
	[tilespmem:s24+$0x10100] =	vst.add.f32.msk $0xffff, v10  }
0x78d: {  	v24 =	vshra.s32 v26, $0x17;
	v7 =	vmul.f32 v7, v7;
	v10 =	vand.u32 $0x7FFFFF, v29  }
0x78e: {  	v24 =	vcvt.s32.f32 v24;
	v10 =	vor.u32 $0x3F800000, v10;
	v26 =	vmul.f32 v27, v30;
	[tilespmem:s25+$0x70] =	vst v11  }
0x78f: {  	v27 =	vshra.s32 v29, $0x17;
	v11 =	vmul.f32 $1.000000000e+02, v22;
	v29 =	vmul.f32 $3.741521600e+00, v10;
	[tilespmem:s24+$0x11100] =	vst.add.f32.msk $0xffff, v7  }
0x790: {  	v30 =	vmul.f32 $1.110636040e+01, v24;
	v7 =	vmul.f32 $1.000000000e+02, v21;
	v26 =	vadd.f32 $-1.428822020e+03, v26;
	v33 =	vld.idx.msk [tilespmem:v28+s17+$0x0], $0xffff  }
0x791: {  	v24 =	vmul.f32 v21, v21;
	v28 =	vadd.f32 $-5.000000000e+01, v11;
	v11 =	vsub.f32 $2.215607260e+01, v29;
	[tilespmem:s24+$0x10100] =	vst.add.f32.msk $0xffff, v8  }
0x792: {  	v8 =	vcvt.s32.f32 v27;
	v7 =	vadd.f32 $-5.000000000e+01, v7;
	v26 =	vadd.f32 v26, v30  }
0x793: {  	v27 =	vand.u32 $0x7FFFFFFF, v28;
	v10 =	vmul.f32 v10, v11;
	v11 =	vadd.f32 $-5.000000000e+01, v31  }
0x794: {  	v29 =	vand.u32 $0x7FFFFFFF, v7;
	v30 =	vadd.f32 $1.000000000e+00, v27;
	v26 =	vadd.f32 $8.388608000e+06, v26  }
0x795: {  	v27 =	vand.u32 $0x80000000, v7;
	v7 =	vand.u32 $0x80000000, v19;
	v29 =	vadd.f32 $1.000000000e+00, v29  }
0x796: {  	v7 =	vor.u32 v33, v7;
	v19 =	vand.u32 $0x7FFFFF, v30;
	v26 =	vand.u32 $0x3F, v26  }
0x797: {  	v7 =	vadd.f32 $5.000000000e-01, v7;
	v31 =	vand.u32 $0x7FFFFF, v29;
	v19 =	vor.u32 $0x3F800000, v19  }
0x798: {  	v29 =	vshra.s32 v29, $0x17;
	v31 =	vor.u32 $0x3F800000, v31;
	v33 =	vmul.f32 $3.741521600e+00, v19  }
0x799: {  	v29 =	vcvt.s32.f32 v29;
	v35 =	vsub.f32 v13, v7;
	v34 =	vmul.f32 $3.741521600e+00, v31  }
0x79a: {  	v10 =	vadd.f32 $-1.428822020e+03, v10;
	v13 =	vmul.f32 v13, v13;
	v33 =	vsub.f32 $2.215607260e+01, v33  }
0x79b: {  	v30 =	vshra.s32 v30, $0x17;
	v34 =	vsub.f32 $2.215607260e+01, v34;
	v36 =	vld.idx.msk [tilespmem:v26+s17+$0x0], $0xffff;
	[tilespmem:s26+$0x60] =	vst v7;
	v7 =	vmul.f32 v35, v35  }
0x79c: {  	v26 =	vcvt.s32.f32 v30;
	v30 =	vand.u32 $0x7FFFFFFF, v11;
	v19 =	vmul.f32 v19, v33;
	[tilespmem:s13+$0x10100] =	vst.add.f32.msk $0xffff, v13  }
0x79d: {  	v29 =	vmul.f32 $1.110636040e+01, v29;
	v30 =	vadd.f32 $1.000000000e+00, v30;
	v13 =	vmul.f32 v31, v34;
	[tilespmem:s13+$0x11100] =	vst.add.f32.msk $0xffff, v7  }
0x79e: {  	v8 =	vmul.f32 $1.110636040e+01, v8;
	v26 =	vmul.f32 $1.110636040e+01, v26;
	v19 =	vadd.f32 $-1.428822020e+03, v19;
	v7 =	vld [tilespmem:s26+$0x70]  }
0x79f: {  	v31 =	vshra.s32 v30, $0x17;
	v30 =	vand.u32 $0x7FFFFF, v30;
	v13 =	vadd.f32 $-1.428822020e+03, v13  }
0x7a0: {  	v8 =	vadd.f32 v10, v8;
	v30 =	vor.u32 $0x3F800000, v30;
	v19 =	vadd.f32 v19, v26  }
0x7a1: {  	v10 =	vadd.f32 v13, v29;
	v13 =	vcvt.s32.f32 v31;
	v29 =	vmul.f32 $3.741521600e+00, v30  }
0x7a2: {  	v8 =	vadd.f32 $8.388608000e+06, v8;
	v26 =	vand.u32 $0x80000000, v11;
	v19 =	vadd.f32 $8.388608000e+06, v19  }
0x7a3: {  	v11 =	vand.u32 $0x80000000, v23;
	v10 =	vadd.f32 $8.388608000e+06, v10;
	v23 =	vmul.f32 $1.000000000e+02, v7  }
0x7a4: {  	v31 =	vand.u32 $0x3F, v8;
	v8 =	vor.u32 v36, v11;
	v19 =	vand.u32 $0x3F, v19  }
0x7a5: {  	v8 =	vadd.f32 $5.000000000e-01, v8;
	v33 =	vand.u32 $0x3F, v10;
	v11 =	vadd.f32 $-5.000000000e+01, v23  }
0x7a6: {  	v23 =	vsub.f32 $2.215607260e+01, v29;
	v29 =	vmul.f32 $1.110636040e+01, v13;
	v13 =	vmul.f32 v32, v32  }
0x7a7: {  	v32 =	vsub.f32 v18, v8;
	v10 =	vmul.f32 v17, v5;
	v17 =	vand.u32 $0x7FFFFFFF, v11  }
0x7a8: {  	v18 =	vmul.f32 v18, v18;
	v23 =	vmul.f32 v30, v23;
	v17 =	vadd.f32 $1.000000000e+00, v17;
	[tilespmem:s24+$0x11100] =	vst.add.f32.msk $0xffff, v13  }
0x7a9: {  	v30 =	vor.u32 v25, v3;
	v13 =	vmul.f32 $3.741521600e+00, v12;
	v19 =	vld.idx.msk [tilespmem:v19+s17+$0x0], $0xffff;
	[tilespmem:s8+$0x50] =	vst v8;
	v8 =	vmul.f32 v32, v32  }
0x7aa: {  	v3 =	vmovc v9;
	v25 =	vadd.f32 $5.000000000e-01, v30;
	[tilespmem:s28+$0x10100] =	vst.add.f32.msk $0xffff, v18;
	v18 =	vadd.f32 $-1.428822020e+03, v23;
	v23 =	vand.u32 $0x7FFFFF, v17  }
0x7ab: {  	v14 =	vmul.f32 $1.110636040e+01, v14;
	[tilespmem:s28+$0x11100] =	vst.add.f32.msk $0xffff, v8;
	v9 =	vor.u32 $0x3F800000, v23;
	v23 =	vsub.f32 $2.215607260e+01, v13  }
0x7ac: {  	v13 =	vld [tilespmem:s8+$0x60];
	v18 =	vadd.f32 v18, v29;
	v29 =	vmul.f32 $3.741521600e+00, v9;
	[tilespmem:s10+$0x30] =	vst v25;
	v25 =	vsub.f32 v1, v25;
	v1 =	vmovc v4;
	s10 =	smov.u32 s7;
	s7 =	smov.u32 s25;
	s25 =	smov.u32 s26  }
0x7ad: {  	v8 =	vmul.f32 v7, v7;
	s26 =	smov.u32 s8;
	s8 =	smov.u32 s1;
	v30 =	vld.idx.msk [tilespmem:v33+s17+$0x0], $0xffff;
	v12 =	vmul.f32 v12, v23  }
0x7ae: {  	v4 =	vand.u32 $0x80000000, v28;
	v23 =	vld.idx.msk [tilespmem:v31+s17+$0x0], $0xffff;
	v18 =	vadd.f32 $8.388608000e+06, v18;
	v28 =	vsub.f32 $2.215607260e+01, v29  }
0x7af: {  	v17 =	vshra.s32 v17, $0x17;
	v19 =	vor.u32 v19, v4;
	v4 =	vld [tilespmem:s7+$0x30];
	v12 =	vadd.f32 $-1.428822020e+03, v12  }
0x7b0: {  	v17 =	vcvt.s32.f32 v17;
	v29 =	vadd.f32 $5.000000000e-01, v19;
	v9 =	vmul.f32 v9, v28;
	[tilespmem:s3+$0x10100] =	vst.add.f32.msk $0xffff, v2;
	v2 =	vmovc v6  }
0x7b1: {  	s15 =	sadd.s32 $0x8, s15;
	v28 =	vand.u32 $0x3F, v18;
	v6 =	vmul.f32 $1.000000000e+02, v13;
	v12 =	vadd.f32 v12, v14  }
0x7b2: {  	p0 =	slt.u32 s15, $0x3F8;
	s1 =	sshrl.u32 s15, $0x3;
	v17 =	vmul.f32 $1.110636040e+01, v17;
	v14 =	vsub.f32 v22, v29;
	v9 =	vadd.f32 $-1.428822020e+03, v9  }
0x7b3: {  	s1 =	sand.u32 $0x1FFFFFF0, s1;
	v22 =	vmul.f32 v22, v22;
	v18 =	vor.u32 v30, v27;
	v19 =	vadd.f32 $-5.000000000e+01, v6  }
0x7b4: {  	s9 =	sadd.s32 s12, s1;
	v6 =	vadd.f32 $5.000000000e-01, v18;
	v14 =	vmul.f32 v14, v14;
	[tilespmem:s8+$0x40] =	vst v29;
	v9 =	vadd.f32 v9, v17  }
0x7b5: {  	v17 =	vor.u32 v23, v16;
	[tilespmem:s9+$0x10100] =	vst.add.f32.msk $0xffff, v22;
	v16 =	vand.u32 $0x7FFFFFFF, v19;
	v22 =	vmul.f32 $1.000000000e+02, v4  }
0x7b6: {  	[tilespmem:s9+$0x11100] =	vst.add.f32.msk $0xffff, v14;
	v14 =	vadd.f32 $1.000000000e+00, v16;
	v9 =	vadd.f32 $8.388608000e+06, v9;
	v16 =	vmul.f32 v25, v25  }
0x7b7: {  	v21 =	vsub.f32 v21, v6;
	v17 =	vadd.f32 $5.000000000e-01, v17;
	[tilespmem:s8+$0x0] =	vst v6;
	v18 =	vld [tilespmem:s8+$0x50];
	v6 =	vmul.f32 v4, v4  }
0x7b8: {  	[tilespmem:s9+$0x10100] =	vst.add.f32.msk $0xffff, v24;
	v23 =	vand.u32 $0x7FFFFF, v14;
	v24 =	vand.u32 $0x3F, v9;
	v9 =	vadd.f32 $-5.000000000e+01, v22  }
0x7b9: {  	v21 =	vmul.f32 v21, v21;
	v15 =	vsub.f32 v15, v17;
	[tilespmem:s26+$0x10] =	vst v17;
	v17 =	vor.u32 $0x3F800000, v23;
	v27 =	vld.idx.msk [tilespmem:v28+s17+$0x0], $0xffff  }
0x7ba: {  	v12 =	vadd.f32 $8.388608000e+06, v12;
	[tilespmem:s28+$0x10100] =	vst.add.f32.msk $0xffff, v20;
	v20 =	vmul.f32 $3.741521600e+00, v17;
	v22 =	vand.u32 $0x7FFFFFFF, v9  }
.Ltmp4:
0x7bb: {  	v25 =	vmul.f32 v15, v15;
	v9 =	vand.u32 $0x80000000, v9;
	[tilespmem:s9+$0x11100] =	vst.add.f32.msk $0xffff, v21;
	v23 =	vadd.f32 $1.000000000e+00, v22;
	(pc) =	sbr.rel @p0 .LBB2_11-.Ltmp4, $4  }
0x7bc: {  	v21 =	vand.u32 $0x3F, v12;
	v15 =	vld [tilespmem:s8+$0x10];
	v28 =	vmul.f32 $1.000000000e+02, v18;
	v29 =	vsub.f32 $2.215607260e+01, v20  }
0x7bd: {  	v12 =	vshra.s32 v14, $0x17;
	v22 =	vld.idx.msk [tilespmem:v24+s17+$0x0], $0xffff;
	v14 =	vshra.s32 v23, $0x17;
	v30 =	vand.u32 $0x7FFFFF, v23  }
0x7be: {  	v20 =	vcvt.s32.f32 v12;
	v23 =	vadd.f32 $-5.000000000e+01, v28;
	[tilespmem:s28+$0x11100] =	vst.add.f32.msk $0xffff, v25;
	v25 =	vmul.f32 v17, v29  }
0x7bf: {  	s18 =	sadd.s32 $0x8, s18;
	v24 =	vor.u32 v27, v26;
	v14 =	vcvt.s32.f32 v14;
	v12 =	vor.u32 $0x3F800000, v30;
	v17 =	vld [tilespmem:s26+$0x20]  }
0x7c0: {  	v26 =	vand.u32 $0x7FFFFFFF, v23  }
0x7c1: {  	v26 =	vadd.f32 $1.000000000e+00, v26;
	_ =	sdelay $0x1  }
0x7c2: {  	v27 =	vand.u32 $0x7FFFFF, v26  }
0x7c3: {  	v27 =	vor.u32 $0x3F800000, v27  }
0x7c4: {  	v28 =	vmul.f32 $3.741521600e+00, v27  }
0x7c5: {  	v29 =	vmul.f32 $1.000000000e+02, v15  }
0x7c6: {  	v28 =	vsub.f32 $2.215607260e+01, v28  }
0x7c7: {  	v26 =	vshra.s32 v26, $0x17;
	v63 =	vadd.f32 $-5.000000000e+01, v29  }
0x7c8: {  	v26 =	vcvt.s32.f32 v26;
	v27 =	vmul.f32 v27, v28  }
0x7c9: {  	v29 =	vand.u32 $0x7FFFFFFF, v63  }
0x7ca: {  	v26 =	vmul.f32 $1.110636040e+01, v26;
	v33 =	vadd.f32 $1.000000000e+00, v29;
	v27 =	vadd.f32 $-1.428822020e+03, v27;
	_ =	sdelay $0x1  }
0x7cb: {  	v29 =	vand.u32 $0x7FFFFF, v33;
	v26 =	vadd.f32 v27, v26  }
0x7cc: {  	v29 =	vor.u32 $0x3F800000, v29  }
0x7cd: {  	v30 =	vmul.f32 $3.741521600e+00, v29;
	v26 =	vadd.f32 $8.388608000e+06, v26;
	_ =	sdelay $0x1  }
0x7ce: {  	v30 =	vsub.f32 $2.215607260e+01, v30;
	v26 =	vand.u32 $0x3F, v26  }
0x7cf: {  	v27 =	vshra.s32 v33, $0x17  }
0x7d0: {  	v27 =	vcvt.s32.f32 v27;
	v29 =	vmul.f32 v29, v30;
	_ =	sdelay $0x1  }
0x7d1: {  	v29 =	vadd.f32 $-1.428822020e+03, v29;
	v27 =	vmul.f32 $1.110636040e+01, v27  }
0x7d2: {  	v26 =	vld.idx.msk [tilespmem:v26+s17+$0x0], $0xffff  }
0x7d3: {  	v27 =	vadd.f32 v29, v27;
	_ =	sdelay $0x1  }
0x7d4: {  	v35 =	vadd.f32 $8.388608000e+06, v27  }
0x7d5: {  	v34 =	vand.u32 $0x80000000, v23  }
0x7d6: {  	v23 =	vor.u32 v26, v34;
	v26 =	vand.u32 $0x3F, v35  }
0x7d7: {  	v23 =	vadd.f32 $5.000000000e-01, v23;
	_ =	sdelay $0x1  }
0x7d8: {  	v36 =	vsub.f32 v18, v23  }
0x7d9: {  	v37 =	vmul.f32 v18, v18  }
0x7da: {  	[tilespmem:s8+$0x50] =	vst v23;
	v38 =	vmul.f32 v36, v36;
	v40 =	vld.idx.msk [tilespmem:v26+s17+$0x0], $0xffff  }
0x7db: {  	[tilespmem:s9+$0x10100] =	vst.add.f32.msk $0xffff, v37  }
0x7dc: {  	[tilespmem:s9+$0x11100] =	vst.add.f32.msk $0xffff, v38  }
0x7dd: {  	v39 =	vadd.f32 $-1.428822020e+03, v25;
	v20 =	vmul.f32 $1.110636040e+01, v20;
	v41 =	vld [tilespmem:s8+$0x60]  }
0x7de: {  	v42 =	vand.u32 $0x80000000, v63  }
0x7df: {  	v18 =	vadd.f32 v39, v20;
	v23 =	vor.u32 v40, v42  }
0x7e0: {  	v23 =	vadd.f32 $5.000000000e-01, v23  }
0x7e1: {  	v18 =	vadd.f32 $8.388608000e+06, v18  }
0x7e2: {  	v43 =	vmul.f32 $1.000000000e+02, v41;
	v44 =	vsub.f32 v15, v23  }
0x7e3: {  	v45 =	vmul.f32 v15, v15;
	v18 =	vand.u32 $0x3F, v18  }
0x7e4: {  	[tilespmem:s8+$0x10] =	vst v23;
	v25 =	vadd.f32 $-5.000000000e+01, v43;
	v47 =	vmul.f32 v44, v44  }
0x7e5: {  	[tilespmem:s9+$0x10100] =	vst.add.f32.msk $0xffff, v45  }
0x7e6: {  	v46 =	vand.u32 $0x7FFFFFFF, v25;
	[tilespmem:s9+$0x11100] =	vst.add.f32.msk $0xffff, v47  }
0x7e7: {  	v48 =	vadd.f32 $1.000000000e+00, v46;
	v23 =	vld [tilespmem:s8+$0x20]  }
0x7e8: {  	v50 =	vmul.f32 $1.000000000e+02, v17;
	v18 =	vld.idx.msk [tilespmem:v18+s17+$0x0], $0xffff  }
0x7e9: {  	v49 =	vand.u32 $0x7FFFFF, v48  }
0x7ea: {  	v27 =	vadd.f32 $-5.000000000e+01, v50;
	v15 =	vor.u32 $0x3F800000, v49  }
0x7eb: {  	v51 =	vmul.f32 $3.741521600e+00, v15  }
0x7ec: {  	v19 =	vand.u32 $0x80000000, v19;
	v54 =	vand.u32 $0x7FFFFFFF, v27;
	v53 =	vmul.f32 $1.000000000e+02, v23  }
0x7ed: {  	v55 =	vadd.f32 $1.000000000e+00, v54;
	v18 =	vor.u32 v18, v19;
	v52 =	vsub.f32 $2.215607260e+01, v51  }
0x7ee: {  	v18 =	vadd.f32 $5.000000000e-01, v18;
	v26 =	vshra.s32 v48, $0x17;
	v28 =	vadd.f32 $-5.000000000e+01, v53  }
0x7ef: {  	v58 =	vand.u32 $0x7FFFFF, v55;
	v26 =	vcvt.s32.f32 v26;
	v15 =	vmul.f32 v15, v52  }
0x7f0: {  	v30 =	vor.u32 $0x3F800000, v58;
	v56 =	vsub.f32 v13, v18;
	v31 =	vand.u32 $0x7FFFFFFF, v28  }
0x7f1: {  	v26 =	vmul.f32 $1.110636040e+01, v26;
	v15 =	vadd.f32 $-1.428822020e+03, v15;
	v59 =	vadd.f32 $1.000000000e+00, v31  }
0x7f2: {  	v57 =	vmul.f32 v13, v13;
	v61 =	vmul.f32 $3.741521600e+00, v30  }
0x7f3: {  	[tilespmem:s26+$0x60] =	vst v18;
	v60 =	vmul.f32 v56, v56;
	v15 =	vadd.f32 v15, v26;
	v62 =	vand.u32 $0x7FFFFF, v59  }
0x7f4: {  	v63 =	vsub.f32 $2.215607260e+01, v61;
	[tilespmem:s28+$0x10100] =	vst.add.f32.msk $0xffff, v57;
	v33 =	vor.u32 $0x3F800000, v62  }
0x7f5: {  	v19 =	vshra.s32 v55, $0x17;
	[tilespmem:s28+$0x11100] =	vst.add.f32.msk $0xffff, v60;
	v15 =	vadd.f32 $8.388608000e+06, v15;
	v34 =	vmul.f32 $3.741521600e+00, v33  }
0x7f6: {  	v19 =	vcvt.s32.f32 v19;
	v18 =	vmul.f32 v30, v63;
	v13 =	vld [tilespmem:s26+$0x70]  }
0x7f7: {  	v15 =	vand.u32 $0x3F, v15;
	v35 =	vsub.f32 $2.215607260e+01, v34  }
0x7f8: {  	v19 =	vmul.f32 $1.110636040e+01, v19;
	v18 =	vadd.f32 $-1.428822020e+03, v18;
	v26 =	vshra.s32 v59, $0x17  }
0x7f9: {  	v26 =	vcvt.s32.f32 v26;
	v29 =	vmul.f32 v33, v35  }
0x7fa: {  	v24 =	vadd.f32 $5.000000000e-01, v24;
	v18 =	vadd.f32 v18, v19  }
0x7fb: {  	v36 =	vmul.f32 $1.000000000e+02, v13;
	v26 =	vmul.f32 $1.110636040e+01, v26;
	v29 =	vadd.f32 $-1.428822020e+03, v29  }
0x7fc: {  	v5 =	vsub.f32 v5, v24;
	v18 =	vadd.f32 $8.388608000e+06, v18;
	v15 =	vld.idx.msk [tilespmem:v15+s17+$0x0], $0xffff  }
0x7fd: {  	v19 =	vadd.f32 $-5.000000000e+01, v36;
	v26 =	vadd.f32 v29, v26  }
0x7fe: {  	[tilespmem:s25+$0x20] =	vst v24;
	v5 =	vmul.f32 v5, v5;
	v18 =	vand.u32 $0x3F, v18  }
0x7ff: {  	[tilespmem:s13+$0x10100] =	vst.add.f32.msk $0xffff, v10;
	v37 =	vand.u32 $0x7FFFFFFF, v19;
	v38 =	vadd.f32 $8.388608000e+06, v26  }
0x800: {  	[tilespmem:s13+$0x11100] =	vst.add.f32.msk $0xffff, v5;
	v25 =	vand.u32 $0x80000000, v25;
	v29 =	vadd.f32 $1.000000000e+00, v37  }
0x801: {  	v5 =	vld [tilespmem:s25+$0x30];
	v15 =	vor.u32 v15, v25;
	v25 =	vand.u32 $0x3F, v38  }
0x802: {  	v11 =	vand.u32 $0x80000000, v11;
	v39 =	vand.u32 $0x7FFFFF, v29;
	v15 =	vadd.f32 $5.000000000e-01, v15  }
0x803: {  	v14 =	vmul.f32 $1.110636040e+01, v14;
	v49 =	vmul.f32 $3.741521600e+00, v12;
	v18 =	vld.idx.msk [tilespmem:v18+s17+$0x0], $0xffff;
	v10 =	vor.u32 $0x3F800000, v39  }
0x804: {  	v20 =	vmul.f32 v41, v41;
	v40 =	vsub.f32 v41, v15;
	v41 =	vmul.f32 $3.741521600e+00, v10  }
0x805: {  	v11 =	vor.u32 v22, v11;
	v42 =	vand.u32 $0x80000000, v27;
	v52 =	vsub.f32 $2.215607260e+01, v49  }
0x806: {  	v46 =	vmul.f32 v17, v17;
	v53 =	vmul.f32 $1.000000000e+02, v5;
	[tilespmem:s8+$0x60] =	vst v15;
	v15 =	vsub.f32 $2.215607260e+01, v41;
	v25 =	vld.idx.msk [tilespmem:v25+s17+$0x0], $0xffff  }
0x807: {  	v48 =	vand.u32 $0x80000000, v28;
	v55 =	vmul.f32 v12, v52;
	v43 =	vshra.s32 v29, $0x17  }
0x808: {  	v18 =	vor.u32 v18, v42;
	v24 =	vcvt.s32.f32 v43;
	v15 =	vmul.f32 v10, v15  }
0x809: {  	v22 =	vadd.f32 $-5.000000000e+01, v53;
	v18 =	vadd.f32 $5.000000000e-01, v18;
	v26 =	vmul.f32 v40, v40  }
0x80a: {  	v12 =	vadd.f32 $-1.428822020e+03, v55;
	v45 =	vmul.f32 $1.110636040e+01, v24;
	[tilespmem:s9+$0x10100] =	vst.add.f32.msk $0xffff, v20;
	v44 =	vadd.f32 $-1.428822020e+03, v15  }
0x80b: {  	v47 =	vsub.f32 v17, v18;
	v20 =	vadd.f32 $5.000000000e-01, v11;
	[tilespmem:s9+$0x11100] =	vst.add.f32.msk $0xffff, v26;
	v50 =	vor.u32 v25, v48  }
0x80c: {  	v60 =	vand.u32 $0x7FFFFFFF, v22;
	v10 =	vld [tilespmem:s8+$0x70];
	v11 =	vadd.f32 v44, v45;
	v15 =	vadd.f32 $5.000000000e-01, v50  }
0x80d: {  	v21 =	vld.idx.msk [tilespmem:v21+s17+$0x0], $0xffff;
	v61 =	vadd.f32 $1.000000000e+00, v60;
	v12 =	vadd.f32 v12, v14;
	[tilespmem:s26+$0x20] =	vst v18;
	v17 =	vmul.f32 v47, v47  }
0x80e: {  	[tilespmem:s28+$0x10100] =	vst.add.f32.msk $0xffff, v46;
	v11 =	vadd.f32 $8.388608000e+06, v11;
	v54 =	vsub.f32 v23, v15  }
0x80f: {  	v14 =	vand.u32 $0x7FFFFF, v61;
	v12 =	vadd.f32 $8.388608000e+06, v12;
	[tilespmem:s28+$0x11100] =	vst.add.f32.msk $0xffff, v17;
	v23 =	vmul.f32 v23, v23  }
0x810: {  	v14 =	vor.u32 $0x3F800000, v14;
	[tilespmem:s8+$0x20] =	vst v15;
	v56 =	vand.u32 $0x3F, v11;
	v11 =	vld [tilespmem:s26+$0x30];
	v58 =	vmul.f32 v54, v54  }
0x811: {  	v33 =	vmul.f32 $3.741521600e+00, v14;
	v12 =	vand.u32 $0x3F, v12;
	v51 =	vmul.f32 $1.000000000e+02, v10;
	[tilespmem:s9+$0x10100] =	vst.add.f32.msk $0xffff, v23  }
0x812: {  	[tilespmem:s9+$0x11100] =	vst.add.f32.msk $0xffff, v58  }
0x813: {  	v3 =	vor.u32 v21, v3;
	v27 =	vsub.f32 $2.215607260e+01, v33;
	v18 =	vadd.f32 $-5.000000000e+01, v51;
	v63 =	vld [tilespmem:s8+$0x30]  }
0x814: {  	v3 =	vadd.f32 $5.000000000e-01, v3;
	v31 =	vshra.s32 v61, $0x17  }
0x815: {  	v14 =	vmul.f32 v14, v27;
	v25 =	vcvt.s32.f32 v31;
	v57 =	vand.u32 $0x7FFFFFFF, v18  }
0x816: {  	v12 =	vld.idx.msk [tilespmem:v12+s17+$0x0], $0xffff;
	v59 =	vadd.f32 $1.000000000e+00, v57;
	v30 =	vmul.f32 $1.000000000e+02, v11  }
0x817: {  	v1 =	vsub.f32 v1, v3;
	v14 =	vadd.f32 $-1.428822020e+03, v14;
	v39 =	vmul.f32 $1.110636040e+01, v25  }
0x818: {  	v62 =	vand.u32 $0x7FFFFF, v59;
	v21 =	vadd.f32 $-5.000000000e+01, v30;
	v35 =	vmul.f32 $1.000000000e+02, v63  }
0x819: {  	v1 =	vmul.f32 v1, v1;
	v14 =	vadd.f32 v14, v39;
	v15 =	vor.u32 $0x3F800000, v62  }
0x81a: {  	[tilespmem:s10+$0x30] =	vst v3;
	v32 =	vmul.f32 $3.741521600e+00, v15;
	v34 =	vand.u32 $0x7FFFFFFF, v21;
	v37 =	vadd.f32 $-5.000000000e+01, v35  }
0x81b: {  	[tilespmem:s11+$0x10100] =	vst.add.f32.msk $0xffff, v2;
	v19 =	vand.u32 $0x80000000, v19;
	v2 =	vor.u32 v12, v9;
	v36 =	vadd.f32 $1.000000000e+00, v34  }
0x81c: {  	v14 =	vadd.f32 $8.388608000e+06, v14;
	v26 =	vsub.f32 $2.215607260e+01, v32;
	v29 =	vand.u32 $0x7FFFFFFF, v37  }
0x81d: {  	v24 =	vld.idx.msk [tilespmem:v56+s17+$0x0], $0xffff;
	v17 =	vshra.s32 v59, $0x17;
	v28 =	vand.u32 $0x7FFFFF, v36;
	v29 =	vadd.f32 $1.000000000e+00, v29  }
0x81e: {  	v17 =	vcvt.s32.f32 v17;
	v15 =	vmul.f32 v15, v26;
	v28 =	vor.u32 $0x3F800000, v28  }
0x81f: {  	v48 =	vand.u32 $0x3F, v14;
	v38 =	vmul.f32 $3.741521600e+00, v28;
	v41 =	vand.u32 $0x7FFFFF, v29  }
0x820: {  	v17 =	vmul.f32 $1.110636040e+01, v17;
	v15 =	vadd.f32 $-1.428822020e+03, v15;
	v27 =	vor.u32 $0x3F800000, v41  }
0x821: {  	v26 =	vshra.s32 v36, $0x17;
	v40 =	vsub.f32 $2.215607260e+01, v38;
	v42 =	vmul.f32 $3.741521600e+00, v27  }
0x822: {  	v19 =	vor.u32 v24, v19;
	v26 =	vcvt.s32.f32 v26;
	v15 =	vadd.f32 v15, v17  }
0x823: {  	v45 =	vshra.s32 v29, $0x17;
	v25 =	vmul.f32 v28, v40;
	v43 =	vsub.f32 $2.215607260e+01, v42  }
0x824: {  	v47 =	vadd.f32 $5.000000000e-01, v19;
	v44 =	vmul.f32 $1.110636040e+01, v26;
	v46 =	vcvt.s32.f32 v45  }
0x825: {  	v15 =	vadd.f32 $8.388608000e+06, v15;
	v25 =	vadd.f32 $-1.428822020e+03, v25;
	v17 =	vmul.f32 v27, v43  }
0x826: {  	[tilespmem:s3+$0x11100] =	vst.add.f32.msk $0xffff, v16;
	v2 =	vadd.f32 $5.000000000e-01, v2;
	v3 =	vsub.f32 v13, v47;
	v49 =	vmul.f32 $1.110636040e+01, v46  }
0x827: {  	[tilespmem:s11+$0x11100] =	vst.add.f32.msk $0xffff, v1;
	v15 =	vand.u32 $0x3F, v15;
	v16 =	vadd.f32 v25, v44;
	v17 =	vadd.f32 $-1.428822020e+03, v17  }
0x828: {  	[tilespmem:s7+$0x30] =	vst v2;
	v1 =	vmul.f32 v3, v3  }
0x829: {  	v52 =	vld.idx.msk [tilespmem:v48+s17+$0x0], $0xffff;
	[tilespmem:s26+$0x70] =	vst v47;
	v16 =	vadd.f32 $8.388608000e+06, v16;
	v14 =	vadd.f32 v17, v49  }
0x82a: {  	[tilespmem:s28+$0x11100] =	vst.add.f32.msk $0xffff, v1;
	v1 =	vsub.f32 v4, v2  }
0x82b: {  	v7 =	vsub.f32 v7, v20;
	[tilespmem:s24+$0x10100] =	vst.add.f32.msk $0xffff, v6;
	v50 =	vand.u32 $0x3F, v16;
	v3 =	vadd.f32 $8.388608000e+06, v14  }
0x82c: {  	[tilespmem:s25+$0x70] =	vst v20;
	v1 =	vmul.f32 v1, v1;
	v15 =	vld.idx.msk [tilespmem:v15+s17+$0x0], $0xffff  }
0x82d: {  	v55 =	vand.u32 $0x80000000, v22;
	[tilespmem:s13+$0x10100] =	vst.add.f32.msk $0xffff, v8;
	v7 =	vmul.f32 v7, v7;
	v3 =	vand.u32 $0x3F, v3  }
0x82e: {  	[tilespmem:s24+$0x11100] =	vst.add.f32.msk $0xffff, v1;
	v1 =	vor.u32 v52, v55  }
0x82f: {  	[tilespmem:s13+$0x11100] =	vst.add.f32.msk $0xffff, v7;
	v51 =	vmul.f32 v13, v13;
	v1 =	vadd.f32 $5.000000000e-01, v1  }
0x830: {  	v53 =	vand.u32 $0x80000000, v18;
	v2 =	vld.idx.msk [tilespmem:v50+s17+$0x0], $0xffff  }
0x831: {  	[tilespmem:s28+$0x10100] =	vst.add.f32.msk $0xffff, v51;
	v59 =	vsub.f32 v5, v1;
	v54 =	vor.u32 v15, v53  }
0x832: {  	v5 =	vmul.f32 v5, v5;
	v4 =	vadd.f32 $5.000000000e-01, v54;
	v3 =	vld.idx.msk [tilespmem:v3+s17+$0x0], $0xffff  }
0x833: {  	[tilespmem:s25+$0x30] =	vst v1;
	v1 =	vmul.f32 v59, v59  }
0x834: {  	v58 =	vand.u32 $0x80000000, v21;
	[tilespmem:s13+$0x10100] =	vst.add.f32.msk $0xffff, v5;
	v56 =	vsub.f32 v10, v4  }
0x835: {  	v57 =	vmul.f32 v10, v10;
	[tilespmem:s13+$0x11100] =	vst.add.f32.msk $0xffff, v1;
	v2 =	vor.u32 v2, v58  }
0x836: {  	v60 =	vand.u32 $0x80000000, v37;
	[tilespmem:s8+$0x70] =	vst v4;
	v6 =	vmul.f32 v56, v56;
	v2 =	vadd.f32 $5.000000000e-01, v2  }
0x837: {  	[tilespmem:s9+$0x10100] =	vst.add.f32.msk $0xffff, v57;
	v3 =	vor.u32 v3, v60  }
0x838: {  	v62 =	vmul.f32 v11, v11;
	[tilespmem:s9+$0x11100] =	vst.add.f32.msk $0xffff, v6;
	v61 =	vsub.f32 v11, v2;
	v1 =	vadd.f32 $5.000000000e-01, v3  }
0x839: {  	[tilespmem:s26+$0x30] =	vst v2  }
0x83a: {  	p0 =	sne.s32 s0, $0x8;
	[tilespmem:s28+$0x10100] =	vst.add.f32.msk $0xffff, v62;
	v2 =	vmul.f32 v61, v61;
	v3 =	vsub.f32 v63, v1  }
.Ltmp5:
0x83b: {  	v63 =	vmul.f32 v63, v63;
	[tilespmem:s8+$0x30] =	vst v1;
	(pc) =	sbr.rel @p0 .LBB2_4-.Ltmp5, $4  }
0x83c: {  	[tilespmem:s28+$0x11100] =	vst.add.f32.msk $0xffff, v2;
	v1 =	vmul.f32 v3, v3  }
0x83d: {  	[tilespmem:s9+$0x10100] =	vst.add.f32.msk $0xffff, v63  }
0x83e: {  	s1 =	sadd.s32 s16, s2;
	s30 =	simm.s32 $0xC100;
	[tilespmem:s9+$0x11100] =	vst.add.f32.msk $0xffff, v1  }
0x83f: {  	[hbm4b:s1+s5] =	stream.linear.scatter [tilespmem:s30], [sflag:$0x8], $0x4000, $0x38;
	[tilespmem:$0x12100] =	vst v63  }
0x840: {  	s0 =	simm.s32 $0x6  }
0x841: {  	_ =	swait.ge [sflag:s0], $0x4000  }
0x842: {  	[sflag:s0] =	ssyncset.done $0x0  }
0x843: {  	s24 =	simm.s32 $0x7;
	[sflag:s0] =	ssyncadd.s32 $0xFFFFC000  }
0x844: {  	_ =	swait.ge [sflag:s24], $0x4000  }
0x845: {  	[sflag:s24] =	ssyncset.done $0x0  }
0x846: {  	s25 =	simm.s32 $0x8;
	[sflag:s24] =	ssyncadd.s32 $0xFFFFC000  }
0x847: {  	_ =	swait.ge [sflag:s25], $0x4000  }
0x848: {  	[sflag:s25] =	ssyncset.done $0x0  }
0x849: {  	s1 =	simm.s32 $0x10100;
	s26 =	rddreg [dreg:$0x8];
	[sflag:s25] =	ssyncadd.s32 $0xFFFFC000  }
0x84a: {  	[hbm4b:s26+s5] =	stream.linear.scatter [tilespmem:s1], [sflag:$0x9], $0x1000, $0x38;
	[tilespmem:$0x12100] =	vst v63  }
0x84b: {  	s1 =	simm.s32 $0x9  }
0x84c: {  	_ =	swait.ge [sflag:s1], $0x1000  }
0x84d: {  	[sflag:s1] =	ssyncset.done $0x0  }
0x84e: {  	s2 =	simm.s32 $0x11100;
	s28 =	rddreg [dreg:$0x9];
	[sflag:s1] =	ssyncadd.s32 $0xFFFFF000  }
0x84f: {  	[hbm4b:s28+s5] =	stream.linear.scatter [tilespmem:s2], [sflag:$0x9], $0x1000, $0x38;
	[tilespmem:$0x12100] =	vst v63  }
0x850: {  	_ =	swait.ge [sflag:s1], $0x1000  }
0x851: {  	s29 =	rddreg [dreg:$0xb]  }
0x852: {  	s30 =	rddreg [dreg:$0xa];
	s2 =	sadd.s32 $0x1, s29  }
0x853: {  	p0 =	sne.s32 s2, s30  }
.Ltmp6:
0x854: {  	_ = 	snop;
	(pc) =	sbr.rel @p0 .LBB2_1-.Ltmp6, $3  }
0x855: {  	_ =	sdelay $0x1  }
0x856: {  	[sflag:s1] =	ssyncset.done $0x0  }
0x857: {  	[sflag:s1] =	ssyncadd.s32 $0xFFFFF000  }
0x858: {  	_ =	sfence.sel $0x180000  }
0x859: {  	[bflag:$0x0] =	sbarrier.arrive $0xFFFF  }
0x85a: {  	_ =	strace $0x90000047  }
0x85b: {  	s0 =	stileid.u32;
	[bflag:$0x2] =	sbarrier.arrive $0xFFFF  }
0x85c: {  	p0 =	sne.s32 s0, $0x0;
	s0 =	rddreg [dreg:$0x4]  }
0x85d: {  	s0 =	sadd.s32 @!p0 $0x100000, s0  }
0x85e: {  	[sflag:s0] =	ssyncadd.tile.s32 @!p0 $0x1;
	_ =	shalt  }
.Lfunc_end2:
_tile_overlayer_lowered:
.L_overlay_start_2:
0x85f: {  	(tag) =	ssettag $0x2  }
0x860: {  	s0 =	rddreg [dreg:$0x0];
	s2 =	stileid.u32  }
0x861: {  	s1 =	rddreg [dreg:$0x1];
	p0 =	sne.s32 s2, $0x0  }
0x862: {  	s3 =	rddreg [dreg:$0x2];
	[bflag:$0x3] =	sbarrier.arrive $0xFFFF;
	s2 =	simm.s32 @!p0 $0x1C09  }
0x863: {  	[timem:s3], [sflag:s2] =	dma.local @!p0 [hbm:s0], s1  }
0x864: {  	s0 =	simm.s32 @!p0 $0x9  }
0x865: {  	_ =	swait.ge @!p0 [sflag:s0], s1  }
0x866: {  	s1 =	ssub.s32 @!p0 $0x0, s1;
	[sflag:s0] =	ssyncset.done @!p0 $0x0  }
0x867: {  	[sflag:s0] =	ssyncadd.s32 @!p0 s1  }
0x868: {  	[bflag:$0x3] =	sbarrier.arrive $0xFFFF  }
0x869: {  	_ =	shalt  }

</sc_bundles>
